<compile_context>
chip_gen: v7x
topology: tpu7x:2x2x1
jax: 0.10.2.dev20260603
libtpu: 0.0.44.dev20260713+nightly
codegen_flags: <defaults>
</compile_context>

<pallas_src>
import functools

import numpy as np

import jax
import jax.numpy as jnp
from jax import lax
from jax.experimental import pallas as pl
from jax.experimental.pallas import tpu as pltpu
from jax.experimental.pallas import tpu_sc as plsc

_NC = 2
_NS = 16
_NW = _NC * _NS

_LOG2E = 1.4426950408889634
_LN2 = 0.6931471805599453


def _softplus(x):
    return jnp.log2(1.0 + jnp.exp2(x * _LOG2E)) * _LN2


def _sigmoid(x):
    return 1.0 / (1.0 + jnp.exp2(-x * _LOG2E))


def _sc_gather(table, idx, chunk):
    B, = idx.shape
    V, D = table.shape
    bpw = B // _NW
    n_chunks = bpw // chunk
    mesh = plsc.VectorSubcoreMesh(core_axis_name="c", subcore_axis_name="s")

    @functools.partial(
        pl.kernel,
        mesh=mesh,
        out_type=jax.ShapeDtypeStruct((B, D), table.dtype),
        compiler_params=pltpu.CompilerParams(use_tc_tiling_on_sc=False),
        scratch_types=[
            pltpu.VMEM((chunk,), jnp.int32),
            pltpu.VMEM((chunk, D), table.dtype),
            pltpu.SemaphoreType.DMA,
        ],
    )
    def k(table_hbm, idx_hbm, out_hbm, idx_v, rows_v, sem):
        wid = lax.axis_index("s") * _NC + lax.axis_index("c")
        for c in range(n_chunks):
            base = wid * bpw + c * chunk
            pltpu.sync_copy(idx_hbm.at[pl.ds(base, chunk)], idx_v)
            pltpu.async_copy(table_hbm.at[idx_v], rows_v, sem).wait()
            pltpu.sync_copy(rows_v, out_hbm.at[pl.ds(base, chunk)])

    return k(table, idx)


def _sc_gather_pairs(table, idx, chunk):
    B, = idx.shape
    V, D = table.shape
    half = chunk // 2
    bpw = B // _NW
    n_chunks = bpw // chunk
    mesh = plsc.VectorSubcoreMesh(core_axis_name="c", subcore_axis_name="s")

    @functools.partial(
        pl.kernel,
        mesh=mesh,
        out_type=jax.ShapeDtypeStruct((B // 2, 2 * D), table.dtype),
        compiler_params=pltpu.CompilerParams(use_tc_tiling_on_sc=False),
        scratch_types=[
            pltpu.VMEM((half,), jnp.int32),
            pltpu.VMEM((half,), jnp.int32),
            pltpu.VMEM((half, D), table.dtype),
            pltpu.VMEM((half, D), table.dtype),
            pltpu.SemaphoreType.DMA,
            pltpu.SemaphoreType.DMA,
        ],
    )
    def k(table_hbm, idx_hbm, out_hbm, ia_v, ib_v, ra_v, rb_v, sa, sb):
        wid = lax.axis_index("s") * _NC + lax.axis_index("c")
        for c in range(n_chunks):
            base = wid * bpw + c * chunk
            ob = base // 2
            pltpu.sync_copy(idx_hbm.at[pl.ds(base, half)], ia_v)
            pltpu.sync_copy(idx_hbm.at[pl.ds(base + half, half)], ib_v)
            cpa = pltpu.async_copy(table_hbm.at[ia_v], ra_v, sa)
            cpb = pltpu.async_copy(table_hbm.at[ib_v], rb_v, sb)
            cpa.wait()
            cpb.wait()
            pltpu.sync_copy(ra_v, out_hbm.at[pl.ds(ob, half), pl.ds(0, D)])
            pltpu.sync_copy(rb_v, out_hbm.at[pl.ds(ob, half), pl.ds(D, D)])

    return k(table, idx)


def _encoder(atom_fea, W1, b1, W2, b2):
    N, D0 = atom_fea.shape
    E = W1.shape[1]
    F = W2.shape[1]
    BA = 400
    grid = N // BA

    def body(a_r, w1_r, b1_r, w2_r, b2_r, o_r, ob_r):
        h = _softplus(
            jnp.dot(a_r[...], w1_r[...], preferred_element_type=jnp.float32)
            + b1_r[...])
        o = _softplus(
            jnp.dot(h, w2_r[...], preferred_element_type=jnp.float32)
            + b2_r[...])
        o_r[...] = o
        ob_r[...] = o.astype(jnp.bfloat16)

    return pl.pallas_call(
        body,
        grid=(grid,),
        in_specs=[
            pl.BlockSpec((BA, D0), lambda i: (i, 0)),
            pl.BlockSpec((D0, E), lambda i: (0, 0)),
            pl.BlockSpec((1, E), lambda i: (0, 0)),
            pl.BlockSpec((E, F), lambda i: (0, 0)),
            pl.BlockSpec((1, F), lambda i: (0, 0)),
        ],
        out_specs=[
            pl.BlockSpec((BA, F), lambda i: (i, 0)),
            pl.BlockSpec((BA, F), lambda i: (i, 0)),
        ],
        out_shape=[
            jax.ShapeDtypeStruct((N, F), jnp.float32),
            jax.ShapeDtypeStruct((N, F), jnp.bfloat16),
        ],
    )(atom_fea, W1, b1.reshape(1, -1), W2, b2.reshape(1, -1))


_BA = 200


def _edge_terms(xp, nte, nto, zs, wf, ws, we, BA, HM, F2):
    BE = BA * HM
    zsb = jnp.broadcast_to(zs[:, None, :], (BA, HM, F2)).reshape(BE, F2)
    dn = (((0,), (0,)), ((), ()))
    wfb = wf.astype(jnp.bfloat16)
    wsb = ws.astype(jnp.bfloat16)
    we = we.astype(nte.dtype)
    ef = lax.dot_general(nte, we, dn, preferred_element_type=jnp.float32)
    es = lax.dot_general(nto, we, dn, preferred_element_type=jnp.float32)
    gf = jnp.dot(xp, wfb, preferred_element_type=jnp.float32) + ef + zsb
    gs = jnp.dot(xp, wsb, preferred_element_type=jnp.float32) + es + zsb
    return gf, gs


def _conv_stats(xp, nte, nto, x, wself, fcb, wnf, wns, we):
    NP, F2 = xp.shape
    DN = nte.shape[0]
    N, F = x.shape
    HM = NP // N
    BA = _BA
    BE = BA * HM
    grid = N // BA

    def body(xp_r, nte_r, nto_r, x_r, wself_r, fcb_r, wf_r, ws_r, we_r,
             s_r, q_r):
        zs = jnp.dot(x_r[...], wself_r[...].astype(jnp.bfloat16),
                     preferred_element_type=jnp.float32) + fcb_r[...]
        gf, gs = _edge_terms(xp_r[...], nte_r[...], nto_r[...], zs,
                             wf_r[...], ws_r[...], we_r[...], BA, HM, F2)

        @pl.when(pl.program_id(0) == 0)
        def _():
            s_r[...] = jnp.zeros_like(s_r)
            q_r[...] = jnp.zeros_like(q_r)

        s_r[...] += (jnp.sum(gf, axis=0, keepdims=True)
                     + jnp.sum(gs, axis=0, keepdims=True))
        q_r[...] += (jnp.sum(gf * gf, axis=0, keepdims=True)
                     + jnp.sum(gs * gs, axis=0, keepdims=True))

    return pl.pallas_call(
        body,
        grid=(grid,),
        in_specs=[
            pl.BlockSpec((BE, F2), lambda i: (i, 0)),
            pl.BlockSpec((DN, BE), lambda i: (0, i)),
            pl.BlockSpec((DN, BE), lambda i: (0, i)),
            pl.BlockSpec((BA, F), lambda i: (i, 0)),
            pl.BlockSpec((F, F2), lambda i: (0, 0)),
            pl.BlockSpec((1, F2), lambda i: (0, 0)),
            pl.BlockSpec((F2, F2), lambda i: (0, 0)),
            pl.BlockSpec((F2, F2), lambda i: (0, 0)),
            pl.BlockSpec((DN, F2), lambda i: (0, 0)),
        ],
        out_specs=[
            pl.BlockSpec((1, F2), lambda i: (0, 0)),
            pl.BlockSpec((1, F2), lambda i: (0, 0)),
        ],
        out_shape=[
            jax.ShapeDtypeStruct((1, F2), jnp.float32),
            jax.ShapeDtypeStruct((1, F2), jnp.float32),
        ],
    )(xp, nte, nto, x, wself, fcb, wnf, wns, we)


def _conv_apply(xp, nte, nto, x, wself, fcb, wnf, wns, we, s1, q1, g1, b1):
    NP, F2 = xp.shape
    DN = nte.shape[0]
    N, F = x.shape
    HM = NP // N
    BA = _BA
    BE = BA * HM
    grid = N // BA
    inv_cnt = 1.0 / (N * HM * 2)

    def body(xp_r, nte_r, nto_r, x_r, wself_r, fcb_r, wf_r, ws_r, we_r,
             s1_r, q1_r, g1_r, b1_r, o_r, s2_r, q2_r):
        mu = s1_r[...] * inv_cnt
        var = q1_r[...] * inv_cnt - mu * mu
        sc = g1_r[...] * lax.rsqrt(var + 1e-5)
        sh = b1_r[...] - mu * sc

        zs = (jnp.dot(x_r[...], (wself_r[...] * sc).astype(jnp.bfloat16),
                      preferred_element_type=jnp.float32)
              + fcb_r[...] * sc + sh)
        gf, gs = _edge_terms(xp_r[...], nte_r[...], nto_r[...], zs,
                             wf_r[...] * sc, ws_r[...] * sc, we_r[...] * sc,
                             BA, HM, F2)

        actf = _sigmoid(gf[:, :F]) * _softplus(gf[:, F:])
        acts = _sigmoid(gs[:, :F]) * _softplus(gs[:, F:])
        o = (jnp.sum(actf.reshape(BA, HM, F), axis=1)
             + jnp.sum(acts.reshape(BA, HM, F), axis=1))
        o_r[...] = o

        @pl.when(pl.program_id(0) == 0)
        def _():
            s2_r[...] = jnp.zeros_like(s2_r)
            q2_r[...] = jnp.zeros_like(q2_r)

        s2_r[...] += jnp.sum(o, axis=0, keepdims=True)
        q2_r[...] += jnp.sum(o * o, axis=0, keepdims=True)

    return pl.pallas_call(
        body,
        grid=(grid,),
        in_specs=[
            pl.BlockSpec((BE, F2), lambda i: (i, 0)),
            pl.BlockSpec((DN, BE), lambda i: (0, i)),
            pl.BlockSpec((DN, BE), lambda i: (0, i)),
            pl.BlockSpec((BA, F), lambda i: (i, 0)),
            pl.BlockSpec((F, F2), lambda i: (0, 0)),
            pl.BlockSpec((1, F2), lambda i: (0, 0)),
            pl.BlockSpec((F2, F2), lambda i: (0, 0)),
            pl.BlockSpec((F2, F2), lambda i: (0, 0)),
            pl.BlockSpec((DN, F2), lambda i: (0, 0)),
            pl.BlockSpec((1, F2), lambda i: (0, 0)),
            pl.BlockSpec((1, F2), lambda i: (0, 0)),
            pl.BlockSpec((1, F2), lambda i: (0, 0)),
            pl.BlockSpec((1, F2), lambda i: (0, 0)),
        ],
        out_specs=[
            pl.BlockSpec((BA, F), lambda i: (i, 0)),
            pl.BlockSpec((1, F), lambda i: (0, 0)),
            pl.BlockSpec((1, F), lambda i: (0, 0)),
        ],
        out_shape=[
            jax.ShapeDtypeStruct((N, F), jnp.float32),
            jax.ShapeDtypeStruct((1, F), jnp.float32),
            jax.ShapeDtypeStruct((1, F), jnp.float32),
        ],
    )(xp, nte, nto, x, wself, fcb, wnf, wns, we, s1, q1, g1, b1)


def _update(x, o, s2, q2, g2, b2):
    N, F = x.shape
    inv = 1.0 / N

    def body(x_r, o_r, s_r, q_r, g_r, b_r, out_r, outb_r):
        mu = s_r[...] * inv
        var = q_r[...] * inv - mu * mu
        sc = g_r[...] * lax.rsqrt(var + 1e-5)
        sh = b_r[...] - mu * sc
        xn = _softplus(x_r[...] + o_r[...] * sc + sh)
        out_r[...] = xn
        outb_r[...] = xn.astype(jnp.bfloat16)

    return pl.pallas_call(
        body,
        out_shape=[
            jax.ShapeDtypeStruct((N, F), jnp.float32),
            jax.ShapeDtypeStruct((N, F), jnp.bfloat16),
        ],
    )(x, o, s2, q2, g2, b2)


def _pool_heads(rows, w1, b1, w2, b2, C, A):
    BP, F = rows.shape
    P, _, H = w1.shape

    def body(r_r, w1_r, b1_r, w2_r, b2_r, out_r):
        crys = jnp.mean(r_r[...][:C * A].reshape(C, A, F), axis=1)
        cols = []
        for p in range(P):
            h = _softplus(
                jnp.dot(crys, w1_r[p], preferred_element_type=jnp.float32)
                + b1_r[p:p + 1, :])
            cols.append(jnp.sum(h * w2_r[p:p + 1, :], axis=1, keepdims=True)
                        + b2_r[0:1, p:p + 1])
        out_r[...] = jnp.concatenate(cols, axis=1)

    return pl.pallas_call(
        body,
        out_shape=jax.ShapeDtypeStruct((C, P), jnp.float32),
    )(rows, w1, b1, w2, b2)


def kernel(atom_fea, nbr_fea, nbr_fea_idx, crys_idx, W_emb1, b_emb1, W_emb2,
           b_emb2, fc_W, fc_b, bn1_g, bn1_b, bn2_g, bn2_b, head_W1, head_b1,
           head_W2, head_b2):
    N, D0 = atom_fea.shape
    _, M, DN = nbr_fea.shape
    F = W_emb2.shape[1]
    L = fc_W.shape[0]
    C, A = crys_idx.shape
    HM = M // 2

    x, xb = _encoder(atom_fea, W_emb1, b_emb1, W_emb2, b_emb2)

    idx32 = nbr_fea_idx.astype(jnp.int32)
    firsts = idx32[:, :HM].reshape(-1, 1000)
    seconds = idx32[:, HM:].reshape(-1, 1000)
    idx_pk = jnp.stack([firsts, seconds], axis=1).reshape(-1)

    nte = jnp.transpose(nbr_fea[:, :HM, :], (2, 0, 1)).reshape(
        DN, N * HM).astype(jnp.bfloat16)
    nto = jnp.transpose(nbr_fea[:, HM:, :], (2, 0, 1)).reshape(
        DN, N * HM).astype(jnp.bfloat16)

    for l in range(L):
        ws = fc_W[l, :F]
        wn = fc_W[l, F:2 * F]
        we = fc_W[l, 2 * F:]
        zero = jnp.zeros_like(wn)
        wnf = jnp.concatenate([wn, zero], axis=0)
        wns = jnp.concatenate([zero, wn], axis=0)
        fcb = fc_b[l].reshape(1, -1)
        xp = _sc_gather_pairs(xb, idx_pk, 2000)
        s1, q1 = _conv_stats(xp, nte, nto, xb, ws, fcb, wnf, wns, we)
        o, s2, q2 = _conv_apply(xp, nte, nto, xb, ws, fcb, wnf, wns, we,
                                s1, q1,
                                bn1_g[l].reshape(1, -1),
                                bn1_b[l].reshape(1, -1))
        x, xb = _update(x, o, s2, q2, bn2_g[l].reshape(1, -1),
                        bn2_b[l].reshape(1, -1))

    pad = (-C * A) % (8 * _NW)
    cidx = jnp.concatenate([
        crys_idx.reshape(-1).astype(jnp.int32),
        jnp.zeros((pad,), jnp.int32),
    ])
    crows = _sc_gather(x, cidx, (C * A + pad) // _NW)
    out_t = _pool_heads(crows, head_W1, head_b1, head_W2,
                        head_b2.reshape(1, -1), C, A)
    return out_t.T

# --- scband reference (transcript-rebuilt; emitter-appended) ---
"""Pipeline reference for scband-ogcnn5-task-21345987461319 (READ-ONLY COPY).

The authoritative reference and input builder live on the scoring server;
editing this copy changes nothing except your own understanding.
"""

import jax, jax.numpy as jnp
import numpy as np


def _bn(x, g, b, eps=1e-5):
    mu = jnp.mean(x, axis=0)
    var = jnp.var(x, axis=0)
    return (x - mu) * jax.lax.rsqrt(var + eps) * g + b


def setup_inputs(seed: int = 0) -> dict:
    key = jax.random.key(seed)
    ks = jax.random.split(key, 20)
    N, M, D0, Dn, F, E, H, P, L = 10000, 32, 1148, 41, 64, 128, 128, 5, 3
    C, A = 100, 100
    s = lambda k, shape: jax.random.normal(k, shape, dtype=jnp.float32) * 0.05
    inp = {}
    inp["atom_fea"] = jax.random.normal(ks[0], (N, D0), dtype=jnp.float32)
    inp["nbr_fea"] = jax.random.normal(ks[1], (N, M, Dn), dtype=jnp.float32)
    inp["nbr_fea_idx"] = jax.random.randint(ks[2], (N, M), 0, N)
    inp["crys_idx"] = jax.random.randint(ks[3], (C, A), 0, N)
    inp["W_emb1"] = s(ks[4], (D0, E))
    inp["b_emb1"] = s(ks[5], (E,))
    inp["W_emb2"] = s(ks[6], (E, F))
    inp["b_emb2"] = s(ks[7], (F,))
    inp["fc_W"] = s(ks[8], (L, 2 * F + Dn, 2 * F))
    inp["fc_b"] = s(ks[9], (L, 2 * F))
    inp["bn1_g"] = jnp.ones((L, 2 * F), dtype=jnp.float32)
    inp["bn1_b"] = jnp.zeros((L, 2 * F), dtype=jnp.float32)
    inp["bn2_g"] = jnp.ones((L, F), dtype=jnp.float32)
    inp["bn2_b"] = jnp.zeros((L, F), dtype=jnp.float32)
    inp["head_W1"] = s(ks[10], (P, F, H))
    inp["head_b1"] = s(ks[11], (P, H))
    inp["head_W2"] = s(ks[12], (P, H))
    inp["head_b2"] = s(ks[13], (P,))
    return inp


def reference(atom_fea, nbr_fea, nbr_fea_idx, crys_idx, W_emb1, b_emb1, W_emb2, b_emb2, fc_W, fc_b, bn1_g, bn1_b, bn2_g, bn2_b, head_W1, head_b1, head_W2, head_b2):
    sp = jax.nn.softplus
    # encoder: 1148 -> 128 -> 64 with Softplus
    x = sp(sp(atom_fea @ W_emb1 + b_emb1) @ W_emb2 + b_emb2)
    N, M = nbr_fea_idx.shape
    F = x.shape[1]
    L = fc_W.shape[0]
    for l in range(L):
        nbr = jnp.take(x, nbr_fea_idx.reshape(-1), axis=0).reshape(N, M, F)
        self_exp = jnp.broadcast_to(x[:, None, :], (N, M, F))
        total = jnp.concatenate([self_exp, nbr, nbr_fea], axis=2)
        g = total.reshape(N * M, -1) @ fc_W[l] + fc_b[l]
        g = _bn(g, bn1_g[l], bn1_b[l]).reshape(N, M, 2 * F)
        f, c = g[..., :F], g[..., F:]
        out = jnp.sum(jax.nn.sigmoid(f) * sp(c), axis=1)
        out = _bn(out, bn2_g[l], bn2_b[l])
        x = sp(x + out)
    # crystal pooling: mean over atom indices per crystal
    crys = jnp.take(x, crys_idx.reshape(-1), axis=0).reshape(crys_idx.shape[0], crys_idx.shape[1], F).mean(axis=1)
    # 5 independent heads, stacked: [P, n_crystals]
    h = sp(jnp.einsum('cf,pfh->pch', crys, head_W1) + head_b1[:, None, :])
    out = jnp.einsum('pch,ph->pc', h, head_W2) + head_b2[:, None]
    return out

if __name__ == "__main__":
    import jax
    _d = setup_inputs()
    print(jax.jit(kernel)(*tuple(_d.values())))

</pallas_src>

<mosaic_0001>
#map = affine_map<(d0, d1) -> (0, 0)>
#map1 = affine_map<(d0, d1) -> (0)>
module attributes {stable_mosaic.version = 14 : i64} {
  func.func @k(%arg0: i32, %arg1: i32, %arg2: memref<10000x64xbf16, #tpu.memory_space<hbm>>, %arg3: memref<320000xi32, #tpu.memory_space<hbm>>, %arg4: memref<160000x128xbf16, #tpu.memory_space<hbm>>, %arg5: memref<1000xi32, #tpu.memory_space<vmem>>, %arg6: memref<1000xi32, #tpu.memory_space<vmem>>, %arg7: memref<1000x64xbf16, #tpu.memory_space<vmem>>, %arg8: memref<1000x64xbf16, #tpu.memory_space<vmem>>, %arg9: memref<!tpu.dma_semaphore, #tpu.memory_space<semaphore_mem>>, %arg10: memref<!tpu.dma_semaphore, #tpu.memory_space<semaphore_mem>>) attributes {dimension_semantics = [#tpu.dimension_semantics<core_parallel>, #tpu.dimension_semantics<subcore_parallel>], iteration_bounds = array<i64: 2, 16>, scalar_prefetch = 0 : i64, scratch_operands = 6 : i64, tpu.core_type = #tpu.core_type<sc_vector_subcore>, window_params = [{transform_indices = #map}, {transform_indices = #map1}, {transform_indices = #map}]} {
    %mul3A = arith.constant 2 : i32
    %mul3A_0 = arith.muli %arg1, %mul3A : i32
    %add3A = arith.addi %mul3A_0, %arg0 : i32
    %mul3A_1 = arith.constant 10000 : i32
    %mul3A_2 = arith.muli %add3A, %mul3A_1 : i32
    %add3A_3 = arith.constant 0 : i32
    %add3A_4 = arith.addi %mul3A_2, %add3A_3 : i32
    %jit3A = arith.constant 2 : i32
    %div3A = arith.divsi %add3A_4, %jit3A : i32
    %sign3A = arith.constant 0 : i32
    %sign3A_5 = arith.cmpi sgt, %add3A_4, %sign3A : i32
    %sign3A_6 = arith.extui %sign3A_5 : i1 to i32
    %sign3A_7 = arith.constant 0 : i32
    %sign3A_8 = arith.cmpi slt, %add3A_4, %sign3A_7 : i32
    %sign3A_9 = arith.extui %sign3A_8 : i1 to i32
    %sign3A_10 = arith.subi %sign3A_6, %sign3A_9 : i32
    %sign3A_11 = arith.constant 0 : i32
    %sign3A_12 = arith.cmpi sgt, %jit3A, %sign3A_11 : i32
    %sign3A_13 = arith.extui %sign3A_12 : i1 to i32
    %sign3A_14 = arith.constant 0 : i32
    %sign3A_15 = arith.cmpi slt, %jit3A, %sign3A_14 : i32
    %sign3A_16 = arith.extui %sign3A_15 : i1 to i32
    %sign3A_17 = arith.subi %sign3A_13, %sign3A_16 : i32
    %ne3A = arith.cmpi ne, %sign3A_10, %sign3A_17 : i32
    %rem3A = arith.remsi %add3A_4, %jit3A : i32
    %ne3A_18 = arith.constant 0 : i32
    %ne3A_19 = arith.cmpi ne, %rem3A, %ne3A_18 : i32
    %and3A = arith.andi %ne3A, %ne3A_19 : i1
    %sub3A = arith.constant 1 : i32
    %sub3A_20 = arith.subi %div3A, %sub3A : i32
    %select_n3A = arith.select %and3A, %sub3A_20, %div3A : i32
    "tpu.region"() ({
      %run_scoped3A = tpu.sem_alloc : memref<!tpu.dma_semaphore, #tpu.memory_space<semaphore_mem>>
      %dma_start3A_201 = tpu.memref_slice %arg3[%add3A_4] : memref<320000xi32, #tpu.memory_space<hbm>> -> memref<1000xi32, #tpu.memory_space<hbm>>
      %dma_start3A_202 = tpu.memref_slice %arg3[%add3A_4] : memref<320000xi32, #tpu.memory_space<hbm>> -> memref<1000xi32, #tpu.memory_space<hbm>>
      tpu.enqueue_dma source(%dma_start3A_202 : memref<1000xi32, #tpu.memory_space<hbm>>) target(%arg5 : memref<1000xi32, #tpu.memory_space<vmem>>) target_semaphore(%run_scoped3A : memref<!tpu.dma_semaphore, #tpu.memory_space<semaphore_mem>>)
      %dma_wait3A_203 = tpu.memref_slice %arg3[%add3A_4] : memref<320000xi32, #tpu.memory_space<hbm>> -> memref<1000xi32, #tpu.memory_space<hbm>>
      %dma_wait3A_204 = tpu.memref_slice %arg3[%add3A_4] : memref<320000xi32, #tpu.memory_space<hbm>> -> memref<1000xi32, #tpu.memory_space<hbm>>
      tpu.wait_dma2 semaphore(%run_scoped3A : memref<!tpu.dma_semaphore, #tpu.memory_space<semaphore_mem>>) src(%dma_wait3A_204 : memref<1000xi32, #tpu.memory_space<hbm>>) dst(%arg5 : memref<1000xi32, #tpu.memory_space<vmem>>)
      tpu.yield
    }) : () -> ()
    %add3A_21 = arith.constant 1000 : i32
    %add3A_22 = arith.addi %add3A_4, %add3A_21 : i32
    "tpu.region"() ({
      %run_scoped3A = tpu.sem_alloc : memref<!tpu.dma_semaphore, #tpu.memory_space<semaphore_mem>>
      %dma_start3A_201 = tpu.memref_slice %arg3[%add3A_22] : memref<320000xi32, #tpu.memory_space<hbm>> -> memref<1000xi32, #tpu.memory_space<hbm>>
      %dma_start3A_202 = tpu.memref_slice %arg3[%add3A_22] : memref<320000xi32, #tpu.memory_space<hbm>> -> memref<1000xi32, #tpu.memory_space<hbm>>
      tpu.enqueue_dma source(%dma_start3A_202 : memref<1000xi32, #tpu.memory_space<hbm>>) target(%arg6 : memref<1000xi32, #tpu.memory_space<vmem>>) target_semaphore(%run_scoped3A : memref<!tpu.dma_semaphore, #tpu.memory_space<semaphore_mem>>)
      %dma_wait3A_203 = tpu.memref_slice %arg3[%add3A_22] : memref<320000xi32, #tpu.memory_space<hbm>> -> memref<1000xi32, #tpu.memory_space<hbm>>
      %dma_wait3A_204 = tpu.memref_slice %arg3[%add3A_22] : memref<320000xi32, #tpu.memory_space<hbm>> -> memref<1000xi32, #tpu.memory_space<hbm>>
      tpu.wait_dma2 semaphore(%run_scoped3A : memref<!tpu.dma_semaphore, #tpu.memory_space<semaphore_mem>>) src(%dma_wait3A_204 : memref<1000xi32, #tpu.memory_space<hbm>>) dst(%arg6 : memref<1000xi32, #tpu.memory_space<vmem>>)
      tpu.yield
    }) : () -> ()
    %dma_start3A = arith.constant 0 : i32
    %dma_start3A_23 = arith.constant 0 : i32
    %dma_start3A_24 = tpu.memref_slice %arg2[%dma_start3A, %dma_start3A_23] : memref<10000x64xbf16, #tpu.memory_space<hbm>> -> memref<10000x64xbf16, #tpu.memory_space<hbm>>
    tpu.enqueue_indirect_dma source(%dma_start3A_24 : memref<10000x64xbf16, #tpu.memory_space<hbm>>) target(%arg7 : memref<1000x64xbf16, #tpu.memory_space<vmem>>) offsets(%arg5 : memref<1000xi32, #tpu.memory_space<vmem>>) semaphore(%arg9 : memref<!tpu.dma_semaphore, #tpu.memory_space<semaphore_mem>>)
    %dma_start3A_25 = arith.constant 0 : i32
    %dma_start3A_26 = arith.constant 0 : i32
    %dma_start3A_27 = tpu.memref_slice %arg2[%dma_start3A_25, %dma_start3A_26] : memref<10000x64xbf16, #tpu.memory_space<hbm>> -> memref<10000x64xbf16, #tpu.memory_space<hbm>>
    tpu.enqueue_indirect_dma source(%dma_start3A_27 : memref<10000x64xbf16, #tpu.memory_space<hbm>>) target(%arg8 : memref<1000x64xbf16, #tpu.memory_space<vmem>>) offsets(%arg6 : memref<1000xi32, #tpu.memory_space<vmem>>) semaphore(%arg10 : memref<!tpu.dma_semaphore, #tpu.memory_space<semaphore_mem>>)
    %dma_wait3A = arith.constant 0 : i32
    %dma_wait3A_28 = arith.constant 0 : i32
    %dma_wait3A_29 = tpu.memref_slice %arg2[%dma_wait3A, %dma_wait3A_28] : memref<10000x64xbf16, #tpu.memory_space<hbm>> -> memref<10000x64xbf16, #tpu.memory_space<hbm>>
    tpu.wait_indirect_dma semaphore(%arg9 : memref<!tpu.dma_semaphore, #tpu.memory_space<semaphore_mem>>) src(%dma_wait3A_29 : memref<10000x64xbf16, #tpu.memory_space<hbm>>) dst(%arg7 : memref<1000x64xbf16, #tpu.memory_space<vmem>>)
    %dma_wait3A_30 = arith.constant 0 : i32
    %dma_wait3A_31 = arith.constant 0 : i32
    %dma_wait3A_32 = tpu.memref_slice %arg2[%dma_wait3A_30, %dma_wait3A_31] : memref<10000x64xbf16, #tpu.memory_space<hbm>> -> memref<10000x64xbf16, #tpu.memory_space<hbm>>
    tpu.wait_indirect_dma semaphore(%arg10 : memref<!tpu.dma_semaphore, #tpu.memory_space<semaphore_mem>>) src(%dma_wait3A_32 : memref<10000x64xbf16, #tpu.memory_space<hbm>>) dst(%arg8 : memref<1000x64xbf16, #tpu.memory_space<vmem>>)
    "tpu.region"() ({
      %run_scoped3A = tpu.sem_alloc : memref<!tpu.dma_semaphore, #tpu.memory_space<semaphore_mem>>
      %dma_start3A_201 = arith.constant 0 : i32
      %dma_start3A_202 = tpu.memref_slice %arg4[%select_n3A, %dma_start3A_201] : memref<160000x128xbf16, #tpu.memory_space<hbm>> -> memref<1000x64xbf16, #tpu.memory_space<hbm>>
      %dma_start3A_203 = arith.constant 0 : i32
      %dma_start3A_204 = tpu.memref_slice %arg4[%select_n3A, %dma_start3A_203] : memref<160000x128xbf16, #tpu.memory_space<hbm>> -> memref<1000x64xbf16, #tpu.memory_space<hbm>>
      tpu.enqueue_dma source(%arg7 : memref<1000x64xbf16, #tpu.memory_space<vmem>>) target(%dma_start3A_204 : memref<1000x64xbf16, #tpu.memory_space<hbm>>) target_semaphore(%run_scoped3A : memref<!tpu.dma_semaphore, #tpu.memory_space<semaphore_mem>>)
      %dma_wait3A_205 = arith.constant 0 : i32
      %dma_wait3A_206 = tpu.memref_slice %arg4[%select_n3A, %dma_wait3A_205] : memref<160000x128xbf16, #tpu.memory_space<hbm>> -> memref<1000x64xbf16, #tpu.memory_space<hbm>>
      %dma_wait3A_207 = arith.constant 0 : i32
      %dma_wait3A_208 = tpu.memref_slice %arg4[%select_n3A, %dma_wait3A_207] : memref<160000x128xbf16, #tpu.memory_space<hbm>> -> memref<1000x64xbf16, #tpu.memory_space<hbm>>
      tpu.wait_dma2 semaphore(%run_scoped3A : memref<!tpu.dma_semaphore, #tpu.memory_space<semaphore_mem>>) src(%arg7 : memref<1000x64xbf16, #tpu.memory_space<vmem>>) dst(%dma_wait3A_208 : memref<1000x64xbf16, #tpu.memory_space<hbm>>)
      tpu.yield
    }) : () -> ()
    "tpu.region"() ({
      %run_scoped3A = tpu.sem_alloc : memref<!tpu.dma_semaphore, #tpu.memory_space<semaphore_mem>>
      %dma_start3A_201 = arith.constant 64 : i32
      %dma_start3A_202 = tpu.memref_slice %arg4[%select_n3A, %dma_start3A_201] : memref<160000x128xbf16, #tpu.memory_space<hbm>> -> memref<1000x64xbf16, #tpu.memory_space<hbm>>
      %dma_start3A_203 = arith.constant 64 : i32
      %dma_start3A_204 = tpu.memref_slice %arg4[%select_n3A, %dma_start3A_203] : memref<160000x128xbf16, #tpu.memory_space<hbm>> -> memref<1000x64xbf16, #tpu.memory_space<hbm>>
      tpu.enqueue_dma source(%arg8 : memref<1000x64xbf16, #tpu.memory_space<vmem>>) target(%dma_start3A_204 : memref<1000x64xbf16, #tpu.memory_space<hbm>>) target_semaphore(%run_scoped3A : memref<!tpu.dma_semaphore, #tpu.memory_space<semaphore_mem>>)
      %dma_wait3A_205 = arith.constant 64 : i32
      %dma_wait3A_206 = tpu.memref_slice %arg4[%select_n3A, %dma_wait3A_205] : memref<160000x128xbf16, #tpu.memory_space<hbm>> -> memref<1000x64xbf16, #tpu.memory_space<hbm>>
      %dma_wait3A_207 = arith.constant 64 : i32
      %dma_wait3A_208 = tpu.memref_slice %arg4[%select_n3A, %dma_wait3A_207] : memref<160000x128xbf16, #tpu.memory_space<hbm>> -> memref<1000x64xbf16, #tpu.memory_space<hbm>>
      tpu.wait_dma2 semaphore(%run_scoped3A : memref<!tpu.dma_semaphore, #tpu.memory_space<semaphore_mem>>) src(%arg8 : memref<1000x64xbf16, #tpu.memory_space<vmem>>) dst(%dma_wait3A_208 : memref<1000x64xbf16, #tpu.memory_space<hbm>>)
      tpu.yield
    }) : () -> ()
    %mul3A_33 = arith.constant 10000 : i32
    %mul3A_34 = arith.muli %add3A, %mul3A_33 : i32
    %add3A_35 = arith.constant 2000 : i32
    %add3A_36 = arith.addi %mul3A_34, %add3A_35 : i32
    %jit3A_37 = arith.constant 2 : i32
    %div3A_38 = arith.divsi %add3A_36, %jit3A_37 : i32
    %sign3A_39 = arith.constant 0 : i32
    %sign3A_40 = arith.cmpi sgt, %add3A_36, %sign3A_39 : i32
    %sign3A_41 = arith.extui %sign3A_40 : i1 to i32
    %sign3A_42 = arith.constant 0 : i32
    %sign3A_43 = arith.cmpi slt, %add3A_36, %sign3A_42 : i32
    %sign3A_44 = arith.extui %sign3A_43 : i1 to i32
    %sign3A_45 = arith.subi %sign3A_41, %sign3A_44 : i32
    %sign3A_46 = arith.constant 0 : i32
    %sign3A_47 = arith.cmpi sgt, %jit3A_37, %sign3A_46 : i32
    %sign3A_48 = arith.extui %sign3A_47 : i1 to i32
    %sign3A_49 = arith.constant 0 : i32
    %sign3A_50 = arith.cmpi slt, %jit3A_37, %sign3A_49 : i32
    %sign3A_51 = arith.extui %sign3A_50 : i1 to i32
    %sign3A_52 = arith.subi %sign3A_48, %sign3A_51 : i32
    %ne3A_53 = arith.cmpi ne, %sign3A_45, %sign3A_52 : i32
    %rem3A_54 = arith.remsi %add3A_36, %jit3A_37 : i32
    %ne3A_55 = arith.constant 0 : i32
    %ne3A_56 = arith.cmpi ne, %rem3A_54, %ne3A_55 : i32
    %and3A_57 = arith.andi %ne3A_53, %ne3A_56 : i1
    %sub3A_58 = arith.constant 1 : i32
    %sub3A_59 = arith.subi %div3A_38, %sub3A_58 : i32
    %select_n3A_60 = arith.select %and3A_57, %sub3A_59, %div3A_38 : i32
    "tpu.region"() ({
      %run_scoped3A = tpu.sem_alloc : memref<!tpu.dma_semaphore, #tpu.memory_space<semaphore_mem>>
      %dma_start3A_201 = tpu.memref_slice %arg3[%add3A_36] : memref<320000xi32, #tpu.memory_space<hbm>> -> memref<1000xi32, #tpu.memory_space<hbm>>
      %dma_start3A_202 = tpu.memref_slice %arg3[%add3A_36] : memref<320000xi32, #tpu.memory_space<hbm>> -> memref<1000xi32, #tpu.memory_space<hbm>>
      tpu.enqueue_dma source(%dma_start3A_202 : memref<1000xi32, #tpu.memory_space<hbm>>) target(%arg5 : memref<1000xi32, #tpu.memory_space<vmem>>) target_semaphore(%run_scoped3A : memref<!tpu.dma_semaphore, #tpu.memory_space<semaphore_mem>>)
      %dma_wait3A_203 = tpu.memref_slice %arg3[%add3A_36] : memref<320000xi32, #tpu.memory_space<hbm>> -> memref<1000xi32, #tpu.memory_space<hbm>>
      %dma_wait3A_204 = tpu.memref_slice %arg3[%add3A_36] : memref<320000xi32, #tpu.memory_space<hbm>> -> memref<1000xi32, #tpu.memory_space<hbm>>
      tpu.wait_dma2 semaphore(%run_scoped3A : memref<!tpu.dma_semaphore, #tpu.memory_space<semaphore_mem>>) src(%dma_wait3A_204 : memref<1000xi32, #tpu.memory_space<hbm>>) dst(%arg5 : memref<1000xi32, #tpu.memory_space<vmem>>)
      tpu.yield
    }) : () -> ()
    %add3A_61 = arith.constant 1000 : i32
    %add3A_62 = arith.addi %add3A_36, %add3A_61 : i32
    "tpu.region"() ({
      %run_scoped3A = tpu.sem_alloc : memref<!tpu.dma_semaphore, #tpu.memory_space<semaphore_mem>>
      %dma_start3A_201 = tpu.memref_slice %arg3[%add3A_62] : memref<320000xi32, #tpu.memory_space<hbm>> -> memref<1000xi32, #tpu.memory_space<hbm>>
      %dma_start3A_202 = tpu.memref_slice %arg3[%add3A_62] : memref<320000xi32, #tpu.memory_space<hbm>> -> memref<1000xi32, #tpu.memory_space<hbm>>
      tpu.enqueue_dma source(%dma_start3A_202 : memref<1000xi32, #tpu.memory_space<hbm>>) target(%arg6 : memref<1000xi32, #tpu.memory_space<vmem>>) target_semaphore(%run_scoped3A : memref<!tpu.dma_semaphore, #tpu.memory_space<semaphore_mem>>)
      %dma_wait3A_203 = tpu.memref_slice %arg3[%add3A_62] : memref<320000xi32, #tpu.memory_space<hbm>> -> memref<1000xi32, #tpu.memory_space<hbm>>
      %dma_wait3A_204 = tpu.memref_slice %arg3[%add3A_62] : memref<320000xi32, #tpu.memory_space<hbm>> -> memref<1000xi32, #tpu.memory_space<hbm>>
      tpu.wait_dma2 semaphore(%run_scoped3A : memref<!tpu.dma_semaphore, #tpu.memory_space<semaphore_mem>>) src(%dma_wait3A_204 : memref<1000xi32, #tpu.memory_space<hbm>>) dst(%arg6 : memref<1000xi32, #tpu.memory_space<vmem>>)
      tpu.yield
    }) : () -> ()
    %dma_start3A_63 = arith.constant 0 : i32
    %dma_start3A_64 = arith.constant 0 : i32
    %dma_start3A_65 = tpu.memref_slice %arg2[%dma_start3A_63, %dma_start3A_64] : memref<10000x64xbf16, #tpu.memory_space<hbm>> -> memref<10000x64xbf16, #tpu.memory_space<hbm>>
    tpu.enqueue_indirect_dma source(%dma_start3A_65 : memref<10000x64xbf16, #tpu.memory_space<hbm>>) target(%arg7 : memref<1000x64xbf16, #tpu.memory_space<vmem>>) offsets(%arg5 : memref<1000xi32, #tpu.memory_space<vmem>>) semaphore(%arg9 : memref<!tpu.dma_semaphore, #tpu.memory_space<semaphore_mem>>)
    %dma_start3A_66 = arith.constant 0 : i32
    %dma_start3A_67 = arith.constant 0 : i32
    %dma_start3A_68 = tpu.memref_slice %arg2[%dma_start3A_66, %dma_start3A_67] : memref<10000x64xbf16, #tpu.memory_space<hbm>> -> memref<10000x64xbf16, #tpu.memory_space<hbm>>
    tpu.enqueue_indirect_dma source(%dma_start3A_68 : memref<10000x64xbf16, #tpu.memory_space<hbm>>) target(%arg8 : memref<1000x64xbf16, #tpu.memory_space<vmem>>) offsets(%arg6 : memref<1000xi32, #tpu.memory_space<vmem>>) semaphore(%arg10 : memref<!tpu.dma_semaphore, #tpu.memory_space<semaphore_mem>>)
    %dma_wait3A_69 = arith.constant 0 : i32
    %dma_wait3A_70 = arith.constant 0 : i32
    %dma_wait3A_71 = tpu.memref_slice %arg2[%dma_wait3A_69, %dma_wait3A_70] : memref<10000x64xbf16, #tpu.memory_space<hbm>> -> memref<10000x64xbf16, #tpu.memory_space<hbm>>
    tpu.wait_indirect_dma semaphore(%arg9 : memref<!tpu.dma_semaphore, #tpu.memory_space<semaphore_mem>>) src(%dma_wait3A_71 : memref<10000x64xbf16, #tpu.memory_space<hbm>>) dst(%arg7 : memref<1000x64xbf16, #tpu.memory_space<vmem>>)
    %dma_wait3A_72 = arith.constant 0 : i32
    %dma_wait3A_73 = arith.constant 0 : i32
    %dma_wait3A_74 = tpu.memref_slice %arg2[%dma_wait3A_72, %dma_wait3A_73] : memref<10000x64xbf16, #tpu.memory_space<hbm>> -> memref<10000x64xbf16, #tpu.memory_space<hbm>>
    tpu.wait_indirect_dma semaphore(%arg10 : memref<!tpu.dma_semaphore, #tpu.memory_space<semaphore_mem>>) src(%dma_wait3A_74 : memref<10000x64xbf16, #tpu.memory_space<hbm>>) dst(%arg8 : memref<1000x64xbf16, #tpu.memory_space<vmem>>)
    "tpu.region"() ({
      %run_scoped3A = tpu.sem_alloc : memref<!tpu.dma_semaphore, #tpu.memory_space<semaphore_mem>>
      %dma_start3A_201 = arith.constant 0 : i32
      %dma_start3A_202 = tpu.memref_slice %arg4[%select_n3A_60, %dma_start3A_201] : memref<160000x128xbf16, #tpu.memory_space<hbm>> -> memref<1000x64xbf16, #tpu.memory_space<hbm>>
      %dma_start3A_203 = arith.constant 0 : i32
      %dma_start3A_204 = tpu.memref_slice %arg4[%select_n3A_60, %dma_start3A_203] : memref<160000x128xbf16, #tpu.memory_space<hbm>> -> memref<1000x64xbf16, #tpu.memory_space<hbm>>
      tpu.enqueue_dma source(%arg7 : memref<1000x64xbf16, #tpu.memory_space<vmem>>) target(%dma_start3A_204 : memref<1000x64xbf16, #tpu.memory_space<hbm>>) target_semaphore(%run_scoped3A : memref<!tpu.dma_semaphore, #tpu.memory_space<semaphore_mem>>)
      %dma_wait3A_205 = arith.constant 0 : i32
      %dma_wait3A_206 = tpu.memref_slice %arg4[%select_n3A_60, %dma_wait3A_205] : memref<160000x128xbf16, #tpu.memory_space<hbm>> -> memref<1000x64xbf16, #tpu.memory_space<hbm>>
      %dma_wait3A_207 = arith.constant 0 : i32
      %dma_wait3A_208 = tpu.memref_slice %arg4[%select_n3A_60, %dma_wait3A_207] : memref<160000x128xbf16, #tpu.memory_space<hbm>> -> memref<1000x64xbf16, #tpu.memory_space<hbm>>
      tpu.wait_dma2 semaphore(%run_scoped3A : memref<!tpu.dma_semaphore, #tpu.memory_space<semaphore_mem>>) src(%arg7 : memref<1000x64xbf16, #tpu.memory_space<vmem>>) dst(%dma_wait3A_208 : memref<1000x64xbf16, #tpu.memory_space<hbm>>)
      tpu.yield
    }) : () -> ()
    "tpu.region"() ({
      %run_scoped3A = tpu.sem_alloc : memref<!tpu.dma_semaphore, #tpu.memory_space<semaphore_mem>>
      %dma_start3A_201 = arith.constant 64 : i32
      %dma_start3A_202 = tpu.memref_slice %arg4[%select_n3A_60, %dma_start3A_201] : memref<160000x128xbf16, #tpu.memory_space<hbm>> -> memref<1000x64xbf16, #tpu.memory_space<hbm>>
      %dma_start3A_203 = arith.constant 64 : i32
      %dma_start3A_204 = tpu.memref_slice %arg4[%select_n3A_60, %dma_start3A_203] : memref<160000x128xbf16, #tpu.memory_space<hbm>> -> memref<1000x64xbf16, #tpu.memory_space<hbm>>
      tpu.enqueue_dma source(%arg8 : memref<1000x64xbf16, #tpu.memory_space<vmem>>) target(%dma_start3A_204 : memref<1000x64xbf16, #tpu.memory_space<hbm>>) target_semaphore(%run_scoped3A : memref<!tpu.dma_semaphore, #tpu.memory_space<semaphore_mem>>)
      %dma_wait3A_205 = arith.constant 64 : i32
      %dma_wait3A_206 = tpu.memref_slice %arg4[%select_n3A_60, %dma_wait3A_205] : memref<160000x128xbf16, #tpu.memory_space<hbm>> -> memref<1000x64xbf16, #tpu.memory_space<hbm>>
      %dma_wait3A_207 = arith.constant 64 : i32
      %dma_wait3A_208 = tpu.memref_slice %arg4[%select_n3A_60, %dma_wait3A_207] : memref<160000x128xbf16, #tpu.memory_space<hbm>> -> memref<1000x64xbf16, #tpu.memory_space<hbm>>
      tpu.wait_dma2 semaphore(%run_scoped3A : memref<!tpu.dma_semaphore, #tpu.memory_space<semaphore_mem>>) src(%arg8 : memref<1000x64xbf16, #tpu.memory_space<vmem>>) dst(%dma_wait3A_208 : memref<1000x64xbf16, #tpu.memory_space<hbm>>)
      tpu.yield
    }) : () -> ()
    %mul3A_75 = arith.constant 10000 : i32
    %mul3A_76 = arith.muli %add3A, %mul3A_75 : i32
    %add3A_77 = arith.constant 4000 : i32
    %add3A_78 = arith.addi %mul3A_76, %add3A_77 : i32
    %jit3A_79 = arith.constant 2 : i32
    %div3A_80 = arith.divsi %add3A_78, %jit3A_79 : i32
    %sign3A_81 = arith.constant 0 : i32
    %sign3A_82 = arith.cmpi sgt, %add3A_78, %sign3A_81 : i32
    %sign3A_83 = arith.extui %sign3A_82 : i1 to i32
    %sign3A_84 = arith.constant 0 : i32
    %sign3A_85 = arith.cmpi slt, %add3A_78, %sign3A_84 : i32
    %sign3A_86 = arith.extui %sign3A_85 : i1 to i32
    %sign3A_87 = arith.subi %sign3A_83, %sign3A_86 : i32
    %sign3A_88 = arith.constant 0 : i32
    %sign3A_89 = arith.cmpi sgt, %jit3A_79, %sign3A_88 : i32
    %sign3A_90 = arith.extui %sign3A_89 : i1 to i32
    %sign3A_91 = arith.constant 0 : i32
    %sign3A_92 = arith.cmpi slt, %jit3A_79, %sign3A_91 : i32
    %sign3A_93 = arith.extui %sign3A_92 : i1 to i32
    %sign3A_94 = arith.subi %sign3A_90, %sign3A_93 : i32
    %ne3A_95 = arith.cmpi ne, %sign3A_87, %sign3A_94 : i32
    %rem3A_96 = arith.remsi %add3A_78, %jit3A_79 : i32
    %ne3A_97 = arith.constant 0 : i32
    %ne3A_98 = arith.cmpi ne, %rem3A_96, %ne3A_97 : i32
    %and3A_99 = arith.andi %ne3A_95, %ne3A_98 : i1
    %sub3A_100 = arith.constant 1 : i32
    %sub3A_101 = arith.subi %div3A_80, %sub3A_100 : i32
    %select_n3A_102 = arith.select %and3A_99, %sub3A_101, %div3A_80 : i32
    "tpu.region"() ({
      %run_scoped3A = tpu.sem_alloc : memref<!tpu.dma_semaphore, #tpu.memory_space<semaphore_mem>>
      %dma_start3A_201 = tpu.memref_slice %arg3[%add3A_78] : memref<320000xi32, #tpu.memory_space<hbm>> -> memref<1000xi32, #tpu.memory_space<hbm>>
      %dma_start3A_202 = tpu.memref_slice %arg3[%add3A_78] : memref<320000xi32, #tpu.memory_space<hbm>> -> memref<1000xi32, #tpu.memory_space<hbm>>
      tpu.enqueue_dma source(%dma_start3A_202 : memref<1000xi32, #tpu.memory_space<hbm>>) target(%arg5 : memref<1000xi32, #tpu.memory_space<vmem>>) target_semaphore(%run_scoped3A : memref<!tpu.dma_semaphore, #tpu.memory_space<semaphore_mem>>)
      %dma_wait3A_203 = tpu.memref_slice %arg3[%add3A_78] : memref<320000xi32, #tpu.memory_space<hbm>> -> memref<1000xi32, #tpu.memory_space<hbm>>
      %dma_wait3A_204 = tpu.memref_slice %arg3[%add3A_78] : memref<320000xi32, #tpu.memory_space<hbm>> -> memref<1000xi32, #tpu.memory_space<hbm>>
      tpu.wait_dma2 semaphore(%run_scoped3A : memref<!tpu.dma_semaphore, #tpu.memory_space<semaphore_mem>>) src(%dma_wait3A_204 : memref<1000xi32, #tpu.memory_space<hbm>>) dst(%arg5 : memref<1000xi32, #tpu.memory_space<vmem>>)
      tpu.yield
    }) : () -> ()
    %add3A_103 = arith.constant 1000 : i32
    %add3A_104 = arith.addi %add3A_78, %add3A_103 : i32
    "tpu.region"() ({
      %run_scoped3A = tpu.sem_alloc : memref<!tpu.dma_semaphore, #tpu.memory_space<semaphore_mem>>
      %dma_start3A_201 = tpu.memref_slice %arg3[%add3A_104] : memref<320000xi32, #tpu.memory_space<hbm>> -> memref<1000xi32, #tpu.memory_space<hbm>>
      %dma_start3A_202 = tpu.memref_slice %arg3[%add3A_104] : memref<320000xi32, #tpu.memory_space<hbm>> -> memref<1000xi32, #tpu.memory_space<hbm>>
      tpu.enqueue_dma source(%dma_start3A_202 : memref<1000xi32, #tpu.memory_space<hbm>>) target(%arg6 : memref<1000xi32, #tpu.memory_space<vmem>>) target_semaphore(%run_scoped3A : memref<!tpu.dma_semaphore, #tpu.memory_space<semaphore_mem>>)
      %dma_wait3A_203 = tpu.memref_slice %arg3[%add3A_104] : memref<320000xi32, #tpu.memory_space<hbm>> -> memref<1000xi32, #tpu.memory_space<hbm>>
      %dma_wait3A_204 = tpu.memref_slice %arg3[%add3A_104] : memref<320000xi32, #tpu.memory_space<hbm>> -> memref<1000xi32, #tpu.memory_space<hbm>>
      tpu.wait_dma2 semaphore(%run_scoped3A : memref<!tpu.dma_semaphore, #tpu.memory_space<semaphore_mem>>) src(%dma_wait3A_204 : memref<1000xi32, #tpu.memory_space<hbm>>) dst(%arg6 : memref<1000xi32, #tpu.memory_space<vmem>>)
      tpu.yield
    }) : () -> ()
    %dma_start3A_105 = arith.constant 0 : i32
    %dma_start3A_106 = arith.constant 0 : i32
    %dma_start3A_107 = tpu.memref_slice %arg2[%dma_start3A_105, %dma_start3A_106] : memref<10000x64xbf16, #tpu.memory_space<hbm>> -> memref<10000x64xbf16, #tpu.memory_space<hbm>>
    tpu.enqueue_indirect_dma source(%dma_start3A_107 : memref<10000x64xbf16, #tpu.memory_space<hbm>>) target(%arg7 : memref<1000x64xbf16, #tpu.memory_space<vmem>>) offsets(%arg5 : memref<1000xi32, #tpu.memory_space<vmem>>) semaphore(%arg9 : memref<!tpu.dma_semaphore, #tpu.memory_space<semaphore_mem>>)
    %dma_start3A_108 = arith.constant 0 : i32
    %dma_start3A_109 = arith.constant 0 : i32
    %dma_start3A_110 = tpu.memref_slice %arg2[%dma_start3A_108, %dma_start3A_109] : memref<10000x64xbf16, #tpu.memory_space<hbm>> -> memref<10000x64xbf16, #tpu.memory_space<hbm>>
    tpu.enqueue_indirect_dma source(%dma_start3A_110 : memref<10000x64xbf16, #tpu.memory_space<hbm>>) target(%arg8 : memref<1000x64xbf16, #tpu.memory_space<vmem>>) offsets(%arg6 : memref<1000xi32, #tpu.memory_space<vmem>>) semaphore(%arg10 : memref<!tpu.dma_semaphore, #tpu.memory_space<semaphore_mem>>)
    %dma_wait3A_111 = arith.constant 0 : i32
    %dma_wait3A_112 = arith.constant 0 : i32
    %dma_wait3A_113 = tpu.memref_slice %arg2[%dma_wait3A_111, %dma_wait3A_112] : memref<10000x64xbf16, #tpu.memory_space<hbm>> -> memref<10000x64xbf16, #tpu.memory_space<hbm>>
    tpu.wait_indirect_dma semaphore(%arg9 : memref<!tpu.dma_semaphore, #tpu.memory_space<semaphore_mem>>) src(%dma_wait3A_113 : memref<10000x64xbf16, #tpu.memory_space<hbm>>) dst(%arg7 : memref<1000x64xbf16, #tpu.memory_space<vmem>>)
    %dma_wait3A_114 = arith.constant 0 : i32
    %dma_wait3A_115 = arith.constant 0 : i32
    %dma_wait3A_116 = tpu.memref_slice %arg2[%dma_wait3A_114, %dma_wait3A_115] : memref<10000x64xbf16, #tpu.memory_space<hbm>> -> memref<10000x64xbf16, #tpu.memory_space<hbm>>
    tpu.wait_indirect_dma semaphore(%arg10 : memref<!tpu.dma_semaphore, #tpu.memory_space<semaphore_mem>>) src(%dma_wait3A_116 : memref<10000x64xbf16, #tpu.memory_space<hbm>>) dst(%arg8 : memref<1000x64xbf16, #tpu.memory_space<vmem>>)
    "tpu.region"() ({
      %run_scoped3A = tpu.sem_alloc : memref<!tpu.dma_semaphore, #tpu.memory_space<semaphore_mem>>
      %dma_start3A_201 = arith.constant 0 : i32
      %dma_start3A_202 = tpu.memref_slice %arg4[%select_n3A_102, %dma_start3A_201] : memref<160000x128xbf16, #tpu.memory_space<hbm>> -> memref<1000x64xbf16, #tpu.memory_space<hbm>>
      %dma_start3A_203 = arith.constant 0 : i32
      %dma_start3A_204 = tpu.memref_slice %arg4[%select_n3A_102, %dma_start3A_203] : memref<160000x128xbf16, #tpu.memory_space<hbm>> -> memref<1000x64xbf16, #tpu.memory_space<hbm>>
      tpu.enqueue_dma source(%arg7 : memref<1000x64xbf16, #tpu.memory_space<vmem>>) target(%dma_start3A_204 : memref<1000x64xbf16, #tpu.memory_space<hbm>>) target_semaphore(%run_scoped3A : memref<!tpu.dma_semaphore, #tpu.memory_space<semaphore_mem>>)
      %dma_wait3A_205 = arith.constant 0 : i32
      %dma_wait3A_206 = tpu.memref_slice %arg4[%select_n3A_102, %dma_wait3A_205] : memref<160000x128xbf16, #tpu.memory_space<hbm>> -> memref<1000x64xbf16, #tpu.memory_space<hbm>>
      %dma_wait3A_207 = arith.constant 0 : i32
      %dma_wait3A_208 = tpu.memref_slice %arg4[%select_n3A_102, %dma_wait3A_207] : memref<160000x128xbf16, #tpu.memory_space<hbm>> -> memref<1000x64xbf16, #tpu.memory_space<hbm>>
      tpu.wait_dma2 semaphore(%run_scoped3A : memref<!tpu.dma_semaphore, #tpu.memory_space<semaphore_mem>>) src(%arg7 : memref<1000x64xbf16, #tpu.memory_space<vmem>>) dst(%dma_wait3A_208 : memref<1000x64xbf16, #tpu.memory_space<hbm>>)
      tpu.yield
    }) : () -> ()
    "tpu.region"() ({
      %run_scoped3A = tpu.sem_alloc : memref<!tpu.dma_semaphore, #tpu.memory_space<semaphore_mem>>
      %dma_start3A_201 = arith.constant 64 : i32
      %dma_start3A_202 = tpu.memref_slice %arg4[%select_n3A_102, %dma_start3A_201] : memref<160000x128xbf16, #tpu.memory_space<hbm>> -> memref<1000x64xbf16, #tpu.memory_space<hbm>>
      %dma_start3A_203 = arith.constant 64 : i32
      %dma_start3A_204 = tpu.memref_slice %arg4[%select_n3A_102, %dma_start3A_203] : memref<160000x128xbf16, #tpu.memory_space<hbm>> -> memref<1000x64xbf16, #tpu.memory_space<hbm>>
      tpu.enqueue_dma source(%arg8 : memref<1000x64xbf16, #tpu.memory_space<vmem>>) target(%dma_start3A_204 : memref<1000x64xbf16, #tpu.memory_space<hbm>>) target_semaphore(%run_scoped3A : memref<!tpu.dma_semaphore, #tpu.memory_space<semaphore_mem>>)
      %dma_wait3A_205 = arith.constant 64 : i32
      %dma_wait3A_206 = tpu.memref_slice %arg4[%select_n3A_102, %dma_wait3A_205] : memref<160000x128xbf16, #tpu.memory_space<hbm>> -> memref<1000x64xbf16, #tpu.memory_space<hbm>>
      %dma_wait3A_207 = arith.constant 64 : i32
      %dma_wait3A_208 = tpu.memref_slice %arg4[%select_n3A_102, %dma_wait3A_207] : memref<160000x128xbf16, #tpu.memory_space<hbm>> -> memref<1000x64xbf16, #tpu.memory_space<hbm>>
      tpu.wait_dma2 semaphore(%run_scoped3A : memref<!tpu.dma_semaphore, #tpu.memory_space<semaphore_mem>>) src(%arg8 : memref<1000x64xbf16, #tpu.memory_space<vmem>>) dst(%dma_wait3A_208 : memref<1000x64xbf16, #tpu.memory_space<hbm>>)
      tpu.yield
    }) : () -> ()
    %mul3A_117 = arith.constant 10000 : i32
    %mul3A_118 = arith.muli %add3A, %mul3A_117 : i32
    %add3A_119 = arith.constant 6000 : i32
    %add3A_120 = arith.addi %mul3A_118, %add3A_119 : i32
    %jit3A_121 = arith.constant 2 : i32
    %div3A_122 = arith.divsi %add3A_120, %jit3A_121 : i32
    %sign3A_123 = arith.constant 0 : i32
    %sign3A_124 = arith.cmpi sgt, %add3A_120, %sign3A_123 : i32
    %sign3A_125 = arith.extui %sign3A_124 : i1 to i32
    %sign3A_126 = arith.constant 0 : i32
    %sign3A_127 = arith.cmpi slt, %add3A_120, %sign3A_126 : i32
    %sign3A_128 = arith.extui %sign3A_127 : i1 to i32
    %sign3A_129 = arith.subi %sign3A_125, %sign3A_128 : i32
    %sign3A_130 = arith.constant 0 : i32
    %sign3A_131 = arith.cmpi sgt, %jit3A_121, %sign3A_130 : i32
    %sign3A_132 = arith.extui %sign3A_131 : i1 to i32
    %sign3A_133 = arith.constant 0 : i32
    %sign3A_134 = arith.cmpi slt, %jit3A_121, %sign3A_133 : i32
    %sign3A_135 = arith.extui %sign3A_134 : i1 to i32
    %sign3A_136 = arith.subi %sign3A_132, %sign3A_135 : i32
    %ne3A_137 = arith.cmpi ne, %sign3A_129, %sign3A_136 : i32
    %rem3A_138 = arith.remsi %add3A_120, %jit3A_121 : i32
    %ne3A_139 = arith.constant 0 : i32
    %ne3A_140 = arith.cmpi ne, %rem3A_138, %ne3A_139 : i32
    %and3A_141 = arith.andi %ne3A_137, %ne3A_140 : i1
    %sub3A_142 = arith.constant 1 : i32
    %sub3A_143 = arith.subi %div3A_122, %sub3A_142 : i32
    %select_n3A_144 = arith.select %and3A_141, %sub3A_143, %div3A_122 : i32
    "tpu.region"() ({
      %run_scoped3A = tpu.sem_alloc : memref<!tpu.dma_semaphore, #tpu.memory_space<semaphore_mem>>
      %dma_start3A_201 = tpu.memref_slice %arg3[%add3A_120] : memref<320000xi32, #tpu.memory_space<hbm>> -> memref<1000xi32, #tpu.memory_space<hbm>>
      %dma_start3A_202 = tpu.memref_slice %arg3[%add3A_120] : memref<320000xi32, #tpu.memory_space<hbm>> -> memref<1000xi32, #tpu.memory_space<hbm>>
      tpu.enqueue_dma source(%dma_start3A_202 : memref<1000xi32, #tpu.memory_space<hbm>>) target(%arg5 : memref<1000xi32, #tpu.memory_space<vmem>>) target_semaphore(%run_scoped3A : memref<!tpu.dma_semaphore, #tpu.memory_space<semaphore_mem>>)
      %dma_wait3A_203 = tpu.memref_slice %arg3[%add3A_120] : memref<320000xi32, #tpu.memory_space<hbm>> -> memref<1000xi32, #tpu.memory_space<hbm>>
      %dma_wait3A_204 = tpu.memref_slice %arg3[%add3A_120] : memref<320000xi32, #tpu.memory_space<hbm>> -> memref<1000xi32, #tpu.memory_space<hbm>>
      tpu.wait_dma2 semaphore(%run_scoped3A : memref<!tpu.dma_semaphore, #tpu.memory_space<semaphore_mem>>) src(%dma_wait3A_204 : memref<1000xi32, #tpu.memory_space<hbm>>) dst(%arg5 : memref<1000xi32, #tpu.memory_space<vmem>>)
      tpu.yield
    }) : () -> ()
    %add3A_145 = arith.constant 1000 : i32
    %add3A_146 = arith.addi %add3A_120, %add3A_145 : i32
    "tpu.region"() ({
      %run_scoped3A = tpu.sem_alloc : memref<!tpu.dma_semaphore, #tpu.memory_space<semaphore_mem>>
      %dma_start3A_201 = tpu.memref_slice %arg3[%add3A_146] : memref<320000xi32, #tpu.memory_space<hbm>> -> memref<1000xi32, #tpu.memory_space<hbm>>
      %dma_start3A_202 = tpu.memref_slice %arg3[%add3A_146] : memref<320000xi32, #tpu.memory_space<hbm>> -> memref<1000xi32, #tpu.memory_space<hbm>>
      tpu.enqueue_dma source(%dma_start3A_202 : memref<1000xi32, #tpu.memory_space<hbm>>) target(%arg6 : memref<1000xi32, #tpu.memory_space<vmem>>) target_semaphore(%run_scoped3A : memref<!tpu.dma_semaphore, #tpu.memory_space<semaphore_mem>>)
      %dma_wait3A_203 = tpu.memref_slice %arg3[%add3A_146] : memref<320000xi32, #tpu.memory_space<hbm>> -> memref<1000xi32, #tpu.memory_space<hbm>>
      %dma_wait3A_204 = tpu.memref_slice %arg3[%add3A_146] : memref<320000xi32, #tpu.memory_space<hbm>> -> memref<1000xi32, #tpu.memory_space<hbm>>
      tpu.wait_dma2 semaphore(%run_scoped3A : memref<!tpu.dma_semaphore, #tpu.memory_space<semaphore_mem>>) src(%dma_wait3A_204 : memref<1000xi32, #tpu.memory_space<hbm>>) dst(%arg6 : memref<1000xi32, #tpu.memory_space<vmem>>)
      tpu.yield
    }) : () -> ()
    %dma_start3A_147 = arith.constant 0 : i32
    %dma_start3A_148 = arith.constant 0 : i32
    %dma_start3A_149 = tpu.memref_slice %arg2[%dma_start3A_147, %dma_start3A_148] : memref<10000x64xbf16, #tpu.memory_space<hbm>> -> memref<10000x64xbf16, #tpu.memory_space<hbm>>
    tpu.enqueue_indirect_dma source(%dma_start3A_149 : memref<10000x64xbf16, #tpu.memory_space<hbm>>) target(%arg7 : memref<1000x64xbf16, #tpu.memory_space<vmem>>) offsets(%arg5 : memref<1000xi32, #tpu.memory_space<vmem>>) semaphore(%arg9 : memref<!tpu.dma_semaphore, #tpu.memory_space<semaphore_mem>>)
    %dma_start3A_150 = arith.constant 0 : i32
    %dma_start3A_151 = arith.constant 0 : i32
    %dma_start3A_152 = tpu.memref_slice %arg2[%dma_start3A_150, %dma_start3A_151] : memref<10000x64xbf16, #tpu.memory_space<hbm>> -> memref<10000x64xbf16, #tpu.memory_space<hbm>>
    tpu.enqueue_indirect_dma source(%dma_start3A_152 : memref<10000x64xbf16, #tpu.memory_space<hbm>>) target(%arg8 : memref<1000x64xbf16, #tpu.memory_space<vmem>>) offsets(%arg6 : memref<1000xi32, #tpu.memory_space<vmem>>) semaphore(%arg10 : memref<!tpu.dma_semaphore, #tpu.memory_space<semaphore_mem>>)
    %dma_wait3A_153 = arith.constant 0 : i32
    %dma_wait3A_154 = arith.constant 0 : i32
    %dma_wait3A_155 = tpu.memref_slice %arg2[%dma_wait3A_153, %dma_wait3A_154] : memref<10000x64xbf16, #tpu.memory_space<hbm>> -> memref<10000x64xbf16, #tpu.memory_space<hbm>>
    tpu.wait_indirect_dma semaphore(%arg9 : memref<!tpu.dma_semaphore, #tpu.memory_space<semaphore_mem>>) src(%dma_wait3A_155 : memref<10000x64xbf16, #tpu.memory_space<hbm>>) dst(%arg7 : memref<1000x64xbf16, #tpu.memory_space<vmem>>)
    %dma_wait3A_156 = arith.constant 0 : i32
    %dma_wait3A_157 = arith.constant 0 : i32
    %dma_wait3A_158 = tpu.memref_slice %arg2[%dma_wait3A_156, %dma_wait3A_157] : memref<10000x64xbf16, #tpu.memory_space<hbm>> -> memref<10000x64xbf16, #tpu.memory_space<hbm>>
    tpu.wait_indirect_dma semaphore(%arg10 : memref<!tpu.dma_semaphore, #tpu.memory_space<semaphore_mem>>) src(%dma_wait3A_158 : memref<10000x64xbf16, #tpu.memory_space<hbm>>) dst(%arg8 : memref<1000x64xbf16, #tpu.memory_space<vmem>>)
    "tpu.region"() ({
      %run_scoped3A = tpu.sem_alloc : memref<!tpu.dma_semaphore, #tpu.memory_space<semaphore_mem>>
      %dma_start3A_201 = arith.constant 0 : i32
      %dma_start3A_202 = tpu.memref_slice %arg4[%select_n3A_144, %dma_start3A_201] : memref<160000x128xbf16, #tpu.memory_space<hbm>> -> memref<1000x64xbf16, #tpu.memory_space<hbm>>
      %dma_start3A_203 = arith.constant 0 : i32
      %dma_start3A_204 = tpu.memref_slice %arg4[%select_n3A_144, %dma_start3A_203] : memref<160000x128xbf16, #tpu.memory_space<hbm>> -> memref<1000x64xbf16, #tpu.memory_space<hbm>>
      tpu.enqueue_dma source(%arg7 : memref<1000x64xbf16, #tpu.memory_space<vmem>>) target(%dma_start3A_204 : memref<1000x64xbf16, #tpu.memory_space<hbm>>) target_semaphore(%run_scoped3A : memref<!tpu.dma_semaphore, #tpu.memory_space<semaphore_mem>>)
      %dma_wait3A_205 = arith.constant 0 : i32
      %dma_wait3A_206 = tpu.memref_slice %arg4[%select_n3A_144, %dma_wait3A_205] : memref<160000x128xbf16, #tpu.memory_space<hbm>> -> memref<1000x64xbf16, #tpu.memory_space<hbm>>
      %dma_wait3A_207 = arith.constant 0 : i32
      %dma_wait3A_208 = tpu.memref_slice %arg4[%select_n3A_144, %dma_wait3A_207] : memref<160000x128xbf16, #tpu.memory_space<hbm>> -> memref<1000x64xbf16, #tpu.memory_space<hbm>>
      tpu.wait_dma2 semaphore(%run_scoped3A : memref<!tpu.dma_semaphore, #tpu.memory_space<semaphore_mem>>) src(%arg7 : memref<1000x64xbf16, #tpu.memory_space<vmem>>) dst(%dma_wait3A_208 : memref<1000x64xbf16, #tpu.memory_space<hbm>>)
      tpu.yield
    }) : () -> ()
    "tpu.region"() ({
      %run_scoped3A = tpu.sem_alloc : memref<!tpu.dma_semaphore, #tpu.memory_space<semaphore_mem>>
      %dma_start3A_201 = arith.constant 64 : i32
      %dma_start3A_202 = tpu.memref_slice %arg4[%select_n3A_144, %dma_start3A_201] : memref<160000x128xbf16, #tpu.memory_space<hbm>> -> memref<1000x64xbf16, #tpu.memory_space<hbm>>
      %dma_start3A_203 = arith.constant 64 : i32
      %dma_start3A_204 = tpu.memref_slice %arg4[%select_n3A_144, %dma_start3A_203] : memref<160000x128xbf16, #tpu.memory_space<hbm>> -> memref<1000x64xbf16, #tpu.memory_space<hbm>>
      tpu.enqueue_dma source(%arg8 : memref<1000x64xbf16, #tpu.memory_space<vmem>>) target(%dma_start3A_204 : memref<1000x64xbf16, #tpu.memory_space<hbm>>) target_semaphore(%run_scoped3A : memref<!tpu.dma_semaphore, #tpu.memory_space<semaphore_mem>>)
      %dma_wait3A_205 = arith.constant 64 : i32
      %dma_wait3A_206 = tpu.memref_slice %arg4[%select_n3A_144, %dma_wait3A_205] : memref<160000x128xbf16, #tpu.memory_space<hbm>> -> memref<1000x64xbf16, #tpu.memory_space<hbm>>
      %dma_wait3A_207 = arith.constant 64 : i32
      %dma_wait3A_208 = tpu.memref_slice %arg4[%select_n3A_144, %dma_wait3A_207] : memref<160000x128xbf16, #tpu.memory_space<hbm>> -> memref<1000x64xbf16, #tpu.memory_space<hbm>>
      tpu.wait_dma2 semaphore(%run_scoped3A : memref<!tpu.dma_semaphore, #tpu.memory_space<semaphore_mem>>) src(%arg8 : memref<1000x64xbf16, #tpu.memory_space<vmem>>) dst(%dma_wait3A_208 : memref<1000x64xbf16, #tpu.memory_space<hbm>>)
      tpu.yield
    }) : () -> ()
    %mul3A_159 = arith.constant 10000 : i32
    %mul3A_160 = arith.muli %add3A, %mul3A_159 : i32
    %add3A_161 = arith.constant 8000 : i32
    %add3A_162 = arith.addi %mul3A_160, %add3A_161 : i32
    %jit3A_163 = arith.constant 2 : i32
    %div3A_164 = arith.divsi %add3A_162, %jit3A_163 : i32
    %sign3A_165 = arith.constant 0 : i32
    %sign3A_166 = arith.cmpi sgt, %add3A_162, %sign3A_165 : i32
    %sign3A_167 = arith.extui %sign3A_166 : i1 to i32
    %sign3A_168 = arith.constant 0 : i32
    %sign3A_169 = arith.cmpi slt, %add3A_162, %sign3A_168 : i32
    %sign3A_170 = arith.extui %sign3A_169 : i1 to i32
    %sign3A_171 = arith.subi %sign3A_167, %sign3A_170 : i32
    %sign3A_172 = arith.constant 0 : i32
    %sign3A_173 = arith.cmpi sgt, %jit3A_163, %sign3A_172 : i32
    %sign3A_174 = arith.extui %sign3A_173 : i1 to i32
    %sign3A_175 = arith.constant 0 : i32
    %sign3A_176 = arith.cmpi slt, %jit3A_163, %sign3A_175 : i32
    %sign3A_177 = arith.extui %sign3A_176 : i1 to i32
    %sign3A_178 = arith.subi %sign3A_174, %sign3A_177 : i32
    %ne3A_179 = arith.cmpi ne, %sign3A_171, %sign3A_178 : i32
    %rem3A_180 = arith.remsi %add3A_162, %jit3A_163 : i32
    %ne3A_181 = arith.constant 0 : i32
    %ne3A_182 = arith.cmpi ne, %rem3A_180, %ne3A_181 : i32
    %and3A_183 = arith.andi %ne3A_179, %ne3A_182 : i1
    %sub3A_184 = arith.constant 1 : i32
    %sub3A_185 = arith.subi %div3A_164, %sub3A_184 : i32
    %select_n3A_186 = arith.select %and3A_183, %sub3A_185, %div3A_164 : i32
    "tpu.region"() ({
      %run_scoped3A = tpu.sem_alloc : memref<!tpu.dma_semaphore, #tpu.memory_space<semaphore_mem>>
      %dma_start3A_201 = tpu.memref_slice %arg3[%add3A_162] : memref<320000xi32, #tpu.memory_space<hbm>> -> memref<1000xi32, #tpu.memory_space<hbm>>
      %dma_start3A_202 = tpu.memref_slice %arg3[%add3A_162] : memref<320000xi32, #tpu.memory_space<hbm>> -> memref<1000xi32, #tpu.memory_space<hbm>>
      tpu.enqueue_dma source(%dma_start3A_202 : memref<1000xi32, #tpu.memory_space<hbm>>) target(%arg5 : memref<1000xi32, #tpu.memory_space<vmem>>) target_semaphore(%run_scoped3A : memref<!tpu.dma_semaphore, #tpu.memory_space<semaphore_mem>>)
      %dma_wait3A_203 = tpu.memref_slice %arg3[%add3A_162] : memref<320000xi32, #tpu.memory_space<hbm>> -> memref<1000xi32, #tpu.memory_space<hbm>>
      %dma_wait3A_204 = tpu.memref_slice %arg3[%add3A_162] : memref<320000xi32, #tpu.memory_space<hbm>> -> memref<1000xi32, #tpu.memory_space<hbm>>
      tpu.wait_dma2 semaphore(%run_scoped3A : memref<!tpu.dma_semaphore, #tpu.memory_space<semaphore_mem>>) src(%dma_wait3A_204 : memref<1000xi32, #tpu.memory_space<hbm>>) dst(%arg5 : memref<1000xi32, #tpu.memory_space<vmem>>)
      tpu.yield
    }) : () -> ()
    %add3A_187 = arith.constant 1000 : i32
    %add3A_188 = arith.addi %add3A_162, %add3A_187 : i32
    "tpu.region"() ({
      %run_scoped3A = tpu.sem_alloc : memref<!tpu.dma_semaphore, #tpu.memory_space<semaphore_mem>>
      %dma_start3A_201 = tpu.memref_slice %arg3[%add3A_188] : memref<320000xi32, #tpu.memory_space<hbm>> -> memref<1000xi32, #tpu.memory_space<hbm>>
      %dma_start3A_202 = tpu.memref_slice %arg3[%add3A_188] : memref<320000xi32, #tpu.memory_space<hbm>> -> memref<1000xi32, #tpu.memory_space<hbm>>
      tpu.enqueue_dma source(%dma_start3A_202 : memref<1000xi32, #tpu.memory_space<hbm>>) target(%arg6 : memref<1000xi32, #tpu.memory_space<vmem>>) target_semaphore(%run_scoped3A : memref<!tpu.dma_semaphore, #tpu.memory_space<semaphore_mem>>)
      %dma_wait3A_203 = tpu.memref_slice %arg3[%add3A_188] : memref<320000xi32, #tpu.memory_space<hbm>> -> memref<1000xi32, #tpu.memory_space<hbm>>
      %dma_wait3A_204 = tpu.memref_slice %arg3[%add3A_188] : memref<320000xi32, #tpu.memory_space<hbm>> -> memref<1000xi32, #tpu.memory_space<hbm>>
      tpu.wait_dma2 semaphore(%run_scoped3A : memref<!tpu.dma_semaphore, #tpu.memory_space<semaphore_mem>>) src(%dma_wait3A_204 : memref<1000xi32, #tpu.memory_space<hbm>>) dst(%arg6 : memref<1000xi32, #tpu.memory_space<vmem>>)
      tpu.yield
    }) : () -> ()
    %dma_start3A_189 = arith.constant 0 : i32
    %dma_start3A_190 = arith.constant 0 : i32
    %dma_start3A_191 = tpu.memref_slice %arg2[%dma_start3A_189, %dma_start3A_190] : memref<10000x64xbf16, #tpu.memory_space<hbm>> -> memref<10000x64xbf16, #tpu.memory_space<hbm>>
    tpu.enqueue_indirect_dma source(%dma_start3A_191 : memref<10000x64xbf16, #tpu.memory_space<hbm>>) target(%arg7 : memref<1000x64xbf16, #tpu.memory_space<vmem>>) offsets(%arg5 : memref<1000xi32, #tpu.memory_space<vmem>>) semaphore(%arg9 : memref<!tpu.dma_semaphore, #tpu.memory_space<semaphore_mem>>)
    %dma_start3A_192 = arith.constant 0 : i32
    %dma_start3A_193 = arith.constant 0 : i32
    %dma_start3A_194 = tpu.memref_slice %arg2[%dma_start3A_192, %dma_start3A_193] : memref<10000x64xbf16, #tpu.memory_space<hbm>> -> memref<10000x64xbf16, #tpu.memory_space<hbm>>
    tpu.enqueue_indirect_dma source(%dma_start3A_194 : memref<10000x64xbf16, #tpu.memory_space<hbm>>) target(%arg8 : memref<1000x64xbf16, #tpu.memory_space<vmem>>) offsets(%arg6 : memref<1000xi32, #tpu.memory_space<vmem>>) semaphore(%arg10 : memref<!tpu.dma_semaphore, #tpu.memory_space<semaphore_mem>>)
    %dma_wait3A_195 = arith.constant 0 : i32
    %dma_wait3A_196 = arith.constant 0 : i32
    %dma_wait3A_197 = tpu.memref_slice %arg2[%dma_wait3A_195, %dma_wait3A_196] : memref<10000x64xbf16, #tpu.memory_space<hbm>> -> memref<10000x64xbf16, #tpu.memory_space<hbm>>
    tpu.wait_indirect_dma semaphore(%arg9 : memref<!tpu.dma_semaphore, #tpu.memory_space<semaphore_mem>>) src(%dma_wait3A_197 : memref<10000x64xbf16, #tpu.memory_space<hbm>>) dst(%arg7 : memref<1000x64xbf16, #tpu.memory_space<vmem>>)
    %dma_wait3A_198 = arith.constant 0 : i32
    %dma_wait3A_199 = arith.constant 0 : i32
    %dma_wait3A_200 = tpu.memref_slice %arg2[%dma_wait3A_198, %dma_wait3A_199] : memref<10000x64xbf16, #tpu.memory_space<hbm>> -> memref<10000x64xbf16, #tpu.memory_space<hbm>>
    tpu.wait_indirect_dma semaphore(%arg10 : memref<!tpu.dma_semaphore, #tpu.memory_space<semaphore_mem>>) src(%dma_wait3A_200 : memref<10000x64xbf16, #tpu.memory_space<hbm>>) dst(%arg8 : memref<1000x64xbf16, #tpu.memory_space<vmem>>)
    "tpu.region"() ({
      %run_scoped3A = tpu.sem_alloc : memref<!tpu.dma_semaphore, #tpu.memory_space<semaphore_mem>>
      %dma_start3A_201 = arith.constant 0 : i32
      %dma_start3A_202 = tpu.memref_slice %arg4[%select_n3A_186, %dma_start3A_201] : memref<160000x128xbf16, #tpu.memory_space<hbm>> -> memref<1000x64xbf16, #tpu.memory_space<hbm>>
      %dma_start3A_203 = arith.constant 0 : i32
      %dma_start3A_204 = tpu.memref_slice %arg4[%select_n3A_186, %dma_start3A_203] : memref<160000x128xbf16, #tpu.memory_space<hbm>> -> memref<1000x64xbf16, #tpu.memory_space<hbm>>
      tpu.enqueue_dma source(%arg7 : memref<1000x64xbf16, #tpu.memory_space<vmem>>) target(%dma_start3A_204 : memref<1000x64xbf16, #tpu.memory_space<hbm>>) target_semaphore(%run_scoped3A : memref<!tpu.dma_semaphore, #tpu.memory_space<semaphore_mem>>)
      %dma_wait3A_205 = arith.constant 0 : i32
      %dma_wait3A_206 = tpu.memref_slice %arg4[%select_n3A_186, %dma_wait3A_205] : memref<160000x128xbf16, #tpu.memory_space<hbm>> -> memref<1000x64xbf16, #tpu.memory_space<hbm>>
      %dma_wait3A_207 = arith.constant 0 : i32
      %dma_wait3A_208 = tpu.memref_slice %arg4[%select_n3A_186, %dma_wait3A_207] : memref<160000x128xbf16, #tpu.memory_space<hbm>> -> memref<1000x64xbf16, #tpu.memory_space<hbm>>
      tpu.wait_dma2 semaphore(%run_scoped3A : memref<!tpu.dma_semaphore, #tpu.memory_space<semaphore_mem>>) src(%arg7 : memref<1000x64xbf16, #tpu.memory_space<vmem>>) dst(%dma_wait3A_208 : memref<1000x64xbf16, #tpu.memory_space<hbm>>)
      tpu.yield
    }) : () -> ()
    "tpu.region"() ({
      %run_scoped3A = tpu.sem_alloc : memref<!tpu.dma_semaphore, #tpu.memory_space<semaphore_mem>>
      %dma_start3A_201 = arith.constant 64 : i32
      %dma_start3A_202 = tpu.memref_slice %arg4[%select_n3A_186, %dma_start3A_201] : memref<160000x128xbf16, #tpu.memory_space<hbm>> -> memref<1000x64xbf16, #tpu.memory_space<hbm>>
      %dma_start3A_203 = arith.constant 64 : i32
      %dma_start3A_204 = tpu.memref_slice %arg4[%select_n3A_186, %dma_start3A_203] : memref<160000x128xbf16, #tpu.memory_space<hbm>> -> memref<1000x64xbf16, #tpu.memory_space<hbm>>
      tpu.enqueue_dma source(%arg8 : memref<1000x64xbf16, #tpu.memory_space<vmem>>) target(%dma_start3A_204 : memref<1000x64xbf16, #tpu.memory_space<hbm>>) target_semaphore(%run_scoped3A : memref<!tpu.dma_semaphore, #tpu.memory_space<semaphore_mem>>)
      %dma_wait3A_205 = arith.constant 64 : i32
      %dma_wait3A_206 = tpu.memref_slice %arg4[%select_n3A_186, %dma_wait3A_205] : memref<160000x128xbf16, #tpu.memory_space<hbm>> -> memref<1000x64xbf16, #tpu.memory_space<hbm>>
      %dma_wait3A_207 = arith.constant 64 : i32
      %dma_wait3A_208 = tpu.memref_slice %arg4[%select_n3A_186, %dma_wait3A_207] : memref<160000x128xbf16, #tpu.memory_space<hbm>> -> memref<1000x64xbf16, #tpu.memory_space<hbm>>
      tpu.wait_dma2 semaphore(%run_scoped3A : memref<!tpu.dma_semaphore, #tpu.memory_space<semaphore_mem>>) src(%arg8 : memref<1000x64xbf16, #tpu.memory_space<vmem>>) dst(%dma_wait3A_208 : memref<1000x64xbf16, #tpu.memory_space<hbm>>)
      tpu.yield
    }) : () -> ()
    return
  }
}

#map = affine_map<(d0, d1) -> (0, 0)>
#map1 = affine_map<(d0, d1) -> (0)>
module attributes {stable_mosaic.version = 14 : i64} {
  func.func @k(%arg0: i32, %arg1: i32, %arg2: memref<10000x64xbf16, #tpu.memory_space<hbm>>, %arg3: memref<320000xi32, #tpu.memory_space<hbm>>, %arg4: memref<160000x128xbf16, #tpu.memory_space<hbm>>, %arg5: memref<1000xi32, #tpu.memory_space<vmem>>, %arg6: memref<1000xi32, #tpu.memory_space<vmem>>, %arg7: memref<1000x64xbf16, #tpu.memory_space<vmem>>, %arg8: memref<1000x64xbf16, #tpu.memory_space<vmem>>, %arg9: memref<!tpu.dma_semaphore, #tpu.memory_space<semaphore_mem>>, %arg10: memref<!tpu.dma_semaphore, #tpu.memory_space<semaphore_mem>>) attributes {dimension_semantics = [#tpu.dimension_semantics<core_parallel>, #tpu.dimension_semantics<subcore_parallel>], iteration_bounds = array<i64: 2, 16>, scalar_prefetch = 0 : i64, scratch_operands = 6 : i64, tpu.core_type = #tpu.core_type<sc_vector_subcore>, window_params = [{transform_indices = #map}, {transform_indices = #map1}, {transform_indices = #map}]} {
    %mul3A = arith.constant 2 : i32
    %mul3A_0 = arith.muli %arg1, %mul3A : i32
    %add3A = arith.addi %mul3A_0, %arg0 : i32
    %mul3A_1 = arith.constant 10000 : i32
    %mul3A_2 = arith.muli %add3A, %mul3A_1 : i32
    %add3A_3 = arith.constant 0 : i32
    %add3A_4 = arith.addi %mul3A_2, %add3A_3 : i32
    %jit3A = arith.constant 2 : i32
    %div3A = arith.divsi %add3A_4, %jit3A : i32
    %sign3A = arith.constant 0 : i32
    %sign3A_5 = arith.cmpi sgt, %add3A_4, %sign3A : i32
    %sign3A_6 = arith.extui %sign3A_5 : i1 to i32
    %sign3A_7 = arith.constant 0 : i32
    %sign3A_8 = arith.cmpi slt, %add3A_4, %sign3A_7 : i32
    %sign3A_9 = arith.extui %sign3A_8 : i1 to i32
    %sign3A_10 = arith.subi %sign3A_6, %sign3A_9 : i32
    %sign3A_11 = arith.constant 0 : i32
    %sign3A_12 = arith.cmpi sgt, %jit3A, %sign3A_11 : i32
    %sign3A_13 = arith.extui %sign3A_12 : i1 to i32
    %sign3A_14 = arith.constant 0 : i32
    %sign3A_15 = arith.cmpi slt, %jit3A, %sign3A_14 : i32
    %sign3A_16 = arith.extui %sign3A_15 : i1 to i32
    %sign3A_17 = arith.subi %sign3A_13, %sign3A_16 : i32
    %ne3A = arith.cmpi ne, %sign3A_10, %sign3A_17 : i32
    %rem3A = arith.remsi %add3A_4, %jit3A : i32
    %ne3A_18 = arith.constant 0 : i32
    %ne3A_19 = arith.cmpi ne, %rem3A, %ne3A_18 : i32
    %and3A = arith.andi %ne3A, %ne3A_19 : i1
    %sub3A = arith.constant 1 : i32
    %sub3A_20 = arith.subi %div3A, %sub3A : i32
    %select_n3A = arith.select %and3A, %sub3A_20, %div3A : i32
    "tpu.region"() ({
      %run_scoped3A = tpu.sem_alloc : memref<!tpu.dma_semaphore, #tpu.memory_space<semaphore_mem>>
      %dma_start3A_201 = tpu.memref_slice %arg3[%add3A_4] : memref<320000xi32, #tpu.memory_space<hbm>> -> memref<1000xi32, #tpu.memory_space<hbm>>
      %dma_start3A_202 = tpu.memref_slice %arg3[%add3A_4] : memref<320000xi32, #tpu.memory_space<hbm>> -> memref<1000xi32, #tpu.memory_space<hbm>>
      tpu.enqueue_dma source(%dma_start3A_202 : memref<1000xi32, #tpu.memory_space<hbm>>) target(%arg5 : memref<1000xi32, #tpu.memory_space<vmem>>) target_semaphore(%run_scoped3A : memref<!tpu.dma_semaphore, #tpu.memory_space<semaphore_mem>>)
      %dma_wait3A_203 = tpu.memref_slice %arg3[%add3A_4] : memref<320000xi32, #tpu.memory_space<hbm>> -> memref<1000xi32, #tpu.memory_space<hbm>>
      %dma_wait3A_204 = tpu.memref_slice %arg3[%add3A_4] : memref<320000xi32, #tpu.memory_space<hbm>> -> memref<1000xi32, #tpu.memory_space<hbm>>
      tpu.wait_dma2 semaphore(%run_scoped3A : memref<!tpu.dma_semaphore, #tpu.memory_space<semaphore_mem>>) src(%dma_wait3A_204 : memref<1000xi32, #tpu.memory_space<hbm>>) dst(%arg5 : memref<1000xi32, #tpu.memory_space<vmem>>)
      tpu.yield
    }) : () -> ()
    %add3A_21 = arith.constant 1000 : i32
    %add3A_22 = arith.addi %add3A_4, %add3A_21 : i32
    "tpu.region"() ({
      %run_scoped3A = tpu.sem_alloc : memref<!tpu.dma_semaphore, #tpu.memory_space<semaphore_mem>>
      %dma_start3A_201 = tpu.memref_slice %arg3[%add3A_22] : memref<320000xi32, #tpu.memory_space<hbm>> -> memref<1000xi32, #tpu.memory_space<hbm>>
      %dma_start3A_202 = tpu.memref_slice %arg3[%add3A_22] : memref<320000xi32, #tpu.memory_space<hbm>> -> memref<1000xi32, #tpu.memory_space<hbm>>
      tpu.enqueue_dma source(%dma_start3A_202 : memref<1000xi32, #tpu.memory_space<hbm>>) target(%arg6 : memref<1000xi32, #tpu.memory_space<vmem>>) target_semaphore(%run_scoped3A : memref<!tpu.dma_semaphore, #tpu.memory_space<semaphore_mem>>)
      %dma_wait3A_203 = tpu.memref_slice %arg3[%add3A_22] : memref<320000xi32, #tpu.memory_space<hbm>> -> memref<1000xi32, #tpu.memory_space<hbm>>
      %dma_wait3A_204 = tpu.memref_slice %arg3[%add3A_22] : memref<320000xi32, #tpu.memory_space<hbm>> -> memref<1000xi32, #tpu.memory_space<hbm>>
      tpu.wait_dma2 semaphore(%run_scoped3A : memref<!tpu.dma_semaphore, #tpu.memory_space<semaphore_mem>>) src(%dma_wait3A_204 : memref<1000xi32, #tpu.memory_space<hbm>>) dst(%arg6 : memref<1000xi32, #tpu.memory_space<vmem>>)
      tpu.yield
    }) : () -> ()
    %dma_start3A = arith.constant 0 : i32
    %dma_start3A_23 = arith.constant 0 : i32
    %dma_start3A_24 = tpu.memref_slice %arg2[%dma_start3A, %dma_start3A_23] : memref<10000x64xbf16, #tpu.memory_space<hbm>> -> memref<10000x64xbf16, #tpu.memory_space<hbm>>
    tpu.enqueue_indirect_dma source(%dma_start3A_24 : memref<10000x64xbf16, #tpu.memory_space<hbm>>) target(%arg7 : memref<1000x64xbf16, #tpu.memory_space<vmem>>) offsets(%arg5 : memref<1000xi32, #tpu.memory_space<vmem>>) semaphore(%arg9 : memref<!tpu.dma_semaphore, #tpu.memory_space<semaphore_mem>>)
    %dma_start3A_25 = arith.constant 0 : i32
    %dma_start3A_26 = arith.constant 0 : i32
    %dma_start3A_27 = tpu.memref_slice %arg2[%dma_start3A_25, %dma_start3A_26] : memref<10000x64xbf16, #tpu.memory_space<hbm>> -> memref<10000x64xbf16, #tpu.memory_space<hbm>>
    tpu.enqueue_indirect_dma source(%dma_start3A_27 : memref<10000x64xbf16, #tpu.memory_space<hbm>>) target(%arg8 : memref<1000x64xbf16, #tpu.memory_space<vmem>>) offsets(%arg6 : memref<1000xi32, #tpu.memory_space<vmem>>) semaphore(%arg10 : memref<!tpu.dma_semaphore, #tpu.memory_space<semaphore_mem>>)
    %dma_wait3A = arith.constant 0 : i32
    %dma_wait3A_28 = arith.constant 0 : i32
    %dma_wait3A_29 = tpu.memref_slice %arg2[%dma_wait3A, %dma_wait3A_28] : memref<10000x64xbf16, #tpu.memory_space<hbm>> -> memref<10000x64xbf16, #tpu.memory_space<hbm>>
    tpu.wait_indirect_dma semaphore(%arg9 : memref<!tpu.dma_semaphore, #tpu.memory_space<semaphore_mem>>) src(%dma_wait3A_29 : memref<10000x64xbf16, #tpu.memory_space<hbm>>) dst(%arg7 : memref<1000x64xbf16, #tpu.memory_space<vmem>>)
    %dma_wait3A_30 = arith.constant 0 : i32
    %dma_wait3A_31 = arith.constant 0 : i32
    %dma_wait3A_32 = tpu.memref_slice %arg2[%dma_wait3A_30, %dma_wait3A_31] : memref<10000x64xbf16, #tpu.memory_space<hbm>> -> memref<10000x64xbf16, #tpu.memory_space<hbm>>
    tpu.wait_indirect_dma semaphore(%arg10 : memref<!tpu.dma_semaphore, #tpu.memory_space<semaphore_mem>>) src(%dma_wait3A_32 : memref<10000x64xbf16, #tpu.memory_space<hbm>>) dst(%arg8 : memref<1000x64xbf16, #tpu.memory_space<vmem>>)
    "tpu.region"() ({
      %run_scoped3A = tpu.sem_alloc : memref<!tpu.dma_semaphore, #tpu.memory_space<semaphore_mem>>
      %dma_start3A_201 = arith.constant 0 : i32
      %dma_start3A_202 = tpu.memref_slice %arg4[%select_n3A, %dma_start3A_201] : memref<160000x128xbf16, #tpu.memory_space<hbm>> -> memref<1000x64xbf16, #tpu.memory_space<hbm>>
      %dma_start3A_203 = arith.constant 0 : i32
      %dma_start3A_204 = tpu.memref_slice %arg4[%select_n3A, %dma_start3A_203] : memref<160000x128xbf16, #tpu.memory_space<hbm>> -> memref<1000x64xbf16, #tpu.memory_space<hbm>>
      tpu.enqueue_dma source(%arg7 : memref<1000x64xbf16, #tpu.memory_space<vmem>>) target(%dma_start3A_204 : memref<1000x64xbf16, #tpu.memory_space<hbm>>) target_semaphore(%run_scoped3A : memref<!tpu.dma_semaphore, #tpu.memory_space<semaphore_mem>>)
      %dma_wait3A_205 = arith.constant 0 : i32
      %dma_wait3A_206 = tpu.memref_slice %arg4[%select_n3A, %dma_wait3A_205] : memref<160000x128xbf16, #tpu.memory_space<hbm>> -> memref<1000x64xbf16, #tpu.memory_space<hbm>>
      %dma_wait3A_207 = arith.constant 0 : i32
      %dma_wait3A_208 = tpu.memref_slice %arg4[%select_n3A, %dma_wait3A_207] : memref<160000x128xbf16, #tpu.memory_space<hbm>> -> memref<1000x64xbf16, #tpu.memory_space<hbm>>
      tpu.wait_dma2 semaphore(%run_scoped3A : memref<!tpu.dma_semaphore, #tpu.memory_space<semaphore_mem>>) src(%arg7 : memref<1000x64xbf16, #tpu.memory_space<vmem>>) dst(%dma_wait3A_208 : memref<1000x64xbf16, #tpu.memory_space<hbm>>)
      tpu.yield
    }) : () -> ()
    "tpu.region"() ({
      %run_scoped3A = tpu.sem_alloc : memref<!tpu.dma_semaphore, #tpu.memory_space<semaphore_mem>>
      %dma_start3A_201 = arith.constant 64 : i32
      %dma_start3A_202 = tpu.memref_slice %arg4[%select_n3A, %dma_start3A_201] : memref<160000x128xbf16, #tpu.memory_space<hbm>> -> memref<1000x64xbf16, #tpu.memory_space<hbm>>
      %dma_start3A_203 = arith.constant 64 : i32
      %dma_start3A_204 = tpu.memref_slice %arg4[%select_n3A, %dma_start3A_203] : memref<160000x128xbf16, #tpu.memory_space<hbm>> -> memref<1000x64xbf16, #tpu.memory_space<hbm>>
      tpu.enqueue_dma source(%arg8 : memref<1000x64xbf16, #tpu.memory_space<vmem>>) target(%dma_start3A_204 : memref<1000x64xbf16, #tpu.memory_space<hbm>>) target_semaphore(%run_scoped3A : memref<!tpu.dma_semaphore, #tpu.memory_space<semaphore_mem>>)
      %dma_wait3A_205 = arith.constant 64 : i32
      %dma_wait3A_206 = tpu.memref_slice %arg4[%select_n3A, %dma_wait3A_205] : memref<160000x128xbf16, #tpu.memory_space<hbm>> -> memref<1000x64xbf16, #tpu.memory_space<hbm>>
      %dma_wait3A_207 = arith.constant 64 : i32
      %dma_wait3A_208 = tpu.memref_slice %arg4[%select_n3A, %dma_wait3A_207] : memref<160000x128xbf16, #tpu.memory_space<hbm>> -> memref<1000x64xbf16, #tpu.memory_space<hbm>>
      tpu.wait_dma2 semaphore(%run_scoped3A : memref<!tpu.dma_semaphore, #tpu.memory_space<semaphore_mem>>) src(%arg8 : memref<1000x64xbf16, #tpu.memory_space<vmem>>) dst(%dma_wait3A_208 : memref<1000x64xbf16, #tpu.memory_space<hbm>>)
      tpu.yield
    }) : () -> ()
    %mul3A_33 = arith.constant 10000 : i32
    %mul3A_34 = arith.muli %add3A, %mul3A_33 : i32
    %add3A_35 = arith.constant 2000 : i32
    %add3A_36 = arith.addi %mul3A_34, %add3A_35 : i32
    %jit3A_37 = arith.constant 2 : i32
    %div3A_38 = arith.divsi %add3A_36, %jit3A_37 : i32
    %sign3A_39 = arith.constant 0 : i32
    %sign3A_40 = arith.cmpi sgt, %add3A_36, %sign3A_39 : i32
    %sign3A_41 = arith.extui %sign3A_40 : i1 to i32
    %sign3A_42 = arith.constant 0 : i32
    %sign3A_43 = arith.cmpi slt, %add3A_36, %sign3A_42 : i32
    %sign3A_44 = arith.extui %sign3A_43 : i1 to i32
    %sign3A_45 = arith.subi %sign3A_41, %sign3A_44 : i32
    %sign3A_46 = arith.constant 0 : i32
    %sign3A_47 = arith.cmpi sgt, %jit3A_37, %sign3A_46 : i32
    %sign3A_48 = arith.extui %sign3A_47 : i1 to i32
    %sign3A_49 = arith.constant 0 : i32
    %sign3A_50 = arith.cmpi slt, %jit3A_37, %sign3A_49 : i32
    %sign3A_51 = arith.extui %sign3A_50 : i1 to i32
    %sign3A_52 = arith.subi %sign3A_48, %sign3A_51 : i32
    %ne3A_53 = arith.cmpi ne, %sign3A_45, %sign3A_52 : i32
    %rem3A_54 = arith.remsi %add3A_36, %jit3A_37 : i32
    %ne3A_55 = arith.constant 0 : i32
    %ne3A_56 = arith.cmpi ne, %rem3A_54, %ne3A_55 : i32
    %and3A_57 = arith.andi %ne3A_53, %ne3A_56 : i1
    %sub3A_58 = arith.constant 1 : i32
    %sub3A_59 = arith.subi %div3A_38, %sub3A_58 : i32
    %select_n3A_60 = arith.select %and3A_57, %sub3A_59, %div3A_38 : i32
    "tpu.region"() ({
      %run_scoped3A = tpu.sem_alloc : memref<!tpu.dma_semaphore, #tpu.memory_space<semaphore_mem>>
      %dma_start3A_201 = tpu.memref_slice %arg3[%add3A_36] : memref<320000xi32, #tpu.memory_space<hbm>> -> memref<1000xi32, #tpu.memory_space<hbm>>
      %dma_start3A_202 = tpu.memref_slice %arg3[%add3A_36] : memref<320000xi32, #tpu.memory_space<hbm>> -> memref<1000xi32, #tpu.memory_space<hbm>>
      tpu.enqueue_dma source(%dma_start3A_202 : memref<1000xi32, #tpu.memory_space<hbm>>) target(%arg5 : memref<1000xi32, #tpu.memory_space<vmem>>) target_semaphore(%run_scoped3A : memref<!tpu.dma_semaphore, #tpu.memory_space<semaphore_mem>>)
      %dma_wait3A_203 = tpu.memref_slice %arg3[%add3A_36] : memref<320000xi32, #tpu.memory_space<hbm>> -> memref<1000xi32, #tpu.memory_space<hbm>>
      %dma_wait3A_204 = tpu.memref_slice %arg3[%add3A_36] : memref<320000xi32, #tpu.memory_space<hbm>> -> memref<1000xi32, #tpu.memory_space<hbm>>
      tpu.wait_dma2 semaphore(%run_scoped3A : memref<!tpu.dma_semaphore, #tpu.memory_space<semaphore_mem>>) src(%dma_wait3A_204 : memref<1000xi32, #tpu.memory_space<hbm>>) dst(%arg5 : memref<1000xi32, #tpu.memory_space<vmem>>)
      tpu.yield
    }) : () -> ()
    %add3A_61 = arith.constant 1000 : i32
    %add3A_62 = arith.addi %add3A_36, %add3A_61 : i32
    "tpu.region"() ({
      %run_scoped3A = tpu.sem_alloc : memref<!tpu.dma_semaphore, #tpu.memory_space<semaphore_mem>>
      %dma_start3A_201 = tpu.memref_slice %arg3[%add3A_62] : memref<320000xi32, #tpu.memory_space<hbm>> -> memref<1000xi32, #tpu.memory_space<hbm>>
      %dma_start3A_202 = tpu.memref_slice %arg3[%add3A_62] : memref<320000xi32, #tpu.memory_space<hbm>> -> memref<1000xi32, #tpu.memory_space<hbm>>
      tpu.enqueue_dma source(%dma_start3A_202 : memref<1000xi32, #tpu.memory_space<hbm>>) target(%arg6 : memref<1000xi32, #tpu.memory_space<vmem>>) target_semaphore(%run_scoped3A : memref<!tpu.dma_semaphore, #tpu.memory_space<semaphore_mem>>)
      %dma_wait3A_203 = tpu.memref_slice %arg3[%add3A_62] : memref<320000xi32, #tpu.memory_space<hbm>> -> memref<1000xi32, #tpu.memory_space<hbm>>
      %dma_wait3A_204 = tpu.memref_slice %arg3[%add3A_62] : memref<320000xi32, #tpu.memory_space<hbm>> -> memref<1000xi32, #tpu.memory_space<hbm>>
      tpu.wait_dma2 semaphore(%run_scoped3A : memref<!tpu.dma_semaphore, #tpu.memory_space<semaphore_mem>>) src(%dma_wait3A_204 : memref<1000xi32, #tpu.memory_space<hbm>>) dst(%arg6 : memref<1000xi32, #tpu.memory_space<vmem>>)
      tpu.yield
    }) : () -> ()
    %dma_start3A_63 = arith.constant 0 : i32
    %dma_start3A_64 = arith.constant 0 : i32
    %dma_start3A_65 = tpu.memref_slice %arg2[%dma_start3A_63, %dma_start3A_64] : memref<10000x64xbf16, #tpu.memory_space<hbm>> -> memref<10000x64xbf16, #tpu.memory_space<hbm>>
    tpu.enqueue_indirect_dma source(%dma_start3A_65 : memref<10000x64xbf16, #tpu.memory_space<hbm>>) target(%arg7 : memref<1000x64xbf16, #tpu.memory_space<vmem>>) offsets(%arg5 : memref<1000xi32, #tpu.memory_space<vmem>>) semaphore(%arg9 : memref<!tpu.dma_semaphore, #tpu.memory_space<semaphore_mem>>)
    %dma_start3A_66 = arith.constant 0 : i32
    %dma_start3A_67 = arith.constant 0 : i32
    %dma_start3A_68 = tpu.memref_slice %arg2[%dma_start3A_66, %dma_start3A_67] : memref<10000x64xbf16, #tpu.memory_space<hbm>> -> memref<10000x64xbf16, #tpu.memory_space<hbm>>
    tpu.enqueue_indirect_dma source(%dma_start3A_68 : memref<10000x64xbf16, #tpu.memory_space<hbm>>) target(%arg8 : memref<1000x64xbf16, #tpu.memory_space<vmem>>) offsets(%arg6 : memref<1000xi32, #tpu.memory_space<vmem>>) semaphore(%arg10 : memref<!tpu.dma_semaphore, #tpu.memory_space<semaphore_mem>>)
    %dma_wait3A_69 = arith.constant 0 : i32
    %dma_wait3A_70 = arith.constant 0 : i32
    %dma_wait3A_71 = tpu.memref_slice %arg2[%dma_wait3A_69, %dma_wait3A_70] : memref<10000x64xbf16, #tpu.memory_space<hbm>> -> memref<10000x64xbf16, #tpu.memory_space<hbm>>
    tpu.wait_indirect_dma semaphore(%arg9 : memref<!tpu.dma_semaphore, #tpu.memory_space<semaphore_mem>>) src(%dma_wait3A_71 : memref<10000x64xbf16, #tpu.memory_space<hbm>>) dst(%arg7 : memref<1000x64xbf16, #tpu.memory_space<vmem>>)
    %dma_wait3A_72 = arith.constant 0 : i32
    %dma_wait3A_73 = arith.constant 0 : i32
    %dma_wait3A_74 = tpu.memref_slice %arg2[%dma_wait3A_72, %dma_wait3A_73] : memref<10000x64xbf16, #tpu.memory_space<hbm>> -> memref<10000x64xbf16, #tpu.memory_space<hbm>>
    tpu.wait_indirect_dma semaphore(%arg10 : memref<!tpu.dma_semaphore, #tpu.memory_space<semaphore_mem>>) src(%dma_wait3A_74 : memref<10000x64xbf16, #tpu.memory_space<hbm>>) dst(%arg8 : memref<1000x64xbf16, #tpu.memory_space<vmem>>)
    "tpu.region"() ({
      %run_scoped3A = tpu.sem_alloc : memref<!tpu.dma_semaphore, #tpu.memory_space<semaphore_mem>>
      %dma_start3A_201 = arith.constant 0 : i32
      %dma_start3A_202 = tpu.memref_slice %arg4[%select_n3A_60, %dma_start3A_201] : memref<160000x128xbf16, #tpu.memory_space<hbm>> -> memref<1000x64xbf16, #tpu.memory_space<hbm>>
      %dma_start3A_203 = arith.constant 0 : i32
      %dma_start3A_204 = tpu.memref_slice %arg4[%select_n3A_60, %dma_start3A_203] : memref<160000x128xbf16, #tpu.memory_space<hbm>> -> memref<1000x64xbf16, #tpu.memory_space<hbm>>
      tpu.enqueue_dma source(%arg7 : memref<1000x64xbf16, #tpu.memory_space<vmem>>) target(%dma_start3A_204 : memref<1000x64xbf16, #tpu.memory_space<hbm>>) target_semaphore(%run_scoped3A : memref<!tpu.dma_semaphore, #tpu.memory_space<semaphore_mem>>)
      %dma_wait3A_205 = arith.constant 0 : i32
      %dma_wait3A_206 = tpu.memref_slice %arg4[%select_n3A_60, %dma_wait3A_205] : memref<160000x128xbf16, #tpu.memory_space<hbm>> -> memref<1000x64xbf16, #tpu.memory_space<hbm>>
      %dma_wait3A_207 = arith.constant 0 : i32
      %dma_wait3A_208 = tpu.memref_slice %arg4[%select_n3A_60, %dma_wait3A_207] : memref<160000x128xbf16, #tpu.memory_space<hbm>> -> memref<1000x64xbf16, #tpu.memory_space<hbm>>
      tpu.wait_dma2 semaphore(%run_scoped3A : memref<!tpu.dma_semaphore, #tpu.memory_space<semaphore_mem>>) src(%arg7 : memref<1000x64xbf16, #tpu.memory_space<vmem>>) dst(%dma_wait3A_208 : memref<1000x64xbf16, #tpu.memory_space<hbm>>)
      tpu.yield
    }) : () -> ()
    "tpu.region"() ({
      %run_scoped3A = tpu.sem_alloc : memref<!tpu.dma_semaphore, #tpu.memory_space<semaphore_mem>>
      %dma_start3A_201 = arith.constant 64 : i32
      %dma_start3A_202 = tpu.memref_slice %arg4[%select_n3A_60, %dma_start3A_201] : memref<160000x128xbf16, #tpu.memory_space<hbm>> -> memref<1000x64xbf16, #tpu.memory_space<hbm>>
      %dma_start3A_203 = arith.constant 64 : i32
      %dma_start3A_204 = tpu.memref_slice %arg4[%select_n3A_60, %dma_start3A_203] : memref<160000x128xbf16, #tpu.memory_space<hbm>> -> memref<1000x64xbf16, #tpu.memory_space<hbm>>
      tpu.enqueue_dma source(%arg8 : memref<1000x64xbf16, #tpu.memory_space<vmem>>) target(%dma_start3A_204 : memref<1000x64xbf16, #tpu.memory_space<hbm>>) target_semaphore(%run_scoped3A : memref<!tpu.dma_semaphore, #tpu.memory_space<semaphore_mem>>)
      %dma_wait3A_205 = arith.constant 64 : i32
      %dma_wait3A_206 = tpu.memref_slice %arg4[%select_n3A_60, %dma_wait3A_205] : memref<160000x128xbf16, #tpu.memory_space<hbm>> -> memref<1000x64xbf16, #tpu.memory_space<hbm>>
      %dma_wait3A_207 = arith.constant 64 : i32
      %dma_wait3A_208 = tpu.memref_slice %arg4[%select_n3A_60, %dma_wait3A_207] : memref<160000x128xbf16, #tpu.memory_space<hbm>> -> memref<1000x64xbf16, #tpu.memory_space<hbm>>
      tpu.wait_dma2 semaphore(%run_scoped3A : memref<!tpu.dma_semaphore, #tpu.memory_space<semaphore_mem>>) src(%arg8 : memref<1000x64xbf16, #tpu.memory_space<vmem>>) dst(%dma_wait3A_208 : memref<1000x64xbf16, #tpu.memory_space<hbm>>)
      tpu.yield
    }) : () -> ()
    %mul3A_75 = arith.constant 10000 : i32
    %mul3A_76 = arith.muli %add3A, %mul3A_75 : i32
    %add3A_77 = arith.constant 4000 : i32
    %add3A_78 = arith.addi %mul3A_76, %add3A_77 : i32
    %jit3A_79 = arith.constant 2 : i32
    %div3A_80 = arith.divsi %add3A_78, %jit3A_79 : i32
    %sign3A_81 = arith.constant 0 : i32
    %sign3A_82 = arith.cmpi sgt, %add3A_78, %sign3A_81 : i32
    %sign3A_83 = arith.extui %sign3A_82 : i1 to i32
    %sign3A_84 = arith.constant 0 : i32
    %sign3A_85 = arith.cmpi slt, %add3A_78, %sign3A_84 : i32
    %sign3A_86 = arith.extui %sign3A_85 : i1 to i32
    %sign3A_87 = arith.subi %sign3A_83, %sign3A_86 : i32
    %sign3A_88 = arith.constant 0 : i32
    %sign3A_89 = arith.cmpi sgt, %jit3A_79, %sign3A_88 : i32
    %sign3A_90 = arith.extui %sign3A_89 : i1 to i32
    %sign3A_91 = arith.constant 0 : i32
    %sign3A_92 = arith.cmpi slt, %jit3A_79, %sign3A_91 : i32
    %sign3A_93 = arith.extui %sign3A_92 : i1 to i32
    %sign3A_94 = arith.subi %sign3A_90, %sign3A_93 : i32
    %ne3A_95 = arith.cmpi ne, %sign3A_87, %sign3A_94 : i32
    %rem3A_96 = arith.remsi %add3A_78, %jit3A_79 : i32
    %ne3A_97 = arith.constant 0 : i32
    %ne3A_98 = arith.cmpi ne, %rem3A_96, %ne3A_97 : i32
    %and3A_99 = arith.andi %ne3A_95, %ne3A_98 : i1
    %sub3A_100 = arith.constant 1 : i32
    %sub3A_101 = arith.subi %div3A_80, %sub3A_100 : i32
    %select_n3A_102 = arith.select %and3A_99, %sub3A_101, %div3A_80 : i32
    "tpu.region"() ({
      %run_scoped3A = tpu.sem_alloc : memref<!tpu.dma_semaphore, #tpu.memory_space<semaphore_mem>>
      %dma_start3A_201 = tpu.memref_slice %arg3[%add3A_78] : memref<320000xi32, #tpu.memory_space<hbm>> -> memref<1000xi32, #tpu.memory_space<hbm>>
      %dma_start3A_202 = tpu.memref_slice %arg3[%add3A_78] : memref<320000xi32, #tpu.memory_space<hbm>> -> memref<1000xi32, #tpu.memory_space<hbm>>
      tpu.enqueue_dma source(%dma_start3A_202 : memref<1000xi32, #tpu.memory_space<hbm>>) target(%arg5 : memref<1000xi32, #tpu.memory_space<vmem>>) target_semaphore(%run_scoped3A : memref<!tpu.dma_semaphore, #tpu.memory_space<semaphore_mem>>)
      %dma_wait3A_203 = tpu.memref_slice %arg3[%add3A_78] : memref<320000xi32, #tpu.memory_space<hbm>> -> memref<1000xi32, #tpu.memory_space<hbm>>
      %dma_wait3A_204 = tpu.memref_slice %arg3[%add3A_78] : memref<320000xi32, #tpu.memory_space<hbm>> -> memref<1000xi32, #tpu.memory_space<hbm>>
      tpu.wait_dma2 semaphore(%run_scoped3A : memref<!tpu.dma_semaphore, #tpu.memory_space<semaphore_mem>>) src(%dma_wait3A_204 : memref<1000xi32, #tpu.memory_space<hbm>>) dst(%arg5 : memref<1000xi32, #tpu.memory_space<vmem>>)
      tpu.yield
    }) : () -> ()
    %add3A_103 = arith.constant 1000 : i32
    %add3A_104 = arith.addi %add3A_78, %add3A_103 : i32
    "tpu.region"() ({
      %run_scoped3A = tpu.sem_alloc : memref<!tpu.dma_semaphore, #tpu.memory_space<semaphore_mem>>
      %dma_start3A_201 = tpu.memref_slice %arg3[%add3A_104] : memref<320000xi32, #tpu.memory_space<hbm>> -> memref<1000xi32, #tpu.memory_space<hbm>>
      %dma_start3A_202 = tpu.memref_slice %arg3[%add3A_104] : memref<320000xi32, #tpu.memory_space<hbm>> -> memref<1000xi32, #tpu.memory_space<hbm>>
      tpu.enqueue_dma source(%dma_start3A_202 : memref<1000xi32, #tpu.memory_space<hbm>>) target(%arg6 : memref<1000xi32, #tpu.memory_space<vmem>>) target_semaphore(%run_scoped3A : memref<!tpu.dma_semaphore, #tpu.memory_space<semaphore_mem>>)
      %dma_wait3A_203 = tpu.memref_slice %arg3[%add3A_104] : memref<320000xi32, #tpu.memory_space<hbm>> -> memref<1000xi32, #tpu.memory_space<hbm>>
      %dma_wait3A_204 = tpu.memref_slice %arg3[%add3A_104] : memref<320000xi32, #tpu.memory_space<hbm>> -> memref<1000xi32, #tpu.memory_space<hbm>>
      tpu.wait_dma2 semaphore(%run_scoped3A : memref<!tpu.dma_semaphore, #tpu.memory_space<semaphore_mem>>) src(%dma_wait3A_204 : memref<1000xi32, #tpu.memory_space<hbm>>) dst(%arg6 : memref<1000xi32, #tpu.memory_space<vmem>>)
      tpu.yield
    }) : () -> ()
    %dma_start3A_105 = arith.constant 0 : i32
    %dma_start3A_106 = arith.constant 0 : i32
    %dma_start3A_107 = tpu.memref_slice %arg2[%dma_start3A_105, %dma_start3A_106] : memref<10000x64xbf16, #tpu.memory_space<hbm>> -> memref<10000x64xbf16, #tpu.memory_space<hbm>>
    tpu.enqueue_indirect_dma source(%dma_start3A_107 : memref<10000x64xbf16, #tpu.memory_space<hbm>>) target(%arg7 : memref<1000x64xbf16, #tpu.memory_space<vmem>>) offsets(%arg5 : memref<1000xi32, #tpu.memory_space<vmem>>) semaphore(%arg9 : memref<!tpu.dma_semaphore, #tpu.memory_space<semaphore_mem>>)
    %dma_start3A_108 = arith.constant 0 : i32
    %dma_start3A_109 = arith.constant 0 : i32
    %dma_start3A_110 = tpu.memref_slice %arg2[%dma_start3A_108, %dma_start3A_109] : memref<10000x64xbf16, #tpu.memory_space<hbm>> -> memref<10000x64xbf16, #tpu.memory_space<hbm>>
    tpu.enqueue_indirect_dma source(%dma_start3A_110 : memref<10000x64xbf16, #tpu.memory_space<hbm>>) target(%arg8 : memref<1000x64xbf16, #tpu.memory_space<vmem>>) offsets(%arg6 : memref<1000xi32, #tpu.memory_space<vmem>>) semaphore(%arg10 : memref<!tpu.dma_semaphore, #tpu.memory_space<semaphore_mem>>)
    %dma_wait3A_111 = arith.constant 0 : i32
    %dma_wait3A_112 = arith.constant 0 : i32
    %dma_wait3A_113 = tpu.memref_slice %arg2[%dma_wait3A_111, %dma_wait3A_112] : memref<10000x64xbf16, #tpu.memory_space<hbm>> -> memref<10000x64xbf16, #tpu.memory_space<hbm>>
    tpu.wait_indirect_dma semaphore(%arg9 : memref<!tpu.dma_semaphore, #tpu.memory_space<semaphore_mem>>) src(%dma_wait3A_113 : memref<10000x64xbf16, #tpu.memory_space<hbm>>) dst(%arg7 : memref<1000x64xbf16, #tpu.memory_space<vmem>>)
    %dma_wait3A_114 = arith.constant 0 : i32
    %dma_wait3A_115 = arith.constant 0 : i32
    %dma_wait3A_116 = tpu.memref_slice %arg2[%dma_wait3A_114, %dma_wait3A_115] : memref<10000x64xbf16, #tpu.memory_space<hbm>> -> memref<10000x64xbf16, #tpu.memory_space<hbm>>
    tpu.wait_indirect_dma semaphore(%arg10 : memref<!tpu.dma_semaphore, #tpu.memory_space<semaphore_mem>>) src(%dma_wait3A_116 : memref<10000x64xbf16, #tpu.memory_space<hbm>>) dst(%arg8 : memref<1000x64xbf16, #tpu.memory_space<vmem>>)
    "tpu.region"() ({
      %run_scoped3A = tpu.sem_alloc : memref<!tpu.dma_semaphore, #tpu.memory_space<semaphore_mem>>
      %dma_start3A_201 = arith.constant 0 : i32
      %dma_start3A_202 = tpu.memref_slice %arg4[%select_n3A_102, %dma_start3A_201] : memref<160000x128xbf16, #tpu.memory_space<hbm>> -> memref<1000x64xbf16, #tpu.memory_space<hbm>>
      %dma_start3A_203 = arith.constant 0 : i32
      %dma_start3A_204 = tpu.memref_slice %arg4[%select_n3A_102, %dma_start3A_203] : memref<160000x128xbf16, #tpu.memory_space<hbm>> -> memref<1000x64xbf16, #tpu.memory_space<hbm>>
      tpu.enqueue_dma source(%arg7 : memref<1000x64xbf16, #tpu.memory_space<vmem>>) target(%dma_start3A_204 : memref<1000x64xbf16, #tpu.memory_space<hbm>>) target_semaphore(%run_scoped3A : memref<!tpu.dma_semaphore, #tpu.memory_space<semaphore_mem>>)
      %dma_wait3A_205 = arith.constant 0 : i32
      %dma_wait3A_206 = tpu.memref_slice %arg4[%select_n3A_102, %dma_wait3A_205] : memref<160000x128xbf16, #tpu.memory_space<hbm>> -> memref<1000x64xbf16, #tpu.memory_space<hbm>>
      %dma_wait3A_207 = arith.constant 0 : i32
      %dma_wait3A_208 = tpu.memref_slice %arg4[%select_n3A_102, %dma_wait3A_207] : memref<160000x128xbf16, #tpu.memory_space<hbm>> -> memref<1000x64xbf16, #tpu.memory_space<hbm>>
      tpu.wait_dma2 semaphore(%run_scoped3A : memref<!tpu.dma_semaphore, #tpu.memory_space<semaphore_mem>>) src(%arg7 : memref<1000x64xbf16, #tpu.memory_space<vmem>>) dst(%dma_wait3A_208 : memref<1000x64xbf16, #tpu.memory_space<hbm>>)
      tpu.yield
    }) : () -> ()
    "tpu.region"() ({
      %run_scoped3A = tpu.sem_alloc : memref<!tpu.dma_semaphore, #tpu.memory_space<semaphore_mem>>
      %dma_start3A_201 = arith.constant 64 : i32
      %dma_start3A_202 = tpu.memref_slice %arg4[%select_n3A_102, %dma_start3A_201] : memref<160000x128xbf16, #tpu.memory_space<hbm>> -> memref<1000x64xbf16, #tpu.memory_space<hbm>>
      %dma_start3A_203 = arith.constant 64 : i32
      %dma_start3A_204 = tpu.memref_slice %arg4[%select_n3A_102, %dma_start3A_203] : memref<160000x128xbf16, #tpu.memory_space<hbm>> -> memref<1000x64xbf16, #tpu.memory_space<hbm>>
      tpu.enqueue_dma source(%arg8 : memref<1000x64xbf16, #tpu.memory_space<vmem>>) target(%dma_start3A_204 : memref<1000x64xbf16, #tpu.memory_space<hbm>>) target_semaphore(%run_scoped3A : memref<!tpu.dma_semaphore, #tpu.memory_space<semaphore_mem>>)
      %dma_wait3A_205 = arith.constant 64 : i32
      %dma_wait3A_206 = tpu.memref_slice %arg4[%select_n3A_102, %dma_wait3A_205] : memref<160000x128xbf16, #tpu.memory_space<hbm>> -> memref<1000x64xbf16, #tpu.memory_space<hbm>>
      %dma_wait3A_207 = arith.constant 64 : i32
      %dma_wait3A_208 = tpu.memref_slice %arg4[%select_n3A_102, %dma_wait3A_207] : memref<160000x128xbf16, #tpu.memory_space<hbm>> -> memref<1000x64xbf16, #tpu.memory_space<hbm>>
      tpu.wait_dma2 semaphore(%run_scoped3A : memref<!tpu.dma_semaphore, #tpu.memory_space<semaphore_mem>>) src(%arg8 : memref<1000x64xbf16, #tpu.memory_space<vmem>>) dst(%dma_wait3A_208 : memref<1000x64xbf16, #tpu.memory_space<hbm>>)
      tpu.yield
    }) : () -> ()
    %mul3A_117 = arith.constant 10000 : i32
    %mul3A_118 = arith.muli %add3A, %mul3A_117 : i32
    %add3A_119 = arith.constant 6000 : i32
    %add3A_120 = arith.addi %mul3A_118, %add3A_119 : i32
    %jit3A_121 = arith.constant 2 : i32
    %div3A_122 = arith.divsi %add3A_120, %jit3A_121 : i32
    %sign3A_123 = arith.constant 0 : i32
    %sign3A_124 = arith.cmpi sgt, %add3A_120, %sign3A_123 : i32
    %sign3A_125 = arith.extui %sign3A_124 : i1 to i32
    %sign3A_126 = arith.constant 0 : i32
    %sign3A_127 = arith.cmpi slt, %add3A_120, %sign3A_126 : i32
    %sign3A_128 = arith.extui %sign3A_127 : i1 to i32
    %sign3A_129 = arith.subi %sign3A_125, %sign3A_128 : i32
    %sign3A_130 = arith.constant 0 : i32
    %sign3A_131 = arith.cmpi sgt, %jit3A_121, %sign3A_130 : i32
    %sign3A_132 = arith.extui %sign3A_131 : i1 to i32
    %sign3A_133 = arith.constant 0 : i32
    %sign3A_134 = arith.cmpi slt, %jit3A_121, %sign3A_133 : i32
    %sign3A_135 = arith.extui %sign3A_134 : i1 to i32
    %sign3A_136 = arith.subi %sign3A_132, %sign3A_135 : i32
    %ne3A_137 = arith.cmpi ne, %sign3A_129, %sign3A_136 : i32
    %rem3A_138 = arith.remsi %add3A_120, %jit3A_121 : i32
    %ne3A_139 = arith.constant 0 : i32
    %ne3A_140 = arith.cmpi ne, %rem3A_138, %ne3A_139 : i32
    %and3A_141 = arith.andi %ne3A_137, %ne3A_140 : i1
    %sub3A_142 = arith.constant 1 : i32
    %sub3A_143 = arith.subi %div3A_122, %sub3A_142 : i32
    %select_n3A_144 = arith.select %and3A_141, %sub3A_143, %div3A_122 : i32
    "tpu.region"() ({
      %run_scoped3A = tpu.sem_alloc : memref<!tpu.dma_semaphore, #tpu.memory_space<semaphore_mem>>
      %dma_start3A_201 = tpu.memref_slice %arg3[%add3A_120] : memref<320000xi32, #tpu.memory_space<hbm>> -> memref<1000xi32, #tpu.memory_space<hbm>>
      %dma_start3A_202 = tpu.memref_slice %arg3[%add3A_120] : memref<320000xi32, #tpu.memory_space<hbm>> -> memref<1000xi32, #tpu.memory_space<hbm>>
      tpu.enqueue_dma source(%dma_start3A_202 : memref<1000xi32, #tpu.memory_space<hbm>>) target(%arg5 : memref<1000xi32, #tpu.memory_space<vmem>>) target_semaphore(%run_scoped3A : memref<!tpu.dma_semaphore, #tpu.memory_space<semaphore_mem>>)
      %dma_wait3A_203 = tpu.memref_slice %arg3[%add3A_120] : memref<320000xi32, #tpu.memory_space<hbm>> -> memref<1000xi32, #tpu.memory_space<hbm>>
      %dma_wait3A_204 = tpu.memref_slice %arg3[%add3A_120] : memref<320000xi32, #tpu.memory_space<hbm>> -> memref<1000xi32, #tpu.memory_space<hbm>>
      tpu.wait_dma2 semaphore(%run_scoped3A : memref<!tpu.dma_semaphore, #tpu.memory_space<semaphore_mem>>) src(%dma_wait3A_204 : memref<1000xi32, #tpu.memory_space<hbm>>) dst(%arg5 : memref<1000xi32, #tpu.memory_space<vmem>>)
      tpu.yield
    }) : () -> ()
    %add3A_145 = arith.constant 1000 : i32
    %add3A_146 = arith.addi %add3A_120, %add3A_145 : i32
    "tpu.region"() ({
      %run_scoped3A = tpu.sem_alloc : memref<!tpu.dma_semaphore, #tpu.memory_space<semaphore_mem>>
      %dma_start3A_201 = tpu.memref_slice %arg3[%add3A_146] : memref<320000xi32, #tpu.memory_space<hbm>> -> memref<1000xi32, #tpu.memory_space<hbm>>
      %dma_start3A_202 = tpu.memref_slice %arg3[%add3A_146] : memref<320000xi32, #tpu.memory_space<hbm>> -> memref<1000xi32, #tpu.memory_space<hbm>>
      tpu.enqueue_dma source(%dma_start3A_202 : memref<1000xi32, #tpu.memory_space<hbm>>) target(%arg6 : memref<1000xi32, #tpu.memory_space<vmem>>) target_semaphore(%run_scoped3A : memref<!tpu.dma_semaphore, #tpu.memory_space<semaphore_mem>>)
      %dma_wait3A_203 = tpu.memref_slice %arg3[%add3A_146] : memref<320000xi32, #tpu.memory_space<hbm>> -> memref<1000xi32, #tpu.memory_space<hbm>>
      %dma_wait3A_204 = tpu.memref_slice %arg3[%add3A_146] : memref<320000xi32, #tpu.memory_space<hbm>> -> memref<1000xi32, #tpu.memory_space<hbm>>
      tpu.wait_dma2 semaphore(%run_scoped3A : memref<!tpu.dma_semaphore, #tpu.memory_space<semaphore_mem>>) src(%dma_wait3A_204 : memref<1000xi32, #tpu.memory_space<hbm>>) dst(%arg6 : memref<1000xi32, #tpu.memory_space<vmem>>)
      tpu.yield
    }) : () -> ()
    %dma_start3A_147 = arith.constant 0 : i32
    %dma_start3A_148 = arith.constant 0 : i32
    %dma_start3A_149 = tpu.memref_slice %arg2[%dma_start3A_147, %dma_start3A_148] : memref<10000x64xbf16, #tpu.memory_space<hbm>> -> memref<10000x64xbf16, #tpu.memory_space<hbm>>
    tpu.enqueue_indirect_dma source(%dma_start3A_149 : memref<10000x64xbf16, #tpu.memory_space<hbm>>) target(%arg7 : memref<1000x64xbf16, #tpu.memory_space<vmem>>) offsets(%arg5 : memref<1000xi32, #tpu.memory_space<vmem>>) semaphore(%arg9 : memref<!tpu.dma_semaphore, #tpu.memory_space<semaphore_mem>>)
    %dma_start3A_150 = arith.constant 0 : i32
    %dma_start3A_151 = arith.constant 0 : i32
    %dma_start3A_152 = tpu.memref_slice %arg2[%dma_start3A_150, %dma_start3A_151] : memref<10000x64xbf16, #tpu.memory_space<hbm>> -> memref<10000x64xbf16, #tpu.memory_space<hbm>>
    tpu.enqueue_indirect_dma source(%dma_start3A_152 : memref<10000x64xbf16, #tpu.memory_space<hbm>>) target(%arg8 : memref<1000x64xbf16, #tpu.memory_space<vmem>>) offsets(%arg6 : memref<1000xi32, #tpu.memory_space<vmem>>) semaphore(%arg10 : memref<!tpu.dma_semaphore, #tpu.memory_space<semaphore_mem>>)
    %dma_wait3A_153 = arith.constant 0 : i32
    %dma_wait3A_154 = arith.constant 0 : i32
    %dma_wait3A_155 = tpu.memref_slice %arg2[%dma_wait3A_153, %dma_wait3A_154] : memref<10000x64xbf16, #tpu.memory_space<hbm>> -> memref<10000x64xbf16, #tpu.memory_space<hbm>>
    tpu.wait_indirect_dma semaphore(%arg9 : memref<!tpu.dma_semaphore, #tpu.memory_space<semaphore_mem>>) src(%dma_wait3A_155 : memref<10000x64xbf16, #tpu.memory_space<hbm>>) dst(%arg7 : memref<1000x64xbf16, #tpu.memory_space<vmem>>)
    %dma_wait3A_156 = arith.constant 0 : i32
    %dma_wait3A_157 = arith.constant 0 : i32
    %dma_wait3A_158 = tpu.memref_slice %arg2[%dma_wait3A_156, %dma_wait3A_157] : memref<10000x64xbf16, #tpu.memory_space<hbm>> -> memref<10000x64xbf16, #tpu.memory_space<hbm>>
    tpu.wait_indirect_dma semaphore(%arg10 : memref<!tpu.dma_semaphore, #tpu.memory_space<semaphore_mem>>) src(%dma_wait3A_158 : memref<10000x64xbf16, #tpu.memory_space<hbm>>) dst(%arg8 : memref<1000x64xbf16, #tpu.memory_space<vmem>>)
    "tpu.region"() ({
      %run_scoped3A = tpu.sem_alloc : memref<!tpu.dma_semaphore, #tpu.memory_space<semaphore_mem>>
      %dma_start3A_201 = arith.constant 0 : i32
      %dma_start3A_202 = tpu.memref_slice %arg4[%select_n3A_144, %dma_start3A_201] : memref<160000x128xbf16, #tpu.memory_space<hbm>> -> memref<1000x64xbf16, #tpu.memory_space<hbm>>
      %dma_start3A_203 = arith.constant 0 : i32
      %dma_start3A_204 = tpu.memref_slice %arg4[%select_n3A_144, %dma_start3A_203] : memref<160000x128xbf16, #tpu.memory_space<hbm>> -> memref<1000x64xbf16, #tpu.memory_space<hbm>>
      tpu.enqueue_dma source(%arg7 : memref<1000x64xbf16, #tpu.memory_space<vmem>>) target(%dma_start3A_204 : memref<1000x64xbf16, #tpu.memory_space<hbm>>) target_semaphore(%run_scoped3A : memref<!tpu.dma_semaphore, #tpu.memory_space<semaphore_mem>>)
      %dma_wait3A_205 = arith.constant 0 : i32
      %dma_wait3A_206 = tpu.memref_slice %arg4[%select_n3A_144, %dma_wait3A_205] : memref<160000x128xbf16, #tpu.memory_space<hbm>> -> memref<1000x64xbf16, #tpu.memory_space<hbm>>
      %dma_wait3A_207 = arith.constant 0 : i32
      %dma_wait3A_208 = tpu.memref_slice %arg4[%select_n3A_144, %dma_wait3A_207] : memref<160000x128xbf16, #tpu.memory_space<hbm>> -> memref<1000x64xbf16, #tpu.memory_space<hbm>>
      tpu.wait_dma2 semaphore(%run_scoped3A : memref<!tpu.dma_semaphore, #tpu.memory_space<semaphore_mem>>) src(%arg7 : memref<1000x64xbf16, #tpu.memory_space<vmem>>) dst(%dma_wait3A_208 : memref<1000x64xbf16, #tpu.memory_space<hbm>>)
      tpu.yield
    }) : () -> ()
    "tpu.region"() ({
      %run_scoped3A = tpu.sem_alloc : memref<!tpu.dma_semaphore, #tpu.memory_space<semaphore_mem>>
      %dma_start3A_201 = arith.constant 64 : i32
      %dma_start3A_202 = tpu.memref_slice %arg4[%select_n3A_144, %dma_start3A_201] : memref<160000x128xbf16, #tpu.memory_space<hbm>> -> memref<1000x64xbf16, #tpu.memory_space<hbm>>
      %dma_start3A_203 = arith.constant 64 : i32
      %dma_start3A_204 = tpu.memref_slice %arg4[%select_n3A_144, %dma_start3A_203] : memref<160000x128xbf16, #tpu.memory_space<hbm>> -> memref<1000x64xbf16, #tpu.memory_space<hbm>>
      tpu.enqueue_dma source(%arg8 : memref<1000x64xbf16, #tpu.memory_space<vmem>>) target(%dma_start3A_204 : memref<1000x64xbf16, #tpu.memory_space<hbm>>) target_semaphore(%run_scoped3A : memref<!tpu.dma_semaphore, #tpu.memory_space<semaphore_mem>>)
      %dma_wait3A_205 = arith.constant 64 : i32
      %dma_wait3A_206 = tpu.memref_slice %arg4[%select_n3A_144, %dma_wait3A_205] : memref<160000x128xbf16, #tpu.memory_space<hbm>> -> memref<1000x64xbf16, #tpu.memory_space<hbm>>
      %dma_wait3A_207 = arith.constant 64 : i32
      %dma_wait3A_208 = tpu.memref_slice %arg4[%select_n3A_144, %dma_wait3A_207] : memref<160000x128xbf16, #tpu.memory_space<hbm>> -> memref<1000x64xbf16, #tpu.memory_space<hbm>>
      tpu.wait_dma2 semaphore(%run_scoped3A : memref<!tpu.dma_semaphore, #tpu.memory_space<semaphore_mem>>) src(%arg8 : memref<1000x64xbf16, #tpu.memory_space<vmem>>) dst(%dma_wait3A_208 : memref<1000x64xbf16, #tpu.memory_space<hbm>>)
      tpu.yield
    }) : () -> ()
    %mul3A_159 = arith.constant 10000 : i32
    %mul3A_160 = arith.muli %add3A, %mul3A_159 : i32
    %add3A_161 = arith.constant 8000 : i32
    %add3A_162 = arith.addi %mul3A_160, %add3A_161 : i32
    %jit3A_163 = arith.constant 2 : i32
    %div3A_164 = arith.divsi %add3A_162, %jit3A_163 : i32
    %sign3A_165 = arith.constant 0 : i32
    %sign3A_166 = arith.cmpi sgt, %add3A_162, %sign3A_165 : i32
    %sign3A_167 = arith.extui %sign3A_166 : i1 to i32
    %sign3A_168 = arith.constant 0 : i32
    %sign3A_169 = arith.cmpi slt, %add3A_162, %sign3A_168 : i32
    %sign3A_170 = arith.extui %sign3A_169 : i1 to i32
    %sign3A_171 = arith.subi %sign3A_167, %sign3A_170 : i32
    %sign3A_172 = arith.constant 0 : i32
    %sign3A_173 = arith.cmpi sgt, %jit3A_163, %sign3A_172 : i32
    %sign3A_174 = arith.extui %sign3A_173 : i1 to i32
    %sign3A_175 = arith.constant 0 : i32
    %sign3A_176 = arith.cmpi slt, %jit3A_163, %sign3A_175 : i32
    %sign3A_177 = arith.extui %sign3A_176 : i1 to i32
    %sign3A_178 = arith.subi %sign3A_174, %sign3A_177 : i32
    %ne3A_179 = arith.cmpi ne, %sign3A_171, %sign3A_178 : i32
    %rem3A_180 = arith.remsi %add3A_162, %jit3A_163 : i32
    %ne3A_181 = arith.constant 0 : i32
    %ne3A_182 = arith.cmpi ne, %rem3A_180, %ne3A_181 : i32
    %and3A_183 = arith.andi %ne3A_179, %ne3A_182 : i1
    %sub3A_184 = arith.constant 1 : i32
    %sub3A_185 = arith.subi %div3A_164, %sub3A_184 : i32
    %select_n3A_186 = arith.select %and3A_183, %sub3A_185, %div3A_164 : i32
    "tpu.region"() ({
      %run_scoped3A = tpu.sem_alloc : memref<!tpu.dma_semaphore, #tpu.memory_space<semaphore_mem>>
      %dma_start3A_201 = tpu.memref_slice %arg3[%add3A_162] : memref<320000xi32, #tpu.memory_space<hbm>> -> memref<1000xi32, #tpu.memory_space<hbm>>
      %dma_start3A_202 = tpu.memref_slice %arg3[%add3A_162] : memref<320000xi32, #tpu.memory_space<hbm>> -> memref<1000xi32, #tpu.memory_space<hbm>>
      tpu.enqueue_dma source(%dma_start3A_202 : memref<1000xi32, #tpu.memory_space<hbm>>) target(%arg5 : memref<1000xi32, #tpu.memory_space<vmem>>) target_semaphore(%run_scoped3A : memref<!tpu.dma_semaphore, #tpu.memory_space<semaphore_mem>>)
      %dma_wait3A_203 = tpu.memref_slice %arg3[%add3A_162] : memref<320000xi32, #tpu.memory_space<hbm>> -> memref<1000xi32, #tpu.memory_space<hbm>>
      %dma_wait3A_204 = tpu.memref_slice %arg3[%add3A_162] : memref<320000xi32, #tpu.memory_space<hbm>> -> memref<1000xi32, #tpu.memory_space<hbm>>
      tpu.wait_dma2 semaphore(%run_scoped3A : memref<!tpu.dma_semaphore, #tpu.memory_space<semaphore_mem>>) src(%dma_wait3A_204 : memref<1000xi32, #tpu.memory_space<hbm>>) dst(%arg5 : memref<1000xi32, #tpu.memory_space<vmem>>)
      tpu.yield
    }) : () -> ()
    %add3A_187 = arith.constant 1000 : i32
    %add3A_188 = arith.addi %add3A_162, %add3A_187 : i32
    "tpu.region"() ({
      %run_scoped3A = tpu.sem_alloc : memref<!tpu.dma_semaphore, #tpu.memory_space<semaphore_mem>>
      %dma_start3A_201 = tpu.memref_slice %arg3[%add3A_188] : memref<320000xi32, #tpu.memory_space<hbm>> -> memref<1000xi32, #tpu.memory_space<hbm>>
      %dma_start3A_202 = tpu.memref_slice %arg3[%add3A_188] : memref<320000xi32, #tpu.memory_space<hbm>> -> memref<1000xi32, #tpu.memory_space<hbm>>
      tpu.enqueue_dma source(%dma_start3A_202 : memref<1000xi32, #tpu.memory_space<hbm>>) target(%arg6 : memref<1000xi32, #tpu.memory_space<vmem>>) target_semaphore(%run_scoped3A : memref<!tpu.dma_semaphore, #tpu.memory_space<semaphore_mem>>)
      %dma_wait3A_203 = tpu.memref_slice %arg3[%add3A_188] : memref<320000xi32, #tpu.memory_space<hbm>> -> memref<1000xi32, #tpu.memory_space<hbm>>
      %dma_wait3A_204 = tpu.memref_slice %arg3[%add3A_188] : memref<320000xi32, #tpu.memory_space<hbm>> -> memref<1000xi32, #tpu.memory_space<hbm>>
      tpu.wait_dma2 semaphore(%run_scoped3A : memref<!tpu.dma_semaphore, #tpu.memory_space<semaphore_mem>>) src(%dma_wait3A_204 : memref<1000xi32, #tpu.memory_space<hbm>>) dst(%arg6 : memref<1000xi32, #tpu.memory_space<vmem>>)
      tpu.yield
    }) : () -> ()
    %dma_start3A_189 = arith.constant 0 : i32
    %dma_start3A_190 = arith.constant 0 : i32
    %dma_start3A_191 = tpu.memref_slice %arg2[%dma_start3A_189, %dma_start3A_190] : memref<10000x64xbf16, #tpu.memory_space<hbm>> -> memref<10000x64xbf16, #tpu.memory_space<hbm>>
    tpu.enqueue_indirect_dma source(%dma_start3A_191 : memref<10000x64xbf16, #tpu.memory_space<hbm>>) target(%arg7 : memref<1000x64xbf16, #tpu.memory_space<vmem>>) offsets(%arg5 : memref<1000xi32, #tpu.memory_space<vmem>>) semaphore(%arg9 : memref<!tpu.dma_semaphore, #tpu.memory_space<semaphore_mem>>)
    %dma_start3A_192 = arith.constant 0 : i32
    %dma_start3A_193 = arith.constant 0 : i32
    %dma_start3A_194 = tpu.memref_slice %arg2[%dma_start3A_192, %dma_start3A_193] : memref<10000x64xbf16, #tpu.memory_space<hbm>> -> memref<10000x64xbf16, #tpu.memory_space<hbm>>
    tpu.enqueue_indirect_dma source(%dma_start3A_194 : memref<10000x64xbf16, #tpu.memory_space<hbm>>) target(%arg8 : memref<1000x64xbf16, #tpu.memory_space<vmem>>) offsets(%arg6 : memref<1000xi32, #tpu.memory_space<vmem>>) semaphore(%arg10 : memref<!tpu.dma_semaphore, #tpu.memory_space<semaphore_mem>>)
    %dma_wait3A_195 = arith.constant 0 : i32
    %dma_wait3A_196 = arith.constant 0 : i32
    %dma_wait3A_197 = tpu.memref_slice %arg2[%dma_wait3A_195, %dma_wait3A_196] : memref<10000x64xbf16, #tpu.memory_space<hbm>> -> memref<10000x64xbf16, #tpu.memory_space<hbm>>
    tpu.wait_indirect_dma semaphore(%arg9 : memref<!tpu.dma_semaphore, #tpu.memory_space<semaphore_mem>>) src(%dma_wait3A_197 : memref<10000x64xbf16, #tpu.memory_space<hbm>>) dst(%arg7 : memref<1000x64xbf16, #tpu.memory_space<vmem>>)
    %dma_wait3A_198 = arith.constant 0 : i32
    %dma_wait3A_199 = arith.constant 0 : i32
    %dma_wait3A_200 = tpu.memref_slice %arg2[%dma_wait3A_198, %dma_wait3A_199] : memref<10000x64xbf16, #tpu.memory_space<hbm>> -> memref<10000x64xbf16, #tpu.memory_space<hbm>>
    tpu.wait_indirect_dma semaphore(%arg10 : memref<!tpu.dma_semaphore, #tpu.memory_space<semaphore_mem>>) src(%dma_wait3A_200 : memref<10000x64xbf16, #tpu.memory_space<hbm>>) dst(%arg8 : memref<1000x64xbf16, #tpu.memory_space<vmem>>)
    "tpu.region"() ({
      %run_scoped3A = tpu.sem_alloc : memref<!tpu.dma_semaphore, #tpu.memory_space<semaphore_mem>>
      %dma_start3A_201 = arith.constant 0 : i32
      %dma_start3A_202 = tpu.memref_slice %arg4[%select_n3A_186, %dma_start3A_201] : memref<160000x128xbf16, #tpu.memory_space<hbm>> -> memref<1000x64xbf16, #tpu.memory_space<hbm>>
      %dma_start3A_203 = arith.constant 0 : i32
      %dma_start3A_204 = tpu.memref_slice %arg4[%select_n3A_186, %dma_start3A_203] : memref<160000x128xbf16, #tpu.memory_space<hbm>> -> memref<1000x64xbf16, #tpu.memory_space<hbm>>
      tpu.enqueue_dma source(%arg7 : memref<1000x64xbf16, #tpu.memory_space<vmem>>) target(%dma_start3A_204 : memref<1000x64xbf16, #tpu.memory_space<hbm>>) target_semaphore(%run_scoped3A : memref<!tpu.dma_semaphore, #tpu.memory_space<semaphore_mem>>)
      %dma_wait3A_205 = arith.constant 0 : i32
      %dma_wait3A_206 = tpu.memref_slice %arg4[%select_n3A_186, %dma_wait3A_205] : memref<160000x128xbf16, #tpu.memory_space<hbm>> -> memref<1000x64xbf16, #tpu.memory_space<hbm>>
      %dma_wait3A_207 = arith.constant 0 : i32
      %dma_wait3A_208 = tpu.memref_slice %arg4[%select_n3A_186, %dma_wait3A_207] : memref<160000x128xbf16, #tpu.memory_space<hbm>> -> memref<1000x64xbf16, #tpu.memory_space<hbm>>
      tpu.wait_dma2 semaphore(%run_scoped3A : memref<!tpu.dma_semaphore, #tpu.memory_space<semaphore_mem>>) src(%arg7 : memref<1000x64xbf16, #tpu.memory_space<vmem>>) dst(%dma_wait3A_208 : memref<1000x64xbf16, #tpu.memory_space<hbm>>)
      tpu.yield
    }) : () -> ()
    "tpu.region"() ({
      %run_scoped3A = tpu.sem_alloc : memref<!tpu.dma_semaphore, #tpu.memory_space<semaphore_mem>>
      %dma_start3A_201 = arith.constant 64 : i32
      %dma_start3A_202 = tpu.memref_slice %arg4[%select_n3A_186, %dma_start3A_201] : memref<160000x128xbf16, #tpu.memory_space<hbm>> -> memref<1000x64xbf16, #tpu.memory_space<hbm>>
      %dma_start3A_203 = arith.constant 64 : i32
      %dma_start3A_204 = tpu.memref_slice %arg4[%select_n3A_186, %dma_start3A_203] : memref<160000x128xbf16, #tpu.memory_space<hbm>> -> memref<1000x64xbf16, #tpu.memory_space<hbm>>
      tpu.enqueue_dma source(%arg8 : memref<1000x64xbf16, #tpu.memory_space<vmem>>) target(%dma_start3A_204 : memref<1000x64xbf16, #tpu.memory_space<hbm>>) target_semaphore(%run_scoped3A : memref<!tpu.dma_semaphore, #tpu.memory_space<semaphore_mem>>)
      %dma_wait3A_205 = arith.constant 64 : i32
      %dma_wait3A_206 = tpu.memref_slice %arg4[%select_n3A_186, %dma_wait3A_205] : memref<160000x128xbf16, #tpu.memory_space<hbm>> -> memref<1000x64xbf16, #tpu.memory_space<hbm>>
      %dma_wait3A_207 = arith.constant 64 : i32
      %dma_wait3A_208 = tpu.memref_slice %arg4[%select_n3A_186, %dma_wait3A_207] : memref<160000x128xbf16, #tpu.memory_space<hbm>> -> memref<1000x64xbf16, #tpu.memory_space<hbm>>
      tpu.wait_dma2 semaphore(%run_scoped3A : memref<!tpu.dma_semaphore, #tpu.memory_space<semaphore_mem>>) src(%arg8 : memref<1000x64xbf16, #tpu.memory_space<vmem>>) dst(%dma_wait3A_208 : memref<1000x64xbf16, #tpu.memory_space<hbm>>)
      tpu.yield
    }) : () -> ()
    return
  }
}

#map = affine_map<(d0, d1) -> (0, 0)>
#map1 = affine_map<(d0, d1) -> (0)>
module attributes {stable_mosaic.version = 14 : i64} {
  func.func @k(%arg0: i32, %arg1: i32, %arg2: memref<10000x64xbf16, #tpu.memory_space<hbm>>, %arg3: memref<320000xi32, #tpu.memory_space<hbm>>, %arg4: memref<160000x128xbf16, #tpu.memory_space<hbm>>, %arg5: memref<1000xi32, #tpu.memory_space<vmem>>, %arg6: memref<1000xi32, #tpu.memory_space<vmem>>, %arg7: memref<1000x64xbf16, #tpu.memory_space<vmem>>, %arg8: memref<1000x64xbf16, #tpu.memory_space<vmem>>, %arg9: memref<!tpu.dma_semaphore, #tpu.memory_space<semaphore_mem>>, %arg10: memref<!tpu.dma_semaphore, #tpu.memory_space<semaphore_mem>>) attributes {dimension_semantics = [#tpu.dimension_semantics<core_parallel>, #tpu.dimension_semantics<subcore_parallel>], iteration_bounds = array<i64: 2, 16>, scalar_prefetch = 0 : i64, scratch_operands = 6 : i64, tpu.core_type = #tpu.core_type<sc_vector_subcore>, window_params = [{transform_indices = #map}, {transform_indices = #map1}, {transform_indices = #map}]} {
    %mul3A = arith.constant 2 : i32
    %mul3A_0 = arith.muli %arg1, %mul3A : i32
    %add3A = arith.addi %mul3A_0, %arg0 : i32
    %mul3A_1 = arith.constant 10000 : i32
    %mul3A_2 = arith.muli %add3A, %mul3A_1 : i32
    %add3A_3 = arith.constant 0 : i32
    %add3A_4 = arith.addi %mul3A_2, %add3A_3 : i32
    %jit3A = arith.constant 2 : i32
    %div3A = arith.divsi %add3A_4, %jit3A : i32
    %sign3A = arith.constant 0 : i32
    %sign3A_5 = arith.cmpi sgt, %add3A_4, %sign3A : i32
    %sign3A_6 = arith.extui %sign3A_5 : i1 to i32
    %sign3A_7 = arith.constant 0 : i32
    %sign3A_8 = arith.cmpi slt, %add3A_4, %sign3A_7 : i32
    %sign3A_9 = arith.extui %sign3A_8 : i1 to i32
    %sign3A_10 = arith.subi %sign3A_6, %sign3A_9 : i32
    %sign3A_11 = arith.constant 0 : i32
    %sign3A_12 = arith.cmpi sgt, %jit3A, %sign3A_11 : i32
    %sign3A_13 = arith.extui %sign3A_12 : i1 to i32
    %sign3A_14 = arith.constant 0 : i32
    %sign3A_15 = arith.cmpi slt, %jit3A, %sign3A_14 : i32
    %sign3A_16 = arith.extui %sign3A_15 : i1 to i32
    %sign3A_17 = arith.subi %sign3A_13, %sign3A_16 : i32
    %ne3A = arith.cmpi ne, %sign3A_10, %sign3A_17 : i32
    %rem3A = arith.remsi %add3A_4, %jit3A : i32
    %ne3A_18 = arith.constant 0 : i32
    %ne3A_19 = arith.cmpi ne, %rem3A, %ne3A_18 : i32
    %and3A = arith.andi %ne3A, %ne3A_19 : i1
    %sub3A = arith.constant 1 : i32
    %sub3A_20 = arith.subi %div3A, %sub3A : i32
    %select_n3A = arith.select %and3A, %sub3A_20, %div3A : i32
    "tpu.region"() ({
      %run_scoped3A = tpu.sem_alloc : memref<!tpu.dma_semaphore, #tpu.memory_space<semaphore_mem>>
      %dma_start3A_201 = tpu.memref_slice %arg3[%add3A_4] : memref<320000xi32, #tpu.memory_space<hbm>> -> memref<1000xi32, #tpu.memory_space<hbm>>
      %dma_start3A_202 = tpu.memref_slice %arg3[%add3A_4] : memref<320000xi32, #tpu.memory_space<hbm>> -> memref<1000xi32, #tpu.memory_space<hbm>>
      tpu.enqueue_dma source(%dma_start3A_202 : memref<1000xi32, #tpu.memory_space<hbm>>) target(%arg5 : memref<1000xi32, #tpu.memory_space<vmem>>) target_semaphore(%run_scoped3A : memref<!tpu.dma_semaphore, #tpu.memory_space<semaphore_mem>>)
      %dma_wait3A_203 = tpu.memref_slice %arg3[%add3A_4] : memref<320000xi32, #tpu.memory_space<hbm>> -> memref<1000xi32, #tpu.memory_space<hbm>>
      %dma_wait3A_204 = tpu.memref_slice %arg3[%add3A_4] : memref<320000xi32, #tpu.memory_space<hbm>> -> memref<1000xi32, #tpu.memory_space<hbm>>
      tpu.wait_dma2 semaphore(%run_scoped3A : memref<!tpu.dma_semaphore, #tpu.memory_space<semaphore_mem>>) src(%dma_wait3A_204 : memref<1000xi32, #tpu.memory_space<hbm>>) dst(%arg5 : memref<1000xi32, #tpu.memory_space<vmem>>)
      tpu.yield
    }) : () -> ()
    %add3A_21 = arith.constant 1000 : i32
    %add3A_22 = arith.addi %add3A_4, %add3A_21 : i32
    "tpu.region"() ({
      %run_scoped3A = tpu.sem_alloc : memref<!tpu.dma_semaphore, #tpu.memory_space<semaphore_mem>>
      %dma_start3A_201 = tpu.memref_slice %arg3[%add3A_22] : memref<320000xi32, #tpu.memory_space<hbm>> -> memref<1000xi32, #tpu.memory_space<hbm>>
      %dma_start3A_202 = tpu.memref_slice %arg3[%add3A_22] : memref<320000xi32, #tpu.memory_space<hbm>> -> memref<1000xi32, #tpu.memory_space<hbm>>
      tpu.enqueue_dma source(%dma_start3A_202 : memref<1000xi32, #tpu.memory_space<hbm>>) target(%arg6 : memref<1000xi32, #tpu.memory_space<vmem>>) target_semaphore(%run_scoped3A : memref<!tpu.dma_semaphore, #tpu.memory_space<semaphore_mem>>)
      %dma_wait3A_203 = tpu.memref_slice %arg3[%add3A_22] : memref<320000xi32, #tpu.memory_space<hbm>> -> memref<1000xi32, #tpu.memory_space<hbm>>
      %dma_wait3A_204 = tpu.memref_slice %arg3[%add3A_22] : memref<320000xi32, #tpu.memory_space<hbm>> -> memref<1000xi32, #tpu.memory_space<hbm>>
      tpu.wait_dma2 semaphore(%run_scoped3A : memref<!tpu.dma_semaphore, #tpu.memory_space<semaphore_mem>>) src(%dma_wait3A_204 : memref<1000xi32, #tpu.memory_space<hbm>>) dst(%arg6 : memref<1000xi32, #tpu.memory_space<vmem>>)
      tpu.yield
    }) : () -> ()
    %dma_start3A = arith.constant 0 : i32
    %dma_start3A_23 = arith.constant 0 : i32
    %dma_start3A_24 = tpu.memref_slice %arg2[%dma_start3A, %dma_start3A_23] : memref<10000x64xbf16, #tpu.memory_space<hbm>> -> memref<10000x64xbf16, #tpu.memory_space<hbm>>
    tpu.enqueue_indirect_dma source(%dma_start3A_24 : memref<10000x64xbf16, #tpu.memory_space<hbm>>) target(%arg7 : memref<1000x64xbf16, #tpu.memory_space<vmem>>) offsets(%arg5 : memref<1000xi32, #tpu.memory_space<vmem>>) semaphore(%arg9 : memref<!tpu.dma_semaphore, #tpu.memory_space<semaphore_mem>>)
    %dma_start3A_25 = arith.constant 0 : i32
    %dma_start3A_26 = arith.constant 0 : i32
    %dma_start3A_27 = tpu.memref_slice %arg2[%dma_start3A_25, %dma_start3A_26] : memref<10000x64xbf16, #tpu.memory_space<hbm>> -> memref<10000x64xbf16, #tpu.memory_space<hbm>>
    tpu.enqueue_indirect_dma source(%dma_start3A_27 : memref<10000x64xbf16, #tpu.memory_space<hbm>>) target(%arg8 : memref<1000x64xbf16, #tpu.memory_space<vmem>>) offsets(%arg6 : memref<1000xi32, #tpu.memory_space<vmem>>) semaphore(%arg10 : memref<!tpu.dma_semaphore, #tpu.memory_space<semaphore_mem>>)
    %dma_wait3A = arith.constant 0 : i32
    %dma_wait3A_28 = arith.constant 0 : i32
    %dma_wait3A_29 = tpu.memref_slice %arg2[%dma_wait3A, %dma_wait3A_28] : memref<10000x64xbf16, #tpu.memory_space<hbm>> -> memref<10000x64xbf16, #tpu.memory_space<hbm>>
    tpu.wait_indirect_dma semaphore(%arg9 : memref<!tpu.dma_semaphore, #tpu.memory_space<semaphore_mem>>) src(%dma_wait3A_29 : memref<10000x64xbf16, #tpu.memory_space<hbm>>) dst(%arg7 : memref<1000x64xbf16, #tpu.memory_space<vmem>>)
    %dma_wait3A_30 = arith.constant 0 : i32
    %dma_wait3A_31 = arith.constant 0 : i32
    %dma_wait3A_32 = tpu.memref_slice %arg2[%dma_wait3A_30, %dma_wait3A_31] : memref<10000x64xbf16, #tpu.memory_space<hbm>> -> memref<10000x64xbf16, #tpu.memory_space<hbm>>
    tpu.wait_indirect_dma semaphore(%arg10 : memref<!tpu.dma_semaphore, #tpu.memory_space<semaphore_mem>>) src(%dma_wait3A_32 : memref<10000x64xbf16, #tpu.memory_space<hbm>>) dst(%arg8 : memref<1000x64xbf16, #tpu.memory_space<vmem>>)
    "tpu.region"() ({
      %run_scoped3A = tpu.sem_alloc : memref<!tpu.dma_semaphore, #tpu.memory_space<semaphore_mem>>
      %dma_start3A_201 = arith.constant 0 : i32
      %dma_start3A_202 = tpu.memref_slice %arg4[%select_n3A, %dma_start3A_201] : memref<160000x128xbf16, #tpu.memory_space<hbm>> -> memref<1000x64xbf16, #tpu.memory_space<hbm>>
      %dma_start3A_203 = arith.constant 0 : i32
      %dma_start3A_204 = tpu.memref_slice %arg4[%select_n3A, %dma_start3A_203] : memref<160000x128xbf16, #tpu.memory_space<hbm>> -> memref<1000x64xbf16, #tpu.memory_space<hbm>>
      tpu.enqueue_dma source(%arg7 : memref<1000x64xbf16, #tpu.memory_space<vmem>>) target(%dma_start3A_204 : memref<1000x64xbf16, #tpu.memory_space<hbm>>) target_semaphore(%run_scoped3A : memref<!tpu.dma_semaphore, #tpu.memory_space<semaphore_mem>>)
      %dma_wait3A_205 = arith.constant 0 : i32
      %dma_wait3A_206 = tpu.memref_slice %arg4[%select_n3A, %dma_wait3A_205] : memref<160000x128xbf16, #tpu.memory_space<hbm>> -> memref<1000x64xbf16, #tpu.memory_space<hbm>>
      %dma_wait3A_207 = arith.constant 0 : i32
      %dma_wait3A_208 = tpu.memref_slice %arg4[%select_n3A, %dma_wait3A_207] : memref<160000x128xbf16, #tpu.memory_space<hbm>> -> memref<1000x64xbf16, #tpu.memory_space<hbm>>
      tpu.wait_dma2 semaphore(%run_scoped3A : memref<!tpu.dma_semaphore, #tpu.memory_space<semaphore_mem>>) src(%arg7 : memref<1000x64xbf16, #tpu.memory_space<vmem>>) dst(%dma_wait3A_208 : memref<1000x64xbf16, #tpu.memory_space<hbm>>)
      tpu.yield
    }) : () -> ()
    "tpu.region"() ({
      %run_scoped3A = tpu.sem_alloc : memref<!tpu.dma_semaphore, #tpu.memory_space<semaphore_mem>>
      %dma_start3A_201 = arith.constant 64 : i32
      %dma_start3A_202 = tpu.memref_slice %arg4[%select_n3A, %dma_start3A_201] : memref<160000x128xbf16, #tpu.memory_space<hbm>> -> memref<1000x64xbf16, #tpu.memory_space<hbm>>
      %dma_start3A_203 = arith.constant 64 : i32
      %dma_start3A_204 = tpu.memref_slice %arg4[%select_n3A, %dma_start3A_203] : memref<160000x128xbf16, #tpu.memory_space<hbm>> -> memref<1000x64xbf16, #tpu.memory_space<hbm>>
      tpu.enqueue_dma source(%arg8 : memref<1000x64xbf16, #tpu.memory_space<vmem>>) target(%dma_start3A_204 : memref<1000x64xbf16, #tpu.memory_space<hbm>>) target_semaphore(%run_scoped3A : memref<!tpu.dma_semaphore, #tpu.memory_space<semaphore_mem>>)
      %dma_wait3A_205 = arith.constant 64 : i32
      %dma_wait3A_206 = tpu.memref_slice %arg4[%select_n3A, %dma_wait3A_205] : memref<160000x128xbf16, #tpu.memory_space<hbm>> -> memref<1000x64xbf16, #tpu.memory_space<hbm>>
      %dma_wait3A_207 = arith.constant 64 : i32
      %dma_wait3A_208 = tpu.memref_slice %arg4[%select_n3A, %dma_wait3A_207] : memref<160000x128xbf16, #tpu.memory_space<hbm>> -> memref<1000x64xbf16, #tpu.memory_space<hbm>>
      tpu.wait_dma2 semaphore(%run_scoped3A : memref<!tpu.dma_semaphore, #tpu.memory_space<semaphore_mem>>) src(%arg8 : memref<1000x64xbf16, #tpu.memory_space<vmem>>) dst(%dma_wait3A_208 : memref<1000x64xbf16, #tpu.memory_space<hbm>>)
      tpu.yield
    }) : () -> ()
    %mul3A_33 = arith.constant 10000 : i32
    %mul3A_34 = arith.muli %add3A, %mul3A_33 : i32
    %add3A_35 = arith.constant 2000 : i32
    %add3A_36 = arith.addi %mul3A_34, %add3A_35 : i32
    %jit3A_37 = arith.constant 2 : i32
    %div3A_38 = arith.divsi %add3A_36, %jit3A_37 : i32
    %sign3A_39 = arith.constant 0 : i32
    %sign3A_40 = arith.cmpi sgt, %add3A_36, %sign3A_39 : i32
    %sign3A_41 = arith.extui %sign3A_40 : i1 to i32
    %sign3A_42 = arith.constant 0 : i32
    %sign3A_43 = arith.cmpi slt, %add3A_36, %sign3A_42 : i32
    %sign3A_44 = arith.extui %sign3A_43 : i1 to i32
    %sign3A_45 = arith.subi %sign3A_41, %sign3A_44 : i32
    %sign3A_46 = arith.constant 0 : i32
    %sign3A_47 = arith.cmpi sgt, %jit3A_37, %sign3A_46 : i32
    %sign3A_48 = arith.extui %sign3A_47 : i1 to i32
    %sign3A_49 = arith.constant 0 : i32
    %sign3A_50 = arith.cmpi slt, %jit3A_37, %sign3A_49 : i32
    %sign3A_51 = arith.extui %sign3A_50 : i1 to i32
    %sign3A_52 = arith.subi %sign3A_48, %sign3A_51 : i32
    %ne3A_53 = arith.cmpi ne, %sign3A_45, %sign3A_52 : i32
    %rem3A_54 = arith.remsi %add3A_36, %jit3A_37 : i32
    %ne3A_55 = arith.constant 0 : i32
    %ne3A_56 = arith.cmpi ne, %rem3A_54, %ne3A_55 : i32
    %and3A_57 = arith.andi %ne3A_53, %ne3A_56 : i1
    %sub3A_58 = arith.constant 1 : i32
    %sub3A_59 = arith.subi %div3A_38, %sub3A_58 : i32
    %select_n3A_60 = arith.select %and3A_57, %sub3A_59, %div3A_38 : i32
    "tpu.region"() ({
      %run_scoped3A = tpu.sem_alloc : memref<!tpu.dma_semaphore, #tpu.memory_space<semaphore_mem>>
      %dma_start3A_201 = tpu.memref_slice %arg3[%add3A_36] : memref<320000xi32, #tpu.memory_space<hbm>> -> memref<1000xi32, #tpu.memory_space<hbm>>
      %dma_start3A_202 = tpu.memref_slice %arg3[%add3A_36] : memref<320000xi32, #tpu.memory_space<hbm>> -> memref<1000xi32, #tpu.memory_space<hbm>>
      tpu.enqueue_dma source(%dma_start3A_202 : memref<1000xi32, #tpu.memory_space<hbm>>) target(%arg5 : memref<1000xi32, #tpu.memory_space<vmem>>) target_semaphore(%run_scoped3A : memref<!tpu.dma_semaphore, #tpu.memory_space<semaphore_mem>>)
      %dma_wait3A_203 = tpu.memref_slice %arg3[%add3A_36] : memref<320000xi32, #tpu.memory_space<hbm>> -> memref<1000xi32, #tpu.memory_space<hbm>>
      %dma_wait3A_204 = tpu.memref_slice %arg3[%add3A_36] : memref<320000xi32, #tpu.memory_space<hbm>> -> memref<1000xi32, #tpu.memory_space<hbm>>
      tpu.wait_dma2 semaphore(%run_scoped3A : memref<!tpu.dma_semaphore, #tpu.memory_space<semaphore_mem>>) src(%dma_wait3A_204 : memref<1000xi32, #tpu.memory_space<hbm>>) dst(%arg5 : memref<1000xi32, #tpu.memory_space<vmem>>)
      tpu.yield
    }) : () -> ()
    %add3A_61 = arith.constant 1000 : i32
    %add3A_62 = arith.addi %add3A_36, %add3A_61 : i32
    "tpu.region"() ({
      %run_scoped3A = tpu.sem_alloc : memref<!tpu.dma_semaphore, #tpu.memory_space<semaphore_mem>>
      %dma_start3A_201 = tpu.memref_slice %arg3[%add3A_62] : memref<320000xi32, #tpu.memory_space<hbm>> -> memref<1000xi32, #tpu.memory_space<hbm>>
      %dma_start3A_202 = tpu.memref_slice %arg3[%add3A_62] : memref<320000xi32, #tpu.memory_space<hbm>> -> memref<1000xi32, #tpu.memory_space<hbm>>
      tpu.enqueue_dma source(%dma_start3A_202 : memref<1000xi32, #tpu.memory_space<hbm>>) target(%arg6 : memref<1000xi32, #tpu.memory_space<vmem>>) target_semaphore(%run_scoped3A : memref<!tpu.dma_semaphore, #tpu.memory_space<semaphore_mem>>)
      %dma_wait3A_203 = tpu.memref_slice %arg3[%add3A_62] : memref<320000xi32, #tpu.memory_space<hbm>> -> memref<1000xi32, #tpu.memory_space<hbm>>
      %dma_wait3A_204 = tpu.memref_slice %arg3[%add3A_62] : memref<320000xi32, #tpu.memory_space<hbm>> -> memref<1000xi32, #tpu.memory_space<hbm>>
      tpu.wait_dma2 semaphore(%run_scoped3A : memref<!tpu.dma_semaphore, #tpu.memory_space<semaphore_mem>>) src(%dma_wait3A_204 : memref<1000xi32, #tpu.memory_space<hbm>>) dst(%arg6 : memref<1000xi32, #tpu.memory_space<vmem>>)
      tpu.yield
    }) : () -> ()
    %dma_start3A_63 = arith.constant 0 : i32
    %dma_start3A_64 = arith.constant 0 : i32
    %dma_start3A_65 = tpu.memref_slice %arg2[%dma_start3A_63, %dma_start3A_64] : memref<10000x64xbf16, #tpu.memory_space<hbm>> -> memref<10000x64xbf16, #tpu.memory_space<hbm>>
    tpu.enqueue_indirect_dma source(%dma_start3A_65 : memref<10000x64xbf16, #tpu.memory_space<hbm>>) target(%arg7 : memref<1000x64xbf16, #tpu.memory_space<vmem>>) offsets(%arg5 : memref<1000xi32, #tpu.memory_space<vmem>>) semaphore(%arg9 : memref<!tpu.dma_semaphore, #tpu.memory_space<semaphore_mem>>)
    %dma_start3A_66 = arith.constant 0 : i32
    %dma_start3A_67 = arith.constant 0 : i32
    %dma_start3A_68 = tpu.memref_slice %arg2[%dma_start3A_66, %dma_start3A_67] : memref<10000x64xbf16, #tpu.memory_space<hbm>> -> memref<10000x64xbf16, #tpu.memory_space<hbm>>
    tpu.enqueue_indirect_dma source(%dma_start3A_68 : memref<10000x64xbf16, #tpu.memory_space<hbm>>) target(%arg8 : memref<1000x64xbf16, #tpu.memory_space<vmem>>) offsets(%arg6 : memref<1000xi32, #tpu.memory_space<vmem>>) semaphore(%arg10 : memref<!tpu.dma_semaphore, #tpu.memory_space<semaphore_mem>>)
    %dma_wait3A_69 = arith.constant 0 : i32
    %dma_wait3A_70 = arith.constant 0 : i32
    %dma_wait3A_71 = tpu.memref_slice %arg2[%dma_wait3A_69, %dma_wait3A_70] : memref<10000x64xbf16, #tpu.memory_space<hbm>> -> memref<10000x64xbf16, #tpu.memory_space<hbm>>
    tpu.wait_indirect_dma semaphore(%arg9 : memref<!tpu.dma_semaphore, #tpu.memory_space<semaphore_mem>>) src(%dma_wait3A_71 : memref<10000x64xbf16, #tpu.memory_space<hbm>>) dst(%arg7 : memref<1000x64xbf16, #tpu.memory_space<vmem>>)
    %dma_wait3A_72 = arith.constant 0 : i32
    %dma_wait3A_73 = arith.constant 0 : i32
    %dma_wait3A_74 = tpu.memref_slice %arg2[%dma_wait3A_72, %dma_wait3A_73] : memref<10000x64xbf16, #tpu.memory_space<hbm>> -> memref<10000x64xbf16, #tpu.memory_space<hbm>>
    tpu.wait_indirect_dma semaphore(%arg10 : memref<!tpu.dma_semaphore, #tpu.memory_space<semaphore_mem>>) src(%dma_wait3A_74 : memref<10000x64xbf16, #tpu.memory_space<hbm>>) dst(%arg8 : memref<1000x64xbf16, #tpu.memory_space<vmem>>)
    "tpu.region"() ({
      %run_scoped3A = tpu.sem_alloc : memref<!tpu.dma_semaphore, #tpu.memory_space<semaphore_mem>>
      %dma_start3A_201 = arith.constant 0 : i32
      %dma_start3A_202 = tpu.memref_slice %arg4[%select_n3A_60, %dma_start3A_201] : memref<160000x128xbf16, #tpu.memory_space<hbm>> -> memref<1000x64xbf16, #tpu.memory_space<hbm>>
      %dma_start3A_203 = arith.constant 0 : i32
      %dma_start3A_204 = tpu.memref_slice %arg4[%select_n3A_60, %dma_start3A_203] : memref<160000x128xbf16, #tpu.memory_space<hbm>> -> memref<1000x64xbf16, #tpu.memory_space<hbm>>
      tpu.enqueue_dma source(%arg7 : memref<1000x64xbf16, #tpu.memory_space<vmem>>) target(%dma_start3A_204 : memref<1000x64xbf16, #tpu.memory_space<hbm>>) target_semaphore(%run_scoped3A : memref<!tpu.dma_semaphore, #tpu.memory_space<semaphore_mem>>)
      %dma_wait3A_205 = arith.constant 0 : i32
      %dma_wait3A_206 = tpu.memref_slice %arg4[%select_n3A_60, %dma_wait3A_205] : memref<160000x128xbf16, #tpu.memory_space<hbm>> -> memref<1000x64xbf16, #tpu.memory_space<hbm>>
      %dma_wait3A_207 = arith.constant 0 : i32
      %dma_wait3A_208 = tpu.memref_slice %arg4[%select_n3A_60, %dma_wait3A_207] : memref<160000x128xbf16, #tpu.memory_space<hbm>> -> memref<1000x64xbf16, #tpu.memory_space<hbm>>
      tpu.wait_dma2 semaphore(%run_scoped3A : memref<!tpu.dma_semaphore, #tpu.memory_space<semaphore_mem>>) src(%arg7 : memref<1000x64xbf16, #tpu.memory_space<vmem>>) dst(%dma_wait3A_208 : memref<1000x64xbf16, #tpu.memory_space<hbm>>)
      tpu.yield
    }) : () -> ()
    "tpu.region"() ({
      %run_scoped3A = tpu.sem_alloc : memref<!tpu.dma_semaphore, #tpu.memory_space<semaphore_mem>>
      %dma_start3A_201 = arith.constant 64 : i32
      %dma_start3A_202 = tpu.memref_slice %arg4[%select_n3A_60, %dma_start3A_201] : memref<160000x128xbf16, #tpu.memory_space<hbm>> -> memref<1000x64xbf16, #tpu.memory_space<hbm>>
      %dma_start3A_203 = arith.constant 64 : i32
      %dma_start3A_204 = tpu.memref_slice %arg4[%select_n3A_60, %dma_start3A_203] : memref<160000x128xbf16, #tpu.memory_space<hbm>> -> memref<1000x64xbf16, #tpu.memory_space<hbm>>
      tpu.enqueue_dma source(%arg8 : memref<1000x64xbf16, #tpu.memory_space<vmem>>) target(%dma_start3A_204 : memref<1000x64xbf16, #tpu.memory_space<hbm>>) target_semaphore(%run_scoped3A : memref<!tpu.dma_semaphore, #tpu.memory_space<semaphore_mem>>)
      %dma_wait3A_205 = arith.constant 64 : i32
      %dma_wait3A_206 = tpu.memref_slice %arg4[%select_n3A_60, %dma_wait3A_205] : memref<160000x128xbf16, #tpu.memory_space<hbm>> -> memref<1000x64xbf16, #tpu.memory_space<hbm>>
      %dma_wait3A_207 = arith.constant 64 : i32
      %dma_wait3A_208 = tpu.memref_slice %arg4[%select_n3A_60, %dma_wait3A_207] : memref<160000x128xbf16, #tpu.memory_space<hbm>> -> memref<1000x64xbf16, #tpu.memory_space<hbm>>
      tpu.wait_dma2 semaphore(%run_scoped3A : memref<!tpu.dma_semaphore, #tpu.memory_space<semaphore_mem>>) src(%arg8 : memref<1000x64xbf16, #tpu.memory_space<vmem>>) dst(%dma_wait3A_208 : memref<1000x64xbf16, #tpu.memory_space<hbm>>)
      tpu.yield
    }) : () -> ()
    %mul3A_75 = arith.constant 10000 : i32
    %mul3A_76 = arith.muli %add3A, %mul3A_75 : i32
    %add3A_77 = arith.constant 4000 : i32
    %add3A_78 = arith.addi %mul3A_76, %add3A_77 : i32
    %jit3A_79 = arith.constant 2 : i32
    %div3A_80 = arith.divsi %add3A_78, %jit3A_79 : i32
    %sign3A_81 = arith.constant 0 : i32
    %sign3A_82 = arith.cmpi sgt, %add3A_78, %sign3A_81 : i32
    %sign3A_83 = arith.extui %sign3A_82 : i1 to i32
    %sign3A_84 = arith.constant 0 : i32
    %sign3A_85 = arith.cmpi slt, %add3A_78, %sign3A_84 : i32
    %sign3A_86 = arith.extui %sign3A_85 : i1 to i32
    %sign3A_87 = arith.subi %sign3A_83, %sign3A_86 : i32
    %sign3A_88 = arith.constant 0 : i32
    %sign3A_89 = arith.cmpi sgt, %jit3A_79, %sign3A_88 : i32
    %sign3A_90 = arith.extui %sign3A_89 : i1 to i32
    %sign3A_91 = arith.constant 0 : i32
    %sign3A_92 = arith.cmpi slt, %jit3A_79, %sign3A_91 : i32
    %sign3A_93 = arith.extui %sign3A_92 : i1 to i32
    %sign3A_94 = arith.subi %sign3A_90, %sign3A_93 : i32
    %ne3A_95 = arith.cmpi ne, %sign3A_87, %sign3A_94 : i32
    %rem3A_96 = arith.remsi %add3A_78, %jit3A_79 : i32
    %ne3A_97 = arith.constant 0 : i32
    %ne3A_98 = arith.cmpi ne, %rem3A_96, %ne3A_97 : i32
    %and3A_99 = arith.andi %ne3A_95, %ne3A_98 : i1
    %sub3A_100 = arith.constant 1 : i32
    %sub3A_101 = arith.subi %div3A_80, %sub3A_100 : i32
    %select_n3A_102 = arith.select %and3A_99, %sub3A_101, %div3A_80 : i32
    "tpu.region"() ({
      %run_scoped3A = tpu.sem_alloc : memref<!tpu.dma_semaphore, #tpu.memory_space<semaphore_mem>>
      %dma_start3A_201 = tpu.memref_slice %arg3[%add3A_78] : memref<320000xi32, #tpu.memory_space<hbm>> -> memref<1000xi32, #tpu.memory_space<hbm>>
      %dma_start3A_202 = tpu.memref_slice %arg3[%add3A_78] : memref<320000xi32, #tpu.memory_space<hbm>> -> memref<1000xi32, #tpu.memory_space<hbm>>
      tpu.enqueue_dma source(%dma_start3A_202 : memref<1000xi32, #tpu.memory_space<hbm>>) target(%arg5 : memref<1000xi32, #tpu.memory_space<vmem>>) target_semaphore(%run_scoped3A : memref<!tpu.dma_semaphore, #tpu.memory_space<semaphore_mem>>)
      %dma_wait3A_203 = tpu.memref_slice %arg3[%add3A_78] : memref<320000xi32, #tpu.memory_space<hbm>> -> memref<1000xi32, #tpu.memory_space<hbm>>
      %dma_wait3A_204 = tpu.memref_slice %arg3[%add3A_78] : memref<320000xi32, #tpu.memory_space<hbm>> -> memref<1000xi32, #tpu.memory_space<hbm>>
      tpu.wait_dma2 semaphore(%run_scoped3A : memref<!tpu.dma_semaphore, #tpu.memory_space<semaphore_mem>>) src(%dma_wait3A_204 : memref<1000xi32, #tpu.memory_space<hbm>>) dst(%arg5 : memref<1000xi32, #tpu.memory_space<vmem>>)
      tpu.yield
    }) : () -> ()
    %add3A_103 = arith.constant 1000 : i32
    %add3A_104 = arith.addi %add3A_78, %add3A_103 : i32
    "tpu.region"() ({
      %run_scoped3A = tpu.sem_alloc : memref<!tpu.dma_semaphore, #tpu.memory_space<semaphore_mem>>
      %dma_start3A_201 = tpu.memref_slice %arg3[%add3A_104] : memref<320000xi32, #tpu.memory_space<hbm>> -> memref<1000xi32, #tpu.memory_space<hbm>>
      %dma_start3A_202 = tpu.memref_slice %arg3[%add3A_104] : memref<320000xi32, #tpu.memory_space<hbm>> -> memref<1000xi32, #tpu.memory_space<hbm>>
      tpu.enqueue_dma source(%dma_start3A_202 : memref<1000xi32, #tpu.memory_space<hbm>>) target(%arg6 : memref<1000xi32, #tpu.memory_space<vmem>>) target_semaphore(%run_scoped3A : memref<!tpu.dma_semaphore, #tpu.memory_space<semaphore_mem>>)
      %dma_wait3A_203 = tpu.memref_slice %arg3[%add3A_104] : memref<320000xi32, #tpu.memory_space<hbm>> -> memref<1000xi32, #tpu.memory_space<hbm>>
      %dma_wait3A_204 = tpu.memref_slice %arg3[%add3A_104] : memref<320000xi32, #tpu.memory_space<hbm>> -> memref<1000xi32, #tpu.memory_space<hbm>>
      tpu.wait_dma2 semaphore(%run_scoped3A : memref<!tpu.dma_semaphore, #tpu.memory_space<semaphore_mem>>) src(%dma_wait3A_204 : memref<1000xi32, #tpu.memory_space<hbm>>) dst(%arg6 : memref<1000xi32, #tpu.memory_space<vmem>>)
      tpu.yield
    }) : () -> ()
    %dma_start3A_105 = arith.constant 0 : i32
    %dma_start3A_106 = arith.constant 0 : i32
    %dma_start3A_107 = tpu.memref_slice %arg2[%dma_start3A_105, %dma_start3A_106] : memref<10000x64xbf16, #tpu.memory_space<hbm>> -> memref<10000x64xbf16, #tpu.memory_space<hbm>>
    tpu.enqueue_indirect_dma source(%dma_start3A_107 : memref<10000x64xbf16, #tpu.memory_space<hbm>>) target(%arg7 : memref<1000x64xbf16, #tpu.memory_space<vmem>>) offsets(%arg5 : memref<1000xi32, #tpu.memory_space<vmem>>) semaphore(%arg9 : memref<!tpu.dma_semaphore, #tpu.memory_space<semaphore_mem>>)
    %dma_start3A_108 = arith.constant 0 : i32
    %dma_start3A_109 = arith.constant 0 : i32
    %dma_start3A_110 = tpu.memref_slice %arg2[%dma_start3A_108, %dma_start3A_109] : memref<10000x64xbf16, #tpu.memory_space<hbm>> -> memref<10000x64xbf16, #tpu.memory_space<hbm>>
    tpu.enqueue_indirect_dma source(%dma_start3A_110 : memref<10000x64xbf16, #tpu.memory_space<hbm>>) target(%arg8 : memref<1000x64xbf16, #tpu.memory_space<vmem>>) offsets(%arg6 : memref<1000xi32, #tpu.memory_space<vmem>>) semaphore(%arg10 : memref<!tpu.dma_semaphore, #tpu.memory_space<semaphore_mem>>)
    %dma_wait3A_111 = arith.constant 0 : i32
    %dma_wait3A_112 = arith.constant 0 : i32
    %dma_wait3A_113 = tpu.memref_slice %arg2[%dma_wait3A_111, %dma_wait3A_112] : memref<10000x64xbf16, #tpu.memory_space<hbm>> -> memref<10000x64xbf16, #tpu.memory_space<hbm>>
    tpu.wait_indirect_dma semaphore(%arg9 : memref<!tpu.dma_semaphore, #tpu.memory_space<semaphore_mem>>) src(%dma_wait3A_113 : memref<10000x64xbf16, #tpu.memory_space<hbm>>) dst(%arg7 : memref<1000x64xbf16, #tpu.memory_space<vmem>>)
    %dma_wait3A_114 = arith.constant 0 : i32
    %dma_wait3A_115 = arith.constant 0 : i32
    %dma_wait3A_116 = tpu.memref_slice %arg2[%dma_wait3A_114, %dma_wait3A_115] : memref<10000x64xbf16, #tpu.memory_space<hbm>> -> memref<10000x64xbf16, #tpu.memory_space<hbm>>
    tpu.wait_indirect_dma semaphore(%arg10 : memref<!tpu.dma_semaphore, #tpu.memory_space<semaphore_mem>>) src(%dma_wait3A_116 : memref<10000x64xbf16, #tpu.memory_space<hbm>>) dst(%arg8 : memref<1000x64xbf16, #tpu.memory_space<vmem>>)
    "tpu.region"() ({
      %run_scoped3A = tpu.sem_alloc : memref<!tpu.dma_semaphore, #tpu.memory_space<semaphore_mem>>
      %dma_start3A_201 = arith.constant 0 : i32
      %dma_start3A_202 = tpu.memref_slice %arg4[%select_n3A_102, %dma_start3A_201] : memref<160000x128xbf16, #tpu.memory_space<hbm>> -> memref<1000x64xbf16, #tpu.memory_space<hbm>>
      %dma_start3A_203 = arith.constant 0 : i32
      %dma_start3A_204 = tpu.memref_slice %arg4[%select_n3A_102, %dma_start3A_203] : memref<160000x128xbf16, #tpu.memory_space<hbm>> -> memref<1000x64xbf16, #tpu.memory_space<hbm>>
      tpu.enqueue_dma source(%arg7 : memref<1000x64xbf16, #tpu.memory_space<vmem>>) target(%dma_start3A_204 : memref<1000x64xbf16, #tpu.memory_space<hbm>>) target_semaphore(%run_scoped3A : memref<!tpu.dma_semaphore, #tpu.memory_space<semaphore_mem>>)
      %dma_wait3A_205 = arith.constant 0 : i32
      %dma_wait3A_206 = tpu.memref_slice %arg4[%select_n3A_102, %dma_wait3A_205] : memref<160000x128xbf16, #tpu.memory_space<hbm>> -> memref<1000x64xbf16, #tpu.memory_space<hbm>>
      %dma_wait3A_207 = arith.constant 0 : i32
      %dma_wait3A_208 = tpu.memref_slice %arg4[%select_n3A_102, %dma_wait3A_207] : memref<160000x128xbf16, #tpu.memory_space<hbm>> -> memref<1000x64xbf16, #tpu.memory_space<hbm>>
      tpu.wait_dma2 semaphore(%run_scoped3A : memref<!tpu.dma_semaphore, #tpu.memory_space<semaphore_mem>>) src(%arg7 : memref<1000x64xbf16, #tpu.memory_space<vmem>>) dst(%dma_wait3A_208 : memref<1000x64xbf16, #tpu.memory_space<hbm>>)
      tpu.yield
    }) : () -> ()
    "tpu.region"() ({
      %run_scoped3A = tpu.sem_alloc : memref<!tpu.dma_semaphore, #tpu.memory_space<semaphore_mem>>
      %dma_start3A_201 = arith.constant 64 : i32
      %dma_start3A_202 = tpu.memref_slice %arg4[%select_n3A_102, %dma_start3A_201] : memref<160000x128xbf16, #tpu.memory_space<hbm>> -> memref<1000x64xbf16, #tpu.memory_space<hbm>>
      %dma_start3A_203 = arith.constant 64 : i32
      %dma_start3A_204 = tpu.memref_slice %arg4[%select_n3A_102, %dma_start3A_203] : memref<160000x128xbf16, #tpu.memory_space<hbm>> -> memref<1000x64xbf16, #tpu.memory_space<hbm>>
      tpu.enqueue_dma source(%arg8 : memref<1000x64xbf16, #tpu.memory_space<vmem>>) target(%dma_start3A_204 : memref<1000x64xbf16, #tpu.memory_space<hbm>>) target_semaphore(%run_scoped3A : memref<!tpu.dma_semaphore, #tpu.memory_space<semaphore_mem>>)
      %dma_wait3A_205 = arith.constant 64 : i32
      %dma_wait3A_206 = tpu.memref_slice %arg4[%select_n3A_102, %dma_wait3A_205] : memref<160000x128xbf16, #tpu.memory_space<hbm>> -> memref<1000x64xbf16, #tpu.memory_space<hbm>>
      %dma_wait3A_207 = arith.constant 64 : i32
      %dma_wait3A_208 = tpu.memref_slice %arg4[%select_n3A_102, %dma_wait3A_207] : memref<160000x128xbf16, #tpu.memory_space<hbm>> -> memref<1000x64xbf16, #tpu.memory_space<hbm>>
      tpu.wait_dma2 semaphore(%run_scoped3A : memref<!tpu.dma_semaphore, #tpu.memory_space<semaphore_mem>>) src(%arg8 : memref<1000x64xbf16, #tpu.memory_space<vmem>>) dst(%dma_wait3A_208 : memref<1000x64xbf16, #tpu.memory_space<hbm>>)
      tpu.yield
    }) : () -> ()
    %mul3A_117 = arith.constant 10000 : i32
    %mul3A_118 = arith.muli %add3A, %mul3A_117 : i32
    %add3A_119 = arith.constant 6000 : i32
    %add3A_120 = arith.addi %mul3A_118, %add3A_119 : i32
    %jit3A_121 = arith.constant 2 : i32
    %div3A_122 = arith.divsi %add3A_120, %jit3A_121 : i32
    %sign3A_123 = arith.constant 0 : i32
    %sign3A_124 = arith.cmpi sgt, %add3A_120, %sign3A_123 : i32
    %sign3A_125 = arith.extui %sign3A_124 : i1 to i32
    %sign3A_126 = arith.constant 0 : i32
    %sign3A_127 = arith.cmpi slt, %add3A_120, %sign3A_126 : i32
    %sign3A_128 = arith.extui %sign3A_127 : i1 to i32
    %sign3A_129 = arith.subi %sign3A_125, %sign3A_128 : i32
    %sign3A_130 = arith.constant 0 : i32
    %sign3A_131 = arith.cmpi sgt, %jit3A_121, %sign3A_130 : i32
    %sign3A_132 = arith.extui %sign3A_131 : i1 to i32
    %sign3A_133 = arith.constant 0 : i32
    %sign3A_134 = arith.cmpi slt, %jit3A_121, %sign3A_133 : i32
    %sign3A_135 = arith.extui %sign3A_134 : i1 to i32
    %sign3A_136 = arith.subi %sign3A_132, %sign3A_135 : i32
    %ne3A_137 = arith.cmpi ne, %sign3A_129, %sign3A_136 : i32
    %rem3A_138 = arith.remsi %add3A_120, %jit3A_121 : i32
    %ne3A_139 = arith.constant 0 : i32
    %ne3A_140 = arith.cmpi ne, %rem3A_138, %ne3A_139 : i32
    %and3A_141 = arith.andi %ne3A_137, %ne3A_140 : i1
    %sub3A_142 = arith.constant 1 : i32
    %sub3A_143 = arith.subi %div3A_122, %sub3A_142 : i32
    %select_n3A_144 = arith.select %and3A_141, %sub3A_143, %div3A_122 : i32
    "tpu.region"() ({
      %run_scoped3A = tpu.sem_alloc : memref<!tpu.dma_semaphore, #tpu.memory_space<semaphore_mem>>
      %dma_start3A_201 = tpu.memref_slice %arg3[%add3A_120] : memref<320000xi32, #tpu.memory_space<hbm>> -> memref<1000xi32, #tpu.memory_space<hbm>>
      %dma_start3A_202 = tpu.memref_slice %arg3[%add3A_120] : memref<320000xi32, #tpu.memory_space<hbm>> -> memref<1000xi32, #tpu.memory_space<hbm>>
      tpu.enqueue_dma source(%dma_start3A_202 : memref<1000xi32, #tpu.memory_space<hbm>>) target(%arg5 : memref<1000xi32, #tpu.memory_space<vmem>>) target_semaphore(%run_scoped3A : memref<!tpu.dma_semaphore, #tpu.memory_space<semaphore_mem>>)
      %dma_wait3A_203 = tpu.memref_slice %arg3[%add3A_120] : memref<320000xi32, #tpu.memory_space<hbm>> -> memref<1000xi32, #tpu.memory_space<hbm>>
      %dma_wait3A_204 = tpu.memref_slice %arg3[%add3A_120] : memref<320000xi32, #tpu.memory_space<hbm>> -> memref<1000xi32, #tpu.memory_space<hbm>>
      tpu.wait_dma2 semaphore(%run_scoped3A : memref<!tpu.dma_semaphore, #tpu.memory_space<semaphore_mem>>) src(%dma_wait3A_204 : memref<1000xi32, #tpu.memory_space<hbm>>) dst(%arg5 : memref<1000xi32, #tpu.memory_space<vmem>>)
      tpu.yield
    }) : () -> ()
    %add3A_145 = arith.constant 1000 : i32
    %add3A_146 = arith.addi %add3A_120, %add3A_145 : i32
    "tpu.region"() ({
      %run_scoped3A = tpu.sem_alloc : memref<!tpu.dma_semaphore, #tpu.memory_space<semaphore_mem>>
      %dma_start3A_201 = tpu.memref_slice %arg3[%add3A_146] : memref<320000xi32, #tpu.memory_space<hbm>> -> memref<1000xi32, #tpu.memory_space<hbm>>
      %dma_start3A_202 = tpu.memref_slice %arg3[%add3A_146] : memref<320000xi32, #tpu.memory_space<hbm>> -> memref<1000xi32, #tpu.memory_space<hbm>>
      tpu.enqueue_dma source(%dma_start3A_202 : memref<1000xi32, #tpu.memory_space<hbm>>) target(%arg6 : memref<1000xi32, #tpu.memory_space<vmem>>) target_semaphore(%run_scoped3A : memref<!tpu.dma_semaphore, #tpu.memory_space<semaphore_mem>>)
      %dma_wait3A_203 = tpu.memref_slice %arg3[%add3A_146] : memref<320000xi32, #tpu.memory_space<hbm>> -> memref<1000xi32, #tpu.memory_space<hbm>>
      %dma_wait3A_204 = tpu.memref_slice %arg3[%add3A_146] : memref<320000xi32, #tpu.memory_space<hbm>> -> memref<1000xi32, #tpu.memory_space<hbm>>
      tpu.wait_dma2 semaphore(%run_scoped3A : memref<!tpu.dma_semaphore, #tpu.memory_space<semaphore_mem>>) src(%dma_wait3A_204 : memref<1000xi32, #tpu.memory_space<hbm>>) dst(%arg6 : memref<1000xi32, #tpu.memory_space<vmem>>)
      tpu.yield
    }) : () -> ()
    %dma_start3A_147 = arith.constant 0 : i32
    %dma_start3A_148 = arith.constant 0 : i32
    %dma_start3A_149 = tpu.memref_slice %arg2[%dma_start3A_147, %dma_start3A_148] : memref<10000x64xbf16, #tpu.memory_space<hbm>> -> memref<10000x64xbf16, #tpu.memory_space<hbm>>
    tpu.enqueue_indirect_dma source(%dma_start3A_149 : memref<10000x64xbf16, #tpu.memory_space<hbm>>) target(%arg7 : memref<1000x64xbf16, #tpu.memory_space<vmem>>) offsets(%arg5 : memref<1000xi32, #tpu.memory_space<vmem>>) semaphore(%arg9 : memref<!tpu.dma_semaphore, #tpu.memory_space<semaphore_mem>>)
    %dma_start3A_150 = arith.constant 0 : i32
    %dma_start3A_151 = arith.constant 0 : i32
    %dma_start3A_152 = tpu.memref_slice %arg2[%dma_start3A_150, %dma_start3A_151] : memref<10000x64xbf16, #tpu.memory_space<hbm>> -> memref<10000x64xbf16, #tpu.memory_space<hbm>>
    tpu.enqueue_indirect_dma source(%dma_start3A_152 : memref<10000x64xbf16, #tpu.memory_space<hbm>>) target(%arg8 : memref<1000x64xbf16, #tpu.memory_space<vmem>>) offsets(%arg6 : memref<1000xi32, #tpu.memory_space<vmem>>) semaphore(%arg10 : memref<!tpu.dma_semaphore, #tpu.memory_space<semaphore_mem>>)
    %dma_wait3A_153 = arith.constant 0 : i32
    %dma_wait3A_154 = arith.constant 0 : i32
    %dma_wait3A_155 = tpu.memref_slice %arg2[%dma_wait3A_153, %dma_wait3A_154] : memref<10000x64xbf16, #tpu.memory_space<hbm>> -> memref<10000x64xbf16, #tpu.memory_space<hbm>>
    tpu.wait_indirect_dma semaphore(%arg9 : memref<!tpu.dma_semaphore, #tpu.memory_space<semaphore_mem>>) src(%dma_wait3A_155 : memref<10000x64xbf16, #tpu.memory_space<hbm>>) dst(%arg7 : memref<1000x64xbf16, #tpu.memory_space<vmem>>)
    %dma_wait3A_156 = arith.constant 0 : i32
    %dma_wait3A_157 = arith.constant 0 : i32
    %dma_wait3A_158 = tpu.memref_slice %arg2[%dma_wait3A_156, %dma_wait3A_157] : memref<10000x64xbf16, #tpu.memory_space<hbm>> -> memref<10000x64xbf16, #tpu.memory_space<hbm>>
    tpu.wait_indirect_dma semaphore(%arg10 : memref<!tpu.dma_semaphore, #tpu.memory_space<semaphore_mem>>) src(%dma_wait3A_158 : memref<10000x64xbf16, #tpu.memory_space<hbm>>) dst(%arg8 : memref<1000x64xbf16, #tpu.memory_space<vmem>>)
    "tpu.region"() ({
      %run_scoped3A = tpu.sem_alloc : memref<!tpu.dma_semaphore, #tpu.memory_space<semaphore_mem>>
      %dma_start3A_201 = arith.constant 0 : i32
      %dma_start3A_202 = tpu.memref_slice %arg4[%select_n3A_144, %dma_start3A_201] : memref<160000x128xbf16, #tpu.memory_space<hbm>> -> memref<1000x64xbf16, #tpu.memory_space<hbm>>
      %dma_start3A_203 = arith.constant 0 : i32
      %dma_start3A_204 = tpu.memref_slice %arg4[%select_n3A_144, %dma_start3A_203] : memref<160000x128xbf16, #tpu.memory_space<hbm>> -> memref<1000x64xbf16, #tpu.memory_space<hbm>>
      tpu.enqueue_dma source(%arg7 : memref<1000x64xbf16, #tpu.memory_space<vmem>>) target(%dma_start3A_204 : memref<1000x64xbf16, #tpu.memory_space<hbm>>) target_semaphore(%run_scoped3A : memref<!tpu.dma_semaphore, #tpu.memory_space<semaphore_mem>>)
      %dma_wait3A_205 = arith.constant 0 : i32
      %dma_wait3A_206 = tpu.memref_slice %arg4[%select_n3A_144, %dma_wait3A_205] : memref<160000x128xbf16, #tpu.memory_space<hbm>> -> memref<1000x64xbf16, #tpu.memory_space<hbm>>
      %dma_wait3A_207 = arith.constant 0 : i32
      %dma_wait3A_208 = tpu.memref_slice %arg4[%select_n3A_144, %dma_wait3A_207] : memref<160000x128xbf16, #tpu.memory_space<hbm>> -> memref<1000x64xbf16, #tpu.memory_space<hbm>>
      tpu.wait_dma2 semaphore(%run_scoped3A : memref<!tpu.dma_semaphore, #tpu.memory_space<semaphore_mem>>) src(%arg7 : memref<1000x64xbf16, #tpu.memory_space<vmem>>) dst(%dma_wait3A_208 : memref<1000x64xbf16, #tpu.memory_space<hbm>>)
      tpu.yield
    }) : () -> ()
    "tpu.region"() ({
      %run_scoped3A = tpu.sem_alloc : memref<!tpu.dma_semaphore, #tpu.memory_space<semaphore_mem>>
      %dma_start3A_201 = arith.constant 64 : i32
      %dma_start3A_202 = tpu.memref_slice %arg4[%select_n3A_144, %dma_start3A_201] : memref<160000x128xbf16, #tpu.memory_space<hbm>> -> memref<1000x64xbf16, #tpu.memory_space<hbm>>
      %dma_start3A_203 = arith.constant 64 : i32
      %dma_start3A_204 = tpu.memref_slice %arg4[%select_n3A_144, %dma_start3A_203] : memref<160000x128xbf16, #tpu.memory_space<hbm>> -> memref<1000x64xbf16, #tpu.memory_space<hbm>>
      tpu.enqueue_dma source(%arg8 : memref<1000x64xbf16, #tpu.memory_space<vmem>>) target(%dma_start3A_204 : memref<1000x64xbf16, #tpu.memory_space<hbm>>) target_semaphore(%run_scoped3A : memref<!tpu.dma_semaphore, #tpu.memory_space<semaphore_mem>>)
      %dma_wait3A_205 = arith.constant 64 : i32
      %dma_wait3A_206 = tpu.memref_slice %arg4[%select_n3A_144, %dma_wait3A_205] : memref<160000x128xbf16, #tpu.memory_space<hbm>> -> memref<1000x64xbf16, #tpu.memory_space<hbm>>
      %dma_wait3A_207 = arith.constant 64 : i32
      %dma_wait3A_208 = tpu.memref_slice %arg4[%select_n3A_144, %dma_wait3A_207] : memref<160000x128xbf16, #tpu.memory_space<hbm>> -> memref<1000x64xbf16, #tpu.memory_space<hbm>>
      tpu.wait_dma2 semaphore(%run_scoped3A : memref<!tpu.dma_semaphore, #tpu.memory_space<semaphore_mem>>) src(%arg8 : memref<1000x64xbf16, #tpu.memory_space<vmem>>) dst(%dma_wait3A_208 : memref<1000x64xbf16, #tpu.memory_space<hbm>>)
      tpu.yield
    }) : () -> ()
    %mul3A_159 = arith.constant 10000 : i32
    %mul3A_160 = arith.muli %add3A, %mul3A_159 : i32
    %add3A_161 = arith.constant 8000 : i32
    %add3A_162 = arith.addi %mul3A_160, %add3A_161 : i32
    %jit3A_163 = arith.constant 2 : i32
    %div3A_164 = arith.divsi %add3A_162, %jit3A_163 : i32
    %sign3A_165 = arith.constant 0 : i32
    %sign3A_166 = arith.cmpi sgt, %add3A_162, %sign3A_165 : i32
    %sign3A_167 = arith.extui %sign3A_166 : i1 to i32
    %sign3A_168 = arith.constant 0 : i32
    %sign3A_169 = arith.cmpi slt, %add3A_162, %sign3A_168 : i32
    %sign3A_170 = arith.extui %sign3A_169 : i1 to i32
    %sign3A_171 = arith.subi %sign3A_167, %sign3A_170 : i32
    %sign3A_172 = arith.constant 0 : i32
    %sign3A_173 = arith.cmpi sgt, %jit3A_163, %sign3A_172 : i32
    %sign3A_174 = arith.extui %sign3A_173 : i1 to i32
    %sign3A_175 = arith.constant 0 : i32
    %sign3A_176 = arith.cmpi slt, %jit3A_163, %sign3A_175 : i32
    %sign3A_177 = arith.extui %sign3A_176 : i1 to i32
    %sign3A_178 = arith.subi %sign3A_174, %sign3A_177 : i32
    %ne3A_179 = arith.cmpi ne, %sign3A_171, %sign3A_178 : i32
    %rem3A_180 = arith.remsi %add3A_162, %jit3A_163 : i32
    %ne3A_181 = arith.constant 0 : i32
    %ne3A_182 = arith.cmpi ne, %rem3A_180, %ne3A_181 : i32
    %and3A_183 = arith.andi %ne3A_179, %ne3A_182 : i1
    %sub3A_184 = arith.constant 1 : i32
    %sub3A_185 = arith.subi %div3A_164, %sub3A_184 : i32
    %select_n3A_186 = arith.select %and3A_183, %sub3A_185, %div3A_164 : i32
    "tpu.region"() ({
      %run_scoped3A = tpu.sem_alloc : memref<!tpu.dma_semaphore, #tpu.memory_space<semaphore_mem>>
      %dma_start3A_201 = tpu.memref_slice %arg3[%add3A_162] : memref<320000xi32, #tpu.memory_space<hbm>> -> memref<1000xi32, #tpu.memory_space<hbm>>
      %dma_start3A_202 = tpu.memref_slice %arg3[%add3A_162] : memref<320000xi32, #tpu.memory_space<hbm>> -> memref<1000xi32, #tpu.memory_space<hbm>>
      tpu.enqueue_dma source(%dma_start3A_202 : memref<1000xi32, #tpu.memory_space<hbm>>) target(%arg5 : memref<1000xi32, #tpu.memory_space<vmem>>) target_semaphore(%run_scoped3A : memref<!tpu.dma_semaphore, #tpu.memory_space<semaphore_mem>>)
      %dma_wait3A_203 = tpu.memref_slice %arg3[%add3A_162] : memref<320000xi32, #tpu.memory_space<hbm>> -> memref<1000xi32, #tpu.memory_space<hbm>>
      %dma_wait3A_204 = tpu.memref_slice %arg3[%add3A_162] : memref<320000xi32, #tpu.memory_space<hbm>> -> memref<1000xi32, #tpu.memory_space<hbm>>
      tpu.wait_dma2 semaphore(%run_scoped3A : memref<!tpu.dma_semaphore, #tpu.memory_space<semaphore_mem>>) src(%dma_wait3A_204 : memref<1000xi32, #tpu.memory_space<hbm>>) dst(%arg5 : memref<1000xi32, #tpu.memory_space<vmem>>)
      tpu.yield
    }) : () -> ()
    %add3A_187 = arith.constant 1000 : i32
    %add3A_188 = arith.addi %add3A_162, %add3A_187 : i32
    "tpu.region"() ({
      %run_scoped3A = tpu.sem_alloc : memref<!tpu.dma_semaphore, #tpu.memory_space<semaphore_mem>>
      %dma_start3A_201 = tpu.memref_slice %arg3[%add3A_188] : memref<320000xi32, #tpu.memory_space<hbm>> -> memref<1000xi32, #tpu.memory_space<hbm>>
      %dma_start3A_202 = tpu.memref_slice %arg3[%add3A_188] : memref<320000xi32, #tpu.memory_space<hbm>> -> memref<1000xi32, #tpu.memory_space<hbm>>
      tpu.enqueue_dma source(%dma_start3A_202 : memref<1000xi32, #tpu.memory_space<hbm>>) target(%arg6 : memref<1000xi32, #tpu.memory_space<vmem>>) target_semaphore(%run_scoped3A : memref<!tpu.dma_semaphore, #tpu.memory_space<semaphore_mem>>)
      %dma_wait3A_203 = tpu.memref_slice %arg3[%add3A_188] : memref<320000xi32, #tpu.memory_space<hbm>> -> memref<1000xi32, #tpu.memory_space<hbm>>
      %dma_wait3A_204 = tpu.memref_slice %arg3[%add3A_188] : memref<320000xi32, #tpu.memory_space<hbm>> -> memref<1000xi32, #tpu.memory_space<hbm>>
      tpu.wait_dma2 semaphore(%run_scoped3A : memref<!tpu.dma_semaphore, #tpu.memory_space<semaphore_mem>>) src(%dma_wait3A_204 : memref<1000xi32, #tpu.memory_space<hbm>>) dst(%arg6 : memref<1000xi32, #tpu.memory_space<vmem>>)
      tpu.yield
    }) : () -> ()
    %dma_start3A_189 = arith.constant 0 : i32
    %dma_start3A_190 = arith.constant 0 : i32
    %dma_start3A_191 = tpu.memref_slice %arg2[%dma_start3A_189, %dma_start3A_190] : memref<10000x64xbf16, #tpu.memory_space<hbm>> -> memref<10000x64xbf16, #tpu.memory_space<hbm>>
    tpu.enqueue_indirect_dma source(%dma_start3A_191 : memref<10000x64xbf16, #tpu.memory_space<hbm>>) target(%arg7 : memref<1000x64xbf16, #tpu.memory_space<vmem>>) offsets(%arg5 : memref<1000xi32, #tpu.memory_space<vmem>>) semaphore(%arg9 : memref<!tpu.dma_semaphore, #tpu.memory_space<semaphore_mem>>)
    %dma_start3A_192 = arith.constant 0 : i32
    %dma_start3A_193 = arith.constant 0 : i32
    %dma_start3A_194 = tpu.memref_slice %arg2[%dma_start3A_192, %dma_start3A_193] : memref<10000x64xbf16, #tpu.memory_space<hbm>> -> memref<10000x64xbf16, #tpu.memory_space<hbm>>
    tpu.enqueue_indirect_dma source(%dma_start3A_194 : memref<10000x64xbf16, #tpu.memory_space<hbm>>) target(%arg8 : memref<1000x64xbf16, #tpu.memory_space<vmem>>) offsets(%arg6 : memref<1000xi32, #tpu.memory_space<vmem>>) semaphore(%arg10 : memref<!tpu.dma_semaphore, #tpu.memory_space<semaphore_mem>>)
    %dma_wait3A_195 = arith.constant 0 : i32
    %dma_wait3A_196 = arith.constant 0 : i32
    %dma_wait3A_197 = tpu.memref_slice %arg2[%dma_wait3A_195, %dma_wait3A_196] : memref<10000x64xbf16, #tpu.memory_space<hbm>> -> memref<10000x64xbf16, #tpu.memory_space<hbm>>
    tpu.wait_indirect_dma semaphore(%arg9 : memref<!tpu.dma_semaphore, #tpu.memory_space<semaphore_mem>>) src(%dma_wait3A_197 : memref<10000x64xbf16, #tpu.memory_space<hbm>>) dst(%arg7 : memref<1000x64xbf16, #tpu.memory_space<vmem>>)
    %dma_wait3A_198 = arith.constant 0 : i32
    %dma_wait3A_199 = arith.constant 0 : i32
    %dma_wait3A_200 = tpu.memref_slice %arg2[%dma_wait3A_198, %dma_wait3A_199] : memref<10000x64xbf16, #tpu.memory_space<hbm>> -> memref<10000x64xbf16, #tpu.memory_space<hbm>>
    tpu.wait_indirect_dma semaphore(%arg10 : memref<!tpu.dma_semaphore, #tpu.memory_space<semaphore_mem>>) src(%dma_wait3A_200 : memref<10000x64xbf16, #tpu.memory_space<hbm>>) dst(%arg8 : memref<1000x64xbf16, #tpu.memory_space<vmem>>)
    "tpu.region"() ({
      %run_scoped3A = tpu.sem_alloc : memref<!tpu.dma_semaphore, #tpu.memory_space<semaphore_mem>>
      %dma_start3A_201 = arith.constant 0 : i32
      %dma_start3A_202 = tpu.memref_slice %arg4[%select_n3A_186, %dma_start3A_201] : memref<160000x128xbf16, #tpu.memory_space<hbm>> -> memref<1000x64xbf16, #tpu.memory_space<hbm>>
      %dma_start3A_203 = arith.constant 0 : i32
      %dma_start3A_204 = tpu.memref_slice %arg4[%select_n3A_186, %dma_start3A_203] : memref<160000x128xbf16, #tpu.memory_space<hbm>> -> memref<1000x64xbf16, #tpu.memory_space<hbm>>
      tpu.enqueue_dma source(%arg7 : memref<1000x64xbf16, #tpu.memory_space<vmem>>) target(%dma_start3A_204 : memref<1000x64xbf16, #tpu.memory_space<hbm>>) target_semaphore(%run_scoped3A : memref<!tpu.dma_semaphore, #tpu.memory_space<semaphore_mem>>)
      %dma_wait3A_205 = arith.constant 0 : i32
      %dma_wait3A_206 = tpu.memref_slice %arg4[%select_n3A_186, %dma_wait3A_205] : memref<160000x128xbf16, #tpu.memory_space<hbm>> -> memref<1000x64xbf16, #tpu.memory_space<hbm>>
      %dma_wait3A_207 = arith.constant 0 : i32
      %dma_wait3A_208 = tpu.memref_slice %arg4[%select_n3A_186, %dma_wait3A_207] : memref<160000x128xbf16, #tpu.memory_space<hbm>> -> memref<1000x64xbf16, #tpu.memory_space<hbm>>
      tpu.wait_dma2 semaphore(%run_scoped3A : memref<!tpu.dma_semaphore, #tpu.memory_space<semaphore_mem>>) src(%arg7 : memref<1000x64xbf16, #tpu.memory_space<vmem>>) dst(%dma_wait3A_208 : memref<1000x64xbf16, #tpu.memory_space<hbm>>)
      tpu.yield
    }) : () -> ()
    "tpu.region"() ({
      %run_scoped3A = tpu.sem_alloc : memref<!tpu.dma_semaphore, #tpu.memory_space<semaphore_mem>>
      %dma_start3A_201 = arith.constant 64 : i32
      %dma_start3A_202 = tpu.memref_slice %arg4[%select_n3A_186, %dma_start3A_201] : memref<160000x128xbf16, #tpu.memory_space<hbm>> -> memref<1000x64xbf16, #tpu.memory_space<hbm>>
      %dma_start3A_203 = arith.constant 64 : i32
      %dma_start3A_204 = tpu.memref_slice %arg4[%select_n3A_186, %dma_start3A_203] : memref<160000x128xbf16, #tpu.memory_space<hbm>> -> memref<1000x64xbf16, #tpu.memory_space<hbm>>
      tpu.enqueue_dma source(%arg8 : memref<1000x64xbf16, #tpu.memory_space<vmem>>) target(%dma_start3A_204 : memref<1000x64xbf16, #tpu.memory_space<hbm>>) target_semaphore(%run_scoped3A : memref<!tpu.dma_semaphore, #tpu.memory_space<semaphore_mem>>)
      %dma_wait3A_205 = arith.constant 64 : i32
      %dma_wait3A_206 = tpu.memref_slice %arg4[%select_n3A_186, %dma_wait3A_205] : memref<160000x128xbf16, #tpu.memory_space<hbm>> -> memref<1000x64xbf16, #tpu.memory_space<hbm>>
      %dma_wait3A_207 = arith.constant 64 : i32
      %dma_wait3A_208 = tpu.memref_slice %arg4[%select_n3A_186, %dma_wait3A_207] : memref<160000x128xbf16, #tpu.memory_space<hbm>> -> memref<1000x64xbf16, #tpu.memory_space<hbm>>
      tpu.wait_dma2 semaphore(%run_scoped3A : memref<!tpu.dma_semaphore, #tpu.memory_space<semaphore_mem>>) src(%arg8 : memref<1000x64xbf16, #tpu.memory_space<vmem>>) dst(%dma_wait3A_208 : memref<1000x64xbf16, #tpu.memory_space<hbm>>)
      tpu.yield
    }) : () -> ()
    return
  }
}

#map = affine_map<(d0, d1) -> (0, 0)>
#map1 = affine_map<(d0, d1) -> (0)>
module attributes {stable_mosaic.version = 14 : i64} {
  func.func @k(%arg0: i32, %arg1: i32, %arg2: memref<10000x64xf32, #tpu.memory_space<hbm>>, %arg3: memref<10240xi32, #tpu.memory_space<hbm>>, %arg4: memref<10240x64xf32, #tpu.memory_space<hbm>>, %arg5: memref<320xi32, #tpu.memory_space<vmem>>, %arg6: memref<320x64xf32, #tpu.memory_space<vmem>>, %arg7: memref<!tpu.dma_semaphore, #tpu.memory_space<semaphore_mem>>) attributes {dimension_semantics = [#tpu.dimension_semantics<core_parallel>, #tpu.dimension_semantics<subcore_parallel>], iteration_bounds = array<i64: 2, 16>, scalar_prefetch = 0 : i64, scratch_operands = 3 : i64, tpu.core_type = #tpu.core_type<sc_vector_subcore>, window_params = [{transform_indices = #map}, {transform_indices = #map1}, {transform_indices = #map}]} {
    %mul3A = arith.constant 2 : i32
    %mul3A_0 = arith.muli %arg1, %mul3A : i32
    %add3A = arith.addi %mul3A_0, %arg0 : i32
    %mul3A_1 = arith.constant 320 : i32
    %mul3A_2 = arith.muli %add3A, %mul3A_1 : i32
    %add3A_3 = arith.constant 0 : i32
    %add3A_4 = arith.addi %mul3A_2, %add3A_3 : i32
    "tpu.region"() ({
      %run_scoped3A = tpu.sem_alloc : memref<!tpu.dma_semaphore, #tpu.memory_space<semaphore_mem>>
      %dma_start3A_9 = tpu.memref_slice %arg3[%add3A_4] : memref<10240xi32, #tpu.memory_space<hbm>> -> memref<320xi32, #tpu.memory_space<hbm>>
      %dma_start3A_10 = tpu.memref_slice %arg3[%add3A_4] : memref<10240xi32, #tpu.memory_space<hbm>> -> memref<320xi32, #tpu.memory_space<hbm>>
      tpu.enqueue_dma source(%dma_start3A_10 : memref<320xi32, #tpu.memory_space<hbm>>) target(%arg5 : memref<320xi32, #tpu.memory_space<vmem>>) target_semaphore(%run_scoped3A : memref<!tpu.dma_semaphore, #tpu.memory_space<semaphore_mem>>)
      %dma_wait3A_11 = tpu.memref_slice %arg3[%add3A_4] : memref<10240xi32, #tpu.memory_space<hbm>> -> memref<320xi32, #tpu.memory_space<hbm>>
      %dma_wait3A_12 = tpu.memref_slice %arg3[%add3A_4] : memref<10240xi32, #tpu.memory_space<hbm>> -> memref<320xi32, #tpu.memory_space<hbm>>
      tpu.wait_dma2 semaphore(%run_scoped3A : memref<!tpu.dma_semaphore, #tpu.memory_space<semaphore_mem>>) src(%dma_wait3A_12 : memref<320xi32, #tpu.memory_space<hbm>>) dst(%arg5 : memref<320xi32, #tpu.memory_space<vmem>>)
      tpu.yield
    }) : () -> ()
    %dma_start3A = arith.constant 0 : i32
    %dma_start3A_5 = arith.constant 0 : i32
    %dma_start3A_6 = tpu.memref_slice %arg2[%dma_start3A, %dma_start3A_5] : memref<10000x64xf32, #tpu.memory_space<hbm>> -> memref<10000x64xf32, #tpu.memory_space<hbm>>
    tpu.enqueue_indirect_dma source(%dma_start3A_6 : memref<10000x64xf32, #tpu.memory_space<hbm>>) target(%arg6 : memref<320x64xf32, #tpu.memory_space<vmem>>) offsets(%arg5 : memref<320xi32, #tpu.memory_space<vmem>>) semaphore(%arg7 : memref<!tpu.dma_semaphore, #tpu.memory_space<semaphore_mem>>)
    %dma_wait3A = arith.constant 0 : i32
    %dma_wait3A_7 = arith.constant 0 : i32
    %dma_wait3A_8 = tpu.memref_slice %arg2[%dma_wait3A, %dma_wait3A_7] : memref<10000x64xf32, #tpu.memory_space<hbm>> -> memref<10000x64xf32, #tpu.memory_space<hbm>>
    tpu.wait_indirect_dma semaphore(%arg7 : memref<!tpu.dma_semaphore, #tpu.memory_space<semaphore_mem>>) src(%dma_wait3A_8 : memref<10000x64xf32, #tpu.memory_space<hbm>>) dst(%arg6 : memref<320x64xf32, #tpu.memory_space<vmem>>)
    "tpu.region"() ({
      %run_scoped3A = tpu.sem_alloc : memref<!tpu.dma_semaphore, #tpu.memory_space<semaphore_mem>>
      %dma_start3A_9 = arith.constant 0 : i32
      %dma_start3A_10 = tpu.memref_slice %arg4[%add3A_4, %dma_start3A_9] : memref<10240x64xf32, #tpu.memory_space<hbm>> -> memref<320x64xf32, #tpu.memory_space<hbm>>
      %dma_start3A_11 = arith.constant 0 : i32
      %dma_start3A_12 = tpu.memref_slice %arg4[%add3A_4, %dma_start3A_11] : memref<10240x64xf32, #tpu.memory_space<hbm>> -> memref<320x64xf32, #tpu.memory_space<hbm>>
      tpu.enqueue_dma source(%arg6 : memref<320x64xf32, #tpu.memory_space<vmem>>) target(%dma_start3A_12 : memref<320x64xf32, #tpu.memory_space<hbm>>) target_semaphore(%run_scoped3A : memref<!tpu.dma_semaphore, #tpu.memory_space<semaphore_mem>>)
      %dma_wait3A_13 = arith.constant 0 : i32
      %dma_wait3A_14 = tpu.memref_slice %arg4[%add3A_4, %dma_wait3A_13] : memref<10240x64xf32, #tpu.memory_space<hbm>> -> memref<320x64xf32, #tpu.memory_space<hbm>>
      %dma_wait3A_15 = arith.constant 0 : i32
      %dma_wait3A_16 = tpu.memref_slice %arg4[%add3A_4, %dma_wait3A_15] : memref<10240x64xf32, #tpu.memory_space<hbm>> -> memref<320x64xf32, #tpu.memory_space<hbm>>
      tpu.wait_dma2 semaphore(%run_scoped3A : memref<!tpu.dma_semaphore, #tpu.memory_space<semaphore_mem>>) src(%arg6 : memref<320x64xf32, #tpu.memory_space<vmem>>) dst(%dma_wait3A_16 : memref<320x64xf32, #tpu.memory_space<hbm>>)
      tpu.yield
    }) : () -> ()
    return
  }
}

module attributes {stable_mosaic.version = 14 : i64} {
  func.func @body(%arg0: i32, %arg1: memref<400x1148xf32, #tpu.memory_space<vmem>>, %arg2: memref<1148x128xf32, #tpu.memory_space<vmem>>, %arg3: memref<1x128xf32, #tpu.memory_space<vmem>>, %arg4: memref<128x64xf32, #tpu.memory_space<vmem>>, %arg5: memref<1x64xf32, #tpu.memory_space<vmem>>, %arg6: memref<400x64xf32, #tpu.memory_space<vmem>>, %arg7: memref<400x64xbf16, #tpu.memory_space<vmem>>) attributes {dimension_semantics = [#tpu.dimension_semantics<arbitrary>], iteration_bounds = array<i64: 25>, scalar_prefetch = 0 : i64, scratch_operands = 0 : i64, tpu.core_type = #tpu.core_type<tc>, window_params = [{transform_indices = @transform_0, window_bounds = array<i64: 400, 1148>}, {pipeline_mode = #tpu.pipeline_mode<synchronous>, transform_indices = @transform_1, window_bounds = array<i64: 1148, 128>}, {pipeline_mode = #tpu.pipeline_mode<synchronous>, transform_indices = @transform_2, window_bounds = array<i64: 1, 128>}, {pipeline_mode = #tpu.pipeline_mode<synchronous>, transform_indices = @transform_3, window_bounds = array<i64: 128, 64>}, {pipeline_mode = #tpu.pipeline_mode<synchronous>, transform_indices = @transform_4, window_bounds = array<i64: 1, 64>}, {transform_indices = @transform_5, window_bounds = array<i64: 400, 64>}, {transform_indices = @transform_6, window_bounds = array<i64: 400, 64>}]} {
    %get3A = arith.constant 0 : index
    %get3A_0 = arith.constant 0 : index
    %get3A_1 = vector.load %arg1[%get3A, %get3A_0] : memref<400x1148xf32, #tpu.memory_space<vmem>>, vector<400x1148xf32>
    %get3A_2 = arith.constant 0 : index
    %get3A_3 = arith.constant 0 : index
    %get3A_4 = vector.load %arg2[%get3A_2, %get3A_3] : memref<1148x128xf32, #tpu.memory_space<vmem>>, vector<1148x128xf32>
    %dot_general3A = arith.constant dense<0.000000e+00> : vector<400x128xf32>
    %dot_general3A_5 = tpu.matmul %get3A_1, %get3A_4, %dot_general3A {dimension_numbers = #tpu.dot_dimension_numbers<[1], [0], [0], [1], [0, 0, 1, 1], [], []>, transpose_lhs_hint = false} : vector<400x1148xf32>, vector<1148x128xf32>, vector<400x128xf32> -> vector<400x128xf32>
    %get3A_6 = arith.constant 0 : index
    %get3A_7 = arith.constant 0 : index
    %get3A_8 = vector.load %arg3[%get3A_6, %get3A_7] : memref<1x128xf32, #tpu.memory_space<vmem>>, vector<1x128xf32>
    %add3A = vector.broadcast %get3A_8 : vector<1x128xf32> to vector<400x128xf32>
    %add3A_9 = arith.addf %dot_general3A_5, %add3A : vector<400x128xf32>
    %mul3A = arith.constant 1.44269502 : f32
    %mul3A_10 = vector.broadcast %mul3A : f32 to vector<400x128xf32>
    %mul3A_11 = arith.mulf %add3A_9, %mul3A_10 : vector<400x128xf32>
    %exp23A = math.exp2 %mul3A_11 : vector<400x128xf32>
    %add3A_12 = arith.constant 1.000000e+00 : f32
    %add3A_13 = vector.broadcast %add3A_12 : f32 to vector<400x128xf32>
    %add3A_14 = arith.addf %add3A_13, %exp23A : vector<400x128xf32>
    %log3A = math.log %add3A_14 : vector<400x128xf32>
    %log3A_15 = arith.constant 2.000000e+00 : f32
    %log3A_16 = math.log %log3A_15 : f32
    %div3A = vector.broadcast %log3A_16 : f32 to vector<400x128xf32>
    %div3A_17 = arith.divf %log3A, %div3A : vector<400x128xf32>
    %mul3A_18 = arith.constant 0.693147182 : f32
    %mul3A_19 = vector.broadcast %mul3A_18 : f32 to vector<400x128xf32>
    %mul3A_20 = arith.mulf %div3A_17, %mul3A_19 : vector<400x128xf32>
    %get3A_21 = arith.constant 0 : index
    %get3A_22 = arith.constant 0 : index
    %get3A_23 = vector.load %arg4[%get3A_21, %get3A_22] : memref<128x64xf32, #tpu.memory_space<vmem>>, vector<128x64xf32>
    %dot_general3A_24 = arith.constant dense<0.000000e+00> : vector<400x64xf32>
    %dot_general3A_25 = tpu.matmul %mul3A_20, %get3A_23, %dot_general3A_24 {dimension_numbers = #tpu.dot_dimension_numbers<[1], [0], [0], [1], [0, 0, 1, 1], [], []>, transpose_lhs_hint = false} : vector<400x128xf32>, vector<128x64xf32>, vector<400x64xf32> -> vector<400x64xf32>
    %get3A_26 = arith.constant 0 : index
    %get3A_27 = arith.constant 0 : index
    %get3A_28 = vector.load %arg5[%get3A_26, %get3A_27] : memref<1x64xf32, #tpu.memory_space<vmem>>, vector<1x64xf32>
    %add3A_29 = vector.broadcast %get3A_28 : vector<1x64xf32> to vector<400x64xf32>
    %add3A_30 = arith.addf %dot_general3A_25, %add3A_29 : vector<400x64xf32>
    %mul3A_31 = arith.constant 1.44269502 : f32
    %mul3A_32 = vector.broadcast %mul3A_31 : f32 to vector<400x64xf32>
    %mul3A_33 = arith.mulf %add3A_30, %mul3A_32 : vector<400x64xf32>
    %exp23A_34 = math.exp2 %mul3A_33 : vector<400x64xf32>
    %add3A_35 = arith.constant 1.000000e+00 : f32
    %add3A_36 = vector.broadcast %add3A_35 : f32 to vector<400x64xf32>
    %add3A_37 = arith.addf %add3A_36, %exp23A_34 : vector<400x64xf32>
    %log3A_38 = math.log %add3A_37 : vector<400x64xf32>
    %log3A_39 = arith.constant 2.000000e+00 : f32
    %log3A_40 = math.log %log3A_39 : f32
    %div3A_41 = vector.broadcast %log3A_40 : f32 to vector<400x64xf32>
    %div3A_42 = arith.divf %log3A_38, %div3A_41 : vector<400x64xf32>
    %mul3A_43 = arith.constant 0.693147182 : f32
    %mul3A_44 = vector.broadcast %mul3A_43 : f32 to vector<400x64xf32>
    %mul3A_45 = arith.mulf %div3A_42, %mul3A_44 : vector<400x64xf32>
    %swap3A = arith.constant 0 : index
    %swap3A_46 = arith.constant 0 : index
    %swap3A_47 = vector.load %arg6[%swap3A, %swap3A_46] : memref<400x64xf32, #tpu.memory_space<vmem>>, vector<400x64xf32>
    tpu.vector_store %arg6[%swap3A, %swap3A_46], %mul3A_45 {strides = array<i32>} : memref<400x64xf32, #tpu.memory_space<vmem>>, vector<400x64xf32>,
    %convert_element_type3A = arith.truncf %mul3A_45 : vector<400x64xf32> to vector<400x64xbf16>
    %swap3A_48 = arith.constant 0 : index
    %swap3A_49 = arith.constant 0 : index
    %swap3A_50 = vector.load %arg7[%swap3A_48, %swap3A_49] : memref<400x64xbf16, #tpu.memory_space<vmem>>, vector<400x64xbf16>
    tpu.vector_store %arg7[%swap3A_48, %swap3A_49], %convert_element_type3A {strides = array<i32>} : memref<400x64xbf16, #tpu.memory_space<vmem>>, vector<400x64xbf16>,
    return
  }
  func.func @transform_0(%arg0: i32) -> (i32, i32) {
    %c0_i32 = arith.constant 0 : i32
    %c0_i32_0 = arith.constant 0 : i32
    return %arg0, %c0_i32 : i32, i32
  }
  func.func @transform_1(%arg0: i32) -> (i32, i32) {
    %c0_i32 = arith.constant 0 : i32
    %c0_i32_0 = arith.constant 0 : i32
    %c0_i32_1 = arith.constant 0 : i32
    return %c0_i32, %c0_i32_0 : i32, i32
  }
  func.func @transform_2(%arg0: i32) -> (i32, i32) {
    %c0_i32 = arith.constant 0 : i32
    %c0_i32_0 = arith.constant 0 : i32
    %c0_i32_1 = arith.constant 0 : i32
    return %c0_i32, %c0_i32_0 : i32, i32
  }
  func.func @transform_3(%arg0: i32) -> (i32, i32) {
    %c0_i32 = arith.constant 0 : i32
    %c0_i32_0 = arith.constant 0 : i32
    %c0_i32_1 = arith.constant 0 : i32
    return %c0_i32, %c0_i32_0 : i32, i32
  }
  func.func @transform_4(%arg0: i32) -> (i32, i32) {
    %c0_i32 = arith.constant 0 : i32
    %c0_i32_0 = arith.constant 0 : i32
    %c0_i32_1 = arith.constant 0 : i32
    return %c0_i32, %c0_i32_0 : i32, i32
  }
  func.func @transform_5(%arg0: i32) -> (i32, i32) {
    %c0_i32 = arith.constant 0 : i32
    %c0_i32_0 = arith.constant 0 : i32
    return %arg0, %c0_i32 : i32, i32
  }
  func.func @transform_6(%arg0: i32) -> (i32, i32) {
    %c0_i32 = arith.constant 0 : i32
    %c0_i32_0 = arith.constant 0 : i32
    return %arg0, %c0_i32 : i32, i32
  }
}

module attributes {stable_mosaic.version = 14 : i64} {
  func.func @body(%arg0: i32, %arg1: memref<3200x128xbf16, #tpu.memory_space<vmem>>, %arg2: memref<41x3200xbf16, #tpu.memory_space<vmem>>, %arg3: memref<41x3200xbf16, #tpu.memory_space<vmem>>, %arg4: memref<200x64xbf16, #tpu.memory_space<vmem>>, %arg5: memref<64x128xf32, #tpu.memory_space<vmem>>, %arg6: memref<1x128xf32, #tpu.memory_space<vmem>>, %arg7: memref<128x128xf32, #tpu.memory_space<vmem>>, %arg8: memref<128x128xf32, #tpu.memory_space<vmem>>, %arg9: memref<41x128xf32, #tpu.memory_space<vmem>>, %arg10: memref<1x128xf32, #tpu.memory_space<vmem>>, %arg11: memref<1x128xf32, #tpu.memory_space<vmem>>) attributes {dimension_semantics = [#tpu.dimension_semantics<arbitrary>], iteration_bounds = array<i64: 50>, scalar_prefetch = 0 : i64, scratch_operands = 0 : i64, tpu.core_type = #tpu.core_type<tc>, window_params = [{transform_indices = @transform_0, window_bounds = array<i64: 3200, 128>}, {transform_indices = @transform_1, window_bounds = array<i64: 41, 3200>}, {transform_indices = @transform_2, window_bounds = array<i64: 41, 3200>}, {transform_indices = @transform_3, window_bounds = array<i64: 200, 64>}, {pipeline_mode = #tpu.pipeline_mode<synchronous>, transform_indices = @transform_4, window_bounds = array<i64: 64, 128>}, {pipeline_mode = #tpu.pipeline_mode<synchronous>, transform_indices = @transform_5, window_bounds = array<i64: 1, 128>}, {pipeline_mode = #tpu.pipeline_mode<synchronous>, transform_indices = @transform_6, window_bounds = array<i64: 128, 128>}, {pipeline_mode = #tpu.pipeline_mode<synchronous>, transform_indices = @transform_7, window_bounds = array<i64: 128, 128>}, {pipeline_mode = #tpu.pipeline_mode<synchronous>, transform_indices = @transform_8, window_bounds = array<i64: 41, 128>}, {pipeline_mode = #tpu.pipeline_mode<synchronous>, transform_indices = @transform_9, window_bounds = array<i64: 1, 128>}, {pipeline_mode = #tpu.pipeline_mode<synchronous>, transform_indices = @transform_10, window_bounds = array<i64: 1, 128>}]} {
    %get3A = arith.constant 0 : index
    %get3A_0 = arith.constant 0 : index
    %get3A_1 = vector.load %arg4[%get3A, %get3A_0] : memref<200x64xbf16, #tpu.memory_space<vmem>>, vector<200x64xbf16>
    %get3A_2 = arith.constant 0 : index
    %get3A_3 = arith.constant 0 : index
    %get3A_4 = vector.load %arg5[%get3A_2, %get3A_3] : memref<64x128xf32, #tpu.memory_space<vmem>>, vector<64x128xf32>
    %convert_element_type3A = arith.truncf %get3A_4 : vector<64x128xf32> to vector<64x128xbf16>
    %dot_general3A = arith.constant dense<0.000000e+00> : vector<200x128xf32>
    %dot_general3A_5 = tpu.matmul %get3A_1, %convert_element_type3A, %dot_general3A {dimension_numbers = #tpu.dot_dimension_numbers<[1], [0], [0], [1], [0, 0, 1, 1], [], []>, transpose_lhs_hint = false} : vector<200x64xbf16>, vector<64x128xbf16>, vector<200x128xf32> -> vector<200x128xf32>
    %get3A_6 = arith.constant 0 : index
    %get3A_7 = arith.constant 0 : index
    %get3A_8 = vector.load %arg6[%get3A_6, %get3A_7] : memref<1x128xf32, #tpu.memory_space<vmem>>, vector<1x128xf32>
    %add3A = vector.broadcast %get3A_8 : vector<1x128xf32> to vector<200x128xf32>
    %add3A_9 = arith.addf %dot_general3A_5, %add3A : vector<200x128xf32>
    %get3A_10 = arith.constant 0 : index
    %get3A_11 = arith.constant 0 : index
    %get3A_12 = vector.load %arg1[%get3A_10, %get3A_11] : memref<3200x128xbf16, #tpu.memory_space<vmem>>, vector<3200x128xbf16>
    %get3A_13 = arith.constant 0 : index
    %get3A_14 = arith.constant 0 : index
    %get3A_15 = vector.load %arg2[%get3A_13, %get3A_14] : memref<41x3200xbf16, #tpu.memory_space<vmem>>, vector<41x3200xbf16>
    %get3A_16 = arith.constant 0 : index
    %get3A_17 = arith.constant 0 : index
    %get3A_18 = vector.load %arg3[%get3A_16, %get3A_17] : memref<41x3200xbf16, #tpu.memory_space<vmem>>, vector<41x3200xbf16>
    %get3A_19 = arith.constant 0 : index
    %get3A_20 = arith.constant 0 : index
    %get3A_21 = vector.load %arg7[%get3A_19, %get3A_20] : memref<128x128xf32, #tpu.memory_space<vmem>>, vector<128x128xf32>
    %get3A_22 = arith.constant 0 : index
    %get3A_23 = arith.constant 0 : index
    %get3A_24 = vector.load %arg8[%get3A_22, %get3A_23] : memref<128x128xf32, #tpu.memory_space<vmem>>, vector<128x128xf32>
    %get3A_25 = arith.constant 0 : index
    %get3A_26 = arith.constant 0 : index
    %get3A_27 = vector.load %arg9[%get3A_25, %get3A_26] : memref<41x128xf32, #tpu.memory_space<vmem>>, vector<41x128xf32>
    %broadcast_in_dim3A = vector.shape_cast %add3A_9 : vector<200x128xf32> to vector<200x1x128xf32>
    %broadcast_in_dim3A_28 = vector.shape_cast %broadcast_in_dim3A : vector<200x1x128xf32> to vector<200x1x128xf32>
    %broadcast_in_dim3A_29 = vector.broadcast %broadcast_in_dim3A_28 : vector<200x1x128xf32> to vector<200x16x128xf32>
    %reshape3A = vector.shape_cast %broadcast_in_dim3A_29 : vector<200x16x128xf32> to vector<3200x128xf32>
    %convert_element_type3A_30 = arith.truncf %get3A_21 : vector<128x128xf32> to vector<128x128xbf16>
    %convert_element_type3A_31 = arith.truncf %get3A_24 : vector<128x128xf32> to vector<128x128xbf16>
    %convert_element_type3A_32 = arith.truncf %get3A_27 : vector<41x128xf32> to vector<41x128xbf16>
    %dot_general3A_33 = arith.constant dense<0.000000e+00> : vector<3200x128xf32>
    %dot_general3A_34 = tpu.matmul %get3A_15, %convert_element_type3A_32, %dot_general3A_33 {dimension_numbers = #tpu.dot_dimension_numbers<[0], [0], [1], [1], [0, 1, 1, 1], [], []>, transpose_lhs_hint = false} : vector<41x3200xbf16>, vector<41x128xbf16>, vector<3200x128xf32> -> vector<3200x128xf32>
    %dot_general3A_35 = arith.constant dense<0.000000e+00> : vector<3200x128xf32>
    %dot_general3A_36 = tpu.matmul %get3A_18, %convert_element_type3A_32, %dot_general3A_35 {dimension_numbers = #tpu.dot_dimension_numbers<[0], [0], [1], [1], [0, 1, 1, 1], [], []>, transpose_lhs_hint = false} : vector<41x3200xbf16>, vector<41x128xbf16>, vector<3200x128xf32> -> vector<3200x128xf32>
    %dot_general3A_37 = arith.constant dense<0.000000e+00> : vector<3200x128xf32>
    %dot_general3A_38 = tpu.matmul %get3A_12, %convert_element_type3A_30, %dot_general3A_37 {dimension_numbers = #tpu.dot_dimension_numbers<[1], [0], [0], [1], [0, 0, 1, 1], [], []>, transpose_lhs_hint = false} : vector<3200x128xbf16>, vector<128x128xbf16>, vector<3200x128xf32> -> vector<3200x128xf32>
    %add3A_39 = arith.addf %dot_general3A_38, %dot_general3A_34 : vector<3200x128xf32>
    %add3A_40 = arith.addf %add3A_39, %reshape3A : vector<3200x128xf32>
    %dot_general3A_41 = arith.constant dense<0.000000e+00> : vector<3200x128xf32>
    %dot_general3A_42 = tpu.matmul %get3A_12, %convert_element_type3A_31, %dot_general3A_41 {dimension_numbers = #tpu.dot_dimension_numbers<[1], [0], [0], [1], [0, 0, 1, 1], [], []>, transpose_lhs_hint = false} : vector<3200x128xbf16>, vector<128x128xbf16>, vector<3200x128xf32> -> vector<3200x128xf32>
    %add3A_43 = arith.addf %dot_general3A_42, %dot_general3A_36 : vector<3200x128xf32>
    %add3A_44 = arith.addf %add3A_43, %reshape3A : vector<3200x128xf32>
    %eq3A = arith.constant 0 : i32
    %eq3A_45 = arith.cmpi eq, %arg0, %eq3A : i32
    %convert_element_type3A_46 = arith.extui %eq3A_45 : i1 to i32
    %cond3A = arith.constant 0 : i32
    %cond3A_47 = arith.cmpi ne, %convert_element_type3A_46, %cond3A : i32
    scf.if %cond3A_47 {
      %broadcast_in_dim3A_75 = arith.constant 0.000000e+00 : f32
      %broadcast_in_dim3A_76 = vector.broadcast %broadcast_in_dim3A_75 : f32 to vector<1x128xf32>
      %swap3A_77 = arith.constant 0 : index
      %swap3A_78 = arith.constant 0 : index
      %swap3A_79 = vector.load %arg10[%swap3A_77, %swap3A_78] : memref<1x128xf32, #tpu.memory_space<vmem>>, vector<1x128xf32>
      tpu.vector_store %arg10[%swap3A_77, %swap3A_78], %broadcast_in_dim3A_76 {strides = array<i32>} : memref<1x128xf32, #tpu.memory_space<vmem>>, vector<1x128xf32>,
      %broadcast_in_dim3A_80 = arith.constant 0.000000e+00 : f32
      %broadcast_in_dim3A_81 = vector.broadcast %broadcast_in_dim3A_80 : f32 to vector<1x128xf32>
      %swap3A_82 = arith.constant 0 : index
      %swap3A_83 = arith.constant 0 : index
      %swap3A_84 = vector.load %arg11[%swap3A_82, %swap3A_83] : memref<1x128xf32, #tpu.memory_space<vmem>>, vector<1x128xf32>
      tpu.vector_store %arg11[%swap3A_82, %swap3A_83], %broadcast_in_dim3A_81 {strides = array<i32>} : memref<1x128xf32, #tpu.memory_space<vmem>>, vector<1x128xf32>,
    } else {
    }
    %get3A_48 = arith.constant 0 : index
    %get3A_49 = arith.constant 0 : index
    %get3A_50 = vector.load %arg10[%get3A_48, %get3A_49] : memref<1x128xf32, #tpu.memory_space<vmem>>, vector<1x128xf32>
    %reduce_sum3A = arith.constant dense<0.000000e+00> : vector<128xf32>
    %reduce_sum3A_51 = vector.multi_reduction <add>, %add3A_40, %reduce_sum3A [0] : vector<3200x128xf32> to vector<128xf32>
    %broadcast_in_dim3A_52 = vector.shape_cast %reduce_sum3A_51 : vector<128xf32> to vector<1x128xf32>
    %reduce_sum3A_53 = arith.constant dense<0.000000e+00> : vector<128xf32>
    %reduce_sum3A_54 = vector.multi_reduction <add>, %add3A_44, %reduce_sum3A_53 [0] : vector<3200x128xf32> to vector<128xf32>
    %broadcast_in_dim3A_55 = vector.shape_cast %reduce_sum3A_54 : vector<128xf32> to vector<1x128xf32>
    %add3A_56 = arith.addf %broadcast_in_dim3A_52, %broadcast_in_dim3A_55 : vector<1x128xf32>
    %add3A_57 = arith.addf %get3A_50, %add3A_56 : vector<1x128xf32>
    %swap3A = arith.constant 0 : index
    %swap3A_58 = arith.constant 0 : index
    %swap3A_59 = vector.load %arg10[%swap3A, %swap3A_58] : memref<1x128xf32, #tpu.memory_space<vmem>>, vector<1x128xf32>
    tpu.vector_store %arg10[%swap3A, %swap3A_58], %add3A_57 {strides = array<i32>} : memref<1x128xf32, #tpu.memory_space<vmem>>, vector<1x128xf32>,
    %get3A_60 = arith.constant 0 : index
    %get3A_61 = arith.constant 0 : index
    %get3A_62 = vector.load %arg11[%get3A_60, %get3A_61] : memref<1x128xf32, #tpu.memory_space<vmem>>, vector<1x128xf32>
    %mul3A = arith.mulf %add3A_40, %add3A_40 : vector<3200x128xf32>
    %reduce_sum3A_63 = arith.constant dense<0.000000e+00> : vector<128xf32>
    %reduce_sum3A_64 = vector.multi_reduction <add>, %mul3A, %reduce_sum3A_63 [0] : vector<3200x128xf32> to vector<128xf32>
    %broadcast_in_dim3A_65 = vector.shape_cast %reduce_sum3A_64 : vector<128xf32> to vector<1x128xf32>
    %mul3A_66 = arith.mulf %add3A_44, %add3A_44 : vector<3200x128xf32>
    %reduce_sum3A_67 = arith.constant dense<0.000000e+00> : vector<128xf32>
    %reduce_sum3A_68 = vector.multi_reduction <add>, %mul3A_66, %reduce_sum3A_67 [0] : vector<3200x128xf32> to vector<128xf32>
    %broadcast_in_dim3A_69 = vector.shape_cast %reduce_sum3A_68 : vector<128xf32> to vector<1x128xf32>
    %add3A_70 = arith.addf %broadcast_in_dim3A_65, %broadcast_in_dim3A_69 : vector<1x128xf32>
    %add3A_71 = arith.addf %get3A_62, %add3A_70 : vector<1x128xf32>
    %swap3A_72 = arith.constant 0 : index
    %swap3A_73 = arith.constant 0 : index
    %swap3A_74 = vector.load %arg11[%swap3A_72, %swap3A_73] : memref<1x128xf32, #tpu.memory_space<vmem>>, vector<1x128xf32>
    tpu.vector_store %arg11[%swap3A_72, %swap3A_73], %add3A_71 {strides = array<i32>} : memref<1x128xf32, #tpu.memory_space<vmem>>, vector<1x128xf32>,
    return
  }
  func.func @transform_0(%arg0: i32) -> (i32, i32) {
    %c0_i32 = arith.constant 0 : i32
    %c0_i32_0 = arith.constant 0 : i32
    return %arg0, %c0_i32 : i32, i32
  }
  func.func @transform_1(%arg0: i32) -> (i32, i32) {
    %c0_i32 = arith.constant 0 : i32
    %c0_i32_0 = arith.constant 0 : i32
    return %c0_i32, %arg0 : i32, i32
  }
  func.func @transform_2(%arg0: i32) -> (i32, i32) {
    %c0_i32 = arith.constant 0 : i32
    %c0_i32_0 = arith.constant 0 : i32
    return %c0_i32, %arg0 : i32, i32
  }
  func.func @transform_3(%arg0: i32) -> (i32, i32) {
    %c0_i32 = arith.constant 0 : i32
    %c0_i32_0 = arith.constant 0 : i32
    return %arg0, %c0_i32 : i32, i32
  }
  func.func @transform_4(%arg0: i32) -> (i32, i32) {
    %c0_i32 = arith.constant 0 : i32
    %c0_i32_0 = arith.constant 0 : i32
    %c0_i32_1 = arith.constant 0 : i32
    return %c0_i32, %c0_i32_0 : i32, i32
  }
  func.func @transform_5(%arg0: i32) -> (i32, i32) {
    %c0_i32 = arith.constant 0 : i32
    %c0_i32_0 = arith.constant 0 : i32
    %c0_i32_1 = arith.constant 0 : i32
    return %c0_i32, %c0_i32_0 : i32, i32
  }
  func.func @transform_6(%arg0: i32) -> (i32, i32) {
    %c0_i32 = arith.constant 0 : i32
    %c0_i32_0 = arith.constant 0 : i32
    %c0_i32_1 = arith.constant 0 : i32
    return %c0_i32, %c0_i32_0 : i32, i32
  }
  func.func @transform_7(%arg0: i32) -> (i32, i32) {
    %c0_i32 = arith.constant 0 : i32
    %c0_i32_0 = arith.constant 0 : i32
    %c0_i32_1 = arith.constant 0 : i32
    return %c0_i32, %c0_i32_0 : i32, i32
  }
  func.func @transform_8(%arg0: i32) -> (i32, i32) {
    %c0_i32 = arith.constant 0 : i32
    %c0_i32_0 = arith.constant 0 : i32
    %c0_i32_1 = arith.constant 0 : i32
    return %c0_i32, %c0_i32_0 : i32, i32
  }
  func.func @transform_9(%arg0: i32) -> (i32, i32) {
    %c0_i32 = arith.constant 0 : i32
    %c0_i32_0 = arith.constant 0 : i32
    %c0_i32_1 = arith.constant 0 : i32
    return %c0_i32, %c0_i32_0 : i32, i32
  }
  func.func @transform_10(%arg0: i32) -> (i32, i32) {
    %c0_i32 = arith.constant 0 : i32
    %c0_i32_0 = arith.constant 0 : i32
    %c0_i32_1 = arith.constant 0 : i32
    return %c0_i32, %c0_i32_0 : i32, i32
  }
}

module attributes {stable_mosaic.version = 14 : i64} {
  func.func @body(%arg0: i32, %arg1: memref<3200x128xbf16, #tpu.memory_space<vmem>>, %arg2: memref<41x3200xbf16, #tpu.memory_space<vmem>>, %arg3: memref<41x3200xbf16, #tpu.memory_space<vmem>>, %arg4: memref<200x64xbf16, #tpu.memory_space<vmem>>, %arg5: memref<64x128xf32, #tpu.memory_space<vmem>>, %arg6: memref<1x128xf32, #tpu.memory_space<vmem>>, %arg7: memref<128x128xf32, #tpu.memory_space<vmem>>, %arg8: memref<128x128xf32, #tpu.memory_space<vmem>>, %arg9: memref<41x128xf32, #tpu.memory_space<vmem>>, %arg10: memref<1x128xf32, #tpu.memory_space<vmem>>, %arg11: memref<1x128xf32, #tpu.memory_space<vmem>>, %arg12: memref<1x128xf32, #tpu.memory_space<vmem>>, %arg13: memref<1x128xf32, #tpu.memory_space<vmem>>, %arg14: memref<200x64xf32, #tpu.memory_space<vmem>>, %arg15: memref<1x64xf32, #tpu.memory_space<vmem>>, %arg16: memref<1x64xf32, #tpu.memory_space<vmem>>) attributes {dimension_semantics = [#tpu.dimension_semantics<arbitrary>], iteration_bounds = array<i64: 50>, scalar_prefetch = 0 : i64, scratch_operands = 0 : i64, tpu.core_type = #tpu.core_type<tc>, window_params = [{transform_indices = @transform_0, window_bounds = array<i64: 3200, 128>}, {transform_indices = @transform_1, window_bounds = array<i64: 41, 3200>}, {transform_indices = @transform_2, window_bounds = array<i64: 41, 3200>}, {transform_indices = @transform_3, window_bounds = array<i64: 200, 64>}, {pipeline_mode = #tpu.pipeline_mode<synchronous>, transform_indices = @transform_4, window_bounds = array<i64: 64, 128>}, {pipeline_mode = #tpu.pipeline_mode<synchronous>, transform_indices = @transform_5, window_bounds = array<i64: 1, 128>}, {pipeline_mode = #tpu.pipeline_mode<synchronous>, transform_indices = @transform_6, window_bounds = array<i64: 128, 128>}, {pipeline_mode = #tpu.pipeline_mode<synchronous>, transform_indices = @transform_7, window_bounds = array<i64: 128, 128>}, {pipeline_mode = #tpu.pipeline_mode<synchronous>, transform_indices = @transform_8, window_bounds = array<i64: 41, 128>}, {pipeline_mode = #tpu.pipeline_mode<synchronous>, transform_indices = @transform_9, window_bounds = array<i64: 1, 128>}, {pipeline_mode = #tpu.pipeline_mode<synchronous>, transform_indices = @transform_10, window_bounds = array<i64: 1, 128>}, {pipeline_mode = #tpu.pipeline_mode<synchronous>, transform_indices = @transform_11, window_bounds = array<i64: 1, 128>}, {pipeline_mode = #tpu.pipeline_mode<synchronous>, transform_indices = @transform_12, window_bounds = array<i64: 1, 128>}, {transform_indices = @transform_13, window_bounds = array<i64: 200, 64>}, {pipeline_mode = #tpu.pipeline_mode<synchronous>, transform_indices = @transform_14, window_bounds = array<i64: 1, 64>}, {pipeline_mode = #tpu.pipeline_mode<synchronous>, transform_indices = @transform_15, window_bounds = array<i64: 1, 64>}]} {
    %get3A = arith.constant 0 : index
    %get3A_0 = arith.constant 0 : index
    %get3A_1 = vector.load %arg10[%get3A, %get3A_0] : memref<1x128xf32, #tpu.memory_space<vmem>>, vector<1x128xf32>
    %mul3A = arith.constant 3.125000e-06 : f32
    %mul3A_2 = vector.broadcast %mul3A : f32 to vector<1x128xf32>
    %mul3A_3 = arith.mulf %get3A_1, %mul3A_2 : vector<1x128xf32>
    %get3A_4 = arith.constant 0 : index
    %get3A_5 = arith.constant 0 : index
    %get3A_6 = vector.load %arg11[%get3A_4, %get3A_5] : memref<1x128xf32, #tpu.memory_space<vmem>>, vector<1x128xf32>
    %mul3A_7 = arith.constant 3.125000e-06 : f32
    %mul3A_8 = vector.broadcast %mul3A_7 : f32 to vector<1x128xf32>
    %mul3A_9 = arith.mulf %get3A_6, %mul3A_8 : vector<1x128xf32>
    %mul3A_10 = arith.mulf %mul3A_3, %mul3A_3 : vector<1x128xf32>
    %sub3A = arith.subf %mul3A_9, %mul3A_10 : vector<1x128xf32>
    %get3A_11 = arith.constant 0 : index
    %get3A_12 = arith.constant 0 : index
    %get3A_13 = vector.load %arg12[%get3A_11, %get3A_12] : memref<1x128xf32, #tpu.memory_space<vmem>>, vector<1x128xf32>
    %add3A = arith.constant 9.99999974E-6 : f32
    %add3A_14 = vector.broadcast %add3A : f32 to vector<1x128xf32>
    %add3A_15 = arith.addf %sub3A, %add3A_14 : vector<1x128xf32>
    %rsqrt3A = math.rsqrt %add3A_15 : vector<1x128xf32>
    %mul3A_16 = arith.mulf %get3A_13, %rsqrt3A : vector<1x128xf32>
    %get3A_17 = arith.constant 0 : index
    %get3A_18 = arith.constant 0 : index
    %get3A_19 = vector.load %arg13[%get3A_17, %get3A_18] : memref<1x128xf32, #tpu.memory_space<vmem>>, vector<1x128xf32>
    %mul3A_20 = arith.mulf %mul3A_3, %mul3A_16 : vector<1x128xf32>
    %sub3A_21 = arith.subf %get3A_19, %mul3A_20 : vector<1x128xf32>
    %get3A_22 = arith.constant 0 : index
    %get3A_23 = arith.constant 0 : index
    %get3A_24 = vector.load %arg4[%get3A_22, %get3A_23] : memref<200x64xbf16, #tpu.memory_space<vmem>>, vector<200x64xbf16>
    %get3A_25 = arith.constant 0 : index
    %get3A_26 = arith.constant 0 : index
    %get3A_27 = vector.load %arg5[%get3A_25, %get3A_26] : memref<64x128xf32, #tpu.memory_space<vmem>>, vector<64x128xf32>
    %mul3A_28 = vector.broadcast %mul3A_16 : vector<1x128xf32> to vector<64x128xf32>
    %mul3A_29 = arith.mulf %get3A_27, %mul3A_28 : vector<64x128xf32>
    %convert_element_type3A = arith.truncf %mul3A_29 : vector<64x128xf32> to vector<64x128xbf16>
    %dot_general3A = arith.constant dense<0.000000e+00> : vector<200x128xf32>
    %dot_general3A_30 = tpu.matmul %get3A_24, %convert_element_type3A, %dot_general3A {dimension_numbers = #tpu.dot_dimension_numbers<[1], [0], [0], [1], [0, 0, 1, 1], [], []>, transpose_lhs_hint = false} : vector<200x64xbf16>, vector<64x128xbf16>, vector<200x128xf32> -> vector<200x128xf32>
    %get3A_31 = arith.constant 0 : index
    %get3A_32 = arith.constant 0 : index
    %get3A_33 = vector.load %arg6[%get3A_31, %get3A_32] : memref<1x128xf32, #tpu.memory_space<vmem>>, vector<1x128xf32>
    %mul3A_34 = arith.mulf %get3A_33, %mul3A_16 : vector<1x128xf32>
    %add3A_35 = vector.broadcast %mul3A_34 : vector<1x128xf32> to vector<200x128xf32>
    %add3A_36 = arith.addf %dot_general3A_30, %add3A_35 : vector<200x128xf32>
    %add3A_37 = vector.broadcast %sub3A_21 : vector<1x128xf32> to vector<200x128xf32>
    %add3A_38 = arith.addf %add3A_36, %add3A_37 : vector<200x128xf32>
    %get3A_39 = arith.constant 0 : index
    %get3A_40 = arith.constant 0 : index
    %get3A_41 = vector.load %arg1[%get3A_39, %get3A_40] : memref<3200x128xbf16, #tpu.memory_space<vmem>>, vector<3200x128xbf16>
    %get3A_42 = arith.constant 0 : index
    %get3A_43 = arith.constant 0 : index
    %get3A_44 = vector.load %arg2[%get3A_42, %get3A_43] : memref<41x3200xbf16, #tpu.memory_space<vmem>>, vector<41x3200xbf16>
    %get3A_45 = arith.constant 0 : index
    %get3A_46 = arith.constant 0 : index
    %get3A_47 = vector.load %arg3[%get3A_45, %get3A_46] : memref<41x3200xbf16, #tpu.memory_space<vmem>>, vector<41x3200xbf16>
    %get3A_48 = arith.constant 0 : index
    %get3A_49 = arith.constant 0 : index
    %get3A_50 = vector.load %arg7[%get3A_48, %get3A_49] : memref<128x128xf32, #tpu.memory_space<vmem>>, vector<128x128xf32>
    %mul3A_51 = vector.broadcast %mul3A_16 : vector<1x128xf32> to vector<128x128xf32>
    %mul3A_52 = arith.mulf %get3A_50, %mul3A_51 : vector<128x128xf32>
    %get3A_53 = arith.constant 0 : index
    %get3A_54 = arith.constant 0 : index
    %get3A_55 = vector.load %arg8[%get3A_53, %get3A_54] : memref<128x128xf32, #tpu.memory_space<vmem>>, vector<128x128xf32>
    %mul3A_56 = vector.broadcast %mul3A_16 : vector<1x128xf32> to vector<128x128xf32>
    %mul3A_57 = arith.mulf %get3A_55, %mul3A_56 : vector<128x128xf32>
    %get3A_58 = arith.constant 0 : index
    %get3A_59 = arith.constant 0 : index
    %get3A_60 = vector.load %arg9[%get3A_58, %get3A_59] : memref<41x128xf32, #tpu.memory_space<vmem>>, vector<41x128xf32>
    %mul3A_61 = vector.broadcast %mul3A_16 : vector<1x128xf32> to vector<41x128xf32>
    %mul3A_62 = arith.mulf %get3A_60, %mul3A_61 : vector<41x128xf32>
    %broadcast_in_dim3A = vector.shape_cast %add3A_38 : vector<200x128xf32> to vector<200x1x128xf32>
    %broadcast_in_dim3A_63 = vector.shape_cast %broadcast_in_dim3A : vector<200x1x128xf32> to vector<200x1x128xf32>
    %broadcast_in_dim3A_64 = vector.broadcast %broadcast_in_dim3A_63 : vector<200x1x128xf32> to vector<200x16x128xf32>
    %reshape3A = vector.shape_cast %broadcast_in_dim3A_64 : vector<200x16x128xf32> to vector<3200x128xf32>
    %convert_element_type3A_65 = arith.truncf %mul3A_52 : vector<128x128xf32> to vector<128x128xbf16>
    %convert_element_type3A_66 = arith.truncf %mul3A_57 : vector<128x128xf32> to vector<128x128xbf16>
    %convert_element_type3A_67 = arith.truncf %mul3A_62 : vector<41x128xf32> to vector<41x128xbf16>
    %dot_general3A_68 = arith.constant dense<0.000000e+00> : vector<3200x128xf32>
    %dot_general3A_69 = tpu.matmul %get3A_44, %convert_element_type3A_67, %dot_general3A_68 {dimension_numbers = #tpu.dot_dimension_numbers<[0], [0], [1], [1], [0, 1, 1, 1], [], []>, transpose_lhs_hint = false} : vector<41x3200xbf16>, vector<41x128xbf16>, vector<3200x128xf32> -> vector<3200x128xf32>
    %dot_general3A_70 = arith.constant dense<0.000000e+00> : vector<3200x128xf32>
    %dot_general3A_71 = tpu.matmul %get3A_47, %convert_element_type3A_67, %dot_general3A_70 {dimension_numbers = #tpu.dot_dimension_numbers<[0], [0], [1], [1], [0, 1, 1, 1], [], []>, transpose_lhs_hint = false} : vector<41x3200xbf16>, vector<41x128xbf16>, vector<3200x128xf32> -> vector<3200x128xf32>
    %dot_general3A_72 = arith.constant dense<0.000000e+00> : vector<3200x128xf32>
    %dot_general3A_73 = tpu.matmul %get3A_41, %convert_element_type3A_65, %dot_general3A_72 {dimension_numbers = #tpu.dot_dimension_numbers<[1], [0], [0], [1], [0, 0, 1, 1], [], []>, transpose_lhs_hint = false} : vector<3200x128xbf16>, vector<128x128xbf16>, vector<3200x128xf32> -> vector<3200x128xf32>
    %add3A_74 = arith.addf %dot_general3A_73, %dot_general3A_69 : vector<3200x128xf32>
    %add3A_75 = arith.addf %add3A_74, %reshape3A : vector<3200x128xf32>
    %dot_general3A_76 = arith.constant dense<0.000000e+00> : vector<3200x128xf32>
    %dot_general3A_77 = tpu.matmul %get3A_41, %convert_element_type3A_66, %dot_general3A_76 {dimension_numbers = #tpu.dot_dimension_numbers<[1], [0], [0], [1], [0, 0, 1, 1], [], []>, transpose_lhs_hint = false} : vector<3200x128xbf16>, vector<128x128xbf16>, vector<3200x128xf32> -> vector<3200x128xf32>
    %add3A_78 = arith.addf %dot_general3A_77, %dot_general3A_71 : vector<3200x128xf32>
    %add3A_79 = arith.addf %add3A_78, %reshape3A : vector<3200x128xf32>
    %slice3A = vector.extract_strided_slice %add3A_75 {offsets = [0, 0], sizes = [3200, 64], strides = [1, 1]} : vector<3200x128xf32> to vector<3200x64xf32>
    %neg3A = arith.constant 0.000000e+00 : f32
    %neg3A_80 = vector.broadcast %neg3A : f32 to vector<3200x64xf32>
    %neg3A_81 = arith.subf %neg3A_80, %slice3A : vector<3200x64xf32>
    %mul3A_82 = arith.constant 1.44269502 : f32
    %mul3A_83 = vector.broadcast %mul3A_82 : f32 to vector<3200x64xf32>
    %mul3A_84 = arith.mulf %neg3A_81, %mul3A_83 : vector<3200x64xf32>
    %exp23A = math.exp2 %mul3A_84 : vector<3200x64xf32>
    %add3A_85 = arith.constant 1.000000e+00 : f32
    %add3A_86 = vector.broadcast %add3A_85 : f32 to vector<3200x64xf32>
    %add3A_87 = arith.addf %add3A_86, %exp23A : vector<3200x64xf32>
    %div3A = arith.constant 1.000000e+00 : f32
    %div3A_88 = vector.broadcast %div3A : f32 to vector<3200x64xf32>
    %div3A_89 = arith.divf %div3A_88, %add3A_87 : vector<3200x64xf32>
    %slice3A_90 = vector.extract_strided_slice %add3A_75 {offsets = [0, 64], sizes = [3200, 64], strides = [1, 1]} : vector<3200x128xf32> to vector<3200x64xf32>
    %mul3A_91 = arith.constant 1.44269502 : f32
    %mul3A_92 = vector.broadcast %mul3A_91 : f32 to vector<3200x64xf32>
    %mul3A_93 = arith.mulf %slice3A_90, %mul3A_92 : vector<3200x64xf32>
    %exp23A_94 = math.exp2 %mul3A_93 : vector<3200x64xf32>
    %add3A_95 = arith.constant 1.000000e+00 : f32
    %add3A_96 = vector.broadcast %add3A_95 : f32 to vector<3200x64xf32>
    %add3A_97 = arith.addf %add3A_96, %exp23A_94 : vector<3200x64xf32>
    %log3A = math.log %add3A_97 : vector<3200x64xf32>
    %log3A_98 = arith.constant 2.000000e+00 : f32
    %log3A_99 = math.log %log3A_98 : f32
    %div3A_100 = vector.broadcast %log3A_99 : f32 to vector<3200x64xf32>
    %div3A_101 = arith.divf %log3A, %div3A_100 : vector<3200x64xf32>
    %mul3A_102 = arith.constant 0.693147182 : f32
    %mul3A_103 = vector.broadcast %mul3A_102 : f32 to vector<3200x64xf32>
    %mul3A_104 = arith.mulf %div3A_101, %mul3A_103 : vector<3200x64xf32>
    %mul3A_105 = arith.mulf %div3A_89, %mul3A_104 : vector<3200x64xf32>
    %slice3A_106 = vector.extract_strided_slice %add3A_79 {offsets = [0, 0], sizes = [3200, 64], strides = [1, 1]} : vector<3200x128xf32> to vector<3200x64xf32>
    %neg3A_107 = arith.constant 0.000000e+00 : f32
    %neg3A_108 = vector.broadcast %neg3A_107 : f32 to vector<3200x64xf32>
    %neg3A_109 = arith.subf %neg3A_108, %slice3A_106 : vector<3200x64xf32>
    %mul3A_110 = arith.constant 1.44269502 : f32
    %mul3A_111 = vector.broadcast %mul3A_110 : f32 to vector<3200x64xf32>
    %mul3A_112 = arith.mulf %neg3A_109, %mul3A_111 : vector<3200x64xf32>
    %exp23A_113 = math.exp2 %mul3A_112 : vector<3200x64xf32>
    %add3A_114 = arith.constant 1.000000e+00 : f32
    %add3A_115 = vector.broadcast %add3A_114 : f32 to vector<3200x64xf32>
    %add3A_116 = arith.addf %add3A_115, %exp23A_113 : vector<3200x64xf32>
    %div3A_117 = arith.constant 1.000000e+00 : f32
    %div3A_118 = vector.broadcast %div3A_117 : f32 to vector<3200x64xf32>
    %div3A_119 = arith.divf %div3A_118, %add3A_116 : vector<3200x64xf32>
    %slice3A_120 = vector.extract_strided_slice %add3A_79 {offsets = [0, 64], sizes = [3200, 64], strides = [1, 1]} : vector<3200x128xf32> to vector<3200x64xf32>
    %mul3A_121 = arith.constant 1.44269502 : f32
    %mul3A_122 = vector.broadcast %mul3A_121 : f32 to vector<3200x64xf32>
    %mul3A_123 = arith.mulf %slice3A_120, %mul3A_122 : vector<3200x64xf32>
    %exp23A_124 = math.exp2 %mul3A_123 : vector<3200x64xf32>
    %add3A_125 = arith.constant 1.000000e+00 : f32
    %add3A_126 = vector.broadcast %add3A_125 : f32 to vector<3200x64xf32>
    %add3A_127 = arith.addf %add3A_126, %exp23A_124 : vector<3200x64xf32>
    %log3A_128 = math.log %add3A_127 : vector<3200x64xf32>
    %log3A_129 = arith.constant 2.000000e+00 : f32
    %log3A_130 = math.log %log3A_129 : f32
    %div3A_131 = vector.broadcast %log3A_130 : f32 to vector<3200x64xf32>
    %div3A_132 = arith.divf %log3A_128, %div3A_131 : vector<3200x64xf32>
    %mul3A_133 = arith.constant 0.693147182 : f32
    %mul3A_134 = vector.broadcast %mul3A_133 : f32 to vector<3200x64xf32>
    %mul3A_135 = arith.mulf %div3A_132, %mul3A_134 : vector<3200x64xf32>
    %mul3A_136 = arith.mulf %div3A_119, %mul3A_135 : vector<3200x64xf32>
    %reshape3A_137 = vector.shape_cast %mul3A_105 : vector<3200x64xf32> to vector<200x16x64xf32>
    %reduce_sum3A = arith.constant dense<0.000000e+00> : vector<200x64xf32>
    %reduce_sum3A_138 = vector.multi_reduction <add>, %reshape3A_137, %reduce_sum3A [1] : vector<200x16x64xf32> to vector<200x64xf32>
    %reshape3A_139 = vector.shape_cast %mul3A_136 : vector<3200x64xf32> to vector<200x16x64xf32>
    %reduce_sum3A_140 = arith.constant dense<0.000000e+00> : vector<200x64xf32>
    %reduce_sum3A_141 = vector.multi_reduction <add>, %reshape3A_139, %reduce_sum3A_140 [1] : vector<200x16x64xf32> to vector<200x64xf32>
    %add3A_142 = arith.addf %reduce_sum3A_138, %reduce_sum3A_141 : vector<200x64xf32>
    %swap3A = arith.constant 0 : index
    %swap3A_143 = arith.constant 0 : index
    %swap3A_144 = vector.load %arg14[%swap3A, %swap3A_143] : memref<200x64xf32, #tpu.memory_space<vmem>>, vector<200x64xf32>
    tpu.vector_store %arg14[%swap3A, %swap3A_143], %add3A_142 {strides = array<i32>} : memref<200x64xf32, #tpu.memory_space<vmem>>, vector<200x64xf32>,
    %eq3A = arith.constant 0 : i32
    %eq3A_145 = arith.cmpi eq, %arg0, %eq3A : i32
    %convert_element_type3A_146 = arith.extui %eq3A_145 : i1 to i32
    %cond3A = arith.constant 0 : i32
    %cond3A_147 = arith.cmpi ne, %convert_element_type3A_146, %cond3A : i32
    scf.if %cond3A_147 {
      %broadcast_in_dim3A_169 = arith.constant 0.000000e+00 : f32
      %broadcast_in_dim3A_170 = vector.broadcast %broadcast_in_dim3A_169 : f32 to vector<1x64xf32>
      %swap3A_171 = arith.constant 0 : index
      %swap3A_172 = arith.constant 0 : index
      %swap3A_173 = vector.load %arg15[%swap3A_171, %swap3A_172] : memref<1x64xf32, #tpu.memory_space<vmem>>, vector<1x64xf32>
      tpu.vector_store %arg15[%swap3A_171, %swap3A_172], %broadcast_in_dim3A_170 {strides = array<i32>} : memref<1x64xf32, #tpu.memory_space<vmem>>, vector<1x64xf32>,
      %broadcast_in_dim3A_174 = arith.constant 0.000000e+00 : f32
      %broadcast_in_dim3A_175 = vector.broadcast %broadcast_in_dim3A_174 : f32 to vector<1x64xf32>
      %swap3A_176 = arith.constant 0 : index
      %swap3A_177 = arith.constant 0 : index
      %swap3A_178 = vector.load %arg16[%swap3A_176, %swap3A_177] : memref<1x64xf32, #tpu.memory_space<vmem>>, vector<1x64xf32>
      tpu.vector_store %arg16[%swap3A_176, %swap3A_177], %broadcast_in_dim3A_175 {strides = array<i32>} : memref<1x64xf32, #tpu.memory_space<vmem>>, vector<1x64xf32>,
    } else {
    }
    %get3A_148 = arith.constant 0 : index
    %get3A_149 = arith.constant 0 : index
    %get3A_150 = vector.load %arg15[%get3A_148, %get3A_149] : memref<1x64xf32, #tpu.memory_space<vmem>>, vector<1x64xf32>
    %reduce_sum3A_151 = arith.constant dense<0.000000e+00> : vector<64xf32>
    %reduce_sum3A_152 = vector.multi_reduction <add>, %add3A_142, %reduce_sum3A_151 [0] : vector<200x64xf32> to vector<64xf32>
    %broadcast_in_dim3A_153 = vector.shape_cast %reduce_sum3A_152 : vector<64xf32> to vector<1x64xf32>
    %add3A_154 = arith.addf %get3A_150, %broadcast_in_dim3A_153 : vector<1x64xf32>
    %swap3A_155 = arith.constant 0 : index
    %swap3A_156 = arith.constant 0 : index
    %swap3A_157 = vector.load %arg15[%swap3A_155, %swap3A_156] : memref<1x64xf32, #tpu.memory_space<vmem>>, vector<1x64xf32>
    tpu.vector_store %arg15[%swap3A_155, %swap3A_156], %add3A_154 {strides = array<i32>} : memref<1x64xf32, #tpu.memory_space<vmem>>, vector<1x64xf32>,
    %get3A_158 = arith.constant 0 : index
    %get3A_159 = arith.constant 0 : index
    %get3A_160 = vector.load %arg16[%get3A_158, %get3A_159] : memref<1x64xf32, #tpu.memory_space<vmem>>, vector<1x64xf32>
    %mul3A_161 = arith.mulf %add3A_142, %add3A_142 : vector<200x64xf32>
    %reduce_sum3A_162 = arith.constant dense<0.000000e+00> : vector<64xf32>
    %reduce_sum3A_163 = vector.multi_reduction <add>, %mul3A_161, %reduce_sum3A_162 [0] : vector<200x64xf32> to vector<64xf32>
    %broadcast_in_dim3A_164 = vector.shape_cast %reduce_sum3A_163 : vector<64xf32> to vector<1x64xf32>
    %add3A_165 = arith.addf %get3A_160, %broadcast_in_dim3A_164 : vector<1x64xf32>
    %swap3A_166 = arith.constant 0 : index
    %swap3A_167 = arith.constant 0 : index
    %swap3A_168 = vector.load %arg16[%swap3A_166, %swap3A_167] : memref<1x64xf32, #tpu.memory_space<vmem>>, vector<1x64xf32>
    tpu.vector_store %arg16[%swap3A_166, %swap3A_167], %add3A_165 {strides = array<i32>} : memref<1x64xf32, #tpu.memory_space<vmem>>, vector<1x64xf32>,
    return
  }
  func.func @transform_0(%arg0: i32) -> (i32, i32) {
    %c0_i32 = arith.constant 0 : i32
    %c0_i32_0 = arith.constant 0 : i32
    return %arg0, %c0_i32 : i32, i32
  }
  func.func @transform_1(%arg0: i32) -> (i32, i32) {
    %c0_i32 = arith.constant 0 : i32
    %c0_i32_0 = arith.constant 0 : i32
    return %c0_i32, %arg0 : i32, i32
  }
  func.func @transform_2(%arg0: i32) -> (i32, i32) {
    %c0_i32 = arith.constant 0 : i32
    %c0_i32_0 = arith.constant 0 : i32
    return %c0_i32, %arg0 : i32, i32
  }
  func.func @transform_3(%arg0: i32) -> (i32, i32) {
    %c0_i32 = arith.constant 0 : i32
    %c0_i32_0 = arith.constant 0 : i32
    return %arg0, %c0_i32 : i32, i32
  }
  func.func @transform_4(%arg0: i32) -> (i32, i32) {
    %c0_i32 = arith.constant 0 : i32
    %c0_i32_0 = arith.constant 0 : i32
    %c0_i32_1 = arith.constant 0 : i32
    return %c0_i32, %c0_i32_0 : i32, i32
  }
  func.func @transform_5(%arg0: i32) -> (i32, i32) {
    %c0_i32 = arith.constant 0 : i32
    %c0_i32_0 = arith.constant 0 : i32
    %c0_i32_1 = arith.constant 0 : i32
    return %c0_i32, %c0_i32_0 : i32, i32
  }
  func.func @transform_6(%arg0: i32) -> (i32, i32) {
    %c0_i32 = arith.constant 0 : i32
    %c0_i32_0 = arith.constant 0 : i32
    %c0_i32_1 = arith.constant 0 : i32
    return %c0_i32, %c0_i32_0 : i32, i32
  }
  func.func @transform_7(%arg0: i32) -> (i32, i32) {
    %c0_i32 = arith.constant 0 : i32
    %c0_i32_0 = arith.constant 0 : i32
    %c0_i32_1 = arith.constant 0 : i32
    return %c0_i32, %c0_i32_0 : i32, i32
  }
  func.func @transform_8(%arg0: i32) -> (i32, i32) {
    %c0_i32 = arith.constant 0 : i32
    %c0_i32_0 = arith.constant 0 : i32
    %c0_i32_1 = arith.constant 0 : i32
    return %c0_i32, %c0_i32_0 : i32, i32
  }
  func.func @transform_9(%arg0: i32) -> (i32, i32) {
    %c0_i32 = arith.constant 0 : i32
    %c0_i32_0 = arith.constant 0 : i32
    %c0_i32_1 = arith.constant 0 : i32
    return %c0_i32, %c0_i32_0 : i32, i32
  }
  func.func @transform_10(%arg0: i32) -> (i32, i32) {
    %c0_i32 = arith.constant 0 : i32
    %c0_i32_0 = arith.constant 0 : i32
    %c0_i32_1 = arith.constant 0 : i32
    return %c0_i32, %c0_i32_0 : i32, i32
  }
  func.func @transform_11(%arg0: i32) -> (i32, i32) {
    %c0_i32 = arith.constant 0 : i32
    %c0_i32_0 = arith.constant 0 : i32
    %c0_i32_1 = arith.constant 0 : i32
    return %c0_i32, %c0_i32_0 : i32, i32
  }
  func.func @transform_12(%arg0: i32) -> (i32, i32) {
    %c0_i32 = arith.constant 0 : i32
    %c0_i32_0 = arith.constant 0 : i32
    %c0_i32_1 = arith.constant 0 : i32
    return %c0_i32, %c0_i32_0 : i32, i32
  }
  func.func @transform_13(%arg0: i32) -> (i32, i32) {
    %c0_i32 = arith.constant 0 : i32
    %c0_i32_0 = arith.constant 0 : i32
    return %arg0, %c0_i32 : i32, i32
  }
  func.func @transform_14(%arg0: i32) -> (i32, i32) {
    %c0_i32 = arith.constant 0 : i32
    %c0_i32_0 = arith.constant 0 : i32
    %c0_i32_1 = arith.constant 0 : i32
    return %c0_i32, %c0_i32_0 : i32, i32
  }
  func.func @transform_15(%arg0: i32) -> (i32, i32) {
    %c0_i32 = arith.constant 0 : i32
    %c0_i32_0 = arith.constant 0 : i32
    %c0_i32_1 = arith.constant 0 : i32
    return %c0_i32, %c0_i32_0 : i32, i32
  }
}

module attributes {stable_mosaic.version = 14 : i64} {
  func.func @body(%arg0: memref<10000x64xf32, #tpu.memory_space<vmem>>, %arg1: memref<10000x64xf32, #tpu.memory_space<vmem>>, %arg2: memref<1x64xf32, #tpu.memory_space<vmem>>, %arg3: memref<1x64xf32, #tpu.memory_space<vmem>>, %arg4: memref<1x64xf32, #tpu.memory_space<vmem>>, %arg5: memref<1x64xf32, #tpu.memory_space<vmem>>, %arg6: memref<10000x64xf32, #tpu.memory_space<vmem>>, %arg7: memref<10000x64xbf16, #tpu.memory_space<vmem>>) attributes {dimension_semantics = [], scalar_prefetch = 0 : i64, scratch_operands = 0 : i64, tpu.core_type = #tpu.core_type<tc>} {
    %get3A = arith.constant 0 : index
    %get3A_0 = arith.constant 0 : index
    %get3A_1 = vector.load %arg2[%get3A, %get3A_0] : memref<1x64xf32, #tpu.memory_space<vmem>>, vector<1x64xf32>
    %mul3A = arith.constant 9.99999974E-5 : f32
    %mul3A_2 = vector.broadcast %mul3A : f32 to vector<1x64xf32>
    %mul3A_3 = arith.mulf %get3A_1, %mul3A_2 : vector<1x64xf32>
    %get3A_4 = arith.constant 0 : index
    %get3A_5 = arith.constant 0 : index
    %get3A_6 = vector.load %arg3[%get3A_4, %get3A_5] : memref<1x64xf32, #tpu.memory_space<vmem>>, vector<1x64xf32>
    %mul3A_7 = arith.constant 9.99999974E-5 : f32
    %mul3A_8 = vector.broadcast %mul3A_7 : f32 to vector<1x64xf32>
    %mul3A_9 = arith.mulf %get3A_6, %mul3A_8 : vector<1x64xf32>
    %mul3A_10 = arith.mulf %mul3A_3, %mul3A_3 : vector<1x64xf32>
    %sub3A = arith.subf %mul3A_9, %mul3A_10 : vector<1x64xf32>
    %get3A_11 = arith.constant 0 : index
    %get3A_12 = arith.constant 0 : index
    %get3A_13 = vector.load %arg4[%get3A_11, %get3A_12] : memref<1x64xf32, #tpu.memory_space<vmem>>, vector<1x64xf32>
    %add3A = arith.constant 9.99999974E-6 : f32
    %add3A_14 = vector.broadcast %add3A : f32 to vector<1x64xf32>
    %add3A_15 = arith.addf %sub3A, %add3A_14 : vector<1x64xf32>
    %rsqrt3A = math.rsqrt %add3A_15 : vector<1x64xf32>
    %mul3A_16 = arith.mulf %get3A_13, %rsqrt3A : vector<1x64xf32>
    %get3A_17 = arith.constant 0 : index
    %get3A_18 = arith.constant 0 : index
    %get3A_19 = vector.load %arg5[%get3A_17, %get3A_18] : memref<1x64xf32, #tpu.memory_space<vmem>>, vector<1x64xf32>
    %mul3A_20 = arith.mulf %mul3A_3, %mul3A_16 : vector<1x64xf32>
    %sub3A_21 = arith.subf %get3A_19, %mul3A_20 : vector<1x64xf32>
    %get3A_22 = arith.constant 0 : index
    %get3A_23 = arith.constant 0 : index
    %get3A_24 = vector.load %arg0[%get3A_22, %get3A_23] : memref<10000x64xf32, #tpu.memory_space<vmem>>, vector<10000x64xf32>
    %get3A_25 = arith.constant 0 : index
    %get3A_26 = arith.constant 0 : index
    %get3A_27 = vector.load %arg1[%get3A_25, %get3A_26] : memref<10000x64xf32, #tpu.memory_space<vmem>>, vector<10000x64xf32>
    %mul3A_28 = vector.broadcast %mul3A_16 : vector<1x64xf32> to vector<10000x64xf32>
    %mul3A_29 = arith.mulf %get3A_27, %mul3A_28 : vector<10000x64xf32>
    %add3A_30 = arith.addf %get3A_24, %mul3A_29 : vector<10000x64xf32>
    %add3A_31 = vector.broadcast %sub3A_21 : vector<1x64xf32> to vector<10000x64xf32>
    %add3A_32 = arith.addf %add3A_30, %add3A_31 : vector<10000x64xf32>
    %mul3A_33 = arith.constant 1.44269502 : f32
    %mul3A_34 = vector.broadcast %mul3A_33 : f32 to vector<10000x64xf32>
    %mul3A_35 = arith.mulf %add3A_32, %mul3A_34 : vector<10000x64xf32>
    %exp23A = math.exp2 %mul3A_35 : vector<10000x64xf32>
    %add3A_36 = arith.constant 1.000000e+00 : f32
    %add3A_37 = vector.broadcast %add3A_36 : f32 to vector<10000x64xf32>
    %add3A_38 = arith.addf %add3A_37, %exp23A : vector<10000x64xf32>
    %log3A = math.log %add3A_38 : vector<10000x64xf32>
    %log3A_39 = arith.constant 2.000000e+00 : f32
    %log3A_40 = math.log %log3A_39 : f32
    %div3A = vector.broadcast %log3A_40 : f32 to vector<10000x64xf32>
    %div3A_41 = arith.divf %log3A, %div3A : vector<10000x64xf32>
    %mul3A_42 = arith.constant 0.693147182 : f32
    %mul3A_43 = vector.broadcast %mul3A_42 : f32 to vector<10000x64xf32>
    %mul3A_44 = arith.mulf %div3A_41, %mul3A_43 : vector<10000x64xf32>
    %swap3A = arith.constant 0 : index
    %swap3A_45 = arith.constant 0 : index
    %swap3A_46 = vector.load %arg6[%swap3A, %swap3A_45] : memref<10000x64xf32, #tpu.memory_space<vmem>>, vector<10000x64xf32>
    tpu.vector_store %arg6[%swap3A, %swap3A_45], %mul3A_44 {strides = array<i32>} : memref<10000x64xf32, #tpu.memory_space<vmem>>, vector<10000x64xf32>,
    %convert_element_type3A = arith.truncf %mul3A_44 : vector<10000x64xf32> to vector<10000x64xbf16>
    %swap3A_47 = arith.constant 0 : index
    %swap3A_48 = arith.constant 0 : index
    %swap3A_49 = vector.load %arg7[%swap3A_47, %swap3A_48] : memref<10000x64xbf16, #tpu.memory_space<vmem>>, vector<10000x64xbf16>
    tpu.vector_store %arg7[%swap3A_47, %swap3A_48], %convert_element_type3A {strides = array<i32>} : memref<10000x64xbf16, #tpu.memory_space<vmem>>, vector<10000x64xbf16>,
    return
  }
}

module attributes {stable_mosaic.version = 14 : i64} {
  func.func @body(%arg0: memref<10000x64xf32, #tpu.memory_space<vmem>>, %arg1: memref<10000x64xf32, #tpu.memory_space<vmem>>, %arg2: memref<1x64xf32, #tpu.memory_space<vmem>>, %arg3: memref<1x64xf32, #tpu.memory_space<vmem>>, %arg4: memref<1x64xf32, #tpu.memory_space<vmem>>, %arg5: memref<1x64xf32, #tpu.memory_space<vmem>>, %arg6: memref<10000x64xf32, #tpu.memory_space<vmem>>, %arg7: memref<10000x64xbf16, #tpu.memory_space<vmem>>) attributes {dimension_semantics = [], scalar_prefetch = 0 : i64, scratch_operands = 0 : i64, tpu.core_type = #tpu.core_type<tc>} {
    %get3A = arith.constant 0 : index
    %get3A_0 = arith.constant 0 : index
    %get3A_1 = vector.load %arg2[%get3A, %get3A_0] : memref<1x64xf32, #tpu.memory_space<vmem>>, vector<1x64xf32>
    %mul3A = arith.constant 9.99999974E-5 : f32
    %mul3A_2 = vector.broadcast %mul3A : f32 to vector<1x64xf32>
    %mul3A_3 = arith.mulf %get3A_1, %mul3A_2 : vector<1x64xf32>
    %get3A_4 = arith.constant 0 : index
    %get3A_5 = arith.constant 0 : index
    %get3A_6 = vector.load %arg3[%get3A_4, %get3A_5] : memref<1x64xf32, #tpu.memory_space<vmem>>, vector<1x64xf32>
    %mul3A_7 = arith.constant 9.99999974E-5 : f32
    %mul3A_8 = vector.broadcast %mul3A_7 : f32 to vector<1x64xf32>
    %mul3A_9 = arith.mulf %get3A_6, %mul3A_8 : vector<1x64xf32>
    %mul3A_10 = arith.mulf %mul3A_3, %mul3A_3 : vector<1x64xf32>
    %sub3A = arith.subf %mul3A_9, %mul3A_10 : vector<1x64xf32>
    %get3A_11 = arith.constant 0 : index
    %get3A_12 = arith.constant 0 : index
    %get3A_13 = vector.load %arg4[%get3A_11, %get3A_12] : memref<1x64xf32, #tpu.memory_space<vmem>>, vector<1x64xf32>
    %add3A = arith.constant 9.99999974E-6 : f32
    %add3A_14 = vector.broadcast %add3A : f32 to vector<1x64xf32>
    %add3A_15 = arith.addf %sub3A, %add3A_14 : vector<1x64xf32>
    %rsqrt3A = math.rsqrt %add3A_15 : vector<1x64xf32>
    %mul3A_16 = arith.mulf %get3A_13, %rsqrt3A : vector<1x64xf32>
    %get3A_17 = arith.constant 0 : index
    %get3A_18 = arith.constant 0 : index
    %get3A_19 = vector.load %arg5[%get3A_17, %get3A_18] : memref<1x64xf32, #tpu.memory_space<vmem>>, vector<1x64xf32>
    %mul3A_20 = arith.mulf %mul3A_3, %mul3A_16 : vector<1x64xf32>
    %sub3A_21 = arith.subf %get3A_19, %mul3A_20 : vector<1x64xf32>
    %get3A_22 = arith.constant 0 : index
    %get3A_23 = arith.constant 0 : index
    %get3A_24 = vector.load %arg0[%get3A_22, %get3A_23] : memref<10000x64xf32, #tpu.memory_space<vmem>>, vector<10000x64xf32>
    %get3A_25 = arith.constant 0 : index
    %get3A_26 = arith.constant 0 : index
    %get3A_27 = vector.load %arg1[%get3A_25, %get3A_26] : memref<10000x64xf32, #tpu.memory_space<vmem>>, vector<10000x64xf32>
    %mul3A_28 = vector.broadcast %mul3A_16 : vector<1x64xf32> to vector<10000x64xf32>
    %mul3A_29 = arith.mulf %get3A_27, %mul3A_28 : vector<10000x64xf32>
    %add3A_30 = arith.addf %get3A_24, %mul3A_29 : vector<10000x64xf32>
    %add3A_31 = vector.broadcast %sub3A_21 : vector<1x64xf32> to vector<10000x64xf32>
    %add3A_32 = arith.addf %add3A_30, %add3A_31 : vector<10000x64xf32>
    %mul3A_33 = arith.constant 1.44269502 : f32
    %mul3A_34 = vector.broadcast %mul3A_33 : f32 to vector<10000x64xf32>
    %mul3A_35 = arith.mulf %add3A_32, %mul3A_34 : vector<10000x64xf32>
    %exp23A = math.exp2 %mul3A_35 : vector<10000x64xf32>
    %add3A_36 = arith.constant 1.000000e+00 : f32
    %add3A_37 = vector.broadcast %add3A_36 : f32 to vector<10000x64xf32>
    %add3A_38 = arith.addf %add3A_37, %exp23A : vector<10000x64xf32>
    %log3A = math.log %add3A_38 : vector<10000x64xf32>
    %log3A_39 = arith.constant 2.000000e+00 : f32
    %log3A_40 = math.log %log3A_39 : f32
    %div3A = vector.broadcast %log3A_40 : f32 to vector<10000x64xf32>
    %div3A_41 = arith.divf %log3A, %div3A : vector<10000x64xf32>
    %mul3A_42 = arith.constant 0.693147182 : f32
    %mul3A_43 = vector.broadcast %mul3A_42 : f32 to vector<10000x64xf32>
    %mul3A_44 = arith.mulf %div3A_41, %mul3A_43 : vector<10000x64xf32>
    %swap3A = arith.constant 0 : index
    %swap3A_45 = arith.constant 0 : index
    %swap3A_46 = vector.load %arg6[%swap3A, %swap3A_45] : memref<10000x64xf32, #tpu.memory_space<vmem>>, vector<10000x64xf32>
    tpu.vector_store %arg6[%swap3A, %swap3A_45], %mul3A_44 {strides = array<i32>} : memref<10000x64xf32, #tpu.memory_space<vmem>>, vector<10000x64xf32>,
    %convert_element_type3A = arith.truncf %mul3A_44 : vector<10000x64xf32> to vector<10000x64xbf16>
    %swap3A_47 = arith.constant 0 : index
    %swap3A_48 = arith.constant 0 : index
    %swap3A_49 = vector.load %arg7[%swap3A_47, %swap3A_48] : memref<10000x64xbf16, #tpu.memory_space<vmem>>, vector<10000x64xbf16>
    tpu.vector_store %arg7[%swap3A_47, %swap3A_48], %convert_element_type3A {strides = array<i32>} : memref<10000x64xbf16, #tpu.memory_space<vmem>>, vector<10000x64xbf16>,
    return
  }
}

module attributes {stable_mosaic.version = 14 : i64} {
  func.func @body(%arg0: memref<10240x64xf32, #tpu.memory_space<vmem>>, %arg1: memref<5x64x128xf32, #tpu.memory_space<vmem>>, %arg2: memref<5x128xf32, #tpu.memory_space<vmem>>, %arg3: memref<5x128xf32, #tpu.memory_space<vmem>>, %arg4: memref<1x5xf32, #tpu.memory_space<vmem>>, %arg5: memref<100x5xf32, #tpu.memory_space<vmem>>) attributes {dimension_semantics = [], scalar_prefetch = 0 : i64, scratch_operands = 0 : i64, tpu.core_type = #tpu.core_type<tc>} {
    %get3A = arith.constant 0 : index
    %get3A_0 = arith.constant 0 : index
    %get3A_1 = vector.load %arg0[%get3A, %get3A_0] : memref<10240x64xf32, #tpu.memory_space<vmem>>, vector<10240x64xf32>
    %slice3A = vector.extract_strided_slice %get3A_1 {offsets = [0, 0], sizes = [10000, 64], strides = [1, 1]} : vector<10240x64xf32> to vector<10000x64xf32>
    %reshape3A = vector.shape_cast %slice3A : vector<10000x64xf32> to vector<100x100x64xf32>
    %reduce_sum3A = arith.constant dense<0.000000e+00> : vector<100x64xf32>
    %reduce_sum3A_2 = vector.multi_reduction <add>, %reshape3A, %reduce_sum3A [1] : vector<100x100x64xf32> to vector<100x64xf32>
    %div3A = arith.constant 1.000000e+02 : f32
    %div3A_3 = vector.broadcast %div3A : f32 to vector<100x64xf32>
    %div3A_4 = arith.divf %reduce_sum3A_2, %div3A_3 : vector<100x64xf32>
    %get3A_5 = arith.constant 0 : index
    %get3A_6 = arith.constant 0 : index
    %get3A_7 = arith.constant 0 : index
    %get3A_8 = vector.load %arg1[%get3A_5, %get3A_6, %get3A_7] : memref<5x64x128xf32, #tpu.memory_space<vmem>>, vector<1x64x128xf32>
    %get3A_9 = vector.shape_cast %get3A_8 : vector<1x64x128xf32> to vector<64x128xf32>
    %dot_general3A = arith.constant dense<0.000000e+00> : vector<100x128xf32>
    %dot_general3A_10 = tpu.matmul %div3A_4, %get3A_9, %dot_general3A {dimension_numbers = #tpu.dot_dimension_numbers<[1], [0], [0], [1], [0, 0, 1, 1], [], []>, transpose_lhs_hint = false} : vector<100x64xf32>, vector<64x128xf32>, vector<100x128xf32> -> vector<100x128xf32>
    %get3A_11 = arith.constant 0 : index
    %get3A_12 = arith.constant 0 : index
    %get3A_13 = vector.load %arg2[%get3A_11, %get3A_12] : memref<5x128xf32, #tpu.memory_space<vmem>>, vector<1x128xf32>
    %add3A = vector.broadcast %get3A_13 : vector<1x128xf32> to vector<100x128xf32>
    %add3A_14 = arith.addf %dot_general3A_10, %add3A : vector<100x128xf32>
    %mul3A = arith.constant 1.44269502 : f32
    %mul3A_15 = vector.broadcast %mul3A : f32 to vector<100x128xf32>
    %mul3A_16 = arith.mulf %add3A_14, %mul3A_15 : vector<100x128xf32>
    %exp23A = math.exp2 %mul3A_16 : vector<100x128xf32>
    %add3A_17 = arith.constant 1.000000e+00 : f32
    %add3A_18 = vector.broadcast %add3A_17 : f32 to vector<100x128xf32>
    %add3A_19 = arith.addf %add3A_18, %exp23A : vector<100x128xf32>
    %log3A = math.log %add3A_19 : vector<100x128xf32>
    %log3A_20 = arith.constant 2.000000e+00 : f32
    %log3A_21 = math.log %log3A_20 : f32
    %div3A_22 = vector.broadcast %log3A_21 : f32 to vector<100x128xf32>
    %div3A_23 = arith.divf %log3A, %div3A_22 : vector<100x128xf32>
    %mul3A_24 = arith.constant 0.693147182 : f32
    %mul3A_25 = vector.broadcast %mul3A_24 : f32 to vector<100x128xf32>
    %mul3A_26 = arith.mulf %div3A_23, %mul3A_25 : vector<100x128xf32>
    %get3A_27 = arith.constant 0 : index
    %get3A_28 = arith.constant 0 : index
    %get3A_29 = vector.load %arg3[%get3A_27, %get3A_28] : memref<5x128xf32, #tpu.memory_space<vmem>>, vector<1x128xf32>
    %mul3A_30 = vector.broadcast %get3A_29 : vector<1x128xf32> to vector<100x128xf32>
    %mul3A_31 = arith.mulf %mul3A_26, %mul3A_30 : vector<100x128xf32>
    %reduce_sum3A_32 = arith.constant dense<0.000000e+00> : vector<100xf32>
    %reduce_sum3A_33 = vector.multi_reduction <add>, %mul3A_31, %reduce_sum3A_32 [1] : vector<100x128xf32> to vector<100xf32>
    %broadcast_in_dim3A = vector.shape_cast %reduce_sum3A_33 : vector<100xf32> to vector<100x1xf32>
    %get3A_34 = arith.constant 0 : index
    %get3A_35 = arith.constant 0 : index
    %get3A_36 = vector.load %arg4[%get3A_34, %get3A_35] : memref<1x5xf32, #tpu.memory_space<vmem>>, vector<1x1xf32>
    %add3A_37 = vector.broadcast %get3A_36 : vector<1x1xf32> to vector<100x1xf32>
    %add3A_38 = arith.addf %broadcast_in_dim3A, %add3A_37 : vector<100x1xf32>
    %get3A_39 = arith.constant 1 : index
    %get3A_40 = arith.constant 0 : index
    %get3A_41 = arith.constant 0 : index
    %get3A_42 = vector.load %arg1[%get3A_39, %get3A_40, %get3A_41] : memref<5x64x128xf32, #tpu.memory_space<vmem>>, vector<1x64x128xf32>
    %get3A_43 = vector.shape_cast %get3A_42 : vector<1x64x128xf32> to vector<64x128xf32>
    %dot_general3A_44 = arith.constant dense<0.000000e+00> : vector<100x128xf32>
    %dot_general3A_45 = tpu.matmul %div3A_4, %get3A_43, %dot_general3A_44 {dimension_numbers = #tpu.dot_dimension_numbers<[1], [0], [0], [1], [0, 0, 1, 1], [], []>, transpose_lhs_hint = false} : vector<100x64xf32>, vector<64x128xf32>, vector<100x128xf32> -> vector<100x128xf32>
    %get3A_46 = arith.constant 1 : index
    %get3A_47 = arith.constant 0 : index
    %get3A_48 = vector.load %arg2[%get3A_46, %get3A_47] : memref<5x128xf32, #tpu.memory_space<vmem>>, vector<1x128xf32>
    %add3A_49 = vector.broadcast %get3A_48 : vector<1x128xf32> to vector<100x128xf32>
    %add3A_50 = arith.addf %dot_general3A_45, %add3A_49 : vector<100x128xf32>
    %mul3A_51 = arith.constant 1.44269502 : f32
    %mul3A_52 = vector.broadcast %mul3A_51 : f32 to vector<100x128xf32>
    %mul3A_53 = arith.mulf %add3A_50, %mul3A_52 : vector<100x128xf32>
    %exp23A_54 = math.exp2 %mul3A_53 : vector<100x128xf32>
    %add3A_55 = arith.constant 1.000000e+00 : f32
    %add3A_56 = vector.broadcast %add3A_55 : f32 to vector<100x128xf32>
    %add3A_57 = arith.addf %add3A_56, %exp23A_54 : vector<100x128xf32>
    %log3A_58 = math.log %add3A_57 : vector<100x128xf32>
    %log3A_59 = arith.constant 2.000000e+00 : f32
    %log3A_60 = math.log %log3A_59 : f32
    %div3A_61 = vector.broadcast %log3A_60 : f32 to vector<100x128xf32>
    %div3A_62 = arith.divf %log3A_58, %div3A_61 : vector<100x128xf32>
    %mul3A_63 = arith.constant 0.693147182 : f32
    %mul3A_64 = vector.broadcast %mul3A_63 : f32 to vector<100x128xf32>
    %mul3A_65 = arith.mulf %div3A_62, %mul3A_64 : vector<100x128xf32>
    %get3A_66 = arith.constant 1 : index
    %get3A_67 = arith.constant 0 : index
    %get3A_68 = vector.load %arg3[%get3A_66, %get3A_67] : memref<5x128xf32, #tpu.memory_space<vmem>>, vector<1x128xf32>
    %mul3A_69 = vector.broadcast %get3A_68 : vector<1x128xf32> to vector<100x128xf32>
    %mul3A_70 = arith.mulf %mul3A_65, %mul3A_69 : vector<100x128xf32>
    %reduce_sum3A_71 = arith.constant dense<0.000000e+00> : vector<100xf32>
    %reduce_sum3A_72 = vector.multi_reduction <add>, %mul3A_70, %reduce_sum3A_71 [1] : vector<100x128xf32> to vector<100xf32>
    %broadcast_in_dim3A_73 = vector.shape_cast %reduce_sum3A_72 : vector<100xf32> to vector<100x1xf32>
    %get3A_74 = arith.constant 0 : index
    %get3A_75 = arith.constant 1 : index
    %get3A_76 = vector.load %arg4[%get3A_74, %get3A_75] : memref<1x5xf32, #tpu.memory_space<vmem>>, vector<1x1xf32>
    %add3A_77 = vector.broadcast %get3A_76 : vector<1x1xf32> to vector<100x1xf32>
    %add3A_78 = arith.addf %broadcast_in_dim3A_73, %add3A_77 : vector<100x1xf32>
    %get3A_79 = arith.constant 2 : index
    %get3A_80 = arith.constant 0 : index
    %get3A_81 = arith.constant 0 : index
    %get3A_82 = vector.load %arg1[%get3A_79, %get3A_80, %get3A_81] : memref<5x64x128xf32, #tpu.memory_space<vmem>>, vector<1x64x128xf32>
    %get3A_83 = vector.shape_cast %get3A_82 : vector<1x64x128xf32> to vector<64x128xf32>
    %dot_general3A_84 = arith.constant dense<0.000000e+00> : vector<100x128xf32>
    %dot_general3A_85 = tpu.matmul %div3A_4, %get3A_83, %dot_general3A_84 {dimension_numbers = #tpu.dot_dimension_numbers<[1], [0], [0], [1], [0, 0, 1, 1], [], []>, transpose_lhs_hint = false} : vector<100x64xf32>, vector<64x128xf32>, vector<100x128xf32> -> vector<100x128xf32>
    %get3A_86 = arith.constant 2 : index
    %get3A_87 = arith.constant 0 : index
    %get3A_88 = vector.load %arg2[%get3A_86, %get3A_87] : memref<5x128xf32, #tpu.memory_space<vmem>>, vector<1x128xf32>
    %add3A_89 = vector.broadcast %get3A_88 : vector<1x128xf32> to vector<100x128xf32>
    %add3A_90 = arith.addf %dot_general3A_85, %add3A_89 : vector<100x128xf32>
    %mul3A_91 = arith.constant 1.44269502 : f32
    %mul3A_92 = vector.broadcast %mul3A_91 : f32 to vector<100x128xf32>
    %mul3A_93 = arith.mulf %add3A_90, %mul3A_92 : vector<100x128xf32>
    %exp23A_94 = math.exp2 %mul3A_93 : vector<100x128xf32>
    %add3A_95 = arith.constant 1.000000e+00 : f32
    %add3A_96 = vector.broadcast %add3A_95 : f32 to vector<100x128xf32>
    %add3A_97 = arith.addf %add3A_96, %exp23A_94 : vector<100x128xf32>
    %log3A_98 = math.log %add3A_97 : vector<100x128xf32>
    %log3A_99 = arith.constant 2.000000e+00 : f32
    %log3A_100 = math.log %log3A_99 : f32
    %div3A_101 = vector.broadcast %log3A_100 : f32 to vector<100x128xf32>
    %div3A_102 = arith.divf %log3A_98, %div3A_101 : vector<100x128xf32>
    %mul3A_103 = arith.constant 0.693147182 : f32
    %mul3A_104 = vector.broadcast %mul3A_103 : f32 to vector<100x128xf32>
    %mul3A_105 = arith.mulf %div3A_102, %mul3A_104 : vector<100x128xf32>
    %get3A_106 = arith.constant 2 : index
    %get3A_107 = arith.constant 0 : index
    %get3A_108 = vector.load %arg3[%get3A_106, %get3A_107] : memref<5x128xf32, #tpu.memory_space<vmem>>, vector<1x128xf32>
    %mul3A_109 = vector.broadcast %get3A_108 : vector<1x128xf32> to vector<100x128xf32>
    %mul3A_110 = arith.mulf %mul3A_105, %mul3A_109 : vector<100x128xf32>
    %reduce_sum3A_111 = arith.constant dense<0.000000e+00> : vector<100xf32>
    %reduce_sum3A_112 = vector.multi_reduction <add>, %mul3A_110, %reduce_sum3A_111 [1] : vector<100x128xf32> to vector<100xf32>
    %broadcast_in_dim3A_113 = vector.shape_cast %reduce_sum3A_112 : vector<100xf32> to vector<100x1xf32>
    %get3A_114 = arith.constant 0 : index
    %get3A_115 = arith.constant 2 : index
    %get3A_116 = vector.load %arg4[%get3A_114, %get3A_115] : memref<1x5xf32, #tpu.memory_space<vmem>>, vector<1x1xf32>
    %add3A_117 = vector.broadcast %get3A_116 : vector<1x1xf32> to vector<100x1xf32>
    %add3A_118 = arith.addf %broadcast_in_dim3A_113, %add3A_117 : vector<100x1xf32>
    %get3A_119 = arith.constant 3 : index
    %get3A_120 = arith.constant 0 : index
    %get3A_121 = arith.constant 0 : index
    %get3A_122 = vector.load %arg1[%get3A_119, %get3A_120, %get3A_121] : memref<5x64x128xf32, #tpu.memory_space<vmem>>, vector<1x64x128xf32>
    %get3A_123 = vector.shape_cast %get3A_122 : vector<1x64x128xf32> to vector<64x128xf32>
    %dot_general3A_124 = arith.constant dense<0.000000e+00> : vector<100x128xf32>
    %dot_general3A_125 = tpu.matmul %div3A_4, %get3A_123, %dot_general3A_124 {dimension_numbers = #tpu.dot_dimension_numbers<[1], [0], [0], [1], [0, 0, 1, 1], [], []>, transpose_lhs_hint = false} : vector<100x64xf32>, vector<64x128xf32>, vector<100x128xf32> -> vector<100x128xf32>
    %get3A_126 = arith.constant 3 : index
    %get3A_127 = arith.constant 0 : index
    %get3A_128 = vector.load %arg2[%get3A_126, %get3A_127] : memref<5x128xf32, #tpu.memory_space<vmem>>, vector<1x128xf32>
    %add3A_129 = vector.broadcast %get3A_128 : vector<1x128xf32> to vector<100x128xf32>
    %add3A_130 = arith.addf %dot_general3A_125, %add3A_129 : vector<100x128xf32>
    %mul3A_131 = arith.constant 1.44269502 : f32
    %mul3A_132 = vector.broadcast %mul3A_131 : f32 to vector<100x128xf32>
    %mul3A_133 = arith.mulf %add3A_130, %mul3A_132 : vector<100x128xf32>
    %exp23A_134 = math.exp2 %mul3A_133 : vector<100x128xf32>
    %add3A_135 = arith.constant 1.000000e+00 : f32
    %add3A_136 = vector.broadcast %add3A_135 : f32 to vector<100x128xf32>
    %add3A_137 = arith.addf %add3A_136, %exp23A_134 : vector<100x128xf32>
    %log3A_138 = math.log %add3A_137 : vector<100x128xf32>
    %log3A_139 = arith.constant 2.000000e+00 : f32
    %log3A_140 = math.log %log3A_139 : f32
    %div3A_141 = vector.broadcast %log3A_140 : f32 to vector<100x128xf32>
    %div3A_142 = arith.divf %log3A_138, %div3A_141 : vector<100x128xf32>
    %mul3A_143 = arith.constant 0.693147182 : f32
    %mul3A_144 = vector.broadcast %mul3A_143 : f32 to vector<100x128xf32>
    %mul3A_145 = arith.mulf %div3A_142, %mul3A_144 : vector<100x128xf32>
    %get3A_146 = arith.constant 3 : index
    %get3A_147 = arith.constant 0 : index
    %get3A_148 = vector.load %arg3[%get3A_146, %get3A_147] : memref<5x128xf32, #tpu.memory_space<vmem>>, vector<1x128xf32>
    %mul3A_149 = vector.broadcast %get3A_148 : vector<1x128xf32> to vector<100x128xf32>
    %mul3A_150 = arith.mulf %mul3A_145, %mul3A_149 : vector<100x128xf32>
    %reduce_sum3A_151 = arith.constant dense<0.000000e+00> : vector<100xf32>
    %reduce_sum3A_152 = vector.multi_reduction <add>, %mul3A_150, %reduce_sum3A_151 [1] : vector<100x128xf32> to vector<100xf32>
    %broadcast_in_dim3A_153 = vector.shape_cast %reduce_sum3A_152 : vector<100xf32> to vector<100x1xf32>
    %get3A_154 = arith.constant 0 : index
    %get3A_155 = arith.constant 3 : index
    %get3A_156 = vector.load %arg4[%get3A_154, %get3A_155] : memref<1x5xf32, #tpu.memory_space<vmem>>, vector<1x1xf32>
    %add3A_157 = vector.broadcast %get3A_156 : vector<1x1xf32> to vector<100x1xf32>
    %add3A_158 = arith.addf %broadcast_in_dim3A_153, %add3A_157 : vector<100x1xf32>
    %get3A_159 = arith.constant 4 : index
    %get3A_160 = arith.constant 0 : index
    %get3A_161 = arith.constant 0 : index
    %get3A_162 = vector.load %arg1[%get3A_159, %get3A_160, %get3A_161] : memref<5x64x128xf32, #tpu.memory_space<vmem>>, vector<1x64x128xf32>
    %get3A_163 = vector.shape_cast %get3A_162 : vector<1x64x128xf32> to vector<64x128xf32>
    %dot_general3A_164 = arith.constant dense<0.000000e+00> : vector<100x128xf32>
    %dot_general3A_165 = tpu.matmul %div3A_4, %get3A_163, %dot_general3A_164 {dimension_numbers = #tpu.dot_dimension_numbers<[1], [0], [0], [1], [0, 0, 1, 1], [], []>, transpose_lhs_hint = false} : vector<100x64xf32>, vector<64x128xf32>, vector<100x128xf32> -> vector<100x128xf32>
    %get3A_166 = arith.constant 4 : index
    %get3A_167 = arith.constant 0 : index
    %get3A_168 = vector.load %arg2[%get3A_166, %get3A_167] : memref<5x128xf32, #tpu.memory_space<vmem>>, vector<1x128xf32>
    %add3A_169 = vector.broadcast %get3A_168 : vector<1x128xf32> to vector<100x128xf32>
    %add3A_170 = arith.addf %dot_general3A_165, %add3A_169 : vector<100x128xf32>
    %mul3A_171 = arith.constant 1.44269502 : f32
    %mul3A_172 = vector.broadcast %mul3A_171 : f32 to vector<100x128xf32>
    %mul3A_173 = arith.mulf %add3A_170, %mul3A_172 : vector<100x128xf32>
    %exp23A_174 = math.exp2 %mul3A_173 : vector<100x128xf32>
    %add3A_175 = arith.constant 1.000000e+00 : f32
    %add3A_176 = vector.broadcast %add3A_175 : f32 to vector<100x128xf32>
    %add3A_177 = arith.addf %add3A_176, %exp23A_174 : vector<100x128xf32>
    %log3A_178 = math.log %add3A_177 : vector<100x128xf32>
    %log3A_179 = arith.constant 2.000000e+00 : f32
    %log3A_180 = math.log %log3A_179 : f32
    %div3A_181 = vector.broadcast %log3A_180 : f32 to vector<100x128xf32>
    %div3A_182 = arith.divf %log3A_178, %div3A_181 : vector<100x128xf32>
    %mul3A_183 = arith.constant 0.693147182 : f32
    %mul3A_184 = vector.broadcast %mul3A_183 : f32 to vector<100x128xf32>
    %mul3A_185 = arith.mulf %div3A_182, %mul3A_184 : vector<100x128xf32>
    %get3A_186 = arith.constant 4 : index
    %get3A_187 = arith.constant 0 : index
    %get3A_188 = vector.load %arg3[%get3A_186, %get3A_187] : memref<5x128xf32, #tpu.memory_space<vmem>>, vector<1x128xf32>
    %mul3A_189 = vector.broadcast %get3A_188 : vector<1x128xf32> to vector<100x128xf32>
    %mul3A_190 = arith.mulf %mul3A_185, %mul3A_189 : vector<100x128xf32>
    %reduce_sum3A_191 = arith.constant dense<0.000000e+00> : vector<100xf32>
    %reduce_sum3A_192 = vector.multi_reduction <add>, %mul3A_190, %reduce_sum3A_191 [1] : vector<100x128xf32> to vector<100xf32>
    %broadcast_in_dim3A_193 = vector.shape_cast %reduce_sum3A_192 : vector<100xf32> to vector<100x1xf32>
    %get3A_194 = arith.constant 0 : index
    %get3A_195 = arith.constant 4 : index
    %get3A_196 = vector.load %arg4[%get3A_194, %get3A_195] : memref<1x5xf32, #tpu.memory_space<vmem>>, vector<1x1xf32>
    %add3A_197 = vector.broadcast %get3A_196 : vector<1x1xf32> to vector<100x1xf32>
    %add3A_198 = arith.addf %broadcast_in_dim3A_193, %add3A_197 : vector<100x1xf32>
    %concatenate3A = tpu.concatenate %add3A_38, %add3A_78, %add3A_118, %add3A_158, %add3A_198 in 1 : vector<100x1xf32>, vector<100x1xf32>, vector<100x1xf32>, vector<100x1xf32>, vector<100x1xf32> -> vector<100x5xf32>
    %swap3A = arith.constant 0 : index
    %swap3A_199 = arith.constant 0 : index
    %swap3A_200 = vector.load %arg5[%swap3A, %swap3A_199] : memref<100x5xf32, #tpu.memory_space<vmem>>, vector<100x5xf32>
    tpu.vector_store %arg5[%swap3A, %swap3A_199], %concatenate3A {strides = array<i32>} : memref<100x5xf32, #tpu.memory_space<vmem>>, vector<100x5xf32>,
    return
  }
}

</mosaic_0001>

<sc_bundles>
// kernel: kernel.17.cloned.1.call-start
scs
__scs_entry_jumppad:
0x0: {  	(pc) =	sbr.rel $0x88, $3  }
0x1: {  	(tag) =	ssettag $0x0;
	lr =	simm.s32 $0x1  }
0x2: {  	[smem:$0x3F8F] =	sst lr;
	_ =	strace $0xD0000000  }
0x3: {  	_ = 	snop  }
0x4: {  	_ = 	snop  }
0x5: {  	_ = 	snop  }
0x6: {  	_ = 	snop  }
0x7: {  	_ = 	snop  }
__scs_overlays_trampoline_lowered:
0x8: {  	[smem:$0x3F9E] =	sst s0  }
0x9: {  	[smem:$0x3F9F] =	sst s1  }
0xa: {  	[smem:$0x3FA0] =	sst s2  }
0xb: {  	[smem:$0x3FA1] =	sst s3  }
0xc: {  	[smem:$0x3FA2] =	sst s4  }
0xd: {  	[smem:$0x3FA3] =	sst s5  }
0xe: {  	[smem:$0x3FA4] =	sst s6  }
0xf: {  	[smem:$0x3FA5] =	sst s7  }
0x10: {  	[smem:$0x3FA6] =	sst s8  }
0x11: {  	[smem:$0x3FA7] =	sst s9;
	s0 =	simm.s32 @!p0 $0x0  }
0x12: {  	s1 =	sld [smem:$0x3F8D];
	s0 =	simm.s32 @p0 $0x1  }
0x13: {  	[smem:$0x3FA8] =	sst s0;
	s0 =	simm.s32 @!p1 $0x0  }
0x14: {  	s2 =	sld [smem:$0x3F8C];
	s0 =	simm.s32 @p1 $0x1  }
0x15: {  	[smem:$0x3FA9] =	sst s0;
	s0 =	simm.s32 @!p2 $0x0  }
0x16: {  	s3 =	sld [smem:$0x3FDB];
	s0 =	simm.s32 @p2 $0x1  }
0x17: {  	s4 =	simm.s32 $0x1BF5;
	[smem:$0x3FAB] =	sst s0  }
0x18: {  	s0 =	sld [smem:$0x3F8E];
	_ =	swait.ge [sflag:s4], $0x0  }
0x19: {  	s7 =	sld [smem:$0x3F8F]  }
0x1a: {  	s8 =	sadd.s32 $0xFFFFE003, lr  }
0x1b: {  	s9 =	sadd.s32 $0xFFFFFEF7, lr;
	s5 =	simm.s32 $0xFFFFFFFF;
	p2 =	slt.u32 s8, $0xFFFFF086  }
0x1c: {  	p1 =	slt.u32 s9, $0xF7A;
	s5 =	simm.s32 @!p2 $0x0  }
0x1d: {  	s5 =	simm.s32 @p1 $0x1;
	p0 =	seq.s32 s7, s2  }
0x1e: {  	s7 =	smul.u32 @!p0 $0xF7A, s2;
	p2 =	seq.s32 @!p0 s5, $0x0  }
0x1f: {  	s9 =	smul.u32 $0xF7A, s1;
	s8 =	simm.s32 @!p0 $0x1BF5;
	p2 =	por !p2, p0  }
0x20: {  	[sflag:s8] =	ssyncset.s32 @!p0 $0xFFFFF086;
	s6 =	sadd.s32 @!p0 s3, s7;
	s7 =	simm.s32 @!p0 $0x108  }
0x21: {  	s3 =	sadd.s32 s3, s9;
	s6 =	sadd.s32 @!p0 $0x88, s6;
	s7 =	simm.s32 @p2 $0x1082  }
0x22: {  	[simem:s7], [sflag:s8] =	dma.local @!p0 [hbm:s6], $0xF7A  }
0x23: {  	s9 =	sor.u32 $0xD0000000, s2;
	s6 =	simm.s32 $0x108;
	_ =	swait.ge @!p0 [sflag:s8], $0x0  }
0x24: {  	s3 =	sadd.s32 $0x88, s3;
	s6 =	simm.s32 @!p1 $0x1082;
	[sflag:s4] =	ssyncset.s32 $0xFFFFF086  }
0x25: {  	[simem:s6], [sflag:s4] =	dma.local [hbm:s3], $0xF7A  }
0x26: {  	[smem:$0x3F8F] =	sst s1;
	(tag) =	ssettag s2;
	_ =	strace s9  }
0x27: {  	s1 =	sld [smem:$0x3F9F]  }
0x28: {  	s2 =	sld [smem:$0x3FA0]  }
0x29: {  	s4 =	sld [smem:$0x3FA2]  }
0x2a: {  	p0 =	seq.s32 s5, $0x0;
	s5 =	sld [smem:$0x3FA3]  }
0x2b: {  	s6 =	sld [smem:$0x3FA4]  }
0x2c: {  	s7 =	sld [smem:$0x3FA5]  }
0x2d: {  	s3 =	simm.s32 $0x108;
	s8 =	sld [smem:$0x3FA6]  }
0x2e: {  	s3 =	simm.s32 @!p0 $0x1082;
	s9 =	sld [smem:$0x3FA7]  }
0x2f: {  	lr =	sadd.s32 s0, s3;
	s0 =	sld [smem:$0x3F9E]  }
0x30: {  	s3 =	sld [smem:$0x3FA1]  }
0x31: {  	[smem:$0x3FAA] =	sst s10  }
0x32: {  	s10 =	sld [smem:$0x3FA8];
	_ =	sdelay $0x3  }
0x33: {  	p0 =	seq.s32 s10, $0x1;
	s10 =	sld [smem:$0x3FAA];
	_ =	sdelay $0x3  }
0x34: {  	[smem:$0x3FAA] =	sst s10  }
0x35: {  	s10 =	sld [smem:$0x3FA9];
	_ =	sdelay $0x3  }
0x36: {  	p1 =	seq.s32 s10, $0x1;
	s10 =	sld [smem:$0x3FAA];
	_ =	sdelay $0x3  }
0x37: {  	[smem:$0x3FAA] =	sst s10  }
0x38: {  	s10 =	sld [smem:$0x3FAB]  }
0x39: {  	_ = 	snop;
	(pc) =	sbr.ind lr, $3  }
0x3a: {  	_ = 	snop  }
0x3b: {  	_ = 	snop  }
0x3c: {  	p2 =	seq.s32 s10, $0x1;
	s10 =	sld [smem:$0x3FAA]  }
0x3d: {  	_ =	shalt  }
0x3e: {  	_ =	shalt  }
0x3f: {  	_ =	shalt  }
0x40: {  	_ =	shalt  }
0x41: {  	_ =	shalt  }
0x42: {  	_ =	shalt  }
0x43: {  	_ =	shalt  }
0x44: {  	_ =	shalt  }
0x45: {  	_ =	shalt  }
0x46: {  	_ =	shalt  }
0x47: {  	_ =	shalt  }
0x48: {  	_ =	shalt  }
0x49: {  	_ =	shalt  }
0x4a: {  	_ =	shalt  }
0x4b: {  	_ =	shalt  }
0x4c: {  	_ =	shalt  }
0x4d: {  	_ =	shalt  }
0x4e: {  	_ =	shalt  }
0x4f: {  	_ =	shalt  }
0x50: {  	_ =	shalt  }
0x51: {  	_ =	shalt  }
0x52: {  	_ =	shalt  }
0x53: {  	_ =	shalt  }
0x54: {  	_ =	shalt  }
0x55: {  	_ =	shalt  }
0x56: {  	_ =	shalt  }
0x57: {  	_ =	shalt  }
0x58: {  	_ =	shalt  }
0x59: {  	_ =	shalt  }
0x5a: {  	_ =	shalt  }
0x5b: {  	_ =	shalt  }
0x5c: {  	_ =	shalt  }
0x5d: {  	_ =	shalt  }
0x5e: {  	_ =	shalt  }
0x5f: {  	_ =	shalt  }
0x60: {  	_ =	shalt  }
0x61: {  	_ =	shalt  }
0x62: {  	_ =	shalt  }
0x63: {  	_ =	shalt  }
0x64: {  	_ =	shalt  }
0x65: {  	_ =	shalt  }
0x66: {  	_ =	shalt  }
0x67: {  	_ =	shalt  }
0x68: {  	_ =	shalt  }
0x69: {  	_ =	shalt  }
0x6a: {  	_ =	shalt  }
0x6b: {  	_ =	shalt  }
0x6c: {  	_ =	shalt  }
0x6d: {  	_ =	shalt  }
0x6e: {  	_ =	shalt  }
0x6f: {  	_ =	shalt  }
0x70: {  	_ =	shalt  }
0x71: {  	_ =	shalt  }
0x72: {  	_ =	shalt  }
0x73: {  	_ =	shalt  }
0x74: {  	_ =	shalt  }
0x75: {  	_ =	shalt  }
0x76: {  	_ =	shalt  }
0x77: {  	_ =	shalt  }
0x78: {  	_ =	shalt  }
0x79: {  	_ =	shalt  }
0x7a: {  	_ =	shalt  }
0x7b: {  	_ =	shalt  }
0x7c: {  	_ =	shalt  }
0x7d: {  	_ =	shalt  }
0x7e: {  	_ =	shalt  }
0x7f: {  	_ =	shalt  }
0x80: {  	_ =	shalt  }
0x81: {  	_ =	shalt  }
0x82: {  	_ =	shalt  }
0x83: {  	_ =	shalt  }
0x84: {  	_ =	shalt  }
0x85: {  	_ =	shalt  }
0x86: {  	_ =	shalt  }
0x87: {  	_ =	shalt  }
.Lfunc_end0:
.L_simem_size_0:
called_computation_lowered:
.L_overlay_start_0:
0x88: {  	s2 =	sld [smem:$0x3FD9]  }
0x89: {  	s3 =	sld [smem:$0x3FFE];
	_ =	sdelay $0x1  }
0x8a: {  	s1 =	srdreg.scid  }
0x8b: {  	s0 =	sand.u32 $0x1, s1  }
0x8c: {  	s16 =	sshll.u32 s0, $0xA;
	s2 =	sadd.s32 s3, s2  }
0x8d: {  	s2 =	sadd.s32 s2, s16  }
0x8e: {  	[smem:$0x3FB6] =	sst s2  }
0x8f: {  	_ = 	snop  }
0x90: {  	(tm) =	ssettm $0x1  }
0x91: {  	s17 =	sld [smem:$0x3FFB];
	_ =	sdelay $0x3  }
0x92: {  	_ =	strace s17  }
0x93: {  	s2 =	sld [smem:$0x3FFC];
	_ =	sdelay $0x3  }
0x94: {  	_ =	strace s2  }
0x95: {  	s2 =	sld [smem:$0x3FFD];
	_ =	sdelay $0x3  }
0x96: {  	_ =	strace s2  }
0x97: {  	_ =	strace $0x8FFFFFFF  }
0x98: {  	s18 =	sld [smem:$0x3FDB];
	_ =	sdelay $0x1  }
0x99: {  	s19 =	simm.s32 $_scs_section_size  }
0x9a: {  	s4 =	simm.s32 $_size__tile_overlayer_lowered;
	s5 =	simm.s32 $_tile_overlayer_lowered  }
0x9b: {  	s22 =	simm.s32 $0x1BFF;
	s21 =	sshll.u32 s5, $0x1;
	s2 =	sadd.s32 s19, s18  }
0x9c: {  	s6 =	simm.s32 $0x0;
	s20 =	sshll.u32 s4, $0x1;
	s4 =	sadd.s32 s21, s2  }
0x9d: {  	[timem:s6], [sflag:s22] =	dma.local [hbm:s4], s20  }
0x9e: {  	_ =	swait.ge [sflag:s22], s20  }
0x9f: {  	s3 =	ssub.s32 $0x0, s20;
	[sflag:s22] =	ssyncset.done $0x0  }
0xa0: {  	[sflag:s22] =	ssyncadd.s32 s3;
	_ =	sdelay $0x1  }
0xa1: {  	s23 =	simm.s32 $0x1B8B  }
0xa2: {  	_ =	swait.ge [sflag:s23], $0x1  }
0xa3: {  	[sflag:s23] =	ssyncset.done $0x0  }
0xa4: {  	s25 =	simm.s32 $0x1B8E;
	s24 =	sld [smem:$0x3FFE];
	[sflag:s23] =	ssyncadd.s32 $0xFFFFFFFF  }
0xa5: {  	s26 =	simm.s32 $execute0_lowered;
	[smem:$0x3FD2] =	sst s25  }
0xa6: {  	s4 =	sshll.u32 s26, $0x1;
	_ =	strace $0x80000046;
	[dreg:$0x1] =	wrdreg $0xFFFFFFFF  }
0xa7: {  	s28 =	simm.s32 $_size_execute0_lowered;
	s2 =	sadd.s32 s2, s4;
	[dreg:$0x0] =	wrdreg $0x0  }
0xa8: {  	s4 =	sshll.u32 s28, $0x1;
	[dreg:$0x2] =	wrdreg s2  }
0xa9: {  	[dreg:$0x3] =	wrdreg s4  }
0xaa: {  	[dreg:$0x4] =	wrdreg $0xC0  }
0xab: {  	_ =	task [dreg:s6], $0x5FFFF  }
0xac: {  	[dreg:$0x1] =	wrdreg $0xFFFFFFFF  }
0xad: {  	[dreg:$0x0] =	wrdreg $0x60  }
0xae: {  	[dreg:$0x2] =	wrdreg s24  }
0xaf: {  	[dreg:$0x3] =	wrdreg $0x9  }
0xb0: {  	_ =	task.clear_ibuf [dreg:s6], $0x4FFFF;
	_ =	strace $0x90000046  }
0xb1: {  	s29 =	simm.s32 $0x9;
	_ =	strace $0x80000048  }
0xb2: {  	_ =	swait.ge [sflag:s29], $0x1  }
0xb3: {  	[sflag:s29] =	ssyncadd.s32 $0xFFFFFFFF  }
0xb4: {  	_ =	strace $0x90000048  }
0xb5: {  	_ =	sfence  }
0xb6: {  	s30 =	sld [smem:$0x0];
	_ =	sdelay $0x2  }
0xb7: {  	s31 =	sshll.u32 s1, $0xD;
	s1 =	sshrl.u32 s1, $0x2  }
0xb8: {  	s3 =	sand.u32 $0x4000, s31;
	s1 =	sadd.s32 s1, s30  }
0xb9: {  	s0 =	sor.u32 s3, s0;
	s1 =	sshll.u32 s1, $0x11  }
0xba: {  	s0 =	sor.u32 s1, s0  }
0xbb: {  	s0 =	sadd.s32 $0x8F2B, s0  }
0xbc: {  	[sflag:s0] =	ssyncadd.remote.s32 $0x1  }
0xbd: {  	_ =	sfence.sel $0xFFFF  }
0xbe: {  	[dreg:$0x0] =	wrdreg $0xFFFFFFFF;
	(pc) =	sbr.abs _section_cstart, $3  }
0xbf: {  	[dreg:$0x1] =	wrdreg $0xFFFFFFFF  }
0xc0: {  	_ =	task.clear_ibuf [dreg:s6], $0x2FFFF;
	_ =	strace $0x9FFFFFFF  }
0xc1: {  	(tm) =	ssettm $0x7FFFFFFF  }
tec
execute0_lowered:
.L_overlay_start_1:
0x0: {  	(tag) =	ssettag $0x1  }
0x1: {  	s0 =	srdreg.scid;
	s1 =	stileid.u32  }
0x2: {  	s2 =	sand.u32 $0x1, s0;
	s25 =	sshll.u32 s1, $0x1  }
0x3: {  	s0 =	sor.u32 s2, s25  }
0x4: {  	s14 =	rddreg [dreg:$0x0];
	s30 =	smul.u32 $0x2710, s0  }
0x5: {  	s29 =	sadd.s32 $0x4FC00, s14  }
0x6: {  	[dreg:$0x3] =	wrdreg s2;
	s2 =	simm.s32 $0x0;
	s3 =	sshrl.u32 s30, $0x3  }
0x7: {  	[smem:$0x7FF] =	sst s2;
	s3 =	sadd.s32 s29, s3  }
0x8: {  	_ =	strace $0x80000047;
	[dreg:$0x2] =	wrdreg s3  }
0x9: {  	s3 =	simm.s32 $0x3;
	s4 =	rddreg [dreg:$0x2]  }
0xa: {  	[tilespmem:s2], [sflag:$0x3] =	stream.linear.gather [hbm4b:s4+s2], $0x3E8, $0x38;
	[tilespmem:$0x101D0] =	vst v63  }
0xb: {  	s26 =	sadd.s32 $0x3E8, s30;
	_ =	swait.ge [sflag:s3], $0x3E8  }
0xc: {  	s4 =	sshrl.u32 s26, $0x3;
	[sflag:s3] =	ssyncset.done $0x0  }
0xd: {  	s5 =	simm.s32 $0x3E8;
	s4 =	sadd.s32 s29, s4;
	[sflag:s3] =	ssyncadd.s32 $0xFFFFFC18  }
0xe: {  	[tilespmem:s5], [sflag:$0x3] =	stream.linear.gather [hbm4b:s4+s2], $0x3E8, $0x38;
	[tilespmem:$0x101D0] =	vst v63  }
0xf: {  	_ =	swait.ge [sflag:s3], $0x3E8  }
0x10: {  	[sflag:s3] =	ssyncset.done $0x0  }
0x11: {  	s7 =	simm.s32 $0x7D0;
	s6 =	sadd.s32 $0x45E00, s14;
	[sflag:s3] =	ssyncadd.s32 $0xFFFFFC18  }
0x12: {  	[tilespmem:s7], [sflag:$0x1] =	stream.indirect.gather [hbm4b:s6+s5], $0x20, s2, s5, $0xb8;
	[tilespmem:$0x101D0] =	vst v63  }
0x13: {  	s8 =	simm.s32 $0x84D0;
	s9 =	simm.s32 $0x1  }
0x14: {  	[tilespmem:s8], [sflag:$0x2] =	stream.indirect.gather [hbm4b:s6+s5], $0x20, s5, s5, $0xb8;
	[tilespmem:$0x101D0] =	vst v63  }
0x15: {  	_ =	swait.ge [sflag:s9], $0x7D00  }
0x16: {  	[sflag:s9] =	ssyncset.done $0x0  }
0x17: {  	s10 =	simm.s32 $0x2;
	[sflag:s9] =	ssyncadd.s32 $0xFFFF8300  }
0x18: {  	s15 =	smul.u32 $0x9C40, s0;
	_ =	swait.ge [sflag:s10], $0x7D00  }
0x19: {  	s12 =	simm.s32 $0x20;
	s31 =	sadd.s32 $0x59A00, s14;
	[sflag:s10] =	ssyncset.done $0x0  }
0x1a: {  	s13 =	simm.s32 $0x40;
	s11 =	sadd.s32 s31, s15;
	[sflag:s10] =	ssyncadd.s32 $0xFFFF8300  }
0x1b: {  	[hbm4b:s11+s12] =	stream.strided.scatter [tilespmem:s7], [sflag:$0x3], $0x7D00, s13, s12, $0x38;
	[tilespmem:$0x101D0] =	vst v63  }
0x1c: {  	_ =	swait.ge [sflag:s3], $0x7D00  }
0x1d: {  	s1 =	sadd.s32 $0x59A04, s14;
	[sflag:s3] =	ssyncset.done $0x0  }
0x1e: {  	s14 =	sadd.s32 s15, s1;
	[sflag:s3] =	ssyncadd.s32 $0xFFFF8300  }
0x1f: {  	[hbm4b:s14+s12] =	stream.strided.scatter [tilespmem:s8], [sflag:$0x3], $0x7D00, s13, s12, $0x38;
	[tilespmem:$0x101D0] =	vst v63  }
0x20: {  	s17 =	sadd.s32 $0x7D0, s30;
	_ =	swait.ge [sflag:s3], $0x7D00  }
0x21: {  	s26 =	sshrl.u32 s17, $0x3;
	[sflag:s3] =	ssyncset.done $0x0  }
0x22: {  	s15 =	sadd.s32 s29, s26;
	[sflag:s3] =	ssyncadd.s32 $0xFFFF8300  }
0x23: {  	[tilespmem:s2], [sflag:$0x3] =	stream.linear.gather [hbm4b:s15+s2], $0x3E8, $0x38;
	[tilespmem:$0x101D0] =	vst v63  }
0x24: {  	s16 =	sadd.s32 $0xBB8, s30;
	_ =	swait.ge [sflag:s3], $0x3E8  }
0x25: {  	s16 =	sshrl.u32 s16, $0x3;
	[sflag:s3] =	ssyncset.done $0x0  }
0x26: {  	s16 =	sadd.s32 s29, s16;
	[sflag:s3] =	ssyncadd.s32 $0xFFFFFC18  }
0x27: {  	[tilespmem:s5], [sflag:$0x3] =	stream.linear.gather [hbm4b:s16+s2], $0x3E8, $0x38;
	[tilespmem:$0x101D0] =	vst v63  }
0x28: {  	_ =	swait.ge [sflag:s3], $0x3E8  }
0x29: {  	[sflag:s3] =	ssyncset.done $0x0  }
0x2a: {  	[sflag:s3] =	ssyncadd.s32 $0xFFFFFC18  }
0x2b: {  	[tilespmem:s7], [sflag:$0x1] =	stream.indirect.gather [hbm4b:s6+s5], $0x20, s2, s5, $0xb8;
	[tilespmem:$0x101D0] =	vst v63  }
0x2c: {  	_ = 	snop  }
0x2d: {  	[tilespmem:s8], [sflag:$0x2] =	stream.indirect.gather [hbm4b:s6+s5], $0x20, s5, s5, $0xb8;
	[tilespmem:$0x101D0] =	vst v63  }
0x2e: {  	_ =	swait.ge [sflag:s9], $0x7D00  }
0x2f: {  	[sflag:s9] =	ssyncset.done $0x0  }
0x30: {  	[sflag:s9] =	ssyncadd.s32 $0xFFFF8300  }
0x31: {  	_ =	swait.ge [sflag:s10], $0x7D00  }
0x32: {  	s18 =	sshll.u32 s17, $0x2;
	[sflag:s10] =	ssyncset.done $0x0  }
0x33: {  	s17 =	sadd.s32 s31, s18;
	[sflag:s10] =	ssyncadd.s32 $0xFFFF8300  }
0x34: {  	[hbm4b:s17+s12] =	stream.strided.scatter [tilespmem:s7], [sflag:$0x3], $0x7D00, s13, s12, $0x38;
	[tilespmem:$0x101D0] =	vst v63  }
0x35: {  	_ =	swait.ge [sflag:s3], $0x7D00  }
0x36: {  	[sflag:s3] =	ssyncset.done $0x0  }
0x37: {  	s18 =	sadd.s32 s18, s1;
	[sflag:s3] =	ssyncadd.s32 $0xFFFF8300  }
0x38: {  	[hbm4b:s18+s12] =	stream.strided.scatter [tilespmem:s8], [sflag:$0x3], $0x7D00, s13, s12, $0x38;
	[tilespmem:$0x101D0] =	vst v63  }
0x39: {  	s21 =	sadd.s32 $0xFA0, s30;
	_ =	swait.ge [sflag:s3], $0x7D00  }
0x3a: {  	s19 =	sshrl.u32 s21, $0x3;
	[sflag:s3] =	ssyncset.done $0x0  }
0x3b: {  	s19 =	sadd.s32 s29, s19;
	[sflag:s3] =	ssyncadd.s32 $0xFFFF8300  }
0x3c: {  	[tilespmem:s2], [sflag:$0x3] =	stream.linear.gather [hbm4b:s19+s2], $0x3E8, $0x38;
	[tilespmem:$0x101D0] =	vst v63  }
0x3d: {  	s20 =	sadd.s32 $0x1388, s30;
	_ =	swait.ge [sflag:s3], $0x3E8  }
0x3e: {  	s20 =	sshrl.u32 s20, $0x3;
	[sflag:s3] =	ssyncset.done $0x0  }
0x3f: {  	s20 =	sadd.s32 s29, s20;
	[sflag:s3] =	ssyncadd.s32 $0xFFFFFC18  }
0x40: {  	[tilespmem:s5], [sflag:$0x3] =	stream.linear.gather [hbm4b:s20+s2], $0x3E8, $0x38;
	[tilespmem:$0x101D0] =	vst v63  }
0x41: {  	_ =	swait.ge [sflag:s3], $0x3E8  }
0x42: {  	[sflag:s3] =	ssyncset.done $0x0  }
0x43: {  	[sflag:s3] =	ssyncadd.s32 $0xFFFFFC18  }
0x44: {  	[tilespmem:s7], [sflag:$0x1] =	stream.indirect.gather [hbm4b:s6+s5], $0x20, s2, s5, $0xb8;
	[tilespmem:$0x101D0] =	vst v63  }
0x45: {  	_ = 	snop  }
0x46: {  	[tilespmem:s8], [sflag:$0x2] =	stream.indirect.gather [hbm4b:s6+s5], $0x20, s5, s5, $0xb8;
	[tilespmem:$0x101D0] =	vst v63  }
0x47: {  	_ =	swait.ge [sflag:s9], $0x7D00  }
0x48: {  	[sflag:s9] =	ssyncset.done $0x0  }
0x49: {  	[sflag:s9] =	ssyncadd.s32 $0xFFFF8300  }
0x4a: {  	_ =	swait.ge [sflag:s10], $0x7D00  }
0x4b: {  	s22 =	sshll.u32 s21, $0x2;
	[sflag:s10] =	ssyncset.done $0x0  }
0x4c: {  	s21 =	sadd.s32 s31, s22;
	[sflag:s10] =	ssyncadd.s32 $0xFFFF8300  }
0x4d: {  	[hbm4b:s21+s12] =	stream.strided.scatter [tilespmem:s7], [sflag:$0x3], $0x7D00, s13, s12, $0x38;
	[tilespmem:$0x101D0] =	vst v63  }
0x4e: {  	_ =	swait.ge [sflag:s3], $0x7D00  }
0x4f: {  	[sflag:s3] =	ssyncset.done $0x0  }
0x50: {  	s22 =	sadd.s32 s22, s1;
	[dreg:$0x4] =	wrdreg s1;
	[sflag:s3] =	ssyncadd.s32 $0xFFFF8300  }
0x51: {  	[hbm4b:s22+s12] =	stream.strided.scatter [tilespmem:s8], [sflag:$0x3], $0x7D00, s13, s12, $0x38;
	[tilespmem:$0x101D0] =	vst v63  }
0x52: {  	s25 =	sadd.s32 $0x1770, s30;
	_ =	swait.ge [sflag:s3], $0x7D00  }
0x53: {  	s23 =	sshrl.u32 s25, $0x3;
	[sflag:s3] =	ssyncset.done $0x0  }
0x54: {  	s23 =	sadd.s32 s29, s23;
	[sflag:s3] =	ssyncadd.s32 $0xFFFF8300  }
0x55: {  	[tilespmem:s2], [sflag:$0x3] =	stream.linear.gather [hbm4b:s23+s2], $0x3E8, $0x38;
	[tilespmem:$0x101D0] =	vst v63  }
0x56: {  	s24 =	sadd.s32 $0x1B58, s30;
	_ =	swait.ge [sflag:s3], $0x3E8  }
0x57: {  	s24 =	sshrl.u32 s24, $0x3;
	[sflag:s3] =	ssyncset.done $0x0  }
0x58: {  	s24 =	sadd.s32 s29, s24;
	[sflag:s3] =	ssyncadd.s32 $0xFFFFFC18  }
0x59: {  	[tilespmem:s5], [sflag:$0x3] =	stream.linear.gather [hbm4b:s24+s2], $0x3E8, $0x38;
	[tilespmem:$0x101D0] =	vst v63  }
0x5a: {  	_ =	swait.ge [sflag:s3], $0x3E8  }
0x5b: {  	[sflag:s3] =	ssyncset.done $0x0  }
0x5c: {  	[sflag:s3] =	ssyncadd.s32 $0xFFFFFC18  }
0x5d: {  	[tilespmem:s7], [sflag:$0x1] =	stream.indirect.gather [hbm4b:s6+s5], $0x20, s2, s5, $0xb8;
	[tilespmem:$0x101D0] =	vst v63  }
0x5e: {  	_ = 	snop  }
0x5f: {  	[tilespmem:s8], [sflag:$0x2] =	stream.indirect.gather [hbm4b:s6+s5], $0x20, s5, s5, $0xb8;
	[tilespmem:$0x101D0] =	vst v63  }
0x60: {  	_ =	swait.ge [sflag:s9], $0x7D00  }
0x61: {  	[sflag:s9] =	ssyncset.done $0x0  }
0x62: {  	[sflag:s9] =	ssyncadd.s32 $0xFFFF8300  }
0x63: {  	_ =	swait.ge [sflag:s10], $0x7D00  }
0x64: {  	s26 =	sshll.u32 s25, $0x2;
	[sflag:s10] =	ssyncset.done $0x0  }
0x65: {  	s25 =	sadd.s32 s31, s26;
	[sflag:s10] =	ssyncadd.s32 $0xFFFF8300  }
0x66: {  	[hbm4b:s25+s12] =	stream.strided.scatter [tilespmem:s7], [sflag:$0x3], $0x7D00, s13, s12, $0x38;
	[tilespmem:$0x101D0] =	vst v63  }
0x67: {  	_ =	swait.ge [sflag:s3], $0x7D00  }
0x68: {  	[sflag:s3] =	ssyncset.done $0x0  }
0x69: {  	s26 =	sadd.s32 s26, s1;
	[sflag:s3] =	ssyncadd.s32 $0xFFFF8300  }
0x6a: {  	[hbm4b:s26+s12] =	stream.strided.scatter [tilespmem:s8], [sflag:$0x3], $0x7D00, s13, s12, $0x38;
	[tilespmem:$0x101D0] =	vst v63  }
0x6b: {  	s1 =	sadd.s32 $0x1F40, s30;
	_ =	swait.ge [sflag:s3], $0x7D00  }
0x6c: {  	s28 =	sshrl.u32 s1, $0x3;
	[sflag:s3] =	ssyncset.done $0x0  }
0x6d: {  	s28 =	sadd.s32 s29, s28;
	[sflag:s3] =	ssyncadd.s32 $0xFFFF8300  }
0x6e: {  	[tilespmem:s2], [sflag:$0x3] =	stream.linear.gather [hbm4b:s28+s2], $0x3E8, $0x38;
	[tilespmem:$0x101D0] =	vst v63  }
0x6f: {  	s30 =	sadd.s32 $0x2328, s30;
	_ =	swait.ge [sflag:s3], $0x3E8  }
0x70: {  	s30 =	sshrl.u32 s30, $0x3;
	[sflag:s3] =	ssyncset.done $0x0  }
0x71: {  	s29 =	sadd.s32 s29, s30;
	[sflag:s3] =	ssyncadd.s32 $0xFFFFFC18  }
0x72: {  	[tilespmem:s5], [sflag:$0x3] =	stream.linear.gather [hbm4b:s29+s2], $0x3E8, $0x38;
	[tilespmem:$0x101D0] =	vst v63  }
0x73: {  	_ =	swait.ge [sflag:s3], $0x3E8  }
0x74: {  	[sflag:s3] =	ssyncset.done $0x0  }
0x75: {  	[sflag:s3] =	ssyncadd.s32 $0xFFFFFC18  }
0x76: {  	[tilespmem:s7], [sflag:$0x1] =	stream.indirect.gather [hbm4b:s6+s5], $0x20, s2, s5, $0xb8;
	[tilespmem:$0x101D0] =	vst v63  }
0x77: {  	_ = 	snop  }
0x78: {  	[tilespmem:s8], [sflag:$0x2] =	stream.indirect.gather [hbm4b:s6+s5], $0x20, s5, s5, $0xb8;
	[tilespmem:$0x101D0] =	vst v63  }
0x79: {  	_ =	swait.ge [sflag:s9], $0x7D00  }
0x7a: {  	[sflag:s9] =	ssyncset.done $0x0  }
0x7b: {  	[sflag:s9] =	ssyncadd.s32 $0xFFFF8300  }
0x7c: {  	_ =	swait.ge [sflag:s10], $0x7D00  }
0x7d: {  	s1 =	sshll.u32 s1, $0x2;
	[sflag:s10] =	ssyncset.done $0x0;
	s0 =	rddreg [dreg:$0x3]  }
0x7e: {  	s30 =	sadd.s32 s31, s1;
	s0 =	ssub.s32 $0x2, s0;
	[sflag:s10] =	ssyncadd.s32 $0xFFFF8300  }
0x7f: {  	[hbm4b:s30+s12] =	stream.strided.scatter [tilespmem:s7], [sflag:$0x3], $0x7D00, s13, s12, $0x38;
	[tilespmem:$0x101D0] =	vst v63  }
0x80: {  	s31 =	sshrl.u32 s0, $0x1  }
0x81: {  	s0 =	ssub.s32 s0, s31  }
0x82: {  	s0 =	smax.u32 s0, $0x1  }
0x83: {  	p0 =	sne.s32 s0, $0x1  }
.Ltmp0:
0x84: {  	_ =	swait.ge [sflag:s3], $0x7D00;
	(pc) =	sbr.rel @!p0 .LBB2_2-.Ltmp0, $4  }
0x85: {  	[sflag:s3] =	ssyncset.done $0x0;
	s31 =	rddreg [dreg:$0x4]  }
0x86: {  	s31 =	sadd.s32 s1, s31;
	[sflag:s3] =	ssyncadd.s32 $0xFFFF8300  }
0x87: {  	[hbm4b:s31+s12] =	stream.strided.scatter [tilespmem:s8], [sflag:$0x3], $0x7D00, s13, s12, $0x38;
	[tilespmem:$0x101D0] =	vst v63  }
0x88: {  	s1 =	sadd.s32 $0xFFFFFFFF, s0;
	_ =	swait.ge [sflag:s3], $0x7D00  }
.LBB2_1:
0x89: {  	[sflag:s3] =	ssyncset.done $0x0  }
0x8a: {  	s0 =	rddreg [dreg:$0x2];
	[sflag:s3] =	ssyncadd.s32 $0xFFFF8300  }
0x8b: {  	[tilespmem:s2], [sflag:$0x3] =	stream.linear.gather [hbm4b:s0+s2], $0x3E8, $0x38;
	[tilespmem:$0x101D0] =	vst v63  }
0x8c: {  	_ =	swait.ge [sflag:s3], $0x3E8  }
0x8d: {  	[sflag:s3] =	ssyncset.done $0x0  }
0x8e: {  	[sflag:s3] =	ssyncadd.s32 $0xFFFFFC18  }
0x8f: {  	[tilespmem:s5], [sflag:$0x3] =	stream.linear.gather [hbm4b:s4+s2], $0x3E8, $0x38;
	[tilespmem:$0x101D0] =	vst v63  }
0x90: {  	_ =	swait.ge [sflag:s3], $0x3E8  }
0x91: {  	[sflag:s3] =	ssyncset.done $0x0  }
0x92: {  	[sflag:s3] =	ssyncadd.s32 $0xFFFFFC18  }
0x93: {  	[tilespmem:s7], [sflag:$0x1] =	stream.indirect.gather [hbm4b:s6+s5], $0x20, s2, s5, $0xb8;
	[tilespmem:$0x101D0] =	vst v63  }
0x94: {  	_ = 	snop  }
0x95: {  	[tilespmem:s8], [sflag:$0x2] =	stream.indirect.gather [hbm4b:s6+s5], $0x20, s5, s5, $0xb8;
	[tilespmem:$0x101D0] =	vst v63  }
0x96: {  	_ =	swait.ge [sflag:s9], $0x7D00  }
0x97: {  	[sflag:s9] =	ssyncset.done $0x0  }
0x98: {  	[sflag:s9] =	ssyncadd.s32 $0xFFFF8300  }
0x99: {  	_ =	swait.ge [sflag:s10], $0x7D00  }
0x9a: {  	[sflag:s10] =	ssyncset.done $0x0  }
0x9b: {  	[sflag:s10] =	ssyncadd.s32 $0xFFFF8300  }
0x9c: {  	[hbm4b:s11+s12] =	stream.strided.scatter [tilespmem:s7], [sflag:$0x3], $0x7D00, s13, s12, $0x38;
	[tilespmem:$0x101D0] =	vst v63  }
0x9d: {  	_ =	swait.ge [sflag:s3], $0x7D00  }
0x9e: {  	[sflag:s3] =	ssyncset.done $0x0  }
0x9f: {  	[sflag:s3] =	ssyncadd.s32 $0xFFFF8300  }
0xa0: {  	[hbm4b:s14+s12] =	stream.strided.scatter [tilespmem:s8], [sflag:$0x3], $0x7D00, s13, s12, $0x38;
	[tilespmem:$0x101D0] =	vst v63  }
0xa1: {  	_ =	swait.ge [sflag:s3], $0x7D00  }
0xa2: {  	[sflag:s3] =	ssyncset.done $0x0  }
0xa3: {  	[sflag:s3] =	ssyncadd.s32 $0xFFFF8300  }
0xa4: {  	[tilespmem:s2], [sflag:$0x3] =	stream.linear.gather [hbm4b:s15+s2], $0x3E8, $0x38;
	[tilespmem:$0x101D0] =	vst v63  }
0xa5: {  	_ =	swait.ge [sflag:s3], $0x3E8  }
0xa6: {  	[sflag:s3] =	ssyncset.done $0x0  }
0xa7: {  	[sflag:s3] =	ssyncadd.s32 $0xFFFFFC18  }
0xa8: {  	[tilespmem:s5], [sflag:$0x3] =	stream.linear.gather [hbm4b:s16+s2], $0x3E8, $0x38;
	[tilespmem:$0x101D0] =	vst v63  }
0xa9: {  	_ =	swait.ge [sflag:s3], $0x3E8  }
0xaa: {  	[sflag:s3] =	ssyncset.done $0x0  }
0xab: {  	[sflag:s3] =	ssyncadd.s32 $0xFFFFFC18  }
0xac: {  	[tilespmem:s7], [sflag:$0x1] =	stream.indirect.gather [hbm4b:s6+s5], $0x20, s2, s5, $0xb8;
	[tilespmem:$0x101D0] =	vst v63  }
0xad: {  	_ = 	snop  }
0xae: {  	[tilespmem:s8], [sflag:$0x2] =	stream.indirect.gather [hbm4b:s6+s5], $0x20, s5, s5, $0xb8;
	[tilespmem:$0x101D0] =	vst v63  }
0xaf: {  	_ =	swait.ge [sflag:s9], $0x7D00  }
0xb0: {  	[sflag:s9] =	ssyncset.done $0x0  }
0xb1: {  	[sflag:s9] =	ssyncadd.s32 $0xFFFF8300  }
0xb2: {  	_ =	swait.ge [sflag:s10], $0x7D00  }
0xb3: {  	[sflag:s10] =	ssyncset.done $0x0  }
0xb4: {  	[sflag:s10] =	ssyncadd.s32 $0xFFFF8300  }
0xb5: {  	[hbm4b:s17+s12] =	stream.strided.scatter [tilespmem:s7], [sflag:$0x3], $0x7D00, s13, s12, $0x38;
	[tilespmem:$0x101D0] =	vst v63  }
0xb6: {  	_ =	swait.ge [sflag:s3], $0x7D00  }
0xb7: {  	[sflag:s3] =	ssyncset.done $0x0  }
0xb8: {  	[sflag:s3] =	ssyncadd.s32 $0xFFFF8300  }
0xb9: {  	[hbm4b:s18+s12] =	stream.strided.scatter [tilespmem:s8], [sflag:$0x3], $0x7D00, s13, s12, $0x38;
	[tilespmem:$0x101D0] =	vst v63  }
0xba: {  	_ =	swait.ge [sflag:s3], $0x7D00  }
0xbb: {  	[sflag:s3] =	ssyncset.done $0x0  }
0xbc: {  	[sflag:s3] =	ssyncadd.s32 $0xFFFF8300  }
0xbd: {  	[tilespmem:s2], [sflag:$0x3] =	stream.linear.gather [hbm4b:s19+s2], $0x3E8, $0x38;
	[tilespmem:$0x101D0] =	vst v63  }
0xbe: {  	_ =	swait.ge [sflag:s3], $0x3E8  }
0xbf: {  	[sflag:s3] =	ssyncset.done $0x0  }
0xc0: {  	[sflag:s3] =	ssyncadd.s32 $0xFFFFFC18  }
0xc1: {  	[tilespmem:s5], [sflag:$0x3] =	stream.linear.gather [hbm4b:s20+s2], $0x3E8, $0x38;
	[tilespmem:$0x101D0] =	vst v63  }
0xc2: {  	_ =	swait.ge [sflag:s3], $0x3E8  }
0xc3: {  	[sflag:s3] =	ssyncset.done $0x0  }
0xc4: {  	[sflag:s3] =	ssyncadd.s32 $0xFFFFFC18  }
0xc5: {  	[tilespmem:s7], [sflag:$0x1] =	stream.indirect.gather [hbm4b:s6+s5], $0x20, s2, s5, $0xb8;
	[tilespmem:$0x101D0] =	vst v63  }
0xc6: {  	_ = 	snop  }
0xc7: {  	[tilespmem:s8], [sflag:$0x2] =	stream.indirect.gather [hbm4b:s6+s5], $0x20, s5, s5, $0xb8;
	[tilespmem:$0x101D0] =	vst v63  }
0xc8: {  	_ =	swait.ge [sflag:s9], $0x7D00  }
0xc9: {  	[sflag:s9] =	ssyncset.done $0x0  }
0xca: {  	[sflag:s9] =	ssyncadd.s32 $0xFFFF8300  }
0xcb: {  	_ =	swait.ge [sflag:s10], $0x7D00  }
0xcc: {  	[sflag:s10] =	ssyncset.done $0x0  }
0xcd: {  	[sflag:s10] =	ssyncadd.s32 $0xFFFF8300  }
0xce: {  	[hbm4b:s21+s12] =	stream.strided.scatter [tilespmem:s7], [sflag:$0x3], $0x7D00, s13, s12, $0x38;
	[tilespmem:$0x101D0] =	vst v63  }
0xcf: {  	_ =	swait.ge [sflag:s3], $0x7D00  }
0xd0: {  	[sflag:s3] =	ssyncset.done $0x0  }
0xd1: {  	[sflag:s3] =	ssyncadd.s32 $0xFFFF8300  }
0xd2: {  	[hbm4b:s22+s12] =	stream.strided.scatter [tilespmem:s8], [sflag:$0x3], $0x7D00, s13, s12, $0x38;
	[tilespmem:$0x101D0] =	vst v63  }
0xd3: {  	_ =	swait.ge [sflag:s3], $0x7D00  }
0xd4: {  	[sflag:s3] =	ssyncset.done $0x0  }
0xd5: {  	[sflag:s3] =	ssyncadd.s32 $0xFFFF8300  }
0xd6: {  	[tilespmem:s2], [sflag:$0x3] =	stream.linear.gather [hbm4b:s23+s2], $0x3E8, $0x38;
	[tilespmem:$0x101D0] =	vst v63  }
0xd7: {  	_ =	swait.ge [sflag:s3], $0x3E8  }
0xd8: {  	[sflag:s3] =	ssyncset.done $0x0  }
0xd9: {  	[sflag:s3] =	ssyncadd.s32 $0xFFFFFC18  }
0xda: {  	[tilespmem:s5], [sflag:$0x3] =	stream.linear.gather [hbm4b:s24+s2], $0x3E8, $0x38;
	[tilespmem:$0x101D0] =	vst v63  }
0xdb: {  	_ =	swait.ge [sflag:s3], $0x3E8  }
0xdc: {  	[sflag:s3] =	ssyncset.done $0x0  }
0xdd: {  	[sflag:s3] =	ssyncadd.s32 $0xFFFFFC18  }
0xde: {  	[tilespmem:s7], [sflag:$0x1] =	stream.indirect.gather [hbm4b:s6+s5], $0x20, s2, s5, $0xb8;
	[tilespmem:$0x101D0] =	vst v63  }
0xdf: {  	_ = 	snop  }
0xe0: {  	[tilespmem:s8], [sflag:$0x2] =	stream.indirect.gather [hbm4b:s6+s5], $0x20, s5, s5, $0xb8;
	[tilespmem:$0x101D0] =	vst v63  }
0xe1: {  	_ =	swait.ge [sflag:s9], $0x7D00  }
0xe2: {  	[sflag:s9] =	ssyncset.done $0x0  }
0xe3: {  	[sflag:s9] =	ssyncadd.s32 $0xFFFF8300  }
0xe4: {  	_ =	swait.ge [sflag:s10], $0x7D00  }
0xe5: {  	[sflag:s10] =	ssyncset.done $0x0  }
0xe6: {  	[sflag:s10] =	ssyncadd.s32 $0xFFFF8300  }
0xe7: {  	[hbm4b:s25+s12] =	stream.strided.scatter [tilespmem:s7], [sflag:$0x3], $0x7D00, s13, s12, $0x38;
	[tilespmem:$0x101D0] =	vst v63  }
0xe8: {  	_ =	swait.ge [sflag:s3], $0x7D00  }
0xe9: {  	[sflag:s3] =	ssyncset.done $0x0  }
0xea: {  	[sflag:s3] =	ssyncadd.s32 $0xFFFF8300  }
0xeb: {  	[hbm4b:s26+s12] =	stream.strided.scatter [tilespmem:s8], [sflag:$0x3], $0x7D00, s13, s12, $0x38;
	[tilespmem:$0x101D0] =	vst v63  }
0xec: {  	_ =	swait.ge [sflag:s3], $0x7D00  }
0xed: {  	[sflag:s3] =	ssyncset.done $0x0  }
0xee: {  	[sflag:s3] =	ssyncadd.s32 $0xFFFF8300  }
0xef: {  	[tilespmem:s2], [sflag:$0x3] =	stream.linear.gather [hbm4b:s28+s2], $0x3E8, $0x38;
	[tilespmem:$0x101D0] =	vst v63  }
0xf0: {  	_ =	swait.ge [sflag:s3], $0x3E8  }
0xf1: {  	[sflag:s3] =	ssyncset.done $0x0  }
0xf2: {  	[sflag:s3] =	ssyncadd.s32 $0xFFFFFC18  }
0xf3: {  	[tilespmem:s5], [sflag:$0x3] =	stream.linear.gather [hbm4b:s29+s2], $0x3E8, $0x38;
	[tilespmem:$0x101D0] =	vst v63  }
0xf4: {  	_ =	swait.ge [sflag:s3], $0x3E8  }
0xf5: {  	[sflag:s3] =	ssyncset.done $0x0  }
0xf6: {  	[sflag:s3] =	ssyncadd.s32 $0xFFFFFC18  }
0xf7: {  	[tilespmem:s7], [sflag:$0x1] =	stream.indirect.gather [hbm4b:s6+s5], $0x20, s2, s5, $0xb8;
	[tilespmem:$0x101D0] =	vst v63  }
0xf8: {  	_ = 	snop  }
0xf9: {  	[tilespmem:s8], [sflag:$0x2] =	stream.indirect.gather [hbm4b:s6+s5], $0x20, s5, s5, $0xb8;
	[tilespmem:$0x101D0] =	vst v63  }
0xfa: {  	_ =	swait.ge [sflag:s9], $0x7D00  }
0xfb: {  	[sflag:s9] =	ssyncset.done $0x0  }
0xfc: {  	[sflag:s9] =	ssyncadd.s32 $0xFFFF8300  }
0xfd: {  	_ =	swait.ge [sflag:s10], $0x7D00  }
0xfe: {  	[sflag:s10] =	ssyncset.done $0x0  }
0xff: {  	p0 =	sne.s32 s1, $0x1;
	[sflag:s10] =	ssyncadd.s32 $0xFFFF8300  }
0x100: {  	[hbm4b:s30+s12] =	stream.strided.scatter [tilespmem:s7], [sflag:$0x3], $0x7D00, s13, s12, $0x38;
	[tilespmem:$0x101D0] =	vst v63  }
.Ltmp1:
0x101: {  	_ =	swait.ge [sflag:s3], $0x7D00;
	(pc) =	sbr.rel @p0 .LBB2_1-.Ltmp1, $4  }
0x102: {  	[sflag:s3] =	ssyncset.done $0x0  }
0x103: {  	[sflag:s3] =	ssyncadd.s32 $0xFFFF8300  }
0x104: {  	[hbm4b:s31+s12] =	stream.strided.scatter [tilespmem:s8], [sflag:$0x3], $0x7D00, s13, s12, $0x38;
	[tilespmem:$0x101D0] =	vst v63  }
0x105: {  	s1 =	sadd.s32 $0xFFFFFFFF, s1;
	_ =	swait.ge [sflag:s3], $0x7D00  }
.LBB2_2:
0x106: {  	[sflag:s3] =	ssyncset.done $0x0  }
0x107: {  	[sflag:s3] =	ssyncadd.s32 $0xFFFF8300  }
0x108: {  	_ =	sfence.sel $0x180000  }
0x109: {  	[bflag:$0x0] =	sbarrier.arrive $0xFFFF  }
0x10a: {  	_ =	strace $0x90000047  }
0x10b: {  	s0 =	stileid.u32;
	[bflag:$0x2] =	sbarrier.arrive $0xFFFF  }
0x10c: {  	p0 =	sne.s32 s0, $0x0;
	s0 =	rddreg [dreg:$0x1]  }
0x10d: {  	s0 =	sadd.s32 @!p0 $0x100000, s0  }
0x10e: {  	[sflag:s0] =	ssyncadd.tile.s32 @!p0 $0x1;
	_ =	shalt  }
.Lfunc_end2:
_tile_overlayer_lowered:
.L_overlay_start_2:
0x10f: {  	(tag) =	ssettag $0x2  }
0x110: {  	s0 =	rddreg [dreg:$0x0];
	s2 =	stileid.u32  }
0x111: {  	s1 =	rddreg [dreg:$0x1];
	p0 =	sne.s32 s2, $0x0  }
0x112: {  	s3 =	rddreg [dreg:$0x2];
	[bflag:$0x3] =	sbarrier.arrive $0xFFFF;
	s2 =	simm.s32 @!p0 $0x1C03  }
0x113: {  	[timem:s3], [sflag:s2] =	dma.local @!p0 [hbm:s0], s1  }
0x114: {  	s0 =	simm.s32 @!p0 $0x3  }
0x115: {  	_ =	swait.ge @!p0 [sflag:s0], s1  }
0x116: {  	s1 =	ssub.s32 @!p0 $0x0, s1;
	[sflag:s0] =	ssyncset.done @!p0 $0x0  }
0x117: {  	[sflag:s0] =	ssyncadd.s32 @!p0 s1  }
0x118: {  	[bflag:$0x3] =	sbarrier.arrive $0xFFFF  }
0x119: {  	_ =	shalt  }

// kernel: kernel.20.cloned.1.call-start
scs
__scs_entry_jumppad:
0x0: {  	(pc) =	sbr.rel $0x88, $3  }
0x1: {  	(tag) =	ssettag $0x0;
	lr =	simm.s32 $0x1  }
0x2: {  	[smem:$0x3F8F] =	sst lr;
	_ =	strace $0xD0000000  }
0x3: {  	_ = 	snop  }
0x4: {  	_ = 	snop  }
0x5: {  	_ = 	snop  }
0x6: {  	_ = 	snop  }
0x7: {  	_ = 	snop  }
__scs_overlays_trampoline_lowered:
0x8: {  	[smem:$0x3F9E] =	sst s0  }
0x9: {  	[smem:$0x3F9F] =	sst s1  }
0xa: {  	[smem:$0x3FA0] =	sst s2  }
0xb: {  	[smem:$0x3FA1] =	sst s3  }
0xc: {  	[smem:$0x3FA2] =	sst s4  }
0xd: {  	[smem:$0x3FA3] =	sst s5  }
0xe: {  	[smem:$0x3FA4] =	sst s6  }
0xf: {  	[smem:$0x3FA5] =	sst s7  }
0x10: {  	[smem:$0x3FA6] =	sst s8  }
0x11: {  	[smem:$0x3FA7] =	sst s9;
	s0 =	simm.s32 @!p0 $0x0  }
0x12: {  	s1 =	sld [smem:$0x3F8D];
	s0 =	simm.s32 @p0 $0x1  }
0x13: {  	[smem:$0x3FA8] =	sst s0;
	s0 =	simm.s32 @!p1 $0x0  }
0x14: {  	s2 =	sld [smem:$0x3F8C];
	s0 =	simm.s32 @p1 $0x1  }
0x15: {  	[smem:$0x3FA9] =	sst s0;
	s0 =	simm.s32 @!p2 $0x0  }
0x16: {  	s3 =	sld [smem:$0x3FDB];
	s0 =	simm.s32 @p2 $0x1  }
0x17: {  	s4 =	simm.s32 $0x1BF5;
	[smem:$0x3FAB] =	sst s0  }
0x18: {  	s0 =	sld [smem:$0x3F8E];
	_ =	swait.ge [sflag:s4], $0x0  }
0x19: {  	s7 =	sld [smem:$0x3F8F]  }
0x1a: {  	s8 =	sadd.s32 $0xFFFFE003, lr  }
0x1b: {  	s9 =	sadd.s32 $0xFFFFFEF7, lr;
	s5 =	simm.s32 $0xFFFFFFFF;
	p2 =	slt.u32 s8, $0xFFFFF086  }
0x1c: {  	p1 =	slt.u32 s9, $0xF7A;
	s5 =	simm.s32 @!p2 $0x0  }
0x1d: {  	s5 =	simm.s32 @p1 $0x1;
	p0 =	seq.s32 s7, s2  }
0x1e: {  	s7 =	smul.u32 @!p0 $0xF7A, s2;
	p2 =	seq.s32 @!p0 s5, $0x0  }
0x1f: {  	s9 =	smul.u32 $0xF7A, s1;
	s8 =	simm.s32 @!p0 $0x1BF5;
	p2 =	por !p2, p0  }
0x20: {  	[sflag:s8] =	ssyncset.s32 @!p0 $0xFFFFF086;
	s6 =	sadd.s32 @!p0 s3, s7;
	s7 =	simm.s32 @!p0 $0x108  }
0x21: {  	s3 =	sadd.s32 s3, s9;
	s6 =	sadd.s32 @!p0 $0x88, s6;
	s7 =	simm.s32 @p2 $0x1082  }
0x22: {  	[simem:s7], [sflag:s8] =	dma.local @!p0 [hbm:s6], $0xF7A  }
0x23: {  	s9 =	sor.u32 $0xD0000000, s2;
	s6 =	simm.s32 $0x108;
	_ =	swait.ge @!p0 [sflag:s8], $0x0  }
0x24: {  	s3 =	sadd.s32 $0x88, s3;
	s6 =	simm.s32 @!p1 $0x1082;
	[sflag:s4] =	ssyncset.s32 $0xFFFFF086  }
0x25: {  	[simem:s6], [sflag:s4] =	dma.local [hbm:s3], $0xF7A  }
0x26: {  	[smem:$0x3F8F] =	sst s1;
	(tag) =	ssettag s2;
	_ =	strace s9  }
0x27: {  	s1 =	sld [smem:$0x3F9F]  }
0x28: {  	s2 =	sld [smem:$0x3FA0]  }
0x29: {  	s4 =	sld [smem:$0x3FA2]  }
0x2a: {  	p0 =	seq.s32 s5, $0x0;
	s5 =	sld [smem:$0x3FA3]  }
0x2b: {  	s6 =	sld [smem:$0x3FA4]  }
0x2c: {  	s7 =	sld [smem:$0x3FA5]  }
0x2d: {  	s3 =	simm.s32 $0x108;
	s8 =	sld [smem:$0x3FA6]  }
0x2e: {  	s3 =	simm.s32 @!p0 $0x1082;
	s9 =	sld [smem:$0x3FA7]  }
0x2f: {  	lr =	sadd.s32 s0, s3;
	s0 =	sld [smem:$0x3F9E]  }
0x30: {  	s3 =	sld [smem:$0x3FA1]  }
0x31: {  	[smem:$0x3FAA] =	sst s10  }
0x32: {  	s10 =	sld [smem:$0x3FA8];
	_ =	sdelay $0x3  }
0x33: {  	p0 =	seq.s32 s10, $0x1;
	s10 =	sld [smem:$0x3FAA];
	_ =	sdelay $0x3  }
0x34: {  	[smem:$0x3FAA] =	sst s10  }
0x35: {  	s10 =	sld [smem:$0x3FA9];
	_ =	sdelay $0x3  }
0x36: {  	p1 =	seq.s32 s10, $0x1;
	s10 =	sld [smem:$0x3FAA];
	_ =	sdelay $0x3  }
0x37: {  	[smem:$0x3FAA] =	sst s10  }
0x38: {  	s10 =	sld [smem:$0x3FAB]  }
0x39: {  	_ = 	snop;
	(pc) =	sbr.ind lr, $3  }
0x3a: {  	_ = 	snop  }
0x3b: {  	_ = 	snop  }
0x3c: {  	p2 =	seq.s32 s10, $0x1;
	s10 =	sld [smem:$0x3FAA]  }
0x3d: {  	_ =	shalt  }
0x3e: {  	_ =	shalt  }
0x3f: {  	_ =	shalt  }
0x40: {  	_ =	shalt  }
0x41: {  	_ =	shalt  }
0x42: {  	_ =	shalt  }
0x43: {  	_ =	shalt  }
0x44: {  	_ =	shalt  }
0x45: {  	_ =	shalt  }
0x46: {  	_ =	shalt  }
0x47: {  	_ =	shalt  }
0x48: {  	_ =	shalt  }
0x49: {  	_ =	shalt  }
0x4a: {  	_ =	shalt  }
0x4b: {  	_ =	shalt  }
0x4c: {  	_ =	shalt  }
0x4d: {  	_ =	shalt  }
0x4e: {  	_ =	shalt  }
0x4f: {  	_ =	shalt  }
0x50: {  	_ =	shalt  }
0x51: {  	_ =	shalt  }
0x52: {  	_ =	shalt  }
0x53: {  	_ =	shalt  }
0x54: {  	_ =	shalt  }
0x55: {  	_ =	shalt  }
0x56: {  	_ =	shalt  }
0x57: {  	_ =	shalt  }
0x58: {  	_ =	shalt  }
0x59: {  	_ =	shalt  }
0x5a: {  	_ =	shalt  }
0x5b: {  	_ =	shalt  }
0x5c: {  	_ =	shalt  }
0x5d: {  	_ =	shalt  }
0x5e: {  	_ =	shalt  }
0x5f: {  	_ =	shalt  }
0x60: {  	_ =	shalt  }
0x61: {  	_ =	shalt  }
0x62: {  	_ =	shalt  }
0x63: {  	_ =	shalt  }
0x64: {  	_ =	shalt  }
0x65: {  	_ =	shalt  }
0x66: {  	_ =	shalt  }
0x67: {  	_ =	shalt  }
0x68: {  	_ =	shalt  }
0x69: {  	_ =	shalt  }
0x6a: {  	_ =	shalt  }
0x6b: {  	_ =	shalt  }
0x6c: {  	_ =	shalt  }
0x6d: {  	_ =	shalt  }
0x6e: {  	_ =	shalt  }
0x6f: {  	_ =	shalt  }
0x70: {  	_ =	shalt  }
0x71: {  	_ =	shalt  }
0x72: {  	_ =	shalt  }
0x73: {  	_ =	shalt  }
0x74: {  	_ =	shalt  }
0x75: {  	_ =	shalt  }
0x76: {  	_ =	shalt  }
0x77: {  	_ =	shalt  }
0x78: {  	_ =	shalt  }
0x79: {  	_ =	shalt  }
0x7a: {  	_ =	shalt  }
0x7b: {  	_ =	shalt  }
0x7c: {  	_ =	shalt  }
0x7d: {  	_ =	shalt  }
0x7e: {  	_ =	shalt  }
0x7f: {  	_ =	shalt  }
0x80: {  	_ =	shalt  }
0x81: {  	_ =	shalt  }
0x82: {  	_ =	shalt  }
0x83: {  	_ =	shalt  }
0x84: {  	_ =	shalt  }
0x85: {  	_ =	shalt  }
0x86: {  	_ =	shalt  }
0x87: {  	_ =	shalt  }
.Lfunc_end0:
.L_simem_size_0:
called_computation.1_lowered:
.L_overlay_start_0:
0x88: {  	s2 =	sld [smem:$0x3FD9]  }
0x89: {  	s3 =	sld [smem:$0x3FFE];
	_ =	sdelay $0x1  }
0x8a: {  	s1 =	srdreg.scid  }
0x8b: {  	s0 =	sand.u32 $0x1, s1  }
0x8c: {  	s16 =	sshll.u32 s0, $0xA;
	s2 =	sadd.s32 s3, s2  }
0x8d: {  	s2 =	sadd.s32 s2, s16  }
0x8e: {  	[smem:$0x3FB6] =	sst s2  }
0x8f: {  	_ = 	snop  }
0x90: {  	(tm) =	ssettm $0x1  }
0x91: {  	s17 =	sld [smem:$0x3FFB];
	_ =	sdelay $0x3  }
0x92: {  	_ =	strace s17  }
0x93: {  	s2 =	sld [smem:$0x3FFC];
	_ =	sdelay $0x3  }
0x94: {  	_ =	strace s2  }
0x95: {  	s2 =	sld [smem:$0x3FFD];
	_ =	sdelay $0x3  }
0x96: {  	_ =	strace s2  }
0x97: {  	_ =	strace $0x8FFFFFFF  }
0x98: {  	s18 =	sld [smem:$0x3FDB];
	_ =	sdelay $0x1  }
0x99: {  	s19 =	simm.s32 $_scs_section_size  }
0x9a: {  	s4 =	simm.s32 $_size__tile_overlayer_lowered;
	s5 =	simm.s32 $_tile_overlayer_lowered  }
0x9b: {  	s22 =	simm.s32 $0x1BFF;
	s21 =	sshll.u32 s5, $0x1;
	s2 =	sadd.s32 s19, s18  }
0x9c: {  	s6 =	simm.s32 $0x0;
	s20 =	sshll.u32 s4, $0x1;
	s4 =	sadd.s32 s21, s2  }
0x9d: {  	[timem:s6], [sflag:s22] =	dma.local [hbm:s4], s20  }
0x9e: {  	_ =	swait.ge [sflag:s22], s20  }
0x9f: {  	s3 =	ssub.s32 $0x0, s20;
	[sflag:s22] =	ssyncset.done $0x0  }
0xa0: {  	[sflag:s22] =	ssyncadd.s32 s3;
	_ =	sdelay $0x1  }
0xa1: {  	s23 =	simm.s32 $0x1B8B  }
0xa2: {  	_ =	swait.ge [sflag:s23], $0x1  }
0xa3: {  	[sflag:s23] =	ssyncset.done $0x0  }
0xa4: {  	s25 =	simm.s32 $0x1B8E;
	s24 =	sld [smem:$0x3FFE];
	[sflag:s23] =	ssyncadd.s32 $0xFFFFFFFF  }
0xa5: {  	s26 =	simm.s32 $execute0_lowered;
	[smem:$0x3FD2] =	sst s25  }
0xa6: {  	s4 =	sshll.u32 s26, $0x1;
	_ =	strace $0x80000049;
	[dreg:$0x1] =	wrdreg $0xFFFFFFFF  }
0xa7: {  	s28 =	simm.s32 $_size_execute0_lowered;
	s2 =	sadd.s32 s2, s4;
	[dreg:$0x0] =	wrdreg $0x0  }
0xa8: {  	s4 =	sshll.u32 s28, $0x1;
	[dreg:$0x2] =	wrdreg s2  }
0xa9: {  	[dreg:$0x3] =	wrdreg s4  }
0xaa: {  	[dreg:$0x4] =	wrdreg $0xC0  }
0xab: {  	_ =	task [dreg:s6], $0x5FFFF  }
0xac: {  	[dreg:$0x1] =	wrdreg $0xFFFFFFFF  }
0xad: {  	[dreg:$0x0] =	wrdreg $0x60  }
0xae: {  	[dreg:$0x2] =	wrdreg s24  }
0xaf: {  	[dreg:$0x3] =	wrdreg $0x9  }
0xb0: {  	_ =	task.clear_ibuf [dreg:s6], $0x4FFFF;
	_ =	strace $0x90000049  }
0xb1: {  	s29 =	simm.s32 $0x9;
	_ =	strace $0x8000004B  }
0xb2: {  	_ =	swait.ge [sflag:s29], $0x1  }
0xb3: {  	[sflag:s29] =	ssyncadd.s32 $0xFFFFFFFF  }
0xb4: {  	_ =	strace $0x9000004B  }
0xb5: {  	_ =	sfence  }
0xb6: {  	s30 =	sld [smem:$0x0];
	_ =	sdelay $0x2  }
0xb7: {  	s31 =	sshll.u32 s1, $0xD;
	s1 =	sshrl.u32 s1, $0x2  }
0xb8: {  	s3 =	sand.u32 $0x4000, s31;
	s1 =	sadd.s32 s1, s30  }
0xb9: {  	s0 =	sor.u32 s3, s0;
	s1 =	sshll.u32 s1, $0x11  }
0xba: {  	s0 =	sor.u32 s1, s0  }
0xbb: {  	s0 =	sadd.s32 $0x8F2B, s0  }
0xbc: {  	[sflag:s0] =	ssyncadd.remote.s32 $0x1  }
0xbd: {  	_ =	sfence.sel $0xFFFF  }
0xbe: {  	[dreg:$0x0] =	wrdreg $0xFFFFFFFF;
	(pc) =	sbr.abs _section_cstart, $3  }
0xbf: {  	[dreg:$0x1] =	wrdreg $0xFFFFFFFF  }
0xc0: {  	_ =	task.clear_ibuf [dreg:s6], $0x2FFFF;
	_ =	strace $0x9FFFFFFF  }
0xc1: {  	(tm) =	ssettm $0x7FFFFFFF  }
tec
execute0_lowered:
.L_overlay_start_1:
0x0: {  	(tag) =	ssettag $0x1  }
0x1: {  	s0 =	srdreg.scid;
	s1 =	stileid.u32  }
0x2: {  	s2 =	sand.u32 $0x1, s0;
	s25 =	sshll.u32 s1, $0x1  }
0x3: {  	s0 =	sor.u32 s2, s25  }
0x4: {  	s14 =	rddreg [dreg:$0x0];
	s30 =	smul.u32 $0x2710, s0  }
0x5: {  	s29 =	sadd.s32 $0x4FC00, s14  }
0x6: {  	[dreg:$0x3] =	wrdreg s2;
	s2 =	simm.s32 $0x0;
	s3 =	sshrl.u32 s30, $0x3  }
0x7: {  	[smem:$0x7FF] =	sst s2;
	s3 =	sadd.s32 s29, s3  }
0x8: {  	_ =	strace $0x8000004A;
	[dreg:$0x2] =	wrdreg s3  }
0x9: {  	s3 =	simm.s32 $0x3;
	s4 =	rddreg [dreg:$0x2]  }
0xa: {  	[tilespmem:s2], [sflag:$0x3] =	stream.linear.gather [hbm4b:s4+s2], $0x3E8, $0x38;
	[tilespmem:$0x101D0] =	vst v63  }
0xb: {  	s26 =	sadd.s32 $0x3E8, s30;
	_ =	swait.ge [sflag:s3], $0x3E8  }
0xc: {  	s4 =	sshrl.u32 s26, $0x3;
	[sflag:s3] =	ssyncset.done $0x0  }
0xd: {  	s5 =	simm.s32 $0x3E8;
	s4 =	sadd.s32 s29, s4;
	[sflag:s3] =	ssyncadd.s32 $0xFFFFFC18  }
0xe: {  	[tilespmem:s5], [sflag:$0x3] =	stream.linear.gather [hbm4b:s4+s2], $0x3E8, $0x38;
	[tilespmem:$0x101D0] =	vst v63  }
0xf: {  	_ =	swait.ge [sflag:s3], $0x3E8  }
0x10: {  	[sflag:s3] =	ssyncset.done $0x0  }
0x11: {  	s7 =	simm.s32 $0x7D0;
	s6 =	sadd.s32 $0x45E00, s14;
	[sflag:s3] =	ssyncadd.s32 $0xFFFFFC18  }
0x12: {  	[tilespmem:s7], [sflag:$0x1] =	stream.indirect.gather [hbm4b:s6+s5], $0x20, s2, s5, $0xb8;
	[tilespmem:$0x101D0] =	vst v63  }
0x13: {  	s8 =	simm.s32 $0x84D0;
	s9 =	simm.s32 $0x1  }
0x14: {  	[tilespmem:s8], [sflag:$0x2] =	stream.indirect.gather [hbm4b:s6+s5], $0x20, s5, s5, $0xb8;
	[tilespmem:$0x101D0] =	vst v63  }
0x15: {  	_ =	swait.ge [sflag:s9], $0x7D00  }
0x16: {  	[sflag:s9] =	ssyncset.done $0x0  }
0x17: {  	s10 =	simm.s32 $0x2;
	[sflag:s9] =	ssyncadd.s32 $0xFFFF8300  }
0x18: {  	s15 =	smul.u32 $0x9C40, s0;
	_ =	swait.ge [sflag:s10], $0x7D00  }
0x19: {  	s12 =	simm.s32 $0x20;
	s31 =	sadd.s32 $0x59A00, s14;
	[sflag:s10] =	ssyncset.done $0x0  }
0x1a: {  	s13 =	simm.s32 $0x40;
	s11 =	sadd.s32 s31, s15;
	[sflag:s10] =	ssyncadd.s32 $0xFFFF8300  }
0x1b: {  	[hbm4b:s11+s12] =	stream.strided.scatter [tilespmem:s7], [sflag:$0x3], $0x7D00, s13, s12, $0x38;
	[tilespmem:$0x101D0] =	vst v63  }
0x1c: {  	_ =	swait.ge [sflag:s3], $0x7D00  }
0x1d: {  	s1 =	sadd.s32 $0x59A04, s14;
	[sflag:s3] =	ssyncset.done $0x0  }
0x1e: {  	s14 =	sadd.s32 s15, s1;
	[sflag:s3] =	ssyncadd.s32 $0xFFFF8300  }
0x1f: {  	[hbm4b:s14+s12] =	stream.strided.scatter [tilespmem:s8], [sflag:$0x3], $0x7D00, s13, s12, $0x38;
	[tilespmem:$0x101D0] =	vst v63  }
0x20: {  	s17 =	sadd.s32 $0x7D0, s30;
	_ =	swait.ge [sflag:s3], $0x7D00  }
0x21: {  	s26 =	sshrl.u32 s17, $0x3;
	[sflag:s3] =	ssyncset.done $0x0  }
0x22: {  	s15 =	sadd.s32 s29, s26;
	[sflag:s3] =	ssyncadd.s32 $0xFFFF8300  }
0x23: {  	[tilespmem:s2], [sflag:$0x3] =	stream.linear.gather [hbm4b:s15+s2], $0x3E8, $0x38;
	[tilespmem:$0x101D0] =	vst v63  }
0x24: {  	s16 =	sadd.s32 $0xBB8, s30;
	_ =	swait.ge [sflag:s3], $0x3E8  }
0x25: {  	s16 =	sshrl.u32 s16, $0x3;
	[sflag:s3] =	ssyncset.done $0x0  }
0x26: {  	s16 =	sadd.s32 s29, s16;
	[sflag:s3] =	ssyncadd.s32 $0xFFFFFC18  }
0x27: {  	[tilespmem:s5], [sflag:$0x3] =	stream.linear.gather [hbm4b:s16+s2], $0x3E8, $0x38;
	[tilespmem:$0x101D0] =	vst v63  }
0x28: {  	_ =	swait.ge [sflag:s3], $0x3E8  }
0x29: {  	[sflag:s3] =	ssyncset.done $0x0  }
0x2a: {  	[sflag:s3] =	ssyncadd.s32 $0xFFFFFC18  }
0x2b: {  	[tilespmem:s7], [sflag:$0x1] =	stream.indirect.gather [hbm4b:s6+s5], $0x20, s2, s5, $0xb8;
	[tilespmem:$0x101D0] =	vst v63  }
0x2c: {  	_ = 	snop  }
0x2d: {  	[tilespmem:s8], [sflag:$0x2] =	stream.indirect.gather [hbm4b:s6+s5], $0x20, s5, s5, $0xb8;
	[tilespmem:$0x101D0] =	vst v63  }
0x2e: {  	_ =	swait.ge [sflag:s9], $0x7D00  }
0x2f: {  	[sflag:s9] =	ssyncset.done $0x0  }
0x30: {  	[sflag:s9] =	ssyncadd.s32 $0xFFFF8300  }
0x31: {  	_ =	swait.ge [sflag:s10], $0x7D00  }
0x32: {  	s18 =	sshll.u32 s17, $0x2;
	[sflag:s10] =	ssyncset.done $0x0  }
0x33: {  	s17 =	sadd.s32 s31, s18;
	[sflag:s10] =	ssyncadd.s32 $0xFFFF8300  }
0x34: {  	[hbm4b:s17+s12] =	stream.strided.scatter [tilespmem:s7], [sflag:$0x3], $0x7D00, s13, s12, $0x38;
	[tilespmem:$0x101D0] =	vst v63  }
0x35: {  	_ =	swait.ge [sflag:s3], $0x7D00  }
0x36: {  	[sflag:s3] =	ssyncset.done $0x0  }
0x37: {  	s18 =	sadd.s32 s18, s1;
	[sflag:s3] =	ssyncadd.s32 $0xFFFF8300  }
0x38: {  	[hbm4b:s18+s12] =	stream.strided.scatter [tilespmem:s8], [sflag:$0x3], $0x7D00, s13, s12, $0x38;
	[tilespmem:$0x101D0] =	vst v63  }
0x39: {  	s21 =	sadd.s32 $0xFA0, s30;
	_ =	swait.ge [sflag:s3], $0x7D00  }
0x3a: {  	s19 =	sshrl.u32 s21, $0x3;
	[sflag:s3] =	ssyncset.done $0x0  }
0x3b: {  	s19 =	sadd.s32 s29, s19;
	[sflag:s3] =	ssyncadd.s32 $0xFFFF8300  }
0x3c: {  	[tilespmem:s2], [sflag:$0x3] =	stream.linear.gather [hbm4b:s19+s2], $0x3E8, $0x38;
	[tilespmem:$0x101D0] =	vst v63  }
0x3d: {  	s20 =	sadd.s32 $0x1388, s30;
	_ =	swait.ge [sflag:s3], $0x3E8  }
0x3e: {  	s20 =	sshrl.u32 s20, $0x3;
	[sflag:s3] =	ssyncset.done $0x0  }
0x3f: {  	s20 =	sadd.s32 s29, s20;
	[sflag:s3] =	ssyncadd.s32 $0xFFFFFC18  }
0x40: {  	[tilespmem:s5], [sflag:$0x3] =	stream.linear.gather [hbm4b:s20+s2], $0x3E8, $0x38;
	[tilespmem:$0x101D0] =	vst v63  }
0x41: {  	_ =	swait.ge [sflag:s3], $0x3E8  }
0x42: {  	[sflag:s3] =	ssyncset.done $0x0  }
0x43: {  	[sflag:s3] =	ssyncadd.s32 $0xFFFFFC18  }
0x44: {  	[tilespmem:s7], [sflag:$0x1] =	stream.indirect.gather [hbm4b:s6+s5], $0x20, s2, s5, $0xb8;
	[tilespmem:$0x101D0] =	vst v63  }
0x45: {  	_ = 	snop  }
0x46: {  	[tilespmem:s8], [sflag:$0x2] =	stream.indirect.gather [hbm4b:s6+s5], $0x20, s5, s5, $0xb8;
	[tilespmem:$0x101D0] =	vst v63  }
0x47: {  	_ =	swait.ge [sflag:s9], $0x7D00  }
0x48: {  	[sflag:s9] =	ssyncset.done $0x0  }
0x49: {  	[sflag:s9] =	ssyncadd.s32 $0xFFFF8300  }
0x4a: {  	_ =	swait.ge [sflag:s10], $0x7D00  }
0x4b: {  	s22 =	sshll.u32 s21, $0x2;
	[sflag:s10] =	ssyncset.done $0x0  }
0x4c: {  	s21 =	sadd.s32 s31, s22;
	[sflag:s10] =	ssyncadd.s32 $0xFFFF8300  }
0x4d: {  	[hbm4b:s21+s12] =	stream.strided.scatter [tilespmem:s7], [sflag:$0x3], $0x7D00, s13, s12, $0x38;
	[tilespmem:$0x101D0] =	vst v63  }
0x4e: {  	_ =	swait.ge [sflag:s3], $0x7D00  }
0x4f: {  	[sflag:s3] =	ssyncset.done $0x0  }
0x50: {  	s22 =	sadd.s32 s22, s1;
	[dreg:$0x4] =	wrdreg s1;
	[sflag:s3] =	ssyncadd.s32 $0xFFFF8300  }
0x51: {  	[hbm4b:s22+s12] =	stream.strided.scatter [tilespmem:s8], [sflag:$0x3], $0x7D00, s13, s12, $0x38;
	[tilespmem:$0x101D0] =	vst v63  }
0x52: {  	s25 =	sadd.s32 $0x1770, s30;
	_ =	swait.ge [sflag:s3], $0x7D00  }
0x53: {  	s23 =	sshrl.u32 s25, $0x3;
	[sflag:s3] =	ssyncset.done $0x0  }
0x54: {  	s23 =	sadd.s32 s29, s23;
	[sflag:s3] =	ssyncadd.s32 $0xFFFF8300  }
0x55: {  	[tilespmem:s2], [sflag:$0x3] =	stream.linear.gather [hbm4b:s23+s2], $0x3E8, $0x38;
	[tilespmem:$0x101D0] =	vst v63  }
0x56: {  	s24 =	sadd.s32 $0x1B58, s30;
	_ =	swait.ge [sflag:s3], $0x3E8  }
0x57: {  	s24 =	sshrl.u32 s24, $0x3;
	[sflag:s3] =	ssyncset.done $0x0  }
0x58: {  	s24 =	sadd.s32 s29, s24;
	[sflag:s3] =	ssyncadd.s32 $0xFFFFFC18  }
0x59: {  	[tilespmem:s5], [sflag:$0x3] =	stream.linear.gather [hbm4b:s24+s2], $0x3E8, $0x38;
	[tilespmem:$0x101D0] =	vst v63  }
0x5a: {  	_ =	swait.ge [sflag:s3], $0x3E8  }
0x5b: {  	[sflag:s3] =	ssyncset.done $0x0  }
0x5c: {  	[sflag:s3] =	ssyncadd.s32 $0xFFFFFC18  }
0x5d: {  	[tilespmem:s7], [sflag:$0x1] =	stream.indirect.gather [hbm4b:s6+s5], $0x20, s2, s5, $0xb8;
	[tilespmem:$0x101D0] =	vst v63  }
0x5e: {  	_ = 	snop  }
0x5f: {  	[tilespmem:s8], [sflag:$0x2] =	stream.indirect.gather [hbm4b:s6+s5], $0x20, s5, s5, $0xb8;
	[tilespmem:$0x101D0] =	vst v63  }
0x60: {  	_ =	swait.ge [sflag:s9], $0x7D00  }
0x61: {  	[sflag:s9] =	ssyncset.done $0x0  }
0x62: {  	[sflag:s9] =	ssyncadd.s32 $0xFFFF8300  }
0x63: {  	_ =	swait.ge [sflag:s10], $0x7D00  }
0x64: {  	s26 =	sshll.u32 s25, $0x2;
	[sflag:s10] =	ssyncset.done $0x0  }
0x65: {  	s25 =	sadd.s32 s31, s26;
	[sflag:s10] =	ssyncadd.s32 $0xFFFF8300  }
0x66: {  	[hbm4b:s25+s12] =	stream.strided.scatter [tilespmem:s7], [sflag:$0x3], $0x7D00, s13, s12, $0x38;
	[tilespmem:$0x101D0] =	vst v63  }
0x67: {  	_ =	swait.ge [sflag:s3], $0x7D00  }
0x68: {  	[sflag:s3] =	ssyncset.done $0x0  }
0x69: {  	s26 =	sadd.s32 s26, s1;
	[sflag:s3] =	ssyncadd.s32 $0xFFFF8300  }
0x6a: {  	[hbm4b:s26+s12] =	stream.strided.scatter [tilespmem:s8], [sflag:$0x3], $0x7D00, s13, s12, $0x38;
	[tilespmem:$0x101D0] =	vst v63  }
0x6b: {  	s1 =	sadd.s32 $0x1F40, s30;
	_ =	swait.ge [sflag:s3], $0x7D00  }
0x6c: {  	s28 =	sshrl.u32 s1, $0x3;
	[sflag:s3] =	ssyncset.done $0x0  }
0x6d: {  	s28 =	sadd.s32 s29, s28;
	[sflag:s3] =	ssyncadd.s32 $0xFFFF8300  }
0x6e: {  	[tilespmem:s2], [sflag:$0x3] =	stream.linear.gather [hbm4b:s28+s2], $0x3E8, $0x38;
	[tilespmem:$0x101D0] =	vst v63  }
0x6f: {  	s30 =	sadd.s32 $0x2328, s30;
	_ =	swait.ge [sflag:s3], $0x3E8  }
0x70: {  	s30 =	sshrl.u32 s30, $0x3;
	[sflag:s3] =	ssyncset.done $0x0  }
0x71: {  	s29 =	sadd.s32 s29, s30;
	[sflag:s3] =	ssyncadd.s32 $0xFFFFFC18  }
0x72: {  	[tilespmem:s5], [sflag:$0x3] =	stream.linear.gather [hbm4b:s29+s2], $0x3E8, $0x38;
	[tilespmem:$0x101D0] =	vst v63  }
0x73: {  	_ =	swait.ge [sflag:s3], $0x3E8  }
0x74: {  	[sflag:s3] =	ssyncset.done $0x0  }
0x75: {  	[sflag:s3] =	ssyncadd.s32 $0xFFFFFC18  }
0x76: {  	[tilespmem:s7], [sflag:$0x1] =	stream.indirect.gather [hbm4b:s6+s5], $0x20, s2, s5, $0xb8;
	[tilespmem:$0x101D0] =	vst v63  }
0x77: {  	_ = 	snop  }
0x78: {  	[tilespmem:s8], [sflag:$0x2] =	stream.indirect.gather [hbm4b:s6+s5], $0x20, s5, s5, $0xb8;
	[tilespmem:$0x101D0] =	vst v63  }
0x79: {  	_ =	swait.ge [sflag:s9], $0x7D00  }
0x7a: {  	[sflag:s9] =	ssyncset.done $0x0  }
0x7b: {  	[sflag:s9] =	ssyncadd.s32 $0xFFFF8300  }
0x7c: {  	_ =	swait.ge [sflag:s10], $0x7D00  }
0x7d: {  	s1 =	sshll.u32 s1, $0x2;
	[sflag:s10] =	ssyncset.done $0x0;
	s0 =	rddreg [dreg:$0x3]  }
0x7e: {  	s30 =	sadd.s32 s31, s1;
	s0 =	ssub.s32 $0x2, s0;
	[sflag:s10] =	ssyncadd.s32 $0xFFFF8300  }
0x7f: {  	[hbm4b:s30+s12] =	stream.strided.scatter [tilespmem:s7], [sflag:$0x3], $0x7D00, s13, s12, $0x38;
	[tilespmem:$0x101D0] =	vst v63  }
0x80: {  	s31 =	sshrl.u32 s0, $0x1  }
0x81: {  	s0 =	ssub.s32 s0, s31  }
0x82: {  	s0 =	smax.u32 s0, $0x1  }
0x83: {  	p0 =	sne.s32 s0, $0x1  }
.Ltmp0:
0x84: {  	_ =	swait.ge [sflag:s3], $0x7D00;
	(pc) =	sbr.rel @!p0 .LBB2_2-.Ltmp0, $4  }
0x85: {  	[sflag:s3] =	ssyncset.done $0x0;
	s31 =	rddreg [dreg:$0x4]  }
0x86: {  	s31 =	sadd.s32 s1, s31;
	[sflag:s3] =	ssyncadd.s32 $0xFFFF8300  }
0x87: {  	[hbm4b:s31+s12] =	stream.strided.scatter [tilespmem:s8], [sflag:$0x3], $0x7D00, s13, s12, $0x38;
	[tilespmem:$0x101D0] =	vst v63  }
0x88: {  	s1 =	sadd.s32 $0xFFFFFFFF, s0;
	_ =	swait.ge [sflag:s3], $0x7D00  }
.LBB2_1:
0x89: {  	[sflag:s3] =	ssyncset.done $0x0  }
0x8a: {  	s0 =	rddreg [dreg:$0x2];
	[sflag:s3] =	ssyncadd.s32 $0xFFFF8300  }
0x8b: {  	[tilespmem:s2], [sflag:$0x3] =	stream.linear.gather [hbm4b:s0+s2], $0x3E8, $0x38;
	[tilespmem:$0x101D0] =	vst v63  }
0x8c: {  	_ =	swait.ge [sflag:s3], $0x3E8  }
0x8d: {  	[sflag:s3] =	ssyncset.done $0x0  }
0x8e: {  	[sflag:s3] =	ssyncadd.s32 $0xFFFFFC18  }
0x8f: {  	[tilespmem:s5], [sflag:$0x3] =	stream.linear.gather [hbm4b:s4+s2], $0x3E8, $0x38;
	[tilespmem:$0x101D0] =	vst v63  }
0x90: {  	_ =	swait.ge [sflag:s3], $0x3E8  }
0x91: {  	[sflag:s3] =	ssyncset.done $0x0  }
0x92: {  	[sflag:s3] =	ssyncadd.s32 $0xFFFFFC18  }
0x93: {  	[tilespmem:s7], [sflag:$0x1] =	stream.indirect.gather [hbm4b:s6+s5], $0x20, s2, s5, $0xb8;
	[tilespmem:$0x101D0] =	vst v63  }
0x94: {  	_ = 	snop  }
0x95: {  	[tilespmem:s8], [sflag:$0x2] =	stream.indirect.gather [hbm4b:s6+s5], $0x20, s5, s5, $0xb8;
	[tilespmem:$0x101D0] =	vst v63  }
0x96: {  	_ =	swait.ge [sflag:s9], $0x7D00  }
0x97: {  	[sflag:s9] =	ssyncset.done $0x0  }
0x98: {  	[sflag:s9] =	ssyncadd.s32 $0xFFFF8300  }
0x99: {  	_ =	swait.ge [sflag:s10], $0x7D00  }
0x9a: {  	[sflag:s10] =	ssyncset.done $0x0  }
0x9b: {  	[sflag:s10] =	ssyncadd.s32 $0xFFFF8300  }
0x9c: {  	[hbm4b:s11+s12] =	stream.strided.scatter [tilespmem:s7], [sflag:$0x3], $0x7D00, s13, s12, $0x38;
	[tilespmem:$0x101D0] =	vst v63  }
0x9d: {  	_ =	swait.ge [sflag:s3], $0x7D00  }
0x9e: {  	[sflag:s3] =	ssyncset.done $0x0  }
0x9f: {  	[sflag:s3] =	ssyncadd.s32 $0xFFFF8300  }
0xa0: {  	[hbm4b:s14+s12] =	stream.strided.scatter [tilespmem:s8], [sflag:$0x3], $0x7D00, s13, s12, $0x38;
	[tilespmem:$0x101D0] =	vst v63  }
0xa1: {  	_ =	swait.ge [sflag:s3], $0x7D00  }
0xa2: {  	[sflag:s3] =	ssyncset.done $0x0  }
0xa3: {  	[sflag:s3] =	ssyncadd.s32 $0xFFFF8300  }
0xa4: {  	[tilespmem:s2], [sflag:$0x3] =	stream.linear.gather [hbm4b:s15+s2], $0x3E8, $0x38;
	[tilespmem:$0x101D0] =	vst v63  }
0xa5: {  	_ =	swait.ge [sflag:s3], $0x3E8  }
0xa6: {  	[sflag:s3] =	ssyncset.done $0x0  }
0xa7: {  	[sflag:s3] =	ssyncadd.s32 $0xFFFFFC18  }
0xa8: {  	[tilespmem:s5], [sflag:$0x3] =	stream.linear.gather [hbm4b:s16+s2], $0x3E8, $0x38;
	[tilespmem:$0x101D0] =	vst v63  }
0xa9: {  	_ =	swait.ge [sflag:s3], $0x3E8  }
0xaa: {  	[sflag:s3] =	ssyncset.done $0x0  }
0xab: {  	[sflag:s3] =	ssyncadd.s32 $0xFFFFFC18  }
0xac: {  	[tilespmem:s7], [sflag:$0x1] =	stream.indirect.gather [hbm4b:s6+s5], $0x20, s2, s5, $0xb8;
	[tilespmem:$0x101D0] =	vst v63  }
0xad: {  	_ = 	snop  }
0xae: {  	[tilespmem:s8], [sflag:$0x2] =	stream.indirect.gather [hbm4b:s6+s5], $0x20, s5, s5, $0xb8;
	[tilespmem:$0x101D0] =	vst v63  }
0xaf: {  	_ =	swait.ge [sflag:s9], $0x7D00  }
0xb0: {  	[sflag:s9] =	ssyncset.done $0x0  }
0xb1: {  	[sflag:s9] =	ssyncadd.s32 $0xFFFF8300  }
0xb2: {  	_ =	swait.ge [sflag:s10], $0x7D00  }
0xb3: {  	[sflag:s10] =	ssyncset.done $0x0  }
0xb4: {  	[sflag:s10] =	ssyncadd.s32 $0xFFFF8300  }
0xb5: {  	[hbm4b:s17+s12] =	stream.strided.scatter [tilespmem:s7], [sflag:$0x3], $0x7D00, s13, s12, $0x38;
	[tilespmem:$0x101D0] =	vst v63  }
0xb6: {  	_ =	swait.ge [sflag:s3], $0x7D00  }
0xb7: {  	[sflag:s3] =	ssyncset.done $0x0  }
0xb8: {  	[sflag:s3] =	ssyncadd.s32 $0xFFFF8300  }
0xb9: {  	[hbm4b:s18+s12] =	stream.strided.scatter [tilespmem:s8], [sflag:$0x3], $0x7D00, s13, s12, $0x38;
	[tilespmem:$0x101D0] =	vst v63  }
0xba: {  	_ =	swait.ge [sflag:s3], $0x7D00  }
0xbb: {  	[sflag:s3] =	ssyncset.done $0x0  }
0xbc: {  	[sflag:s3] =	ssyncadd.s32 $0xFFFF8300  }
0xbd: {  	[tilespmem:s2], [sflag:$0x3] =	stream.linear.gather [hbm4b:s19+s2], $0x3E8, $0x38;
	[tilespmem:$0x101D0] =	vst v63  }
0xbe: {  	_ =	swait.ge [sflag:s3], $0x3E8  }
0xbf: {  	[sflag:s3] =	ssyncset.done $0x0  }
0xc0: {  	[sflag:s3] =	ssyncadd.s32 $0xFFFFFC18  }
0xc1: {  	[tilespmem:s5], [sflag:$0x3] =	stream.linear.gather [hbm4b:s20+s2], $0x3E8, $0x38;
	[tilespmem:$0x101D0] =	vst v63  }
0xc2: {  	_ =	swait.ge [sflag:s3], $0x3E8  }
0xc3: {  	[sflag:s3] =	ssyncset.done $0x0  }
0xc4: {  	[sflag:s3] =	ssyncadd.s32 $0xFFFFFC18  }
0xc5: {  	[tilespmem:s7], [sflag:$0x1] =	stream.indirect.gather [hbm4b:s6+s5], $0x20, s2, s5, $0xb8;
	[tilespmem:$0x101D0] =	vst v63  }
0xc6: {  	_ = 	snop  }
0xc7: {  	[tilespmem:s8], [sflag:$0x2] =	stream.indirect.gather [hbm4b:s6+s5], $0x20, s5, s5, $0xb8;
	[tilespmem:$0x101D0] =	vst v63  }
0xc8: {  	_ =	swait.ge [sflag:s9], $0x7D00  }
0xc9: {  	[sflag:s9] =	ssyncset.done $0x0  }
0xca: {  	[sflag:s9] =	ssyncadd.s32 $0xFFFF8300  }
0xcb: {  	_ =	swait.ge [sflag:s10], $0x7D00  }
0xcc: {  	[sflag:s10] =	ssyncset.done $0x0  }
0xcd: {  	[sflag:s10] =	ssyncadd.s32 $0xFFFF8300  }
0xce: {  	[hbm4b:s21+s12] =	stream.strided.scatter [tilespmem:s7], [sflag:$0x3], $0x7D00, s13, s12, $0x38;
	[tilespmem:$0x101D0] =	vst v63  }
0xcf: {  	_ =	swait.ge [sflag:s3], $0x7D00  }
0xd0: {  	[sflag:s3] =	ssyncset.done $0x0  }
0xd1: {  	[sflag:s3] =	ssyncadd.s32 $0xFFFF8300  }
0xd2: {  	[hbm4b:s22+s12] =	stream.strided.scatter [tilespmem:s8], [sflag:$0x3], $0x7D00, s13, s12, $0x38;
	[tilespmem:$0x101D0] =	vst v63  }
0xd3: {  	_ =	swait.ge [sflag:s3], $0x7D00  }
0xd4: {  	[sflag:s3] =	ssyncset.done $0x0  }
0xd5: {  	[sflag:s3] =	ssyncadd.s32 $0xFFFF8300  }
0xd6: {  	[tilespmem:s2], [sflag:$0x3] =	stream.linear.gather [hbm4b:s23+s2], $0x3E8, $0x38;
	[tilespmem:$0x101D0] =	vst v63  }
0xd7: {  	_ =	swait.ge [sflag:s3], $0x3E8  }
0xd8: {  	[sflag:s3] =	ssyncset.done $0x0  }
0xd9: {  	[sflag:s3] =	ssyncadd.s32 $0xFFFFFC18  }
0xda: {  	[tilespmem:s5], [sflag:$0x3] =	stream.linear.gather [hbm4b:s24+s2], $0x3E8, $0x38;
	[tilespmem:$0x101D0] =	vst v63  }
0xdb: {  	_ =	swait.ge [sflag:s3], $0x3E8  }
0xdc: {  	[sflag:s3] =	ssyncset.done $0x0  }
0xdd: {  	[sflag:s3] =	ssyncadd.s32 $0xFFFFFC18  }
0xde: {  	[tilespmem:s7], [sflag:$0x1] =	stream.indirect.gather [hbm4b:s6+s5], $0x20, s2, s5, $0xb8;
	[tilespmem:$0x101D0] =	vst v63  }
0xdf: {  	_ = 	snop  }
0xe0: {  	[tilespmem:s8], [sflag:$0x2] =	stream.indirect.gather [hbm4b:s6+s5], $0x20, s5, s5, $0xb8;
	[tilespmem:$0x101D0] =	vst v63  }
0xe1: {  	_ =	swait.ge [sflag:s9], $0x7D00  }
0xe2: {  	[sflag:s9] =	ssyncset.done $0x0  }
0xe3: {  	[sflag:s9] =	ssyncadd.s32 $0xFFFF8300  }
0xe4: {  	_ =	swait.ge [sflag:s10], $0x7D00  }
0xe5: {  	[sflag:s10] =	ssyncset.done $0x0  }
0xe6: {  	[sflag:s10] =	ssyncadd.s32 $0xFFFF8300  }
0xe7: {  	[hbm4b:s25+s12] =	stream.strided.scatter [tilespmem:s7], [sflag:$0x3], $0x7D00, s13, s12, $0x38;
	[tilespmem:$0x101D0] =	vst v63  }
0xe8: {  	_ =	swait.ge [sflag:s3], $0x7D00  }
0xe9: {  	[sflag:s3] =	ssyncset.done $0x0  }
0xea: {  	[sflag:s3] =	ssyncadd.s32 $0xFFFF8300  }
0xeb: {  	[hbm4b:s26+s12] =	stream.strided.scatter [tilespmem:s8], [sflag:$0x3], $0x7D00, s13, s12, $0x38;
	[tilespmem:$0x101D0] =	vst v63  }
0xec: {  	_ =	swait.ge [sflag:s3], $0x7D00  }
0xed: {  	[sflag:s3] =	ssyncset.done $0x0  }
0xee: {  	[sflag:s3] =	ssyncadd.s32 $0xFFFF8300  }
0xef: {  	[tilespmem:s2], [sflag:$0x3] =	stream.linear.gather [hbm4b:s28+s2], $0x3E8, $0x38;
	[tilespmem:$0x101D0] =	vst v63  }
0xf0: {  	_ =	swait.ge [sflag:s3], $0x3E8  }
0xf1: {  	[sflag:s3] =	ssyncset.done $0x0  }
0xf2: {  	[sflag:s3] =	ssyncadd.s32 $0xFFFFFC18  }
0xf3: {  	[tilespmem:s5], [sflag:$0x3] =	stream.linear.gather [hbm4b:s29+s2], $0x3E8, $0x38;
	[tilespmem:$0x101D0] =	vst v63  }
0xf4: {  	_ =	swait.ge [sflag:s3], $0x3E8  }
0xf5: {  	[sflag:s3] =	ssyncset.done $0x0  }
0xf6: {  	[sflag:s3] =	ssyncadd.s32 $0xFFFFFC18  }
0xf7: {  	[tilespmem:s7], [sflag:$0x1] =	stream.indirect.gather [hbm4b:s6+s5], $0x20, s2, s5, $0xb8;
	[tilespmem:$0x101D0] =	vst v63  }
0xf8: {  	_ = 	snop  }
0xf9: {  	[tilespmem:s8], [sflag:$0x2] =	stream.indirect.gather [hbm4b:s6+s5], $0x20, s5, s5, $0xb8;
	[tilespmem:$0x101D0] =	vst v63  }
0xfa: {  	_ =	swait.ge [sflag:s9], $0x7D00  }
0xfb: {  	[sflag:s9] =	ssyncset.done $0x0  }
0xfc: {  	[sflag:s9] =	ssyncadd.s32 $0xFFFF8300  }
0xfd: {  	_ =	swait.ge [sflag:s10], $0x7D00  }
0xfe: {  	[sflag:s10] =	ssyncset.done $0x0  }
0xff: {  	p0 =	sne.s32 s1, $0x1;
	[sflag:s10] =	ssyncadd.s32 $0xFFFF8300  }
0x100: {  	[hbm4b:s30+s12] =	stream.strided.scatter [tilespmem:s7], [sflag:$0x3], $0x7D00, s13, s12, $0x38;
	[tilespmem:$0x101D0] =	vst v63  }
.Ltmp1:
0x101: {  	_ =	swait.ge [sflag:s3], $0x7D00;
	(pc) =	sbr.rel @p0 .LBB2_1-.Ltmp1, $4  }
0x102: {  	[sflag:s3] =	ssyncset.done $0x0  }
0x103: {  	[sflag:s3] =	ssyncadd.s32 $0xFFFF8300  }
0x104: {  	[hbm4b:s31+s12] =	stream.strided.scatter [tilespmem:s8], [sflag:$0x3], $0x7D00, s13, s12, $0x38;
	[tilespmem:$0x101D0] =	vst v63  }
0x105: {  	s1 =	sadd.s32 $0xFFFFFFFF, s1;
	_ =	swait.ge [sflag:s3], $0x7D00  }
.LBB2_2:
0x106: {  	[sflag:s3] =	ssyncset.done $0x0  }
0x107: {  	[sflag:s3] =	ssyncadd.s32 $0xFFFF8300  }
0x108: {  	_ =	sfence.sel $0x180000  }
0x109: {  	[bflag:$0x0] =	sbarrier.arrive $0xFFFF  }
0x10a: {  	_ =	strace $0x9000004A  }
0x10b: {  	s0 =	stileid.u32;
	[bflag:$0x2] =	sbarrier.arrive $0xFFFF  }
0x10c: {  	p0 =	sne.s32 s0, $0x0;
	s0 =	rddreg [dreg:$0x1]  }
0x10d: {  	s0 =	sadd.s32 @!p0 $0x100000, s0  }
0x10e: {  	[sflag:s0] =	ssyncadd.tile.s32 @!p0 $0x1;
	_ =	shalt  }
.Lfunc_end2:
_tile_overlayer_lowered:
.L_overlay_start_2:
0x10f: {  	(tag) =	ssettag $0x2  }
0x110: {  	s0 =	rddreg [dreg:$0x0];
	s2 =	stileid.u32  }
0x111: {  	s1 =	rddreg [dreg:$0x1];
	p0 =	sne.s32 s2, $0x0  }
0x112: {  	s3 =	rddreg [dreg:$0x2];
	[bflag:$0x3] =	sbarrier.arrive $0xFFFF;
	s2 =	simm.s32 @!p0 $0x1C03  }
0x113: {  	[timem:s3], [sflag:s2] =	dma.local @!p0 [hbm:s0], s1  }
0x114: {  	s0 =	simm.s32 @!p0 $0x3  }
0x115: {  	_ =	swait.ge @!p0 [sflag:s0], s1  }
0x116: {  	s1 =	ssub.s32 @!p0 $0x0, s1;
	[sflag:s0] =	ssyncset.done @!p0 $0x0  }
0x117: {  	[sflag:s0] =	ssyncadd.s32 @!p0 s1  }
0x118: {  	[bflag:$0x3] =	sbarrier.arrive $0xFFFF  }
0x119: {  	_ =	shalt  }

// kernel: kernel.23.cloned.1.call-start
scs
__scs_entry_jumppad:
0x0: {  	(pc) =	sbr.rel $0x88, $3  }
0x1: {  	(tag) =	ssettag $0x0;
	lr =	simm.s32 $0x1  }
0x2: {  	[smem:$0x3F8F] =	sst lr;
	_ =	strace $0xD0000000  }
0x3: {  	_ = 	snop  }
0x4: {  	_ = 	snop  }
0x5: {  	_ = 	snop  }
0x6: {  	_ = 	snop  }
0x7: {  	_ = 	snop  }
__scs_overlays_trampoline_lowered:
0x8: {  	[smem:$0x3F9E] =	sst s0  }
0x9: {  	[smem:$0x3F9F] =	sst s1  }
0xa: {  	[smem:$0x3FA0] =	sst s2  }
0xb: {  	[smem:$0x3FA1] =	sst s3  }
0xc: {  	[smem:$0x3FA2] =	sst s4  }
0xd: {  	[smem:$0x3FA3] =	sst s5  }
0xe: {  	[smem:$0x3FA4] =	sst s6  }
0xf: {  	[smem:$0x3FA5] =	sst s7  }
0x10: {  	[smem:$0x3FA6] =	sst s8  }
0x11: {  	[smem:$0x3FA7] =	sst s9;
	s0 =	simm.s32 @!p0 $0x0  }
0x12: {  	s1 =	sld [smem:$0x3F8D];
	s0 =	simm.s32 @p0 $0x1  }
0x13: {  	[smem:$0x3FA8] =	sst s0;
	s0 =	simm.s32 @!p1 $0x0  }
0x14: {  	s2 =	sld [smem:$0x3F8C];
	s0 =	simm.s32 @p1 $0x1  }
0x15: {  	[smem:$0x3FA9] =	sst s0;
	s0 =	simm.s32 @!p2 $0x0  }
0x16: {  	s3 =	sld [smem:$0x3FDB];
	s0 =	simm.s32 @p2 $0x1  }
0x17: {  	s4 =	simm.s32 $0x1BF5;
	[smem:$0x3FAB] =	sst s0  }
0x18: {  	s0 =	sld [smem:$0x3F8E];
	_ =	swait.ge [sflag:s4], $0x0  }
0x19: {  	s7 =	sld [smem:$0x3F8F]  }
0x1a: {  	s8 =	sadd.s32 $0xFFFFE003, lr  }
0x1b: {  	s9 =	sadd.s32 $0xFFFFFEF7, lr;
	s5 =	simm.s32 $0xFFFFFFFF;
	p2 =	slt.u32 s8, $0xFFFFF086  }
0x1c: {  	p1 =	slt.u32 s9, $0xF7A;
	s5 =	simm.s32 @!p2 $0x0  }
0x1d: {  	s5 =	simm.s32 @p1 $0x1;
	p0 =	seq.s32 s7, s2  }
0x1e: {  	s7 =	smul.u32 @!p0 $0xF7A, s2;
	p2 =	seq.s32 @!p0 s5, $0x0  }
0x1f: {  	s9 =	smul.u32 $0xF7A, s1;
	s8 =	simm.s32 @!p0 $0x1BF5;
	p2 =	por !p2, p0  }
0x20: {  	[sflag:s8] =	ssyncset.s32 @!p0 $0xFFFFF086;
	s6 =	sadd.s32 @!p0 s3, s7;
	s7 =	simm.s32 @!p0 $0x108  }
0x21: {  	s3 =	sadd.s32 s3, s9;
	s6 =	sadd.s32 @!p0 $0x88, s6;
	s7 =	simm.s32 @p2 $0x1082  }
0x22: {  	[simem:s7], [sflag:s8] =	dma.local @!p0 [hbm:s6], $0xF7A  }
0x23: {  	s9 =	sor.u32 $0xD0000000, s2;
	s6 =	simm.s32 $0x108;
	_ =	swait.ge @!p0 [sflag:s8], $0x0  }
0x24: {  	s3 =	sadd.s32 $0x88, s3;
	s6 =	simm.s32 @!p1 $0x1082;
	[sflag:s4] =	ssyncset.s32 $0xFFFFF086  }
0x25: {  	[simem:s6], [sflag:s4] =	dma.local [hbm:s3], $0xF7A  }
0x26: {  	[smem:$0x3F8F] =	sst s1;
	(tag) =	ssettag s2;
	_ =	strace s9  }
0x27: {  	s1 =	sld [smem:$0x3F9F]  }
0x28: {  	s2 =	sld [smem:$0x3FA0]  }
0x29: {  	s4 =	sld [smem:$0x3FA2]  }
0x2a: {  	p0 =	seq.s32 s5, $0x0;
	s5 =	sld [smem:$0x3FA3]  }
0x2b: {  	s6 =	sld [smem:$0x3FA4]  }
0x2c: {  	s7 =	sld [smem:$0x3FA5]  }
0x2d: {  	s3 =	simm.s32 $0x108;
	s8 =	sld [smem:$0x3FA6]  }
0x2e: {  	s3 =	simm.s32 @!p0 $0x1082;
	s9 =	sld [smem:$0x3FA7]  }
0x2f: {  	lr =	sadd.s32 s0, s3;
	s0 =	sld [smem:$0x3F9E]  }
0x30: {  	s3 =	sld [smem:$0x3FA1]  }
0x31: {  	[smem:$0x3FAA] =	sst s10  }
0x32: {  	s10 =	sld [smem:$0x3FA8];
	_ =	sdelay $0x3  }
0x33: {  	p0 =	seq.s32 s10, $0x1;
	s10 =	sld [smem:$0x3FAA];
	_ =	sdelay $0x3  }
0x34: {  	[smem:$0x3FAA] =	sst s10  }
0x35: {  	s10 =	sld [smem:$0x3FA9];
	_ =	sdelay $0x3  }
0x36: {  	p1 =	seq.s32 s10, $0x1;
	s10 =	sld [smem:$0x3FAA];
	_ =	sdelay $0x3  }
0x37: {  	[smem:$0x3FAA] =	sst s10  }
0x38: {  	s10 =	sld [smem:$0x3FAB]  }
0x39: {  	_ = 	snop;
	(pc) =	sbr.ind lr, $3  }
0x3a: {  	_ = 	snop  }
0x3b: {  	_ = 	snop  }
0x3c: {  	p2 =	seq.s32 s10, $0x1;
	s10 =	sld [smem:$0x3FAA]  }
0x3d: {  	_ =	shalt  }
0x3e: {  	_ =	shalt  }
0x3f: {  	_ =	shalt  }
0x40: {  	_ =	shalt  }
0x41: {  	_ =	shalt  }
0x42: {  	_ =	shalt  }
0x43: {  	_ =	shalt  }
0x44: {  	_ =	shalt  }
0x45: {  	_ =	shalt  }
0x46: {  	_ =	shalt  }
0x47: {  	_ =	shalt  }
0x48: {  	_ =	shalt  }
0x49: {  	_ =	shalt  }
0x4a: {  	_ =	shalt  }
0x4b: {  	_ =	shalt  }
0x4c: {  	_ =	shalt  }
0x4d: {  	_ =	shalt  }
0x4e: {  	_ =	shalt  }
0x4f: {  	_ =	shalt  }
0x50: {  	_ =	shalt  }
0x51: {  	_ =	shalt  }
0x52: {  	_ =	shalt  }
0x53: {  	_ =	shalt  }
0x54: {  	_ =	shalt  }
0x55: {  	_ =	shalt  }
0x56: {  	_ =	shalt  }
0x57: {  	_ =	shalt  }
0x58: {  	_ =	shalt  }
0x59: {  	_ =	shalt  }
0x5a: {  	_ =	shalt  }
0x5b: {  	_ =	shalt  }
0x5c: {  	_ =	shalt  }
0x5d: {  	_ =	shalt  }
0x5e: {  	_ =	shalt  }
0x5f: {  	_ =	shalt  }
0x60: {  	_ =	shalt  }
0x61: {  	_ =	shalt  }
0x62: {  	_ =	shalt  }
0x63: {  	_ =	shalt  }
0x64: {  	_ =	shalt  }
0x65: {  	_ =	shalt  }
0x66: {  	_ =	shalt  }
0x67: {  	_ =	shalt  }
0x68: {  	_ =	shalt  }
0x69: {  	_ =	shalt  }
0x6a: {  	_ =	shalt  }
0x6b: {  	_ =	shalt  }
0x6c: {  	_ =	shalt  }
0x6d: {  	_ =	shalt  }
0x6e: {  	_ =	shalt  }
0x6f: {  	_ =	shalt  }
0x70: {  	_ =	shalt  }
0x71: {  	_ =	shalt  }
0x72: {  	_ =	shalt  }
0x73: {  	_ =	shalt  }
0x74: {  	_ =	shalt  }
0x75: {  	_ =	shalt  }
0x76: {  	_ =	shalt  }
0x77: {  	_ =	shalt  }
0x78: {  	_ =	shalt  }
0x79: {  	_ =	shalt  }
0x7a: {  	_ =	shalt  }
0x7b: {  	_ =	shalt  }
0x7c: {  	_ =	shalt  }
0x7d: {  	_ =	shalt  }
0x7e: {  	_ =	shalt  }
0x7f: {  	_ =	shalt  }
0x80: {  	_ =	shalt  }
0x81: {  	_ =	shalt  }
0x82: {  	_ =	shalt  }
0x83: {  	_ =	shalt  }
0x84: {  	_ =	shalt  }
0x85: {  	_ =	shalt  }
0x86: {  	_ =	shalt  }
0x87: {  	_ =	shalt  }
.Lfunc_end0:
.L_simem_size_0:
called_computation.2_lowered:
.L_overlay_start_0:
0x88: {  	s2 =	sld [smem:$0x3FD9]  }
0x89: {  	s3 =	sld [smem:$0x3FFE];
	_ =	sdelay $0x1  }
0x8a: {  	s1 =	srdreg.scid  }
0x8b: {  	s0 =	sand.u32 $0x1, s1  }
0x8c: {  	s16 =	sshll.u32 s0, $0xA;
	s2 =	sadd.s32 s3, s2  }
0x8d: {  	s2 =	sadd.s32 s2, s16  }
0x8e: {  	[smem:$0x3FB6] =	sst s2  }
0x8f: {  	_ = 	snop  }
0x90: {  	(tm) =	ssettm $0x1  }
0x91: {  	s17 =	sld [smem:$0x3FFB];
	_ =	sdelay $0x3  }
0x92: {  	_ =	strace s17  }
0x93: {  	s2 =	sld [smem:$0x3FFC];
	_ =	sdelay $0x3  }
0x94: {  	_ =	strace s2  }
0x95: {  	s2 =	sld [smem:$0x3FFD];
	_ =	sdelay $0x3  }
0x96: {  	_ =	strace s2  }
0x97: {  	_ =	strace $0x8FFFFFFF  }
0x98: {  	s18 =	sld [smem:$0x3FDB];
	_ =	sdelay $0x1  }
0x99: {  	s19 =	simm.s32 $_scs_section_size  }
0x9a: {  	s4 =	simm.s32 $_size__tile_overlayer_lowered;
	s5 =	simm.s32 $_tile_overlayer_lowered  }
0x9b: {  	s22 =	simm.s32 $0x1BFF;
	s21 =	sshll.u32 s5, $0x1;
	s2 =	sadd.s32 s19, s18  }
0x9c: {  	s6 =	simm.s32 $0x0;
	s20 =	sshll.u32 s4, $0x1;
	s4 =	sadd.s32 s21, s2  }
0x9d: {  	[timem:s6], [sflag:s22] =	dma.local [hbm:s4], s20  }
0x9e: {  	_ =	swait.ge [sflag:s22], s20  }
0x9f: {  	s3 =	ssub.s32 $0x0, s20;
	[sflag:s22] =	ssyncset.done $0x0  }
0xa0: {  	[sflag:s22] =	ssyncadd.s32 s3;
	_ =	sdelay $0x1  }
0xa1: {  	s23 =	simm.s32 $0x1B8B  }
0xa2: {  	_ =	swait.ge [sflag:s23], $0x1  }
0xa3: {  	[sflag:s23] =	ssyncset.done $0x0  }
0xa4: {  	s25 =	simm.s32 $0x1B8E;
	s24 =	sld [smem:$0x3FFE];
	[sflag:s23] =	ssyncadd.s32 $0xFFFFFFFF  }
0xa5: {  	s26 =	simm.s32 $execute0_lowered;
	[smem:$0x3FD2] =	sst s25  }
0xa6: {  	s4 =	sshll.u32 s26, $0x1;
	_ =	strace $0x8000004C;
	[dreg:$0x1] =	wrdreg $0xFFFFFFFF  }
0xa7: {  	s28 =	simm.s32 $_size_execute0_lowered;
	s2 =	sadd.s32 s2, s4;
	[dreg:$0x0] =	wrdreg $0x0  }
0xa8: {  	s4 =	sshll.u32 s28, $0x1;
	[dreg:$0x2] =	wrdreg s2  }
0xa9: {  	[dreg:$0x3] =	wrdreg s4  }
0xaa: {  	[dreg:$0x4] =	wrdreg $0xC0  }
0xab: {  	_ =	task [dreg:s6], $0x5FFFF  }
0xac: {  	[dreg:$0x1] =	wrdreg $0xFFFFFFFF  }
0xad: {  	[dreg:$0x0] =	wrdreg $0x60  }
0xae: {  	[dreg:$0x2] =	wrdreg s24  }
0xaf: {  	[dreg:$0x3] =	wrdreg $0x9  }
0xb0: {  	_ =	task.clear_ibuf [dreg:s6], $0x4FFFF;
	_ =	strace $0x9000004C  }
0xb1: {  	s29 =	simm.s32 $0x9;
	_ =	strace $0x8000004E  }
0xb2: {  	_ =	swait.ge [sflag:s29], $0x1  }
0xb3: {  	[sflag:s29] =	ssyncadd.s32 $0xFFFFFFFF  }
0xb4: {  	_ =	strace $0x9000004E  }
0xb5: {  	_ =	sfence  }
0xb6: {  	s30 =	sld [smem:$0x0];
	_ =	sdelay $0x2  }
0xb7: {  	s31 =	sshll.u32 s1, $0xD;
	s1 =	sshrl.u32 s1, $0x2  }
0xb8: {  	s3 =	sand.u32 $0x4000, s31;
	s1 =	sadd.s32 s1, s30  }
0xb9: {  	s0 =	sor.u32 s3, s0;
	s1 =	sshll.u32 s1, $0x11  }
0xba: {  	s0 =	sor.u32 s1, s0  }
0xbb: {  	s0 =	sadd.s32 $0x8F2B, s0  }
0xbc: {  	[sflag:s0] =	ssyncadd.remote.s32 $0x1  }
0xbd: {  	_ =	sfence.sel $0xFFFF  }
0xbe: {  	[dreg:$0x0] =	wrdreg $0xFFFFFFFF;
	(pc) =	sbr.abs _section_cstart, $3  }
0xbf: {  	[dreg:$0x1] =	wrdreg $0xFFFFFFFF  }
0xc0: {  	_ =	task.clear_ibuf [dreg:s6], $0x2FFFF;
	_ =	strace $0x9FFFFFFF  }
0xc1: {  	(tm) =	ssettm $0x7FFFFFFF  }
tec
execute0_lowered:
.L_overlay_start_1:
0x0: {  	(tag) =	ssettag $0x1  }
0x1: {  	s0 =	srdreg.scid;
	s1 =	stileid.u32  }
0x2: {  	s2 =	sand.u32 $0x1, s0;
	s25 =	sshll.u32 s1, $0x1  }
0x3: {  	s0 =	sor.u32 s2, s25  }
0x4: {  	s14 =	rddreg [dreg:$0x0];
	s30 =	smul.u32 $0x2710, s0  }
0x5: {  	s29 =	sadd.s32 $0x4FC00, s14  }
0x6: {  	[dreg:$0x3] =	wrdreg s2;
	s2 =	simm.s32 $0x0;
	s3 =	sshrl.u32 s30, $0x3  }
0x7: {  	[smem:$0x7FF] =	sst s2;
	s3 =	sadd.s32 s29, s3  }
0x8: {  	_ =	strace $0x8000004D;
	[dreg:$0x2] =	wrdreg s3  }
0x9: {  	s3 =	simm.s32 $0x3;
	s4 =	rddreg [dreg:$0x2]  }
0xa: {  	[tilespmem:s2], [sflag:$0x3] =	stream.linear.gather [hbm4b:s4+s2], $0x3E8, $0x38;
	[tilespmem:$0x101D0] =	vst v63  }
0xb: {  	s26 =	sadd.s32 $0x3E8, s30;
	_ =	swait.ge [sflag:s3], $0x3E8  }
0xc: {  	s4 =	sshrl.u32 s26, $0x3;
	[sflag:s3] =	ssyncset.done $0x0  }
0xd: {  	s5 =	simm.s32 $0x3E8;
	s4 =	sadd.s32 s29, s4;
	[sflag:s3] =	ssyncadd.s32 $0xFFFFFC18  }
0xe: {  	[tilespmem:s5], [sflag:$0x3] =	stream.linear.gather [hbm4b:s4+s2], $0x3E8, $0x38;
	[tilespmem:$0x101D0] =	vst v63  }
0xf: {  	_ =	swait.ge [sflag:s3], $0x3E8  }
0x10: {  	[sflag:s3] =	ssyncset.done $0x0  }
0x11: {  	s7 =	simm.s32 $0x7D0;
	s6 =	sadd.s32 $0x45E00, s14;
	[sflag:s3] =	ssyncadd.s32 $0xFFFFFC18  }
0x12: {  	[tilespmem:s7], [sflag:$0x1] =	stream.indirect.gather [hbm4b:s6+s5], $0x20, s2, s5, $0xb8;
	[tilespmem:$0x101D0] =	vst v63  }
0x13: {  	s8 =	simm.s32 $0x84D0;
	s9 =	simm.s32 $0x1  }
0x14: {  	[tilespmem:s8], [sflag:$0x2] =	stream.indirect.gather [hbm4b:s6+s5], $0x20, s5, s5, $0xb8;
	[tilespmem:$0x101D0] =	vst v63  }
0x15: {  	_ =	swait.ge [sflag:s9], $0x7D00  }
0x16: {  	[sflag:s9] =	ssyncset.done $0x0  }
0x17: {  	s10 =	simm.s32 $0x2;
	[sflag:s9] =	ssyncadd.s32 $0xFFFF8300  }
0x18: {  	s15 =	smul.u32 $0x9C40, s0;
	_ =	swait.ge [sflag:s10], $0x7D00  }
0x19: {  	s12 =	simm.s32 $0x20;
	s31 =	sadd.s32 $0x59A00, s14;
	[sflag:s10] =	ssyncset.done $0x0  }
0x1a: {  	s13 =	simm.s32 $0x40;
	s11 =	sadd.s32 s31, s15;
	[sflag:s10] =	ssyncadd.s32 $0xFFFF8300  }
0x1b: {  	[hbm4b:s11+s12] =	stream.strided.scatter [tilespmem:s7], [sflag:$0x3], $0x7D00, s13, s12, $0x38;
	[tilespmem:$0x101D0] =	vst v63  }
0x1c: {  	_ =	swait.ge [sflag:s3], $0x7D00  }
0x1d: {  	s1 =	sadd.s32 $0x59A04, s14;
	[sflag:s3] =	ssyncset.done $0x0  }
0x1e: {  	s14 =	sadd.s32 s15, s1;
	[sflag:s3] =	ssyncadd.s32 $0xFFFF8300  }
0x1f: {  	[hbm4b:s14+s12] =	stream.strided.scatter [tilespmem:s8], [sflag:$0x3], $0x7D00, s13, s12, $0x38;
	[tilespmem:$0x101D0] =	vst v63  }
0x20: {  	s17 =	sadd.s32 $0x7D0, s30;
	_ =	swait.ge [sflag:s3], $0x7D00  }
0x21: {  	s26 =	sshrl.u32 s17, $0x3;
	[sflag:s3] =	ssyncset.done $0x0  }
0x22: {  	s15 =	sadd.s32 s29, s26;
	[sflag:s3] =	ssyncadd.s32 $0xFFFF8300  }
0x23: {  	[tilespmem:s2], [sflag:$0x3] =	stream.linear.gather [hbm4b:s15+s2], $0x3E8, $0x38;
	[tilespmem:$0x101D0] =	vst v63  }
0x24: {  	s16 =	sadd.s32 $0xBB8, s30;
	_ =	swait.ge [sflag:s3], $0x3E8  }
0x25: {  	s16 =	sshrl.u32 s16, $0x3;
	[sflag:s3] =	ssyncset.done $0x0  }
0x26: {  	s16 =	sadd.s32 s29, s16;
	[sflag:s3] =	ssyncadd.s32 $0xFFFFFC18  }
0x27: {  	[tilespmem:s5], [sflag:$0x3] =	stream.linear.gather [hbm4b:s16+s2], $0x3E8, $0x38;
	[tilespmem:$0x101D0] =	vst v63  }
0x28: {  	_ =	swait.ge [sflag:s3], $0x3E8  }
0x29: {  	[sflag:s3] =	ssyncset.done $0x0  }
0x2a: {  	[sflag:s3] =	ssyncadd.s32 $0xFFFFFC18  }
0x2b: {  	[tilespmem:s7], [sflag:$0x1] =	stream.indirect.gather [hbm4b:s6+s5], $0x20, s2, s5, $0xb8;
	[tilespmem:$0x101D0] =	vst v63  }
0x2c: {  	_ = 	snop  }
0x2d: {  	[tilespmem:s8], [sflag:$0x2] =	stream.indirect.gather [hbm4b:s6+s5], $0x20, s5, s5, $0xb8;
	[tilespmem:$0x101D0] =	vst v63  }
0x2e: {  	_ =	swait.ge [sflag:s9], $0x7D00  }
0x2f: {  	[sflag:s9] =	ssyncset.done $0x0  }
0x30: {  	[sflag:s9] =	ssyncadd.s32 $0xFFFF8300  }
0x31: {  	_ =	swait.ge [sflag:s10], $0x7D00  }
0x32: {  	s18 =	sshll.u32 s17, $0x2;
	[sflag:s10] =	ssyncset.done $0x0  }
0x33: {  	s17 =	sadd.s32 s31, s18;
	[sflag:s10] =	ssyncadd.s32 $0xFFFF8300  }
0x34: {  	[hbm4b:s17+s12] =	stream.strided.scatter [tilespmem:s7], [sflag:$0x3], $0x7D00, s13, s12, $0x38;
	[tilespmem:$0x101D0] =	vst v63  }
0x35: {  	_ =	swait.ge [sflag:s3], $0x7D00  }
0x36: {  	[sflag:s3] =	ssyncset.done $0x0  }
0x37: {  	s18 =	sadd.s32 s18, s1;
	[sflag:s3] =	ssyncadd.s32 $0xFFFF8300  }
0x38: {  	[hbm4b:s18+s12] =	stream.strided.scatter [tilespmem:s8], [sflag:$0x3], $0x7D00, s13, s12, $0x38;
	[tilespmem:$0x101D0] =	vst v63  }
0x39: {  	s21 =	sadd.s32 $0xFA0, s30;
	_ =	swait.ge [sflag:s3], $0x7D00  }
0x3a: {  	s19 =	sshrl.u32 s21, $0x3;
	[sflag:s3] =	ssyncset.done $0x0  }
0x3b: {  	s19 =	sadd.s32 s29, s19;
	[sflag:s3] =	ssyncadd.s32 $0xFFFF8300  }
0x3c: {  	[tilespmem:s2], [sflag:$0x3] =	stream.linear.gather [hbm4b:s19+s2], $0x3E8, $0x38;
	[tilespmem:$0x101D0] =	vst v63  }
0x3d: {  	s20 =	sadd.s32 $0x1388, s30;
	_ =	swait.ge [sflag:s3], $0x3E8  }
0x3e: {  	s20 =	sshrl.u32 s20, $0x3;
	[sflag:s3] =	ssyncset.done $0x0  }
0x3f: {  	s20 =	sadd.s32 s29, s20;
	[sflag:s3] =	ssyncadd.s32 $0xFFFFFC18  }
0x40: {  	[tilespmem:s5], [sflag:$0x3] =	stream.linear.gather [hbm4b:s20+s2], $0x3E8, $0x38;
	[tilespmem:$0x101D0] =	vst v63  }
0x41: {  	_ =	swait.ge [sflag:s3], $0x3E8  }
0x42: {  	[sflag:s3] =	ssyncset.done $0x0  }
0x43: {  	[sflag:s3] =	ssyncadd.s32 $0xFFFFFC18  }
0x44: {  	[tilespmem:s7], [sflag:$0x1] =	stream.indirect.gather [hbm4b:s6+s5], $0x20, s2, s5, $0xb8;
	[tilespmem:$0x101D0] =	vst v63  }
0x45: {  	_ = 	snop  }
0x46: {  	[tilespmem:s8], [sflag:$0x2] =	stream.indirect.gather [hbm4b:s6+s5], $0x20, s5, s5, $0xb8;
	[tilespmem:$0x101D0] =	vst v63  }
0x47: {  	_ =	swait.ge [sflag:s9], $0x7D00  }
0x48: {  	[sflag:s9] =	ssyncset.done $0x0  }
0x49: {  	[sflag:s9] =	ssyncadd.s32 $0xFFFF8300  }
0x4a: {  	_ =	swait.ge [sflag:s10], $0x7D00  }
0x4b: {  	s22 =	sshll.u32 s21, $0x2;
	[sflag:s10] =	ssyncset.done $0x0  }
0x4c: {  	s21 =	sadd.s32 s31, s22;
	[sflag:s10] =	ssyncadd.s32 $0xFFFF8300  }
0x4d: {  	[hbm4b:s21+s12] =	stream.strided.scatter [tilespmem:s7], [sflag:$0x3], $0x7D00, s13, s12, $0x38;
	[tilespmem:$0x101D0] =	vst v63  }
0x4e: {  	_ =	swait.ge [sflag:s3], $0x7D00  }
0x4f: {  	[sflag:s3] =	ssyncset.done $0x0  }
0x50: {  	s22 =	sadd.s32 s22, s1;
	[dreg:$0x4] =	wrdreg s1;
	[sflag:s3] =	ssyncadd.s32 $0xFFFF8300  }
0x51: {  	[hbm4b:s22+s12] =	stream.strided.scatter [tilespmem:s8], [sflag:$0x3], $0x7D00, s13, s12, $0x38;
	[tilespmem:$0x101D0] =	vst v63  }
0x52: {  	s25 =	sadd.s32 $0x1770, s30;
	_ =	swait.ge [sflag:s3], $0x7D00  }
0x53: {  	s23 =	sshrl.u32 s25, $0x3;
	[sflag:s3] =	ssyncset.done $0x0  }
0x54: {  	s23 =	sadd.s32 s29, s23;
	[sflag:s3] =	ssyncadd.s32 $0xFFFF8300  }
0x55: {  	[tilespmem:s2], [sflag:$0x3] =	stream.linear.gather [hbm4b:s23+s2], $0x3E8, $0x38;
	[tilespmem:$0x101D0] =	vst v63  }
0x56: {  	s24 =	sadd.s32 $0x1B58, s30;
	_ =	swait.ge [sflag:s3], $0x3E8  }
0x57: {  	s24 =	sshrl.u32 s24, $0x3;
	[sflag:s3] =	ssyncset.done $0x0  }
0x58: {  	s24 =	sadd.s32 s29, s24;
	[sflag:s3] =	ssyncadd.s32 $0xFFFFFC18  }
0x59: {  	[tilespmem:s5], [sflag:$0x3] =	stream.linear.gather [hbm4b:s24+s2], $0x3E8, $0x38;
	[tilespmem:$0x101D0] =	vst v63  }
0x5a: {  	_ =	swait.ge [sflag:s3], $0x3E8  }
0x5b: {  	[sflag:s3] =	ssyncset.done $0x0  }
0x5c: {  	[sflag:s3] =	ssyncadd.s32 $0xFFFFFC18  }
0x5d: {  	[tilespmem:s7], [sflag:$0x1] =	stream.indirect.gather [hbm4b:s6+s5], $0x20, s2, s5, $0xb8;
	[tilespmem:$0x101D0] =	vst v63  }
0x5e: {  	_ = 	snop  }
0x5f: {  	[tilespmem:s8], [sflag:$0x2] =	stream.indirect.gather [hbm4b:s6+s5], $0x20, s5, s5, $0xb8;
	[tilespmem:$0x101D0] =	vst v63  }
0x60: {  	_ =	swait.ge [sflag:s9], $0x7D00  }
0x61: {  	[sflag:s9] =	ssyncset.done $0x0  }
0x62: {  	[sflag:s9] =	ssyncadd.s32 $0xFFFF8300  }
0x63: {  	_ =	swait.ge [sflag:s10], $0x7D00  }
0x64: {  	s26 =	sshll.u32 s25, $0x2;
	[sflag:s10] =	ssyncset.done $0x0  }
0x65: {  	s25 =	sadd.s32 s31, s26;
	[sflag:s10] =	ssyncadd.s32 $0xFFFF8300  }
0x66: {  	[hbm4b:s25+s12] =	stream.strided.scatter [tilespmem:s7], [sflag:$0x3], $0x7D00, s13, s12, $0x38;
	[tilespmem:$0x101D0] =	vst v63  }
0x67: {  	_ =	swait.ge [sflag:s3], $0x7D00  }
0x68: {  	[sflag:s3] =	ssyncset.done $0x0  }
0x69: {  	s26 =	sadd.s32 s26, s1;
	[sflag:s3] =	ssyncadd.s32 $0xFFFF8300  }
0x6a: {  	[hbm4b:s26+s12] =	stream.strided.scatter [tilespmem:s8], [sflag:$0x3], $0x7D00, s13, s12, $0x38;
	[tilespmem:$0x101D0] =	vst v63  }
0x6b: {  	s1 =	sadd.s32 $0x1F40, s30;
	_ =	swait.ge [sflag:s3], $0x7D00  }
0x6c: {  	s28 =	sshrl.u32 s1, $0x3;
	[sflag:s3] =	ssyncset.done $0x0  }
0x6d: {  	s28 =	sadd.s32 s29, s28;
	[sflag:s3] =	ssyncadd.s32 $0xFFFF8300  }
0x6e: {  	[tilespmem:s2], [sflag:$0x3] =	stream.linear.gather [hbm4b:s28+s2], $0x3E8, $0x38;
	[tilespmem:$0x101D0] =	vst v63  }
0x6f: {  	s30 =	sadd.s32 $0x2328, s30;
	_ =	swait.ge [sflag:s3], $0x3E8  }
0x70: {  	s30 =	sshrl.u32 s30, $0x3;
	[sflag:s3] =	ssyncset.done $0x0  }
0x71: {  	s29 =	sadd.s32 s29, s30;
	[sflag:s3] =	ssyncadd.s32 $0xFFFFFC18  }
0x72: {  	[tilespmem:s5], [sflag:$0x3] =	stream.linear.gather [hbm4b:s29+s2], $0x3E8, $0x38;
	[tilespmem:$0x101D0] =	vst v63  }
0x73: {  	_ =	swait.ge [sflag:s3], $0x3E8  }
0x74: {  	[sflag:s3] =	ssyncset.done $0x0  }
0x75: {  	[sflag:s3] =	ssyncadd.s32 $0xFFFFFC18  }
0x76: {  	[tilespmem:s7], [sflag:$0x1] =	stream.indirect.gather [hbm4b:s6+s5], $0x20, s2, s5, $0xb8;
	[tilespmem:$0x101D0] =	vst v63  }
0x77: {  	_ = 	snop  }
0x78: {  	[tilespmem:s8], [sflag:$0x2] =	stream.indirect.gather [hbm4b:s6+s5], $0x20, s5, s5, $0xb8;
	[tilespmem:$0x101D0] =	vst v63  }
0x79: {  	_ =	swait.ge [sflag:s9], $0x7D00  }
0x7a: {  	[sflag:s9] =	ssyncset.done $0x0  }
0x7b: {  	[sflag:s9] =	ssyncadd.s32 $0xFFFF8300  }
0x7c: {  	_ =	swait.ge [sflag:s10], $0x7D00  }
0x7d: {  	s1 =	sshll.u32 s1, $0x2;
	[sflag:s10] =	ssyncset.done $0x0;
	s0 =	rddreg [dreg:$0x3]  }
0x7e: {  	s30 =	sadd.s32 s31, s1;
	s0 =	ssub.s32 $0x2, s0;
	[sflag:s10] =	ssyncadd.s32 $0xFFFF8300  }
0x7f: {  	[hbm4b:s30+s12] =	stream.strided.scatter [tilespmem:s7], [sflag:$0x3], $0x7D00, s13, s12, $0x38;
	[tilespmem:$0x101D0] =	vst v63  }
0x80: {  	s31 =	sshrl.u32 s0, $0x1  }
0x81: {  	s0 =	ssub.s32 s0, s31  }
0x82: {  	s0 =	smax.u32 s0, $0x1  }
0x83: {  	p0 =	sne.s32 s0, $0x1  }
.Ltmp0:
0x84: {  	_ =	swait.ge [sflag:s3], $0x7D00;
	(pc) =	sbr.rel @!p0 .LBB2_2-.Ltmp0, $4  }
0x85: {  	[sflag:s3] =	ssyncset.done $0x0;
	s31 =	rddreg [dreg:$0x4]  }
0x86: {  	s31 =	sadd.s32 s1, s31;
	[sflag:s3] =	ssyncadd.s32 $0xFFFF8300  }
0x87: {  	[hbm4b:s31+s12] =	stream.strided.scatter [tilespmem:s8], [sflag:$0x3], $0x7D00, s13, s12, $0x38;
	[tilespmem:$0x101D0] =	vst v63  }
0x88: {  	s1 =	sadd.s32 $0xFFFFFFFF, s0;
	_ =	swait.ge [sflag:s3], $0x7D00  }
.LBB2_1:
0x89: {  	[sflag:s3] =	ssyncset.done $0x0  }
0x8a: {  	s0 =	rddreg [dreg:$0x2];
	[sflag:s3] =	ssyncadd.s32 $0xFFFF8300  }
0x8b: {  	[tilespmem:s2], [sflag:$0x3] =	stream.linear.gather [hbm4b:s0+s2], $0x3E8, $0x38;
	[tilespmem:$0x101D0] =	vst v63  }
0x8c: {  	_ =	swait.ge [sflag:s3], $0x3E8  }
0x8d: {  	[sflag:s3] =	ssyncset.done $0x0  }
0x8e: {  	[sflag:s3] =	ssyncadd.s32 $0xFFFFFC18  }
0x8f: {  	[tilespmem:s5], [sflag:$0x3] =	stream.linear.gather [hbm4b:s4+s2], $0x3E8, $0x38;
	[tilespmem:$0x101D0] =	vst v63  }
0x90: {  	_ =	swait.ge [sflag:s3], $0x3E8  }
0x91: {  	[sflag:s3] =	ssyncset.done $0x0  }
0x92: {  	[sflag:s3] =	ssyncadd.s32 $0xFFFFFC18  }
0x93: {  	[tilespmem:s7], [sflag:$0x1] =	stream.indirect.gather [hbm4b:s6+s5], $0x20, s2, s5, $0xb8;
	[tilespmem:$0x101D0] =	vst v63  }
0x94: {  	_ = 	snop  }
0x95: {  	[tilespmem:s8], [sflag:$0x2] =	stream.indirect.gather [hbm4b:s6+s5], $0x20, s5, s5, $0xb8;
	[tilespmem:$0x101D0] =	vst v63  }
0x96: {  	_ =	swait.ge [sflag:s9], $0x7D00  }
0x97: {  	[sflag:s9] =	ssyncset.done $0x0  }
0x98: {  	[sflag:s9] =	ssyncadd.s32 $0xFFFF8300  }
0x99: {  	_ =	swait.ge [sflag:s10], $0x7D00  }
0x9a: {  	[sflag:s10] =	ssyncset.done $0x0  }
0x9b: {  	[sflag:s10] =	ssyncadd.s32 $0xFFFF8300  }
0x9c: {  	[hbm4b:s11+s12] =	stream.strided.scatter [tilespmem:s7], [sflag:$0x3], $0x7D00, s13, s12, $0x38;
	[tilespmem:$0x101D0] =	vst v63  }
0x9d: {  	_ =	swait.ge [sflag:s3], $0x7D00  }
0x9e: {  	[sflag:s3] =	ssyncset.done $0x0  }
0x9f: {  	[sflag:s3] =	ssyncadd.s32 $0xFFFF8300  }
0xa0: {  	[hbm4b:s14+s12] =	stream.strided.scatter [tilespmem:s8], [sflag:$0x3], $0x7D00, s13, s12, $0x38;
	[tilespmem:$0x101D0] =	vst v63  }
0xa1: {  	_ =	swait.ge [sflag:s3], $0x7D00  }
0xa2: {  	[sflag:s3] =	ssyncset.done $0x0  }
0xa3: {  	[sflag:s3] =	ssyncadd.s32 $0xFFFF8300  }
0xa4: {  	[tilespmem:s2], [sflag:$0x3] =	stream.linear.gather [hbm4b:s15+s2], $0x3E8, $0x38;
	[tilespmem:$0x101D0] =	vst v63  }
0xa5: {  	_ =	swait.ge [sflag:s3], $0x3E8  }
0xa6: {  	[sflag:s3] =	ssyncset.done $0x0  }
0xa7: {  	[sflag:s3] =	ssyncadd.s32 $0xFFFFFC18  }
0xa8: {  	[tilespmem:s5], [sflag:$0x3] =	stream.linear.gather [hbm4b:s16+s2], $0x3E8, $0x38;
	[tilespmem:$0x101D0] =	vst v63  }
0xa9: {  	_ =	swait.ge [sflag:s3], $0x3E8  }
0xaa: {  	[sflag:s3] =	ssyncset.done $0x0  }
0xab: {  	[sflag:s3] =	ssyncadd.s32 $0xFFFFFC18  }
0xac: {  	[tilespmem:s7], [sflag:$0x1] =	stream.indirect.gather [hbm4b:s6+s5], $0x20, s2, s5, $0xb8;
	[tilespmem:$0x101D0] =	vst v63  }
0xad: {  	_ = 	snop  }
0xae: {  	[tilespmem:s8], [sflag:$0x2] =	stream.indirect.gather [hbm4b:s6+s5], $0x20, s5, s5, $0xb8;
	[tilespmem:$0x101D0] =	vst v63  }
0xaf: {  	_ =	swait.ge [sflag:s9], $0x7D00  }
0xb0: {  	[sflag:s9] =	ssyncset.done $0x0  }
0xb1: {  	[sflag:s9] =	ssyncadd.s32 $0xFFFF8300  }
0xb2: {  	_ =	swait.ge [sflag:s10], $0x7D00  }
0xb3: {  	[sflag:s10] =	ssyncset.done $0x0  }
0xb4: {  	[sflag:s10] =	ssyncadd.s32 $0xFFFF8300  }
0xb5: {  	[hbm4b:s17+s12] =	stream.strided.scatter [tilespmem:s7], [sflag:$0x3], $0x7D00, s13, s12, $0x38;
	[tilespmem:$0x101D0] =	vst v63  }
0xb6: {  	_ =	swait.ge [sflag:s3], $0x7D00  }
0xb7: {  	[sflag:s3] =	ssyncset.done $0x0  }
0xb8: {  	[sflag:s3] =	ssyncadd.s32 $0xFFFF8300  }
0xb9: {  	[hbm4b:s18+s12] =	stream.strided.scatter [tilespmem:s8], [sflag:$0x3], $0x7D00, s13, s12, $0x38;
	[tilespmem:$0x101D0] =	vst v63  }
0xba: {  	_ =	swait.ge [sflag:s3], $0x7D00  }
0xbb: {  	[sflag:s3] =	ssyncset.done $0x0  }
0xbc: {  	[sflag:s3] =	ssyncadd.s32 $0xFFFF8300  }
0xbd: {  	[tilespmem:s2], [sflag:$0x3] =	stream.linear.gather [hbm4b:s19+s2], $0x3E8, $0x38;
	[tilespmem:$0x101D0] =	vst v63  }
0xbe: {  	_ =	swait.ge [sflag:s3], $0x3E8  }
0xbf: {  	[sflag:s3] =	ssyncset.done $0x0  }
0xc0: {  	[sflag:s3] =	ssyncadd.s32 $0xFFFFFC18  }
0xc1: {  	[tilespmem:s5], [sflag:$0x3] =	stream.linear.gather [hbm4b:s20+s2], $0x3E8, $0x38;
	[tilespmem:$0x101D0] =	vst v63  }
0xc2: {  	_ =	swait.ge [sflag:s3], $0x3E8  }
0xc3: {  	[sflag:s3] =	ssyncset.done $0x0  }
0xc4: {  	[sflag:s3] =	ssyncadd.s32 $0xFFFFFC18  }
0xc5: {  	[tilespmem:s7], [sflag:$0x1] =	stream.indirect.gather [hbm4b:s6+s5], $0x20, s2, s5, $0xb8;
	[tilespmem:$0x101D0] =	vst v63  }
0xc6: {  	_ = 	snop  }
0xc7: {  	[tilespmem:s8], [sflag:$0x2] =	stream.indirect.gather [hbm4b:s6+s5], $0x20, s5, s5, $0xb8;
	[tilespmem:$0x101D0] =	vst v63  }
0xc8: {  	_ =	swait.ge [sflag:s9], $0x7D00  }
0xc9: {  	[sflag:s9] =	ssyncset.done $0x0  }
0xca: {  	[sflag:s9] =	ssyncadd.s32 $0xFFFF8300  }
0xcb: {  	_ =	swait.ge [sflag:s10], $0x7D00  }
0xcc: {  	[sflag:s10] =	ssyncset.done $0x0  }
0xcd: {  	[sflag:s10] =	ssyncadd.s32 $0xFFFF8300  }
0xce: {  	[hbm4b:s21+s12] =	stream.strided.scatter [tilespmem:s7], [sflag:$0x3], $0x7D00, s13, s12, $0x38;
	[tilespmem:$0x101D0] =	vst v63  }
0xcf: {  	_ =	swait.ge [sflag:s3], $0x7D00  }
0xd0: {  	[sflag:s3] =	ssyncset.done $0x0  }
0xd1: {  	[sflag:s3] =	ssyncadd.s32 $0xFFFF8300  }
0xd2: {  	[hbm4b:s22+s12] =	stream.strided.scatter [tilespmem:s8], [sflag:$0x3], $0x7D00, s13, s12, $0x38;
	[tilespmem:$0x101D0] =	vst v63  }
0xd3: {  	_ =	swait.ge [sflag:s3], $0x7D00  }
0xd4: {  	[sflag:s3] =	ssyncset.done $0x0  }
0xd5: {  	[sflag:s3] =	ssyncadd.s32 $0xFFFF8300  }
0xd6: {  	[tilespmem:s2], [sflag:$0x3] =	stream.linear.gather [hbm4b:s23+s2], $0x3E8, $0x38;
	[tilespmem:$0x101D0] =	vst v63  }
0xd7: {  	_ =	swait.ge [sflag:s3], $0x3E8  }
0xd8: {  	[sflag:s3] =	ssyncset.done $0x0  }
0xd9: {  	[sflag:s3] =	ssyncadd.s32 $0xFFFFFC18  }
0xda: {  	[tilespmem:s5], [sflag:$0x3] =	stream.linear.gather [hbm4b:s24+s2], $0x3E8, $0x38;
	[tilespmem:$0x101D0] =	vst v63  }
0xdb: {  	_ =	swait.ge [sflag:s3], $0x3E8  }
0xdc: {  	[sflag:s3] =	ssyncset.done $0x0  }
0xdd: {  	[sflag:s3] =	ssyncadd.s32 $0xFFFFFC18  }
0xde: {  	[tilespmem:s7], [sflag:$0x1] =	stream.indirect.gather [hbm4b:s6+s5], $0x20, s2, s5, $0xb8;
	[tilespmem:$0x101D0] =	vst v63  }
0xdf: {  	_ = 	snop  }
0xe0: {  	[tilespmem:s8], [sflag:$0x2] =	stream.indirect.gather [hbm4b:s6+s5], $0x20, s5, s5, $0xb8;
	[tilespmem:$0x101D0] =	vst v63  }
0xe1: {  	_ =	swait.ge [sflag:s9], $0x7D00  }
0xe2: {  	[sflag:s9] =	ssyncset.done $0x0  }
0xe3: {  	[sflag:s9] =	ssyncadd.s32 $0xFFFF8300  }
0xe4: {  	_ =	swait.ge [sflag:s10], $0x7D00  }
0xe5: {  	[sflag:s10] =	ssyncset.done $0x0  }
0xe6: {  	[sflag:s10] =	ssyncadd.s32 $0xFFFF8300  }
0xe7: {  	[hbm4b:s25+s12] =	stream.strided.scatter [tilespmem:s7], [sflag:$0x3], $0x7D00, s13, s12, $0x38;
	[tilespmem:$0x101D0] =	vst v63  }
0xe8: {  	_ =	swait.ge [sflag:s3], $0x7D00  }
0xe9: {  	[sflag:s3] =	ssyncset.done $0x0  }
0xea: {  	[sflag:s3] =	ssyncadd.s32 $0xFFFF8300  }
0xeb: {  	[hbm4b:s26+s12] =	stream.strided.scatter [tilespmem:s8], [sflag:$0x3], $0x7D00, s13, s12, $0x38;
	[tilespmem:$0x101D0] =	vst v63  }
0xec: {  	_ =	swait.ge [sflag:s3], $0x7D00  }
0xed: {  	[sflag:s3] =	ssyncset.done $0x0  }
0xee: {  	[sflag:s3] =	ssyncadd.s32 $0xFFFF8300  }
0xef: {  	[tilespmem:s2], [sflag:$0x3] =	stream.linear.gather [hbm4b:s28+s2], $0x3E8, $0x38;
	[tilespmem:$0x101D0] =	vst v63  }
0xf0: {  	_ =	swait.ge [sflag:s3], $0x3E8  }
0xf1: {  	[sflag:s3] =	ssyncset.done $0x0  }
0xf2: {  	[sflag:s3] =	ssyncadd.s32 $0xFFFFFC18  }
0xf3: {  	[tilespmem:s5], [sflag:$0x3] =	stream.linear.gather [hbm4b:s29+s2], $0x3E8, $0x38;
	[tilespmem:$0x101D0] =	vst v63  }
0xf4: {  	_ =	swait.ge [sflag:s3], $0x3E8  }
0xf5: {  	[sflag:s3] =	ssyncset.done $0x0  }
0xf6: {  	[sflag:s3] =	ssyncadd.s32 $0xFFFFFC18  }
0xf7: {  	[tilespmem:s7], [sflag:$0x1] =	stream.indirect.gather [hbm4b:s6+s5], $0x20, s2, s5, $0xb8;
	[tilespmem:$0x101D0] =	vst v63  }
0xf8: {  	_ = 	snop  }
0xf9: {  	[tilespmem:s8], [sflag:$0x2] =	stream.indirect.gather [hbm4b:s6+s5], $0x20, s5, s5, $0xb8;
	[tilespmem:$0x101D0] =	vst v63  }
0xfa: {  	_ =	swait.ge [sflag:s9], $0x7D00  }
0xfb: {  	[sflag:s9] =	ssyncset.done $0x0  }
0xfc: {  	[sflag:s9] =	ssyncadd.s32 $0xFFFF8300  }
0xfd: {  	_ =	swait.ge [sflag:s10], $0x7D00  }
0xfe: {  	[sflag:s10] =	ssyncset.done $0x0  }
0xff: {  	p0 =	sne.s32 s1, $0x1;
	[sflag:s10] =	ssyncadd.s32 $0xFFFF8300  }
0x100: {  	[hbm4b:s30+s12] =	stream.strided.scatter [tilespmem:s7], [sflag:$0x3], $0x7D00, s13, s12, $0x38;
	[tilespmem:$0x101D0] =	vst v63  }
.Ltmp1:
0x101: {  	_ =	swait.ge [sflag:s3], $0x7D00;
	(pc) =	sbr.rel @p0 .LBB2_1-.Ltmp1, $4  }
0x102: {  	[sflag:s3] =	ssyncset.done $0x0  }
0x103: {  	[sflag:s3] =	ssyncadd.s32 $0xFFFF8300  }
0x104: {  	[hbm4b:s31+s12] =	stream.strided.scatter [tilespmem:s8], [sflag:$0x3], $0x7D00, s13, s12, $0x38;
	[tilespmem:$0x101D0] =	vst v63  }
0x105: {  	s1 =	sadd.s32 $0xFFFFFFFF, s1;
	_ =	swait.ge [sflag:s3], $0x7D00  }
.LBB2_2:
0x106: {  	[sflag:s3] =	ssyncset.done $0x0  }
0x107: {  	[sflag:s3] =	ssyncadd.s32 $0xFFFF8300  }
0x108: {  	_ =	sfence.sel $0x180000  }
0x109: {  	[bflag:$0x0] =	sbarrier.arrive $0xFFFF  }
0x10a: {  	_ =	strace $0x9000004D  }
0x10b: {  	s0 =	stileid.u32;
	[bflag:$0x2] =	sbarrier.arrive $0xFFFF  }
0x10c: {  	p0 =	sne.s32 s0, $0x0;
	s0 =	rddreg [dreg:$0x1]  }
0x10d: {  	s0 =	sadd.s32 @!p0 $0x100000, s0  }
0x10e: {  	[sflag:s0] =	ssyncadd.tile.s32 @!p0 $0x1;
	_ =	shalt  }
.Lfunc_end2:
_tile_overlayer_lowered:
.L_overlay_start_2:
0x10f: {  	(tag) =	ssettag $0x2  }
0x110: {  	s0 =	rddreg [dreg:$0x0];
	s2 =	stileid.u32  }
0x111: {  	s1 =	rddreg [dreg:$0x1];
	p0 =	sne.s32 s2, $0x0  }
0x112: {  	s3 =	rddreg [dreg:$0x2];
	[bflag:$0x3] =	sbarrier.arrive $0xFFFF;
	s2 =	simm.s32 @!p0 $0x1C03  }
0x113: {  	[timem:s3], [sflag:s2] =	dma.local @!p0 [hbm:s0], s1  }
0x114: {  	s0 =	simm.s32 @!p0 $0x3  }
0x115: {  	_ =	swait.ge @!p0 [sflag:s0], s1  }
0x116: {  	s1 =	ssub.s32 @!p0 $0x0, s1;
	[sflag:s0] =	ssyncset.done @!p0 $0x0  }
0x117: {  	[sflag:s0] =	ssyncadd.s32 @!p0 s1  }
0x118: {  	[bflag:$0x3] =	sbarrier.arrive $0xFFFF  }
0x119: {  	_ =	shalt  }

// kernel: kernel.26.cloned.1.call-start
scs
__scs_entry_jumppad:
0x0: {  	(pc) =	sbr.rel $0x88, $3  }
0x1: {  	(tag) =	ssettag $0x0;
	lr =	simm.s32 $0x1  }
0x2: {  	[smem:$0x3F8F] =	sst lr;
	_ =	strace $0xD0000000  }
0x3: {  	_ = 	snop  }
0x4: {  	_ = 	snop  }
0x5: {  	_ = 	snop  }
0x6: {  	_ = 	snop  }
0x7: {  	_ = 	snop  }
__scs_overlays_trampoline_lowered:
0x8: {  	[smem:$0x3F9E] =	sst s0  }
0x9: {  	[smem:$0x3F9F] =	sst s1  }
0xa: {  	[smem:$0x3FA0] =	sst s2  }
0xb: {  	[smem:$0x3FA1] =	sst s3  }
0xc: {  	[smem:$0x3FA2] =	sst s4  }
0xd: {  	[smem:$0x3FA3] =	sst s5  }
0xe: {  	[smem:$0x3FA4] =	sst s6  }
0xf: {  	[smem:$0x3FA5] =	sst s7  }
0x10: {  	[smem:$0x3FA6] =	sst s8  }
0x11: {  	[smem:$0x3FA7] =	sst s9;
	s0 =	simm.s32 @!p0 $0x0  }
0x12: {  	s1 =	sld [smem:$0x3F8D];
	s0 =	simm.s32 @p0 $0x1  }
0x13: {  	[smem:$0x3FA8] =	sst s0;
	s0 =	simm.s32 @!p1 $0x0  }
0x14: {  	s2 =	sld [smem:$0x3F8C];
	s0 =	simm.s32 @p1 $0x1  }
0x15: {  	[smem:$0x3FA9] =	sst s0;
	s0 =	simm.s32 @!p2 $0x0  }
0x16: {  	s3 =	sld [smem:$0x3FDB];
	s0 =	simm.s32 @p2 $0x1  }
0x17: {  	s4 =	simm.s32 $0x1BF5;
	[smem:$0x3FAB] =	sst s0  }
0x18: {  	s0 =	sld [smem:$0x3F8E];
	_ =	swait.ge [sflag:s4], $0x0  }
0x19: {  	s7 =	sld [smem:$0x3F8F]  }
0x1a: {  	s8 =	sadd.s32 $0xFFFFE003, lr  }
0x1b: {  	s9 =	sadd.s32 $0xFFFFFEF7, lr;
	s5 =	simm.s32 $0xFFFFFFFF;
	p2 =	slt.u32 s8, $0xFFFFF086  }
0x1c: {  	p1 =	slt.u32 s9, $0xF7A;
	s5 =	simm.s32 @!p2 $0x0  }
0x1d: {  	s5 =	simm.s32 @p1 $0x1;
	p0 =	seq.s32 s7, s2  }
0x1e: {  	s7 =	smul.u32 @!p0 $0xF7A, s2;
	p2 =	seq.s32 @!p0 s5, $0x0  }
0x1f: {  	s9 =	smul.u32 $0xF7A, s1;
	s8 =	simm.s32 @!p0 $0x1BF5;
	p2 =	por !p2, p0  }
0x20: {  	[sflag:s8] =	ssyncset.s32 @!p0 $0xFFFFF086;
	s6 =	sadd.s32 @!p0 s3, s7;
	s7 =	simm.s32 @!p0 $0x108  }
0x21: {  	s3 =	sadd.s32 s3, s9;
	s6 =	sadd.s32 @!p0 $0x88, s6;
	s7 =	simm.s32 @p2 $0x1082  }
0x22: {  	[simem:s7], [sflag:s8] =	dma.local @!p0 [hbm:s6], $0xF7A  }
0x23: {  	s9 =	sor.u32 $0xD0000000, s2;
	s6 =	simm.s32 $0x108;
	_ =	swait.ge @!p0 [sflag:s8], $0x0  }
0x24: {  	s3 =	sadd.s32 $0x88, s3;
	s6 =	simm.s32 @!p1 $0x1082;
	[sflag:s4] =	ssyncset.s32 $0xFFFFF086  }
0x25: {  	[simem:s6], [sflag:s4] =	dma.local [hbm:s3], $0xF7A  }
0x26: {  	[smem:$0x3F8F] =	sst s1;
	(tag) =	ssettag s2;
	_ =	strace s9  }
0x27: {  	s1 =	sld [smem:$0x3F9F]  }
0x28: {  	s2 =	sld [smem:$0x3FA0]  }
0x29: {  	s4 =	sld [smem:$0x3FA2]  }
0x2a: {  	p0 =	seq.s32 s5, $0x0;
	s5 =	sld [smem:$0x3FA3]  }
0x2b: {  	s6 =	sld [smem:$0x3FA4]  }
0x2c: {  	s7 =	sld [smem:$0x3FA5]  }
0x2d: {  	s3 =	simm.s32 $0x108;
	s8 =	sld [smem:$0x3FA6]  }
0x2e: {  	s3 =	simm.s32 @!p0 $0x1082;
	s9 =	sld [smem:$0x3FA7]  }
0x2f: {  	lr =	sadd.s32 s0, s3;
	s0 =	sld [smem:$0x3F9E]  }
0x30: {  	s3 =	sld [smem:$0x3FA1]  }
0x31: {  	[smem:$0x3FAA] =	sst s10  }
0x32: {  	s10 =	sld [smem:$0x3FA8];
	_ =	sdelay $0x3  }
0x33: {  	p0 =	seq.s32 s10, $0x1;
	s10 =	sld [smem:$0x3FAA];
	_ =	sdelay $0x3  }
0x34: {  	[smem:$0x3FAA] =	sst s10  }
0x35: {  	s10 =	sld [smem:$0x3FA9];
	_ =	sdelay $0x3  }
0x36: {  	p1 =	seq.s32 s10, $0x1;
	s10 =	sld [smem:$0x3FAA];
	_ =	sdelay $0x3  }
0x37: {  	[smem:$0x3FAA] =	sst s10  }
0x38: {  	s10 =	sld [smem:$0x3FAB]  }
0x39: {  	_ = 	snop;
	(pc) =	sbr.ind lr, $3  }
0x3a: {  	_ = 	snop  }
0x3b: {  	_ = 	snop  }
0x3c: {  	p2 =	seq.s32 s10, $0x1;
	s10 =	sld [smem:$0x3FAA]  }
0x3d: {  	_ =	shalt  }
0x3e: {  	_ =	shalt  }
0x3f: {  	_ =	shalt  }
0x40: {  	_ =	shalt  }
0x41: {  	_ =	shalt  }
0x42: {  	_ =	shalt  }
0x43: {  	_ =	shalt  }
0x44: {  	_ =	shalt  }
0x45: {  	_ =	shalt  }
0x46: {  	_ =	shalt  }
0x47: {  	_ =	shalt  }
0x48: {  	_ =	shalt  }
0x49: {  	_ =	shalt  }
0x4a: {  	_ =	shalt  }
0x4b: {  	_ =	shalt  }
0x4c: {  	_ =	shalt  }
0x4d: {  	_ =	shalt  }
0x4e: {  	_ =	shalt  }
0x4f: {  	_ =	shalt  }
0x50: {  	_ =	shalt  }
0x51: {  	_ =	shalt  }
0x52: {  	_ =	shalt  }
0x53: {  	_ =	shalt  }
0x54: {  	_ =	shalt  }
0x55: {  	_ =	shalt  }
0x56: {  	_ =	shalt  }
0x57: {  	_ =	shalt  }
0x58: {  	_ =	shalt  }
0x59: {  	_ =	shalt  }
0x5a: {  	_ =	shalt  }
0x5b: {  	_ =	shalt  }
0x5c: {  	_ =	shalt  }
0x5d: {  	_ =	shalt  }
0x5e: {  	_ =	shalt  }
0x5f: {  	_ =	shalt  }
0x60: {  	_ =	shalt  }
0x61: {  	_ =	shalt  }
0x62: {  	_ =	shalt  }
0x63: {  	_ =	shalt  }
0x64: {  	_ =	shalt  }
0x65: {  	_ =	shalt  }
0x66: {  	_ =	shalt  }
0x67: {  	_ =	shalt  }
0x68: {  	_ =	shalt  }
0x69: {  	_ =	shalt  }
0x6a: {  	_ =	shalt  }
0x6b: {  	_ =	shalt  }
0x6c: {  	_ =	shalt  }
0x6d: {  	_ =	shalt  }
0x6e: {  	_ =	shalt  }
0x6f: {  	_ =	shalt  }
0x70: {  	_ =	shalt  }
0x71: {  	_ =	shalt  }
0x72: {  	_ =	shalt  }
0x73: {  	_ =	shalt  }
0x74: {  	_ =	shalt  }
0x75: {  	_ =	shalt  }
0x76: {  	_ =	shalt  }
0x77: {  	_ =	shalt  }
0x78: {  	_ =	shalt  }
0x79: {  	_ =	shalt  }
0x7a: {  	_ =	shalt  }
0x7b: {  	_ =	shalt  }
0x7c: {  	_ =	shalt  }
0x7d: {  	_ =	shalt  }
0x7e: {  	_ =	shalt  }
0x7f: {  	_ =	shalt  }
0x80: {  	_ =	shalt  }
0x81: {  	_ =	shalt  }
0x82: {  	_ =	shalt  }
0x83: {  	_ =	shalt  }
0x84: {  	_ =	shalt  }
0x85: {  	_ =	shalt  }
0x86: {  	_ =	shalt  }
0x87: {  	_ =	shalt  }
.Lfunc_end0:
.L_simem_size_0:
called_computation.3_lowered:
.L_overlay_start_0:
0x88: {  	s2 =	sld [smem:$0x3FD9]  }
0x89: {  	s3 =	sld [smem:$0x3FFE];
	_ =	sdelay $0x1  }
0x8a: {  	s1 =	srdreg.scid  }
0x8b: {  	s0 =	sand.u32 $0x1, s1  }
0x8c: {  	s16 =	sshll.u32 s0, $0xA;
	s2 =	sadd.s32 s3, s2  }
0x8d: {  	s2 =	sadd.s32 s2, s16  }
0x8e: {  	[smem:$0x3FB6] =	sst s2  }
0x8f: {  	_ = 	snop  }
0x90: {  	(tm) =	ssettm $0x1  }
0x91: {  	s17 =	sld [smem:$0x3FFB];
	_ =	sdelay $0x3  }
0x92: {  	_ =	strace s17  }
0x93: {  	s2 =	sld [smem:$0x3FFC];
	_ =	sdelay $0x3  }
0x94: {  	_ =	strace s2  }
0x95: {  	s2 =	sld [smem:$0x3FFD];
	_ =	sdelay $0x3  }
0x96: {  	_ =	strace s2  }
0x97: {  	_ =	strace $0x8FFFFFFF  }
0x98: {  	s18 =	sld [smem:$0x3FDB];
	_ =	sdelay $0x1  }
0x99: {  	s19 =	simm.s32 $_scs_section_size  }
0x9a: {  	s4 =	simm.s32 $_size__tile_overlayer_lowered;
	s5 =	simm.s32 $_tile_overlayer_lowered  }
0x9b: {  	s22 =	simm.s32 $0x1BFF;
	s21 =	sshll.u32 s5, $0x1;
	s2 =	sadd.s32 s19, s18  }
0x9c: {  	s6 =	simm.s32 $0x0;
	s20 =	sshll.u32 s4, $0x1;
	s4 =	sadd.s32 s21, s2  }
0x9d: {  	[timem:s6], [sflag:s22] =	dma.local [hbm:s4], s20  }
0x9e: {  	_ =	swait.ge [sflag:s22], s20  }
0x9f: {  	s3 =	ssub.s32 $0x0, s20;
	[sflag:s22] =	ssyncset.done $0x0  }
0xa0: {  	[sflag:s22] =	ssyncadd.s32 s3;
	_ =	sdelay $0x1  }
0xa1: {  	s23 =	simm.s32 $0x1B8B  }
0xa2: {  	_ =	swait.ge [sflag:s23], $0x1  }
0xa3: {  	[sflag:s23] =	ssyncset.done $0x0  }
0xa4: {  	s25 =	simm.s32 $0x1B8E;
	s24 =	sld [smem:$0x3FFE];
	[sflag:s23] =	ssyncadd.s32 $0xFFFFFFFF  }
0xa5: {  	s26 =	simm.s32 $execute0_lowered;
	[smem:$0x3FD2] =	sst s25  }
0xa6: {  	s4 =	sshll.u32 s26, $0x1;
	_ =	strace $0x8000004F;
	[dreg:$0x1] =	wrdreg $0xFFFFFFFF  }
0xa7: {  	s28 =	simm.s32 $_size_execute0_lowered;
	s2 =	sadd.s32 s2, s4;
	[dreg:$0x0] =	wrdreg $0x0  }
0xa8: {  	s4 =	sshll.u32 s28, $0x1;
	[dreg:$0x2] =	wrdreg s2  }
0xa9: {  	[dreg:$0x3] =	wrdreg s4  }
0xaa: {  	[dreg:$0x4] =	wrdreg $0xC0  }
0xab: {  	_ =	task [dreg:s6], $0x5FFFF  }
0xac: {  	[dreg:$0x1] =	wrdreg $0xFFFFFFFF  }
0xad: {  	[dreg:$0x0] =	wrdreg $0x60  }
0xae: {  	[dreg:$0x2] =	wrdreg s24  }
0xaf: {  	[dreg:$0x3] =	wrdreg $0x9  }
0xb0: {  	_ =	task.clear_ibuf [dreg:s6], $0x4FFFF;
	_ =	strace $0x9000004F  }
0xb1: {  	s29 =	simm.s32 $0x9;
	_ =	strace $0x80000051  }
0xb2: {  	_ =	swait.ge [sflag:s29], $0x1  }
0xb3: {  	[sflag:s29] =	ssyncadd.s32 $0xFFFFFFFF  }
0xb4: {  	_ =	strace $0x90000051  }
0xb5: {  	_ =	sfence  }
0xb6: {  	s30 =	sld [smem:$0x0];
	_ =	sdelay $0x2  }
0xb7: {  	s31 =	sshll.u32 s1, $0xD;
	s1 =	sshrl.u32 s1, $0x2  }
0xb8: {  	s3 =	sand.u32 $0x4000, s31;
	s1 =	sadd.s32 s1, s30  }
0xb9: {  	s0 =	sor.u32 s3, s0;
	s1 =	sshll.u32 s1, $0x11  }
0xba: {  	s0 =	sor.u32 s1, s0  }
0xbb: {  	s0 =	sadd.s32 $0x8F2B, s0  }
0xbc: {  	[sflag:s0] =	ssyncadd.remote.s32 $0x1  }
0xbd: {  	_ =	sfence.sel $0xFFFF  }
0xbe: {  	[dreg:$0x0] =	wrdreg $0xFFFFFFFF;
	(pc) =	sbr.abs _section_cstart, $3  }
0xbf: {  	[dreg:$0x1] =	wrdreg $0xFFFFFFFF  }
0xc0: {  	_ =	task.clear_ibuf [dreg:s6], $0x2FFFF;
	_ =	strace $0x9FFFFFFF  }
0xc1: {  	(tm) =	ssettm $0x7FFFFFFF  }
tec
execute0_lowered:
.L_overlay_start_1:
0x0: {  	(tag) =	ssettag $0x1  }
0x1: {  	s1 =	srdreg.scid;
	s0 =	stileid.u32  }
0x2: {  	s6 =	sand.u32 $0x1, s1;
	s30 =	sshll.u32 s0, $0x1  }
0x3: {  	s8 =	rddreg [dreg:$0x0];
	s7 =	sor.u32 s6, s30  }
0x4: {  	s2 =	simm.s32 $0x0;
	s1 =	rddreg [dreg:$0x1];
	s3 =	smul.u32 $0x28, s7  }
0x5: {  	[smem:$0x7FF] =	sst s2;
	s5 =	sadd.s32 $0xB200, s8  }
0x6: {  	_ =	strace $0x80000050;
	s10 =	ssub.s32 $0x2, s6;
	s3 =	sadd.s32 s3, s8  }
0x7: {  	s6 =	simm.s32 $0x140;
	s4 =	sadd.s32 $0x20A800, s3;
	s3 =	simm.s32 $0x2  }
0x8: {  	[tilespmem:s2], [sflag:$0x2] =	stream.linear.gather [hbm4b:s4+s2], $0x140, $0x38;
	[tilespmem:$0x5140] =	vst v63  }
0x9: {  	s9 =	smul.u32 $0xA00, s7;
	s11 =	sshrl.u32 s10, $0x1;
	_ =	swait.ge [sflag:s3], $0x140  }
0xa: {  	s7 =	simm.s32 $0x1;
	s31 =	ssub.s32 s10, s11;
	[sflag:s3] =	ssyncset.done $0x0  }
0xb: {  	s8 =	sadd.s32 s9, s8;
	s9 =	smax.u32 s31, $0x1;
	[sflag:s3] =	ssyncadd.s32 $0xFFFFFEC0  }
0xc: {  	[tilespmem:s6], [sflag:$0x1] =	stream.indirect.gather [hbm4b:s5+s6], $0x40, s2, s6, $0xb8;
	[tilespmem:$0x5140] =	vst v63  }
0xd: {  	p0 =	sne.s32 s9, $0x1;
	_ =	swait.ge [sflag:s7], $0x5000  }
.Ltmp0:
0xe: {  	[sflag:s7] =	ssyncset.done $0x0;
	(pc) =	sbr.rel @!p0 .LBB2_2-.Ltmp0, $4  }
0xf: {  	s8 =	sadd.s32 $0x1EC00, s8;
	[sflag:s7] =	ssyncadd.s32 $0xFFFFB000  }
0x10: {  	[hbm4b:s8+s2] =	stream.linear.scatter [tilespmem:s6], [sflag:$0x2], $0x5000, $0x38;
	[tilespmem:$0x5140] =	vst v63  }
0x11: {  	_ =	swait.ge [sflag:s3], $0x5000  }
0x12: {  	s9 =	sadd.s32 $0xFFFFFFFF, s9;
	[sflag:s3] =	ssyncset.done $0x0  }
.LBB2_1:
0x13: {  	p0 =	sne.s32 s9, $0x1;
	s9 =	sadd.s32 $0xFFFFFFFF, s9;
	[sflag:s3] =	ssyncadd.s32 $0xFFFFB000  }
0x14: {  	[tilespmem:s2], [sflag:$0x2] =	stream.linear.gather [hbm4b:s4+s2], $0x140, $0x38;
	[tilespmem:$0x5140] =	vst v63  }
0x15: {  	_ =	swait.ge [sflag:s3], $0x140  }
0x16: {  	[sflag:s3] =	ssyncset.done $0x0  }
0x17: {  	[sflag:s3] =	ssyncadd.s32 $0xFFFFFEC0  }
0x18: {  	[tilespmem:s6], [sflag:$0x1] =	stream.indirect.gather [hbm4b:s5+s6], $0x40, s2, s6, $0xb8;
	[tilespmem:$0x5140] =	vst v63  }
0x19: {  	_ =	swait.ge [sflag:s7], $0x5000  }
.Ltmp1:
0x1a: {  	[sflag:s7] =	ssyncset.done $0x0;
	(pc) =	sbr.rel @p0 .LBB2_1-.Ltmp1, $4  }
0x1b: {  	[sflag:s7] =	ssyncadd.s32 $0xFFFFB000  }
0x1c: {  	[hbm4b:s8+s2] =	stream.linear.scatter [tilespmem:s6], [sflag:$0x2], $0x5000, $0x38;
	[tilespmem:$0x5140] =	vst v63  }
0x1d: {  	_ =	swait.ge [sflag:s3], $0x5000  }
0x1e: {  	[sflag:s3] =	ssyncset.done $0x0  }
.LBB2_2:
0x1f: {  	[sflag:s3] =	ssyncadd.s32 $0xFFFFB000  }
0x20: {  	_ =	sfence.sel $0x180000  }
0x21: {  	[bflag:$0x0] =	sbarrier.arrive $0xFFFF  }
0x22: {  	p0 =	sne.s32 s0, $0x0;
	_ =	strace $0x90000050  }
0x23: {  	s0 =	sadd.s32 @!p0 $0x100000, s1;
	[bflag:$0x2] =	sbarrier.arrive $0xFFFF  }
0x24: {  	[sflag:s0] =	ssyncadd.tile.s32 @!p0 $0x1;
	_ =	shalt  }
.Lfunc_end2:
_tile_overlayer_lowered:
.L_overlay_start_2:
0x25: {  	(tag) =	ssettag $0x2  }
0x26: {  	s0 =	rddreg [dreg:$0x0];
	s2 =	stileid.u32  }
0x27: {  	s1 =	rddreg [dreg:$0x1];
	p0 =	sne.s32 s2, $0x0  }
0x28: {  	s3 =	rddreg [dreg:$0x2];
	[bflag:$0x3] =	sbarrier.arrive $0xFFFF;
	s2 =	simm.s32 @!p0 $0x1C02  }
0x29: {  	[timem:s3], [sflag:s2] =	dma.local @!p0 [hbm:s0], s1  }
0x2a: {  	s0 =	simm.s32 @!p0 $0x2  }
0x2b: {  	_ =	swait.ge @!p0 [sflag:s0], s1  }
0x2c: {  	s1 =	ssub.s32 @!p0 $0x0, s1;
	[sflag:s0] =	ssyncset.done @!p0 $0x0  }
0x2d: {  	[sflag:s0] =	ssyncadd.s32 @!p0 s1  }
0x2e: {  	[bflag:$0x3] =	sbarrier.arrive $0xFFFF  }
0x2f: {  	_ =	shalt  }

</sc_bundles>
